<compile_context>
chip_gen: v7x
topology: tpu7x:2x2x1
jax: 0.10.2.dev20260603
libtpu: 0.0.44.dev20260713+nightly
codegen_flags: <defaults>
</compile_context>

<pallas_src>
import functools

import jax
import jax.numpy as jnp
from jax import lax
from jax.experimental import pallas as pl
from jax.experimental.pallas import tpu as pltpu
from jax.experimental.pallas import tpu_sc as plsc

N_NODES = 10000
N_EDGES = 160000
D = 256
H = 128

NS = 16
CHUNK = 88
NCHT = -(-(N_EDGES // NS) // CHUNK)
NBUF = 4
IBUF = 5
EPT = NCHT * CHUNK
E_PAD = EPT * NS
ROWS_PT = 624
ROWS_LAST = N_NODES - (NS - 1) * ROWS_PT
ACC_ROWS = N_NODES + 16

_sc_mesh = plsc.VectorSubcoreMesh(core_axis_name="c", subcore_axis_name="s")


@functools.partial(
    pl.kernel,
    out_type=[jax.ShapeDtypeStruct((N_NODES, H), jnp.float32),
              jax.ShapeDtypeStruct((N_NODES, H), jnp.float32)],
    mesh=_sc_mesh,
    scratch_types=[
        pltpu.VMEM((IBUF, CHUNK), jnp.int32),
        pltpu.VMEM((IBUF, CHUNK), jnp.int32),
        pltpu.VMEM((NBUF, CHUNK, H), jnp.float32),
        pltpu.VMEM_SHARED((ACC_ROWS, H), jnp.float32),
        pltpu.SemaphoreType.DMA,
        pltpu.SemaphoreType.DMA,
        pltpu.SemaphoreType.DMA,
    ],
)
def _sc_aggregate(t0_hbm, t1_hbm, src_hbm, dst_hbm, out0_hbm, out1_hbm,
                  srcb, dstb, rows_v, acc, gsem, ssem, isem):
    c = lax.axis_index("c")
    s = lax.axis_index("s")
    r0 = s * ROWS_PT

    def idx_desc(j, b):
        return (pltpu.make_async_copy(src_hbm.at[s, j], srcb.at[b], isem),
                pltpu.make_async_copy(dst_hbm.at[s, j], dstb.at[b], isem))

    def start_gather(j_b, b):
        @pl.when(c == 0)
        def _():
            pltpu.make_async_copy(t0_hbm.at[srcb.at[j_b]],
                                  rows_v.at[b], gsem).start()

        @pl.when(c == 1)
        def _():
            pltpu.make_async_copy(t1_hbm.at[srcb.at[j_b]],
                                  rows_v.at[b], gsem).start()

    def wait_gather(j_b, b):
        pltpu.make_async_copy(t0_hbm.at[srcb.at[j_b]],
                              rows_v.at[b], gsem).wait()

    def scatter_desc(j_b, b):
        return pltpu.make_async_copy(rows_v.at[b], acc.at[dstb.at[j_b]],
                                     ssem)

    def wait_idx(j, b):
        for d in idx_desc(j, b):
            d.wait()

    def zrow(r, carry):
        for i in range(H // 16):
            rows_v[0, r, pl.ds(i * 16, 16)] = jnp.zeros((16,), jnp.float32)
        return carry

    lax.fori_loop(0, CHUNK, zrow, 0)

    def emit_zero(nrows):
        descs = []
        for k in range(nrows // CHUNK):
            descs.append(pltpu.make_async_copy(
                rows_v.at[0], acc.at[pl.ds(r0 + k * CHUNK, CHUNK)], ssem))
        tail = nrows % CHUNK
        if tail:
            descs.append(pltpu.make_async_copy(
                rows_v.at[0, pl.ds(0, tail)],
                acc.at[pl.ds(r0 + (nrows // CHUNK) * CHUNK, tail)], ssem))
        for d in descs:
            d.start()
        for d in descs:
            d.wait()

    @pl.when(s < NS - 1)
    def _():
        emit_zero(ROWS_PT)

    @pl.when(s == NS - 1)
    def _():
        emit_zero(ROWS_LAST)

    for k in range(IBUF - 1):
        for d in idx_desc(k, k):
            d.start()
    wait_idx(0, 0)
    wait_idx(1, 1)
    wait_idx(2, 2)
    plsc.subcore_barrier()
    start_gather(0, 0)
    start_gather(1, 1)
    start_gather(2, 2)

    def body(j, carry):
        b = lax.rem(j, NBUF)
        jb = lax.rem(j, IBUF)
        wait_gather(jb, b)
        pltpu.async_copy(rows_v.at[b], acc.at[dstb.at[jb]], ssem, add=True)

        @pl.when(j >= 1)
        def _():
            scatter_desc(lax.rem(j + IBUF - 1, IBUF),
                         lax.rem(j + NBUF - 1, NBUF)).wait()

        @pl.when(j + IBUF - 1 <= NCHT - 1)
        def _():
            for d in idx_desc(j + IBUF - 1, lax.rem(j + IBUF - 1, IBUF)):
                d.start()

        @pl.when(j + 3 <= NCHT - 1)
        def _():
            nb = lax.rem(j + 3, IBUF)
            wait_idx(j + 3, nb)
            start_gather(nb, lax.rem(j + 3, NBUF))
        return carry

    lax.fori_loop(0, NCHT, body, 0)
    scatter_desc(lax.rem(NCHT - 1, IBUF), lax.rem(NCHT - 1, NBUF)).wait()
    plsc.subcore_barrier()

    def emit_out(out_hbm, nrows):
        pltpu.sync_copy(acc.at[pl.ds(r0, nrows)],
                        out_hbm.at[pl.ds(r0, nrows)])

    @pl.when((c == 0) & (s < NS - 1))
    def _():
        emit_out(out0_hbm, ROWS_PT)

    @pl.when((c == 0) & (s == NS - 1))
    def _():
        emit_out(out0_hbm, ROWS_LAST)

    @pl.when((c == 1) & (s < NS - 1))
    def _():
        emit_out(out1_hbm, ROWS_PT)

    @pl.when((c == 1) & (s == NS - 1))
    def _():
        emit_out(out1_hbm, ROWS_LAST)


def _mlp2_body(x0_ref, x1_ref, a0_ref, a1_ref, wa_ref, ba_ref, wb_ref, bb_ref,
               o0_ref, o1_ref):
    g0 = x0_ref[...] + a0_ref[...]
    g1 = x1_ref[...] + a1_ref[...]
    wa = wa_ref[...]
    t = jnp.dot(g0, wa[:H], preferred_element_type=jnp.float32)
    t += jnp.dot(g1, wa[H:], preferred_element_type=jnp.float32)
    t = jnp.maximum(t + ba_ref[...], 0.0)
    u = jnp.dot(t, wb_ref[...], preferred_element_type=jnp.float32)
    u = jnp.maximum(u + bb_ref[...], 0.0)
    o0_ref[...] = u[:, :H]
    o1_ref[...] = u[:, H:]


def _mlp3_body(x0_ref, x1_ref, a0_ref, a1_ref, wa_ref, ba_ref, wb_ref, bb_ref,
               wl_ref, bl_ref, o_ref):
    g0 = x0_ref[...] + a0_ref[...]
    g1 = x1_ref[...] + a1_ref[...]
    wa = wa_ref[...]
    t = jnp.dot(g0, wa[:H], preferred_element_type=jnp.float32)
    t += jnp.dot(g1, wa[H:], preferred_element_type=jnp.float32)
    t = jnp.maximum(t + ba_ref[...], 0.0)
    u = jnp.dot(t, wb_ref[...], preferred_element_type=jnp.float32)
    u = jnp.maximum(u + bb_ref[...], 0.0)
    o_ref[...] = jnp.dot(u, wl_ref[...], preferred_element_type=jnp.float32) + bl_ref[...]


_ROW_BLK = 2000
_h_spec = pl.BlockSpec((_ROW_BLK, H), lambda i: (i, 0))
_d_spec = pl.BlockSpec((_ROW_BLK, D), lambda i: (i, 0))
_w_spec = pl.BlockSpec((D, D), lambda i: (0, 0))
_b_spec = pl.BlockSpec((1, D), lambda i: (0, 0))


def _mlp2(x0, x1, a0, a1, wa, ba, wb, bb):
    return pl.pallas_call(
        _mlp2_body,
        grid=(N_NODES // _ROW_BLK,),
        in_specs=[_h_spec, _h_spec, _h_spec, _h_spec,
                  _w_spec, _b_spec, _w_spec, _b_spec],
        out_specs=[_h_spec, _h_spec],
        out_shape=[jax.ShapeDtypeStruct((N_NODES, H), jnp.float32),
                   jax.ShapeDtypeStruct((N_NODES, H), jnp.float32)],
    )(x0, x1, a0, a1, wa, ba, wb, bb)


def _mlp3(x0, x1, a0, a1, wa, ba, wb, bb, wl, bl):
    return pl.pallas_call(
        _mlp3_body,
        grid=(N_NODES // _ROW_BLK,),
        in_specs=[_h_spec, _h_spec, _h_spec, _h_spec,
                  _w_spec, _b_spec, _w_spec, _b_spec, _w_spec, _b_spec],
        out_specs=_d_spec,
        out_shape=jax.ShapeDtypeStruct((N_NODES, D), jnp.float32),
    )(x0, x1, a0, a1, wa, ba, wb, bb, wl, bl)


def kernel(x, edge_index, W1a, b1a, W1b, b1b, W2a, b2a, W2b, b2b, Wl, bl):
    src = edge_index[0].astype(jnp.int32)
    dst = edge_index[1].astype(jnp.int32)
    npad = E_PAD - N_EDGES
    src_p = jnp.concatenate([src, jnp.zeros((npad,), jnp.int32)])
    dst_p = jnp.concatenate(
        [dst, N_NODES + (jnp.arange(npad, dtype=jnp.int32) & 15)])
    src_p = src_p.reshape(NS, NCHT, CHUNK)
    dst_p = dst_p.reshape(NS, NCHT, CHUNK)

    x0, x1 = x[:, :H], x[:, H:]

    ba1, bb1 = b1a.reshape(1, D), b1b.reshape(1, D)
    ba2, bb2 = b2a.reshape(1, D), b2b.reshape(1, D)
    blr = bl.reshape(1, D)

    a0, a1 = _sc_aggregate(x0, x1, src_p, dst_p)
    h0, h1 = _mlp2(x0, x1, a0, a1, W1a, ba1, W1b, bb1)
    a20, a21 = _sc_aggregate(h0, h1, src_p, dst_p)
    out = _mlp3(h0, h1, a20, a21, W2a, ba2, W2b, bb2, Wl, blr)
    return out

# --- scband reference (transcript-rebuilt; emitter-appended) ---
"""Pipeline reference for scband-gin-14053132992692 (READ-ONLY COPY).

The authoritative reference and input builder live on the scoring server;
editing this copy changes nothing except your own understanding.
"""

import jax, jax.numpy as jnp
import numpy as np

N_NODES = 10000
N_EDGES = 160000
D_IN = 256
D_HID = 256
D_OUT = 256


def setup_inputs(seed: int = 0) -> dict:
    key = jax.random.key(seed)
    ks = jax.random.split(key, 16)
    x = jax.random.normal(ks[0], (N_NODES, D_IN), dtype=jnp.float32)
    edge_index = jax.random.randint(ks[1], (2, N_EDGES), 0, N_NODES, dtype=jnp.int64)
    def lin(k, fan_in, fan_out):
        bound = 1.0 / np.sqrt(fan_in)
        kw, kb = jax.random.split(k)
        W = jax.random.uniform(kw, (fan_in, fan_out), minval=-bound, maxval=bound, dtype=jnp.float32)
        b = jax.random.uniform(kb, (fan_out,), minval=-bound, maxval=bound, dtype=jnp.float32)
        return W, b
    W1a, b1a = lin(ks[2], D_IN, D_HID)
    W1b, b1b = lin(ks[3], D_HID, D_HID)
    W2a, b2a = lin(ks[4], D_HID, D_HID)
    W2b, b2b = lin(ks[5], D_HID, D_HID)
    Wl, bl = lin(ks[6], D_HID, D_OUT)
    return {"x": x, "edge_index": edge_index,
            "W1a": W1a, "b1a": b1a, "W1b": W1b, "b1b": b1b,
            "W2a": W2a, "b2a": b2a, "W2b": W2b, "b2b": b2b,
            "Wl": Wl, "bl": bl}


def _gin_conv(x, src, dst, Wa, ba, Wb, bb):
    # PyG GINConv with default eps=0: h = MLP((1+eps)*x + sum_{j in N(i)} x_j)
    msgs = jnp.take(x, src, axis=0)
    agg = jax.ops.segment_sum(msgs, dst, num_segments=x.shape[0])
    h = x + agg
    h = jnp.maximum(h @ Wa + ba, 0.0)
    h = h @ Wb + bb
    return h


def reference(x, edge_index, W1a, b1a, W1b, b1b, W2a, b2a, W2b, b2b, Wl, bl):
    src = edge_index[0]
    dst = edge_index[1]
    # layer 1
    h = _gin_conv(x, src, dst, W1a, b1a, W1b, b1b)
    h = jnp.maximum(h, 0.0)
    # dropout p=0.1 is identity in eval mode (training=False)
    # layer 2
    h = _gin_conv(h, src, dst, W2a, b2a, W2b, b2b)
    h = jnp.maximum(h, 0.0)
    # final linear
    out = h @ Wl + bl
    return out

if __name__ == "__main__":
    import jax
    _d = setup_inputs()
    print(jax.jit(kernel)(*tuple(_d.values())))

</pallas_src>

<mosaic_0001>
#map = affine_map<(d0, d1) -> (0, 0)>
#map1 = affine_map<(d0, d1) -> (0, 0, 0)>
module attributes {stable_mosaic.version = 14 : i64} {
  func.func @_sc_aggregate(%arg0: i32, %arg1: i32, %arg2: memref<10000x128xf32, #tpu.memory_space<hbm>>, %arg3: memref<10000x128xf32, #tpu.memory_space<hbm>>, %arg4: memref<16x114x88xi32, #tpu.memory_space<hbm>>, %arg5: memref<16x114x88xi32, #tpu.memory_space<hbm>>, %arg6: memref<10000x128xf32, #tpu.memory_space<hbm>>, %arg7: memref<10000x128xf32, #tpu.memory_space<hbm>>, %arg8: memref<5x88xi32, #tpu.memory_space<vmem>>, %arg9: memref<5x88xi32, #tpu.memory_space<vmem>>, %arg10: memref<4x88x128xf32, #tpu.memory_space<vmem>>, %arg11: memref<10016x128xf32, #tpu.memory_space<vmem_shared>>, %arg12: memref<!tpu.dma_semaphore, #tpu.memory_space<semaphore_mem>>, %arg13: memref<!tpu.dma_semaphore, #tpu.memory_space<semaphore_mem>>, %arg14: memref<!tpu.dma_semaphore, #tpu.memory_space<semaphore_mem>>) attributes {dimension_semantics = [#tpu.dimension_semantics<core_parallel>, #tpu.dimension_semantics<subcore_parallel>], iteration_bounds = array<i64: 2, 16>, scalar_prefetch = 0 : i64, scratch_operands = 7 : i64, tpu.core_type = #tpu.core_type<sc_vector_subcore>, window_params = [{transform_indices = #map}, {transform_indices = #map}, {transform_indices = #map1}, {transform_indices = #map1}, {transform_indices = #map}, {transform_indices = #map}]} {
    %mul3A = arith.constant 624 : i32
    %mul3A_0 = arith.muli %arg1, %mul3A : i32
    %scan3A = arith.constant 0 : i32
    %scan3A_1 = arith.constant 0 : i32
    %scan3A_2 = arith.constant 88 : i32
    %scan3A_3 = arith.addi %scan3A_1, %scan3A_2 : i32
    %scan3A_4 = arith.constant 1 : i32
    scf.for %scan3A_289 = %scan3A_1 to %scan3A_3 step %scan3A_4  : i32 {
      %broadcast_in_dim3A = arith.constant 0.000000e+00 : f32
      %broadcast_in_dim3A_290 = vector.broadcast %broadcast_in_dim3A : f32 to vector<16xf32>
      %swap3A = arith.constant 0 : i32
      %swap3A_291 = arith.index_cast %swap3A : i32 to index
      %swap3A_292 = arith.index_cast %scan3A_289 : i32 to index
      %swap3A_293 = arith.constant 0 : index
      %swap3A_294 = tpu.vector_load %arg10[%swap3A_291, %swap3A_292, %swap3A_293] {strides = array<i32>} : memref<4x88x128xf32, #tpu.memory_space<vmem>>, vector<1x1x16xf32>,
      %swap3A_295 = vector.shape_cast %swap3A_294 : vector<1x1x16xf32> to vector<16xf32>
      %swap3A_296 = vector.shape_cast %broadcast_in_dim3A_290 : vector<16xf32> to vector<1x1x16xf32>
      tpu.vector_store %arg10[%swap3A_291, %swap3A_292, %swap3A_293], %swap3A_296 {strides = array<i32>} : memref<4x88x128xf32, #tpu.memory_space<vmem>>, vector<1x1x16xf32>,
      %broadcast_in_dim3A_297 = arith.constant 0.000000e+00 : f32
      %broadcast_in_dim3A_298 = vector.broadcast %broadcast_in_dim3A_297 : f32 to vector<16xf32>
      %swap3A_299 = arith.constant 0 : i32
      %swap3A_300 = arith.index_cast %swap3A_299 : i32 to index
      %swap3A_301 = arith.index_cast %scan3A_289 : i32 to index
      %swap3A_302 = arith.constant 16 : index
      %swap3A_303 = tpu.vector_load %arg10[%swap3A_300, %swap3A_301, %swap3A_302] {strides = array<i32>} : memref<4x88x128xf32, #tpu.memory_space<vmem>>, vector<1x1x16xf32>,
      %swap3A_304 = vector.shape_cast %swap3A_303 : vector<1x1x16xf32> to vector<16xf32>
      %swap3A_305 = vector.shape_cast %broadcast_in_dim3A_298 : vector<16xf32> to vector<1x1x16xf32>
      tpu.vector_store %arg10[%swap3A_300, %swap3A_301, %swap3A_302], %swap3A_305 {strides = array<i32>} : memref<4x88x128xf32, #tpu.memory_space<vmem>>, vector<1x1x16xf32>,
      %broadcast_in_dim3A_306 = arith.constant 0.000000e+00 : f32
      %broadcast_in_dim3A_307 = vector.broadcast %broadcast_in_dim3A_306 : f32 to vector<16xf32>
      %swap3A_308 = arith.constant 0 : i32
      %swap3A_309 = arith.index_cast %swap3A_308 : i32 to index
      %swap3A_310 = arith.index_cast %scan3A_289 : i32 to index
      %swap3A_311 = arith.constant 32 : index
      %swap3A_312 = tpu.vector_load %arg10[%swap3A_309, %swap3A_310, %swap3A_311] {strides = array<i32>} : memref<4x88x128xf32, #tpu.memory_space<vmem>>, vector<1x1x16xf32>,
      %swap3A_313 = vector.shape_cast %swap3A_312 : vector<1x1x16xf32> to vector<16xf32>
      %swap3A_314 = vector.shape_cast %broadcast_in_dim3A_307 : vector<16xf32> to vector<1x1x16xf32>
      tpu.vector_store %arg10[%swap3A_309, %swap3A_310, %swap3A_311], %swap3A_314 {strides = array<i32>} : memref<4x88x128xf32, #tpu.memory_space<vmem>>, vector<1x1x16xf32>,
      %broadcast_in_dim3A_315 = arith.constant 0.000000e+00 : f32
      %broadcast_in_dim3A_316 = vector.broadcast %broadcast_in_dim3A_315 : f32 to vector<16xf32>
      %swap3A_317 = arith.constant 0 : i32
      %swap3A_318 = arith.index_cast %swap3A_317 : i32 to index
      %swap3A_319 = arith.index_cast %scan3A_289 : i32 to index
      %swap3A_320 = arith.constant 48 : index
      %swap3A_321 = tpu.vector_load %arg10[%swap3A_318, %swap3A_319, %swap3A_320] {strides = array<i32>} : memref<4x88x128xf32, #tpu.memory_space<vmem>>, vector<1x1x16xf32>,
      %swap3A_322 = vector.shape_cast %swap3A_321 : vector<1x1x16xf32> to vector<16xf32>
      %swap3A_323 = vector.shape_cast %broadcast_in_dim3A_316 : vector<16xf32> to vector<1x1x16xf32>
      tpu.vector_store %arg10[%swap3A_318, %swap3A_319, %swap3A_320], %swap3A_323 {strides = array<i32>} : memref<4x88x128xf32, #tpu.memory_space<vmem>>, vector<1x1x16xf32>,
      %broadcast_in_dim3A_324 = arith.constant 0.000000e+00 : f32
      %broadcast_in_dim3A_325 = vector.broadcast %broadcast_in_dim3A_324 : f32 to vector<16xf32>
      %swap3A_326 = arith.constant 0 : i32
      %swap3A_327 = arith.index_cast %swap3A_326 : i32 to index
      %swap3A_328 = arith.index_cast %scan3A_289 : i32 to index
      %swap3A_329 = arith.constant 64 : index
      %swap3A_330 = tpu.vector_load %arg10[%swap3A_327, %swap3A_328, %swap3A_329] {strides = array<i32>} : memref<4x88x128xf32, #tpu.memory_space<vmem>>, vector<1x1x16xf32>,
      %swap3A_331 = vector.shape_cast %swap3A_330 : vector<1x1x16xf32> to vector<16xf32>
      %swap3A_332 = vector.shape_cast %broadcast_in_dim3A_325 : vector<16xf32> to vector<1x1x16xf32>
      tpu.vector_store %arg10[%swap3A_327, %swap3A_328, %swap3A_329], %swap3A_332 {strides = array<i32>} : memref<4x88x128xf32, #tpu.memory_space<vmem>>, vector<1x1x16xf32>,
      %broadcast_in_dim3A_333 = arith.constant 0.000000e+00 : f32
      %broadcast_in_dim3A_334 = vector.broadcast %broadcast_in_dim3A_333 : f32 to vector<16xf32>
      %swap3A_335 = arith.constant 0 : i32
      %swap3A_336 = arith.index_cast %swap3A_335 : i32 to index
      %swap3A_337 = arith.index_cast %scan3A_289 : i32 to index
      %swap3A_338 = arith.constant 80 : index
      %swap3A_339 = tpu.vector_load %arg10[%swap3A_336, %swap3A_337, %swap3A_338] {strides = array<i32>} : memref<4x88x128xf32, #tpu.memory_space<vmem>>, vector<1x1x16xf32>,
      %swap3A_340 = vector.shape_cast %swap3A_339 : vector<1x1x16xf32> to vector<16xf32>
      %swap3A_341 = vector.shape_cast %broadcast_in_dim3A_334 : vector<16xf32> to vector<1x1x16xf32>
      tpu.vector_store %arg10[%swap3A_336, %swap3A_337, %swap3A_338], %swap3A_341 {strides = array<i32>} : memref<4x88x128xf32, #tpu.memory_space<vmem>>, vector<1x1x16xf32>,
      %broadcast_in_dim3A_342 = arith.constant 0.000000e+00 : f32
      %broadcast_in_dim3A_343 = vector.broadcast %broadcast_in_dim3A_342 : f32 to vector<16xf32>
      %swap3A_344 = arith.constant 0 : i32
      %swap3A_345 = arith.index_cast %swap3A_344 : i32 to index
      %swap3A_346 = arith.index_cast %scan3A_289 : i32 to index
      %swap3A_347 = arith.constant 96 : index
      %swap3A_348 = tpu.vector_load %arg10[%swap3A_345, %swap3A_346, %swap3A_347] {strides = array<i32>} : memref<4x88x128xf32, #tpu.memory_space<vmem>>, vector<1x1x16xf32>,
      %swap3A_349 = vector.shape_cast %swap3A_348 : vector<1x1x16xf32> to vector<16xf32>
      %swap3A_350 = vector.shape_cast %broadcast_in_dim3A_343 : vector<16xf32> to vector<1x1x16xf32>
      tpu.vector_store %arg10[%swap3A_345, %swap3A_346, %swap3A_347], %swap3A_350 {strides = array<i32>} : memref<4x88x128xf32, #tpu.memory_space<vmem>>, vector<1x1x16xf32>,
      %broadcast_in_dim3A_351 = arith.constant 0.000000e+00 : f32
      %broadcast_in_dim3A_352 = vector.broadcast %broadcast_in_dim3A_351 : f32 to vector<16xf32>
      %swap3A_353 = arith.constant 0 : i32
      %swap3A_354 = arith.index_cast %swap3A_353 : i32 to index
      %swap3A_355 = arith.index_cast %scan3A_289 : i32 to index
      %swap3A_356 = arith.constant 112 : index
      %swap3A_357 = tpu.vector_load %arg10[%swap3A_354, %swap3A_355, %swap3A_356] {strides = array<i32>} : memref<4x88x128xf32, #tpu.memory_space<vmem>>, vector<1x1x16xf32>,
      %swap3A_358 = vector.shape_cast %swap3A_357 : vector<1x1x16xf32> to vector<16xf32>
      %swap3A_359 = vector.shape_cast %broadcast_in_dim3A_352 : vector<16xf32> to vector<1x1x16xf32>
      tpu.vector_store %arg10[%swap3A_354, %swap3A_355, %swap3A_356], %swap3A_359 {strides = array<i32>} : memref<4x88x128xf32, #tpu.memory_space<vmem>>, vector<1x1x16xf32>,
    }
    %scan3A_5 = arith.constant 88 : i32
    %lt3A = arith.constant 15 : i32
    %lt3A_6 = arith.cmpi slt, %arg1, %lt3A : i32
    %convert_element_type3A = arith.extui %lt3A_6 : i1 to i32
    %cond3A = arith.constant 0 : i32
    %cond3A_7 = arith.cmpi ne, %convert_element_type3A, %cond3A : i32
    scf.if %cond3A_7 {
      %add3A = arith.constant 0 : i32
      %add3A_289 = arith.addi %mul3A_0, %add3A : i32
      %add3A_290 = arith.constant 88 : i32
      %add3A_291 = arith.addi %mul3A_0, %add3A_290 : i32
      %add3A_292 = arith.constant 176 : i32
      %add3A_293 = arith.addi %mul3A_0, %add3A_292 : i32
      %add3A_294 = arith.constant 264 : i32
      %add3A_295 = arith.addi %mul3A_0, %add3A_294 : i32
      %add3A_296 = arith.constant 352 : i32
      %add3A_297 = arith.addi %mul3A_0, %add3A_296 : i32
      %add3A_298 = arith.constant 440 : i32
      %add3A_299 = arith.addi %mul3A_0, %add3A_298 : i32
      %add3A_300 = arith.constant 528 : i32
      %add3A_301 = arith.addi %mul3A_0, %add3A_300 : i32
      %add3A_302 = arith.constant 616 : i32
      %add3A_303 = arith.addi %mul3A_0, %add3A_302 : i32
      %dma_start3A_304 = arith.constant 0 : i32
      %dma_start3A_305 = arith.constant 0 : i32
      %dma_start3A_306 = arith.constant 0 : i32
      %dma_start3A_307 = tpu.memref_slice %arg10[%dma_start3A_304, %dma_start3A_305, %dma_start3A_306] : memref<4x88x128xf32, #tpu.memory_space<vmem>> -> memref<1x88x128xf32, #tpu.memory_space<vmem>>
      %dma_start3A_308 = tpu.memref_squeeze %dma_start3A_307 : memref<1x88x128xf32, #tpu.memory_space<vmem>> -> memref<88x128xf32, #tpu.memory_space<vmem>>
      %dma_start3A_309 = arith.constant 0 : i32
      %dma_start3A_310 = tpu.memref_slice %arg11[%add3A_289, %dma_start3A_309] : memref<10016x128xf32, #tpu.memory_space<vmem_shared>> -> memref<88x128xf32, #tpu.memory_space<vmem_shared>>
      %dma_start3A_311 = arith.constant 0 : i32
      %dma_start3A_312 = tpu.memref_slice %arg11[%add3A_289, %dma_start3A_311] : memref<10016x128xf32, #tpu.memory_space<vmem_shared>> -> memref<88x128xf32, #tpu.memory_space<vmem_shared>>
      %dma_start3A_313 = arith.constant 0 : i32
      %dma_start3A_314 = arith.constant 0 : i32
      %dma_start3A_315 = tpu.memref_slice %arg10[%dma_start3A_304, %dma_start3A_313, %dma_start3A_314] : memref<4x88x128xf32, #tpu.memory_space<vmem>> -> memref<1x88x128xf32, #tpu.memory_space<vmem>>
      %dma_start3A_316 = tpu.memref_squeeze %dma_start3A_315 : memref<1x88x128xf32, #tpu.memory_space<vmem>> -> memref<88x128xf32, #tpu.memory_space<vmem>>
      tpu.enqueue_dma source(%dma_start3A_316 : memref<88x128xf32, #tpu.memory_space<vmem>>) target(%dma_start3A_312 : memref<88x128xf32, #tpu.memory_space<vmem_shared>>) target_semaphore(%arg13 : memref<!tpu.dma_semaphore, #tpu.memory_space<semaphore_mem>>)
      %dma_start3A_317 = arith.constant 0 : i32
      %dma_start3A_318 = arith.constant 0 : i32
      %dma_start3A_319 = arith.constant 0 : i32
      %dma_start3A_320 = tpu.memref_slice %arg10[%dma_start3A_317, %dma_start3A_318, %dma_start3A_319] : memref<4x88x128xf32, #tpu.memory_space<vmem>> -> memref<1x88x128xf32, #tpu.memory_space<vmem>>
      %dma_start3A_321 = tpu.memref_squeeze %dma_start3A_320 : memref<1x88x128xf32, #tpu.memory_space<vmem>> -> memref<88x128xf32, #tpu.memory_space<vmem>>
      %dma_start3A_322 = arith.constant 0 : i32
      %dma_start3A_323 = tpu.memref_slice %arg11[%add3A_291, %dma_start3A_322] : memref<10016x128xf32, #tpu.memory_space<vmem_shared>> -> memref<88x128xf32, #tpu.memory_space<vmem_shared>>
      %dma_start3A_324 = arith.constant 0 : i32
      %dma_start3A_325 = tpu.memref_slice %arg11[%add3A_291, %dma_start3A_324] : memref<10016x128xf32, #tpu.memory_space<vmem_shared>> -> memref<88x128xf32, #tpu.memory_space<vmem_shared>>
      %dma_start3A_326 = arith.constant 0 : i32
      %dma_start3A_327 = arith.constant 0 : i32
      %dma_start3A_328 = tpu.memref_slice %arg10[%dma_start3A_317, %dma_start3A_326, %dma_start3A_327] : memref<4x88x128xf32, #tpu.memory_space<vmem>> -> memref<1x88x128xf32, #tpu.memory_space<vmem>>
      %dma_start3A_329 = tpu.memref_squeeze %dma_start3A_328 : memref<1x88x128xf32, #tpu.memory_space<vmem>> -> memref<88x128xf32, #tpu.memory_space<vmem>>
      tpu.enqueue_dma source(%dma_start3A_329 : memref<88x128xf32, #tpu.memory_space<vmem>>) target(%dma_start3A_325 : memref<88x128xf32, #tpu.memory_space<vmem_shared>>) target_semaphore(%arg13 : memref<!tpu.dma_semaphore, #tpu.memory_space<semaphore_mem>>)
      %dma_start3A_330 = arith.constant 0 : i32
      %dma_start3A_331 = arith.constant 0 : i32
      %dma_start3A_332 = arith.constant 0 : i32
      %dma_start3A_333 = tpu.memref_slice %arg10[%dma_start3A_330, %dma_start3A_331, %dma_start3A_332] : memref<4x88x128xf32, #tpu.memory_space<vmem>> -> memref<1x88x128xf32, #tpu.memory_space<vmem>>
      %dma_start3A_334 = tpu.memref_squeeze %dma_start3A_333 : memref<1x88x128xf32, #tpu.memory_space<vmem>> -> memref<88x128xf32, #tpu.memory_space<vmem>>
      %dma_start3A_335 = arith.constant 0 : i32
      %dma_start3A_336 = tpu.memref_slice %arg11[%add3A_293, %dma_start3A_335] : memref<10016x128xf32, #tpu.memory_space<vmem_shared>> -> memref<88x128xf32, #tpu.memory_space<vmem_shared>>
      %dma_start3A_337 = arith.constant 0 : i32
      %dma_start3A_338 = tpu.memref_slice %arg11[%add3A_293, %dma_start3A_337] : memref<10016x128xf32, #tpu.memory_space<vmem_shared>> -> memref<88x128xf32, #tpu.memory_space<vmem_shared>>
      %dma_start3A_339 = arith.constant 0 : i32
      %dma_start3A_340 = arith.constant 0 : i32
      %dma_start3A_341 = tpu.memref_slice %arg10[%dma_start3A_330, %dma_start3A_339, %dma_start3A_340] : memref<4x88x128xf32, #tpu.memory_space<vmem>> -> memref<1x88x128xf32, #tpu.memory_space<vmem>>
      %dma_start3A_342 = tpu.memref_squeeze %dma_start3A_341 : memref<1x88x128xf32, #tpu.memory_space<vmem>> -> memref<88x128xf32, #tpu.memory_space<vmem>>
      tpu.enqueue_dma source(%dma_start3A_342 : memref<88x128xf32, #tpu.memory_space<vmem>>) target(%dma_start3A_338 : memref<88x128xf32, #tpu.memory_space<vmem_shared>>) target_semaphore(%arg13 : memref<!tpu.dma_semaphore, #tpu.memory_space<semaphore_mem>>)
      %dma_start3A_343 = arith.constant 0 : i32
      %dma_start3A_344 = arith.constant 0 : i32
      %dma_start3A_345 = arith.constant 0 : i32
      %dma_start3A_346 = tpu.memref_slice %arg10[%dma_start3A_343, %dma_start3A_344, %dma_start3A_345] : memref<4x88x128xf32, #tpu.memory_space<vmem>> -> memref<1x88x128xf32, #tpu.memory_space<vmem>>
      %dma_start3A_347 = tpu.memref_squeeze %dma_start3A_346 : memref<1x88x128xf32, #tpu.memory_space<vmem>> -> memref<88x128xf32, #tpu.memory_space<vmem>>
      %dma_start3A_348 = arith.constant 0 : i32
      %dma_start3A_349 = tpu.memref_slice %arg11[%add3A_295, %dma_start3A_348] : memref<10016x128xf32, #tpu.memory_space<vmem_shared>> -> memref<88x128xf32, #tpu.memory_space<vmem_shared>>
      %dma_start3A_350 = arith.constant 0 : i32
      %dma_start3A_351 = tpu.memref_slice %arg11[%add3A_295, %dma_start3A_350] : memref<10016x128xf32, #tpu.memory_space<vmem_shared>> -> memref<88x128xf32, #tpu.memory_space<vmem_shared>>
      %dma_start3A_352 = arith.constant 0 : i32
      %dma_start3A_353 = arith.constant 0 : i32
      %dma_start3A_354 = tpu.memref_slice %arg10[%dma_start3A_343, %dma_start3A_352, %dma_start3A_353] : memref<4x88x128xf32, #tpu.memory_space<vmem>> -> memref<1x88x128xf32, #tpu.memory_space<vmem>>
      %dma_start3A_355 = tpu.memref_squeeze %dma_start3A_354 : memref<1x88x128xf32, #tpu.memory_space<vmem>> -> memref<88x128xf32, #tpu.memory_space<vmem>>
      tpu.enqueue_dma source(%dma_start3A_355 : memref<88x128xf32, #tpu.memory_space<vmem>>) target(%dma_start3A_351 : memref<88x128xf32, #tpu.memory_space<vmem_shared>>) target_semaphore(%arg13 : memref<!tpu.dma_semaphore, #tpu.memory_space<semaphore_mem>>)
      %dma_start3A_356 = arith.constant 0 : i32
      %dma_start3A_357 = arith.constant 0 : i32
      %dma_start3A_358 = arith.constant 0 : i32
      %dma_start3A_359 = tpu.memref_slice %arg10[%dma_start3A_356, %dma_start3A_357, %dma_start3A_358] : memref<4x88x128xf32, #tpu.memory_space<vmem>> -> memref<1x88x128xf32, #tpu.memory_space<vmem>>
      %dma_start3A_360 = tpu.memref_squeeze %dma_start3A_359 : memref<1x88x128xf32, #tpu.memory_space<vmem>> -> memref<88x128xf32, #tpu.memory_space<vmem>>
      %dma_start3A_361 = arith.constant 0 : i32
      %dma_start3A_362 = tpu.memref_slice %arg11[%add3A_297, %dma_start3A_361] : memref<10016x128xf32, #tpu.memory_space<vmem_shared>> -> memref<88x128xf32, #tpu.memory_space<vmem_shared>>
      %dma_start3A_363 = arith.constant 0 : i32
      %dma_start3A_364 = tpu.memref_slice %arg11[%add3A_297, %dma_start3A_363] : memref<10016x128xf32, #tpu.memory_space<vmem_shared>> -> memref<88x128xf32, #tpu.memory_space<vmem_shared>>
      %dma_start3A_365 = arith.constant 0 : i32
      %dma_start3A_366 = arith.constant 0 : i32
      %dma_start3A_367 = tpu.memref_slice %arg10[%dma_start3A_356, %dma_start3A_365, %dma_start3A_366] : memref<4x88x128xf32, #tpu.memory_space<vmem>> -> memref<1x88x128xf32, #tpu.memory_space<vmem>>
      %dma_start3A_368 = tpu.memref_squeeze %dma_start3A_367 : memref<1x88x128xf32, #tpu.memory_space<vmem>> -> memref<88x128xf32, #tpu.memory_space<vmem>>
      tpu.enqueue_dma source(%dma_start3A_368 : memref<88x128xf32, #tpu.memory_space<vmem>>) target(%dma_start3A_364 : memref<88x128xf32, #tpu.memory_space<vmem_shared>>) target_semaphore(%arg13 : memref<!tpu.dma_semaphore, #tpu.memory_space<semaphore_mem>>)
      %dma_start3A_369 = arith.constant 0 : i32
      %dma_start3A_370 = arith.constant 0 : i32
      %dma_start3A_371 = arith.constant 0 : i32
      %dma_start3A_372 = tpu.memref_slice %arg10[%dma_start3A_369, %dma_start3A_370, %dma_start3A_371] : memref<4x88x128xf32, #tpu.memory_space<vmem>> -> memref<1x88x128xf32, #tpu.memory_space<vmem>>
      %dma_start3A_373 = tpu.memref_squeeze %dma_start3A_372 : memref<1x88x128xf32, #tpu.memory_space<vmem>> -> memref<88x128xf32, #tpu.memory_space<vmem>>
      %dma_start3A_374 = arith.constant 0 : i32
      %dma_start3A_375 = tpu.memref_slice %arg11[%add3A_299, %dma_start3A_374] : memref<10016x128xf32, #tpu.memory_space<vmem_shared>> -> memref<88x128xf32, #tpu.memory_space<vmem_shared>>
      %dma_start3A_376 = arith.constant 0 : i32
      %dma_start3A_377 = tpu.memref_slice %arg11[%add3A_299, %dma_start3A_376] : memref<10016x128xf32, #tpu.memory_space<vmem_shared>> -> memref<88x128xf32, #tpu.memory_space<vmem_shared>>
      %dma_start3A_378 = arith.constant 0 : i32
      %dma_start3A_379 = arith.constant 0 : i32
      %dma_start3A_380 = tpu.memref_slice %arg10[%dma_start3A_369, %dma_start3A_378, %dma_start3A_379] : memref<4x88x128xf32, #tpu.memory_space<vmem>> -> memref<1x88x128xf32, #tpu.memory_space<vmem>>
      %dma_start3A_381 = tpu.memref_squeeze %dma_start3A_380 : memref<1x88x128xf32, #tpu.memory_space<vmem>> -> memref<88x128xf32, #tpu.memory_space<vmem>>
      tpu.enqueue_dma source(%dma_start3A_381 : memref<88x128xf32, #tpu.memory_space<vmem>>) target(%dma_start3A_377 : memref<88x128xf32, #tpu.memory_space<vmem_shared>>) target_semaphore(%arg13 : memref<!tpu.dma_semaphore, #tpu.memory_space<semaphore_mem>>)
      %dma_start3A_382 = arith.constant 0 : i32
      %dma_start3A_383 = arith.constant 0 : i32
      %dma_start3A_384 = arith.constant 0 : i32
      %dma_start3A_385 = tpu.memref_slice %arg10[%dma_start3A_382, %dma_start3A_383, %dma_start3A_384] : memref<4x88x128xf32, #tpu.memory_space<vmem>> -> memref<1x88x128xf32, #tpu.memory_space<vmem>>
      %dma_start3A_386 = tpu.memref_squeeze %dma_start3A_385 : memref<1x88x128xf32, #tpu.memory_space<vmem>> -> memref<88x128xf32, #tpu.memory_space<vmem>>
      %dma_start3A_387 = arith.constant 0 : i32
      %dma_start3A_388 = tpu.memref_slice %arg11[%add3A_301, %dma_start3A_387] : memref<10016x128xf32, #tpu.memory_space<vmem_shared>> -> memref<88x128xf32, #tpu.memory_space<vmem_shared>>
      %dma_start3A_389 = arith.constant 0 : i32
      %dma_start3A_390 = tpu.memref_slice %arg11[%add3A_301, %dma_start3A_389] : memref<10016x128xf32, #tpu.memory_space<vmem_shared>> -> memref<88x128xf32, #tpu.memory_space<vmem_shared>>
      %dma_start3A_391 = arith.constant 0 : i32
      %dma_start3A_392 = arith.constant 0 : i32
      %dma_start3A_393 = tpu.memref_slice %arg10[%dma_start3A_382, %dma_start3A_391, %dma_start3A_392] : memref<4x88x128xf32, #tpu.memory_space<vmem>> -> memref<1x88x128xf32, #tpu.memory_space<vmem>>
      %dma_start3A_394 = tpu.memref_squeeze %dma_start3A_393 : memref<1x88x128xf32, #tpu.memory_space<vmem>> -> memref<88x128xf32, #tpu.memory_space<vmem>>
      tpu.enqueue_dma source(%dma_start3A_394 : memref<88x128xf32, #tpu.memory_space<vmem>>) target(%dma_start3A_390 : memref<88x128xf32, #tpu.memory_space<vmem_shared>>) target_semaphore(%arg13 : memref<!tpu.dma_semaphore, #tpu.memory_space<semaphore_mem>>)
      %dma_start3A_395 = arith.constant 0 : i32
      %dma_start3A_396 = arith.constant 0 : i32
      %dma_start3A_397 = arith.constant 0 : i32
      %dma_start3A_398 = tpu.memref_slice %arg10[%dma_start3A_395, %dma_start3A_396, %dma_start3A_397] : memref<4x88x128xf32, #tpu.memory_space<vmem>> -> memref<1x8x128xf32, #tpu.memory_space<vmem>>
      %dma_start3A_399 = tpu.memref_squeeze %dma_start3A_398 : memref<1x8x128xf32, #tpu.memory_space<vmem>> -> memref<8x128xf32, #tpu.memory_space<vmem>>
      %dma_start3A_400 = arith.constant 0 : i32
      %dma_start3A_401 = tpu.memref_slice %arg11[%add3A_303, %dma_start3A_400] : memref<10016x128xf32, #tpu.memory_space<vmem_shared>> -> memref<8x128xf32, #tpu.memory_space<vmem_shared>>
      %dma_start3A_402 = arith.constant 0 : i32
      %dma_start3A_403 = tpu.memref_slice %arg11[%add3A_303, %dma_start3A_402] : memref<10016x128xf32, #tpu.memory_space<vmem_shared>> -> memref<8x128xf32, #tpu.memory_space<vmem_shared>>
      %dma_start3A_404 = arith.constant 0 : i32
      %dma_start3A_405 = arith.constant 0 : i32
      %dma_start3A_406 = tpu.memref_slice %arg10[%dma_start3A_395, %dma_start3A_404, %dma_start3A_405] : memref<4x88x128xf32, #tpu.memory_space<vmem>> -> memref<1x8x128xf32, #tpu.memory_space<vmem>>
      %dma_start3A_407 = tpu.memref_squeeze %dma_start3A_406 : memref<1x8x128xf32, #tpu.memory_space<vmem>> -> memref<8x128xf32, #tpu.memory_space<vmem>>
      tpu.enqueue_dma source(%dma_start3A_407 : memref<8x128xf32, #tpu.memory_space<vmem>>) target(%dma_start3A_403 : memref<8x128xf32, #tpu.memory_space<vmem_shared>>) target_semaphore(%arg13 : memref<!tpu.dma_semaphore, #tpu.memory_space<semaphore_mem>>)
      %dma_wait3A_408 = arith.constant 0 : i32
      %dma_wait3A_409 = arith.constant 0 : i32
      %dma_wait3A_410 = arith.constant 0 : i32
      %dma_wait3A_411 = tpu.memref_slice %arg10[%dma_wait3A_408, %dma_wait3A_409, %dma_wait3A_410] : memref<4x88x128xf32, #tpu.memory_space<vmem>> -> memref<1x88x128xf32, #tpu.memory_space<vmem>>
      %dma_wait3A_412 = tpu.memref_squeeze %dma_wait3A_411 : memref<1x88x128xf32, #tpu.memory_space<vmem>> -> memref<88x128xf32, #tpu.memory_space<vmem>>
      %dma_wait3A_413 = arith.constant 0 : i32
      %dma_wait3A_414 = tpu.memref_slice %arg11[%add3A_289, %dma_wait3A_413] : memref<10016x128xf32, #tpu.memory_space<vmem_shared>> -> memref<88x128xf32, #tpu.memory_space<vmem_shared>>
      %dma_wait3A_415 = arith.constant 0 : i32
      %dma_wait3A_416 = tpu.memref_slice %arg11[%add3A_289, %dma_wait3A_415] : memref<10016x128xf32, #tpu.memory_space<vmem_shared>> -> memref<88x128xf32, #tpu.memory_space<vmem_shared>>
      %dma_wait3A_417 = arith.constant 0 : i32
      %dma_wait3A_418 = arith.constant 0 : i32
      %dma_wait3A_419 = tpu.memref_slice %arg10[%dma_wait3A_408, %dma_wait3A_417, %dma_wait3A_418] : memref<4x88x128xf32, #tpu.memory_space<vmem>> -> memref<1x88x128xf32, #tpu.memory_space<vmem>>
      %dma_wait3A_420 = tpu.memref_squeeze %dma_wait3A_419 : memref<1x88x128xf32, #tpu.memory_space<vmem>> -> memref<88x128xf32, #tpu.memory_space<vmem>>
      tpu.wait_dma2 semaphore(%arg13 : memref<!tpu.dma_semaphore, #tpu.memory_space<semaphore_mem>>) src(%dma_wait3A_420 : memref<88x128xf32, #tpu.memory_space<vmem>>) dst(%dma_wait3A_416 : memref<88x128xf32, #tpu.memory_space<vmem_shared>>)
      %dma_wait3A_421 = arith.constant 0 : i32
      %dma_wait3A_422 = arith.constant 0 : i32
      %dma_wait3A_423 = arith.constant 0 : i32
      %dma_wait3A_424 = tpu.memref_slice %arg10[%dma_wait3A_421, %dma_wait3A_422, %dma_wait3A_423] : memref<4x88x128xf32, #tpu.memory_space<vmem>> -> memref<1x88x128xf32, #tpu.memory_space<vmem>>
      %dma_wait3A_425 = tpu.memref_squeeze %dma_wait3A_424 : memref<1x88x128xf32, #tpu.memory_space<vmem>> -> memref<88x128xf32, #tpu.memory_space<vmem>>
      %dma_wait3A_426 = arith.constant 0 : i32
      %dma_wait3A_427 = tpu.memref_slice %arg11[%add3A_291, %dma_wait3A_426] : memref<10016x128xf32, #tpu.memory_space<vmem_shared>> -> memref<88x128xf32, #tpu.memory_space<vmem_shared>>
      %dma_wait3A_428 = arith.constant 0 : i32
      %dma_wait3A_429 = tpu.memref_slice %arg11[%add3A_291, %dma_wait3A_428] : memref<10016x128xf32, #tpu.memory_space<vmem_shared>> -> memref<88x128xf32, #tpu.memory_space<vmem_shared>>
      %dma_wait3A_430 = arith.constant 0 : i32
      %dma_wait3A_431 = arith.constant 0 : i32
      %dma_wait3A_432 = tpu.memref_slice %arg10[%dma_wait3A_421, %dma_wait3A_430, %dma_wait3A_431] : memref<4x88x128xf32, #tpu.memory_space<vmem>> -> memref<1x88x128xf32, #tpu.memory_space<vmem>>
      %dma_wait3A_433 = tpu.memref_squeeze %dma_wait3A_432 : memref<1x88x128xf32, #tpu.memory_space<vmem>> -> memref<88x128xf32, #tpu.memory_space<vmem>>
      tpu.wait_dma2 semaphore(%arg13 : memref<!tpu.dma_semaphore, #tpu.memory_space<semaphore_mem>>) src(%dma_wait3A_433 : memref<88x128xf32, #tpu.memory_space<vmem>>) dst(%dma_wait3A_429 : memref<88x128xf32, #tpu.memory_space<vmem_shared>>)
      %dma_wait3A_434 = arith.constant 0 : i32
      %dma_wait3A_435 = arith.constant 0 : i32
      %dma_wait3A_436 = arith.constant 0 : i32
      %dma_wait3A_437 = tpu.memref_slice %arg10[%dma_wait3A_434, %dma_wait3A_435, %dma_wait3A_436] : memref<4x88x128xf32, #tpu.memory_space<vmem>> -> memref<1x88x128xf32, #tpu.memory_space<vmem>>
      %dma_wait3A_438 = tpu.memref_squeeze %dma_wait3A_437 : memref<1x88x128xf32, #tpu.memory_space<vmem>> -> memref<88x128xf32, #tpu.memory_space<vmem>>
      %dma_wait3A_439 = arith.constant 0 : i32
      %dma_wait3A_440 = tpu.memref_slice %arg11[%add3A_293, %dma_wait3A_439] : memref<10016x128xf32, #tpu.memory_space<vmem_shared>> -> memref<88x128xf32, #tpu.memory_space<vmem_shared>>
      %dma_wait3A_441 = arith.constant 0 : i32
      %dma_wait3A_442 = tpu.memref_slice %arg11[%add3A_293, %dma_wait3A_441] : memref<10016x128xf32, #tpu.memory_space<vmem_shared>> -> memref<88x128xf32, #tpu.memory_space<vmem_shared>>
      %dma_wait3A_443 = arith.constant 0 : i32
      %dma_wait3A_444 = arith.constant 0 : i32
      %dma_wait3A_445 = tpu.memref_slice %arg10[%dma_wait3A_434, %dma_wait3A_443, %dma_wait3A_444] : memref<4x88x128xf32, #tpu.memory_space<vmem>> -> memref<1x88x128xf32, #tpu.memory_space<vmem>>
      %dma_wait3A_446 = tpu.memref_squeeze %dma_wait3A_445 : memref<1x88x128xf32, #tpu.memory_space<vmem>> -> memref<88x128xf32, #tpu.memory_space<vmem>>
      tpu.wait_dma2 semaphore(%arg13 : memref<!tpu.dma_semaphore, #tpu.memory_space<semaphore_mem>>) src(%dma_wait3A_446 : memref<88x128xf32, #tpu.memory_space<vmem>>) dst(%dma_wait3A_442 : memref<88x128xf32, #tpu.memory_space<vmem_shared>>)
      %dma_wait3A_447 = arith.constant 0 : i32
      %dma_wait3A_448 = arith.constant 0 : i32
      %dma_wait3A_449 = arith.constant 0 : i32
      %dma_wait3A_450 = tpu.memref_slice %arg10[%dma_wait3A_447, %dma_wait3A_448, %dma_wait3A_449] : memref<4x88x128xf32, #tpu.memory_space<vmem>> -> memref<1x88x128xf32, #tpu.memory_space<vmem>>
      %dma_wait3A_451 = tpu.memref_squeeze %dma_wait3A_450 : memref<1x88x128xf32, #tpu.memory_space<vmem>> -> memref<88x128xf32, #tpu.memory_space<vmem>>
      %dma_wait3A_452 = arith.constant 0 : i32
      %dma_wait3A_453 = tpu.memref_slice %arg11[%add3A_295, %dma_wait3A_452] : memref<10016x128xf32, #tpu.memory_space<vmem_shared>> -> memref<88x128xf32, #tpu.memory_space<vmem_shared>>
      %dma_wait3A_454 = arith.constant 0 : i32
      %dma_wait3A_455 = tpu.memref_slice %arg11[%add3A_295, %dma_wait3A_454] : memref<10016x128xf32, #tpu.memory_space<vmem_shared>> -> memref<88x128xf32, #tpu.memory_space<vmem_shared>>
      %dma_wait3A_456 = arith.constant 0 : i32
      %dma_wait3A_457 = arith.constant 0 : i32
      %dma_wait3A_458 = tpu.memref_slice %arg10[%dma_wait3A_447, %dma_wait3A_456, %dma_wait3A_457] : memref<4x88x128xf32, #tpu.memory_space<vmem>> -> memref<1x88x128xf32, #tpu.memory_space<vmem>>
      %dma_wait3A_459 = tpu.memref_squeeze %dma_wait3A_458 : memref<1x88x128xf32, #tpu.memory_space<vmem>> -> memref<88x128xf32, #tpu.memory_space<vmem>>
      tpu.wait_dma2 semaphore(%arg13 : memref<!tpu.dma_semaphore, #tpu.memory_space<semaphore_mem>>) src(%dma_wait3A_459 : memref<88x128xf32, #tpu.memory_space<vmem>>) dst(%dma_wait3A_455 : memref<88x128xf32, #tpu.memory_space<vmem_shared>>)
      %dma_wait3A_460 = arith.constant 0 : i32
      %dma_wait3A_461 = arith.constant 0 : i32
      %dma_wait3A_462 = arith.constant 0 : i32
      %dma_wait3A_463 = tpu.memref_slice %arg10[%dma_wait3A_460, %dma_wait3A_461, %dma_wait3A_462] : memref<4x88x128xf32, #tpu.memory_space<vmem>> -> memref<1x88x128xf32, #tpu.memory_space<vmem>>
      %dma_wait3A_464 = tpu.memref_squeeze %dma_wait3A_463 : memref<1x88x128xf32, #tpu.memory_space<vmem>> -> memref<88x128xf32, #tpu.memory_space<vmem>>
      %dma_wait3A_465 = arith.constant 0 : i32
      %dma_wait3A_466 = tpu.memref_slice %arg11[%add3A_297, %dma_wait3A_465] : memref<10016x128xf32, #tpu.memory_space<vmem_shared>> -> memref<88x128xf32, #tpu.memory_space<vmem_shared>>
      %dma_wait3A_467 = arith.constant 0 : i32
      %dma_wait3A_468 = tpu.memref_slice %arg11[%add3A_297, %dma_wait3A_467] : memref<10016x128xf32, #tpu.memory_space<vmem_shared>> -> memref<88x128xf32, #tpu.memory_space<vmem_shared>>
      %dma_wait3A_469 = arith.constant 0 : i32
      %dma_wait3A_470 = arith.constant 0 : i32
      %dma_wait3A_471 = tpu.memref_slice %arg10[%dma_wait3A_460, %dma_wait3A_469, %dma_wait3A_470] : memref<4x88x128xf32, #tpu.memory_space<vmem>> -> memref<1x88x128xf32, #tpu.memory_space<vmem>>
      %dma_wait3A_472 = tpu.memref_squeeze %dma_wait3A_471 : memref<1x88x128xf32, #tpu.memory_space<vmem>> -> memref<88x128xf32, #tpu.memory_space<vmem>>
      tpu.wait_dma2 semaphore(%arg13 : memref<!tpu.dma_semaphore, #tpu.memory_space<semaphore_mem>>) src(%dma_wait3A_472 : memref<88x128xf32, #tpu.memory_space<vmem>>) dst(%dma_wait3A_468 : memref<88x128xf32, #tpu.memory_space<vmem_shared>>)
      %dma_wait3A_473 = arith.constant 0 : i32
      %dma_wait3A_474 = arith.constant 0 : i32
      %dma_wait3A_475 = arith.constant 0 : i32
      %dma_wait3A_476 = tpu.memref_slice %arg10[%dma_wait3A_473, %dma_wait3A_474, %dma_wait3A_475] : memref<4x88x128xf32, #tpu.memory_space<vmem>> -> memref<1x88x128xf32, #tpu.memory_space<vmem>>
      %dma_wait3A_477 = tpu.memref_squeeze %dma_wait3A_476 : memref<1x88x128xf32, #tpu.memory_space<vmem>> -> memref<88x128xf32, #tpu.memory_space<vmem>>
      %dma_wait3A_478 = arith.constant 0 : i32
      %dma_wait3A_479 = tpu.memref_slice %arg11[%add3A_299, %dma_wait3A_478] : memref<10016x128xf32, #tpu.memory_space<vmem_shared>> -> memref<88x128xf32, #tpu.memory_space<vmem_shared>>
      %dma_wait3A_480 = arith.constant 0 : i32
      %dma_wait3A_481 = tpu.memref_slice %arg11[%add3A_299, %dma_wait3A_480] : memref<10016x128xf32, #tpu.memory_space<vmem_shared>> -> memref<88x128xf32, #tpu.memory_space<vmem_shared>>
      %dma_wait3A_482 = arith.constant 0 : i32
      %dma_wait3A_483 = arith.constant 0 : i32
      %dma_wait3A_484 = tpu.memref_slice %arg10[%dma_wait3A_473, %dma_wait3A_482, %dma_wait3A_483] : memref<4x88x128xf32, #tpu.memory_space<vmem>> -> memref<1x88x128xf32, #tpu.memory_space<vmem>>
      %dma_wait3A_485 = tpu.memref_squeeze %dma_wait3A_484 : memref<1x88x128xf32, #tpu.memory_space<vmem>> -> memref<88x128xf32, #tpu.memory_space<vmem>>
      tpu.wait_dma2 semaphore(%arg13 : memref<!tpu.dma_semaphore, #tpu.memory_space<semaphore_mem>>) src(%dma_wait3A_485 : memref<88x128xf32, #tpu.memory_space<vmem>>) dst(%dma_wait3A_481 : memref<88x128xf32, #tpu.memory_space<vmem_shared>>)
      %dma_wait3A_486 = arith.constant 0 : i32
      %dma_wait3A_487 = arith.constant 0 : i32
      %dma_wait3A_488 = arith.constant 0 : i32
      %dma_wait3A_489 = tpu.memref_slice %arg10[%dma_wait3A_486, %dma_wait3A_487, %dma_wait3A_488] : memref<4x88x128xf32, #tpu.memory_space<vmem>> -> memref<1x88x128xf32, #tpu.memory_space<vmem>>
      %dma_wait3A_490 = tpu.memref_squeeze %dma_wait3A_489 : memref<1x88x128xf32, #tpu.memory_space<vmem>> -> memref<88x128xf32, #tpu.memory_space<vmem>>
      %dma_wait3A_491 = arith.constant 0 : i32
      %dma_wait3A_492 = tpu.memref_slice %arg11[%add3A_301, %dma_wait3A_491] : memref<10016x128xf32, #tpu.memory_space<vmem_shared>> -> memref<88x128xf32, #tpu.memory_space<vmem_shared>>
      %dma_wait3A_493 = arith.constant 0 : i32
      %dma_wait3A_494 = tpu.memref_slice %arg11[%add3A_301, %dma_wait3A_493] : memref<10016x128xf32, #tpu.memory_space<vmem_shared>> -> memref<88x128xf32, #tpu.memory_space<vmem_shared>>
      %dma_wait3A_495 = arith.constant 0 : i32
      %dma_wait3A_496 = arith.constant 0 : i32
      %dma_wait3A_497 = tpu.memref_slice %arg10[%dma_wait3A_486, %dma_wait3A_495, %dma_wait3A_496] : memref<4x88x128xf32, #tpu.memory_space<vmem>> -> memref<1x88x128xf32, #tpu.memory_space<vmem>>
      %dma_wait3A_498 = tpu.memref_squeeze %dma_wait3A_497 : memref<1x88x128xf32, #tpu.memory_space<vmem>> -> memref<88x128xf32, #tpu.memory_space<vmem>>
      tpu.wait_dma2 semaphore(%arg13 : memref<!tpu.dma_semaphore, #tpu.memory_space<semaphore_mem>>) src(%dma_wait3A_498 : memref<88x128xf32, #tpu.memory_space<vmem>>) dst(%dma_wait3A_494 : memref<88x128xf32, #tpu.memory_space<vmem_shared>>)
      %dma_wait3A_499 = arith.constant 0 : i32
      %dma_wait3A_500 = arith.constant 0 : i32
      %dma_wait3A_501 = arith.constant 0 : i32
      %dma_wait3A_502 = tpu.memref_slice %arg10[%dma_wait3A_499, %dma_wait3A_500, %dma_wait3A_501] : memref<4x88x128xf32, #tpu.memory_space<vmem>> -> memref<1x8x128xf32, #tpu.memory_space<vmem>>
      %dma_wait3A_503 = tpu.memref_squeeze %dma_wait3A_502 : memref<1x8x128xf32, #tpu.memory_space<vmem>> -> memref<8x128xf32, #tpu.memory_space<vmem>>
      %dma_wait3A_504 = arith.constant 0 : i32
      %dma_wait3A_505 = tpu.memref_slice %arg11[%add3A_303, %dma_wait3A_504] : memref<10016x128xf32, #tpu.memory_space<vmem_shared>> -> memref<8x128xf32, #tpu.memory_space<vmem_shared>>
      %dma_wait3A_506 = arith.constant 0 : i32
      %dma_wait3A_507 = tpu.memref_slice %arg11[%add3A_303, %dma_wait3A_506] : memref<10016x128xf32, #tpu.memory_space<vmem_shared>> -> memref<8x128xf32, #tpu.memory_space<vmem_shared>>
      %dma_wait3A_508 = arith.constant 0 : i32
      %dma_wait3A_509 = arith.constant 0 : i32
      %dma_wait3A_510 = tpu.memref_slice %arg10[%dma_wait3A_499, %dma_wait3A_508, %dma_wait3A_509] : memref<4x88x128xf32, #tpu.memory_space<vmem>> -> memref<1x8x128xf32, #tpu.memory_space<vmem>>
      %dma_wait3A_511 = tpu.memref_squeeze %dma_wait3A_510 : memref<1x8x128xf32, #tpu.memory_space<vmem>> -> memref<8x128xf32, #tpu.memory_space<vmem>>
      tpu.wait_dma2 semaphore(%arg13 : memref<!tpu.dma_semaphore, #tpu.memory_space<semaphore_mem>>) src(%dma_wait3A_511 : memref<8x128xf32, #tpu.memory_space<vmem>>) dst(%dma_wait3A_507 : memref<8x128xf32, #tpu.memory_space<vmem_shared>>)
    } else {
    }
    %eq3A = arith.constant 15 : i32
    %eq3A_8 = arith.cmpi eq, %arg1, %eq3A : i32
    %convert_element_type3A_9 = arith.extui %eq3A_8 : i1 to i32
    %cond3A_10 = arith.constant 0 : i32
    %cond3A_11 = arith.cmpi ne, %convert_element_type3A_9, %cond3A_10 : i32
    scf.if %cond3A_11 {
      %add3A = arith.constant 0 : i32
      %add3A_289 = arith.addi %mul3A_0, %add3A : i32
      %add3A_290 = arith.constant 88 : i32
      %add3A_291 = arith.addi %mul3A_0, %add3A_290 : i32
      %add3A_292 = arith.constant 176 : i32
      %add3A_293 = arith.addi %mul3A_0, %add3A_292 : i32
      %add3A_294 = arith.constant 264 : i32
      %add3A_295 = arith.addi %mul3A_0, %add3A_294 : i32
      %add3A_296 = arith.constant 352 : i32
      %add3A_297 = arith.addi %mul3A_0, %add3A_296 : i32
      %add3A_298 = arith.constant 440 : i32
      %add3A_299 = arith.addi %mul3A_0, %add3A_298 : i32
      %add3A_300 = arith.constant 528 : i32
      %add3A_301 = arith.addi %mul3A_0, %add3A_300 : i32
      %add3A_302 = arith.constant 616 : i32
      %add3A_303 = arith.addi %mul3A_0, %add3A_302 : i32
      %dma_start3A_304 = arith.constant 0 : i32
      %dma_start3A_305 = arith.constant 0 : i32
      %dma_start3A_306 = arith.constant 0 : i32
      %dma_start3A_307 = tpu.memref_slice %arg10[%dma_start3A_304, %dma_start3A_305, %dma_start3A_306] : memref<4x88x128xf32, #tpu.memory_space<vmem>> -> memref<1x88x128xf32, #tpu.memory_space<vmem>>
      %dma_start3A_308 = tpu.memref_squeeze %dma_start3A_307 : memref<1x88x128xf32, #tpu.memory_space<vmem>> -> memref<88x128xf32, #tpu.memory_space<vmem>>
      %dma_start3A_309 = arith.constant 0 : i32
      %dma_start3A_310 = tpu.memref_slice %arg11[%add3A_289, %dma_start3A_309] : memref<10016x128xf32, #tpu.memory_space<vmem_shared>> -> memref<88x128xf32, #tpu.memory_space<vmem_shared>>
      %dma_start3A_311 = arith.constant 0 : i32
      %dma_start3A_312 = tpu.memref_slice %arg11[%add3A_289, %dma_start3A_311] : memref<10016x128xf32, #tpu.memory_space<vmem_shared>> -> memref<88x128xf32, #tpu.memory_space<vmem_shared>>
      %dma_start3A_313 = arith.constant 0 : i32
      %dma_start3A_314 = arith.constant 0 : i32
      %dma_start3A_315 = tpu.memref_slice %arg10[%dma_start3A_304, %dma_start3A_313, %dma_start3A_314] : memref<4x88x128xf32, #tpu.memory_space<vmem>> -> memref<1x88x128xf32, #tpu.memory_space<vmem>>
      %dma_start3A_316 = tpu.memref_squeeze %dma_start3A_315 : memref<1x88x128xf32, #tpu.memory_space<vmem>> -> memref<88x128xf32, #tpu.memory_space<vmem>>
      tpu.enqueue_dma source(%dma_start3A_316 : memref<88x128xf32, #tpu.memory_space<vmem>>) target(%dma_start3A_312 : memref<88x128xf32, #tpu.memory_space<vmem_shared>>) target_semaphore(%arg13 : memref<!tpu.dma_semaphore, #tpu.memory_space<semaphore_mem>>)
      %dma_start3A_317 = arith.constant 0 : i32
      %dma_start3A_318 = arith.constant 0 : i32
      %dma_start3A_319 = arith.constant 0 : i32
      %dma_start3A_320 = tpu.memref_slice %arg10[%dma_start3A_317, %dma_start3A_318, %dma_start3A_319] : memref<4x88x128xf32, #tpu.memory_space<vmem>> -> memref<1x88x128xf32, #tpu.memory_space<vmem>>
      %dma_start3A_321 = tpu.memref_squeeze %dma_start3A_320 : memref<1x88x128xf32, #tpu.memory_space<vmem>> -> memref<88x128xf32, #tpu.memory_space<vmem>>
      %dma_start3A_322 = arith.constant 0 : i32
      %dma_start3A_323 = tpu.memref_slice %arg11[%add3A_291, %dma_start3A_322] : memref<10016x128xf32, #tpu.memory_space<vmem_shared>> -> memref<88x128xf32, #tpu.memory_space<vmem_shared>>
      %dma_start3A_324 = arith.constant 0 : i32
      %dma_start3A_325 = tpu.memref_slice %arg11[%add3A_291, %dma_start3A_324] : memref<10016x128xf32, #tpu.memory_space<vmem_shared>> -> memref<88x128xf32, #tpu.memory_space<vmem_shared>>
      %dma_start3A_326 = arith.constant 0 : i32
      %dma_start3A_327 = arith.constant 0 : i32
      %dma_start3A_328 = tpu.memref_slice %arg10[%dma_start3A_317, %dma_start3A_326, %dma_start3A_327] : memref<4x88x128xf32, #tpu.memory_space<vmem>> -> memref<1x88x128xf32, #tpu.memory_space<vmem>>
      %dma_start3A_329 = tpu.memref_squeeze %dma_start3A_328 : memref<1x88x128xf32, #tpu.memory_space<vmem>> -> memref<88x128xf32, #tpu.memory_space<vmem>>
      tpu.enqueue_dma source(%dma_start3A_329 : memref<88x128xf32, #tpu.memory_space<vmem>>) target(%dma_start3A_325 : memref<88x128xf32, #tpu.memory_space<vmem_shared>>) target_semaphore(%arg13 : memref<!tpu.dma_semaphore, #tpu.memory_space<semaphore_mem>>)
      %dma_start3A_330 = arith.constant 0 : i32
      %dma_start3A_331 = arith.constant 0 : i32
      %dma_start3A_332 = arith.constant 0 : i32
      %dma_start3A_333 = tpu.memref_slice %arg10[%dma_start3A_330, %dma_start3A_331, %dma_start3A_332] : memref<4x88x128xf32, #tpu.memory_space<vmem>> -> memref<1x88x128xf32, #tpu.memory_space<vmem>>
      %dma_start3A_334 = tpu.memref_squeeze %dma_start3A_333 : memref<1x88x128xf32, #tpu.memory_space<vmem>> -> memref<88x128xf32, #tpu.memory_space<vmem>>
      %dma_start3A_335 = arith.constant 0 : i32
      %dma_start3A_336 = tpu.memref_slice %arg11[%add3A_293, %dma_start3A_335] : memref<10016x128xf32, #tpu.memory_space<vmem_shared>> -> memref<88x128xf32, #tpu.memory_space<vmem_shared>>
      %dma_start3A_337 = arith.constant 0 : i32
      %dma_start3A_338 = tpu.memref_slice %arg11[%add3A_293, %dma_start3A_337] : memref<10016x128xf32, #tpu.memory_space<vmem_shared>> -> memref<88x128xf32, #tpu.memory_space<vmem_shared>>
      %dma_start3A_339 = arith.constant 0 : i32
      %dma_start3A_340 = arith.constant 0 : i32
      %dma_start3A_341 = tpu.memref_slice %arg10[%dma_start3A_330, %dma_start3A_339, %dma_start3A_340] : memref<4x88x128xf32, #tpu.memory_space<vmem>> -> memref<1x88x128xf32, #tpu.memory_space<vmem>>
      %dma_start3A_342 = tpu.memref_squeeze %dma_start3A_341 : memref<1x88x128xf32, #tpu.memory_space<vmem>> -> memref<88x128xf32, #tpu.memory_space<vmem>>
      tpu.enqueue_dma source(%dma_start3A_342 : memref<88x128xf32, #tpu.memory_space<vmem>>) target(%dma_start3A_338 : memref<88x128xf32, #tpu.memory_space<vmem_shared>>) target_semaphore(%arg13 : memref<!tpu.dma_semaphore, #tpu.memory_space<semaphore_mem>>)
      %dma_start3A_343 = arith.constant 0 : i32
      %dma_start3A_344 = arith.constant 0 : i32
      %dma_start3A_345 = arith.constant 0 : i32
      %dma_start3A_346 = tpu.memref_slice %arg10[%dma_start3A_343, %dma_start3A_344, %dma_start3A_345] : memref<4x88x128xf32, #tpu.memory_space<vmem>> -> memref<1x88x128xf32, #tpu.memory_space<vmem>>
      %dma_start3A_347 = tpu.memref_squeeze %dma_start3A_346 : memref<1x88x128xf32, #tpu.memory_space<vmem>> -> memref<88x128xf32, #tpu.memory_space<vmem>>
      %dma_start3A_348 = arith.constant 0 : i32
      %dma_start3A_349 = tpu.memref_slice %arg11[%add3A_295, %dma_start3A_348] : memref<10016x128xf32, #tpu.memory_space<vmem_shared>> -> memref<88x128xf32, #tpu.memory_space<vmem_shared>>
      %dma_start3A_350 = arith.constant 0 : i32
      %dma_start3A_351 = tpu.memref_slice %arg11[%add3A_295, %dma_start3A_350] : memref<10016x128xf32, #tpu.memory_space<vmem_shared>> -> memref<88x128xf32, #tpu.memory_space<vmem_shared>>
      %dma_start3A_352 = arith.constant 0 : i32
      %dma_start3A_353 = arith.constant 0 : i32
      %dma_start3A_354 = tpu.memref_slice %arg10[%dma_start3A_343, %dma_start3A_352, %dma_start3A_353] : memref<4x88x128xf32, #tpu.memory_space<vmem>> -> memref<1x88x128xf32, #tpu.memory_space<vmem>>
      %dma_start3A_355 = tpu.memref_squeeze %dma_start3A_354 : memref<1x88x128xf32, #tpu.memory_space<vmem>> -> memref<88x128xf32, #tpu.memory_space<vmem>>
      tpu.enqueue_dma source(%dma_start3A_355 : memref<88x128xf32, #tpu.memory_space<vmem>>) target(%dma_start3A_351 : memref<88x128xf32, #tpu.memory_space<vmem_shared>>) target_semaphore(%arg13 : memref<!tpu.dma_semaphore, #tpu.memory_space<semaphore_mem>>)
      %dma_start3A_356 = arith.constant 0 : i32
      %dma_start3A_357 = arith.constant 0 : i32
      %dma_start3A_358 = arith.constant 0 : i32
      %dma_start3A_359 = tpu.memref_slice %arg10[%dma_start3A_356, %dma_start3A_357, %dma_start3A_358] : memref<4x88x128xf32, #tpu.memory_space<vmem>> -> memref<1x88x128xf32, #tpu.memory_space<vmem>>
      %dma_start3A_360 = tpu.memref_squeeze %dma_start3A_359 : memref<1x88x128xf32, #tpu.memory_space<vmem>> -> memref<88x128xf32, #tpu.memory_space<vmem>>
      %dma_start3A_361 = arith.constant 0 : i32
      %dma_start3A_362 = tpu.memref_slice %arg11[%add3A_297, %dma_start3A_361] : memref<10016x128xf32, #tpu.memory_space<vmem_shared>> -> memref<88x128xf32, #tpu.memory_space<vmem_shared>>
      %dma_start3A_363 = arith.constant 0 : i32
      %dma_start3A_364 = tpu.memref_slice %arg11[%add3A_297, %dma_start3A_363] : memref<10016x128xf32, #tpu.memory_space<vmem_shared>> -> memref<88x128xf32, #tpu.memory_space<vmem_shared>>
      %dma_start3A_365 = arith.constant 0 : i32
      %dma_start3A_366 = arith.constant 0 : i32
      %dma_start3A_367 = tpu.memref_slice %arg10[%dma_start3A_356, %dma_start3A_365, %dma_start3A_366] : memref<4x88x128xf32, #tpu.memory_space<vmem>> -> memref<1x88x128xf32, #tpu.memory_space<vmem>>
      %dma_start3A_368 = tpu.memref_squeeze %dma_start3A_367 : memref<1x88x128xf32, #tpu.memory_space<vmem>> -> memref<88x128xf32, #tpu.memory_space<vmem>>
      tpu.enqueue_dma source(%dma_start3A_368 : memref<88x128xf32, #tpu.memory_space<vmem>>) target(%dma_start3A_364 : memref<88x128xf32, #tpu.memory_space<vmem_shared>>) target_semaphore(%arg13 : memref<!tpu.dma_semaphore, #tpu.memory_space<semaphore_mem>>)
      %dma_start3A_369 = arith.constant 0 : i32
      %dma_start3A_370 = arith.constant 0 : i32
      %dma_start3A_371 = arith.constant 0 : i32
      %dma_start3A_372 = tpu.memref_slice %arg10[%dma_start3A_369, %dma_start3A_370, %dma_start3A_371] : memref<4x88x128xf32, #tpu.memory_space<vmem>> -> memref<1x88x128xf32, #tpu.memory_space<vmem>>
      %dma_start3A_373 = tpu.memref_squeeze %dma_start3A_372 : memref<1x88x128xf32, #tpu.memory_space<vmem>> -> memref<88x128xf32, #tpu.memory_space<vmem>>
      %dma_start3A_374 = arith.constant 0 : i32
      %dma_start3A_375 = tpu.memref_slice %arg11[%add3A_299, %dma_start3A_374] : memref<10016x128xf32, #tpu.memory_space<vmem_shared>> -> memref<88x128xf32, #tpu.memory_space<vmem_shared>>
      %dma_start3A_376 = arith.constant 0 : i32
      %dma_start3A_377 = tpu.memref_slice %arg11[%add3A_299, %dma_start3A_376] : memref<10016x128xf32, #tpu.memory_space<vmem_shared>> -> memref<88x128xf32, #tpu.memory_space<vmem_shared>>
      %dma_start3A_378 = arith.constant 0 : i32
      %dma_start3A_379 = arith.constant 0 : i32
      %dma_start3A_380 = tpu.memref_slice %arg10[%dma_start3A_369, %dma_start3A_378, %dma_start3A_379] : memref<4x88x128xf32, #tpu.memory_space<vmem>> -> memref<1x88x128xf32, #tpu.memory_space<vmem>>
      %dma_start3A_381 = tpu.memref_squeeze %dma_start3A_380 : memref<1x88x128xf32, #tpu.memory_space<vmem>> -> memref<88x128xf32, #tpu.memory_space<vmem>>
      tpu.enqueue_dma source(%dma_start3A_381 : memref<88x128xf32, #tpu.memory_space<vmem>>) target(%dma_start3A_377 : memref<88x128xf32, #tpu.memory_space<vmem_shared>>) target_semaphore(%arg13 : memref<!tpu.dma_semaphore, #tpu.memory_space<semaphore_mem>>)
      %dma_start3A_382 = arith.constant 0 : i32
      %dma_start3A_383 = arith.constant 0 : i32
      %dma_start3A_384 = arith.constant 0 : i32
      %dma_start3A_385 = tpu.memref_slice %arg10[%dma_start3A_382, %dma_start3A_383, %dma_start3A_384] : memref<4x88x128xf32, #tpu.memory_space<vmem>> -> memref<1x88x128xf32, #tpu.memory_space<vmem>>
      %dma_start3A_386 = tpu.memref_squeeze %dma_start3A_385 : memref<1x88x128xf32, #tpu.memory_space<vmem>> -> memref<88x128xf32, #tpu.memory_space<vmem>>
      %dma_start3A_387 = arith.constant 0 : i32
      %dma_start3A_388 = tpu.memref_slice %arg11[%add3A_301, %dma_start3A_387] : memref<10016x128xf32, #tpu.memory_space<vmem_shared>> -> memref<88x128xf32, #tpu.memory_space<vmem_shared>>
      %dma_start3A_389 = arith.constant 0 : i32
      %dma_start3A_390 = tpu.memref_slice %arg11[%add3A_301, %dma_start3A_389] : memref<10016x128xf32, #tpu.memory_space<vmem_shared>> -> memref<88x128xf32, #tpu.memory_space<vmem_shared>>
      %dma_start3A_391 = arith.constant 0 : i32
      %dma_start3A_392 = arith.constant 0 : i32
      %dma_start3A_393 = tpu.memref_slice %arg10[%dma_start3A_382, %dma_start3A_391, %dma_start3A_392] : memref<4x88x128xf32, #tpu.memory_space<vmem>> -> memref<1x88x128xf32, #tpu.memory_space<vmem>>
      %dma_start3A_394 = tpu.memref_squeeze %dma_start3A_393 : memref<1x88x128xf32, #tpu.memory_space<vmem>> -> memref<88x128xf32, #tpu.memory_space<vmem>>
      tpu.enqueue_dma source(%dma_start3A_394 : memref<88x128xf32, #tpu.memory_space<vmem>>) target(%dma_start3A_390 : memref<88x128xf32, #tpu.memory_space<vmem_shared>>) target_semaphore(%arg13 : memref<!tpu.dma_semaphore, #tpu.memory_space<semaphore_mem>>)
      %dma_start3A_395 = arith.constant 0 : i32
      %dma_start3A_396 = arith.constant 0 : i32
      %dma_start3A_397 = arith.constant 0 : i32
      %dma_start3A_398 = tpu.memref_slice %arg10[%dma_start3A_395, %dma_start3A_396, %dma_start3A_397] : memref<4x88x128xf32, #tpu.memory_space<vmem>> -> memref<1x24x128xf32, #tpu.memory_space<vmem>>
      %dma_start3A_399 = tpu.memref_squeeze %dma_start3A_398 : memref<1x24x128xf32, #tpu.memory_space<vmem>> -> memref<24x128xf32, #tpu.memory_space<vmem>>
      %dma_start3A_400 = arith.constant 0 : i32
      %dma_start3A_401 = tpu.memref_slice %arg11[%add3A_303, %dma_start3A_400] : memref<10016x128xf32, #tpu.memory_space<vmem_shared>> -> memref<24x128xf32, #tpu.memory_space<vmem_shared>>
      %dma_start3A_402 = arith.constant 0 : i32
      %dma_start3A_403 = tpu.memref_slice %arg11[%add3A_303, %dma_start3A_402] : memref<10016x128xf32, #tpu.memory_space<vmem_shared>> -> memref<24x128xf32, #tpu.memory_space<vmem_shared>>
      %dma_start3A_404 = arith.constant 0 : i32
      %dma_start3A_405 = arith.constant 0 : i32
      %dma_start3A_406 = tpu.memref_slice %arg10[%dma_start3A_395, %dma_start3A_404, %dma_start3A_405] : memref<4x88x128xf32, #tpu.memory_space<vmem>> -> memref<1x24x128xf32, #tpu.memory_space<vmem>>
      %dma_start3A_407 = tpu.memref_squeeze %dma_start3A_406 : memref<1x24x128xf32, #tpu.memory_space<vmem>> -> memref<24x128xf32, #tpu.memory_space<vmem>>
      tpu.enqueue_dma source(%dma_start3A_407 : memref<24x128xf32, #tpu.memory_space<vmem>>) target(%dma_start3A_403 : memref<24x128xf32, #tpu.memory_space<vmem_shared>>) target_semaphore(%arg13 : memref<!tpu.dma_semaphore, #tpu.memory_space<semaphore_mem>>)
      %dma_wait3A_408 = arith.constant 0 : i32
      %dma_wait3A_409 = arith.constant 0 : i32
      %dma_wait3A_410 = arith.constant 0 : i32
      %dma_wait3A_411 = tpu.memref_slice %arg10[%dma_wait3A_408, %dma_wait3A_409, %dma_wait3A_410] : memref<4x88x128xf32, #tpu.memory_space<vmem>> -> memref<1x88x128xf32, #tpu.memory_space<vmem>>
      %dma_wait3A_412 = tpu.memref_squeeze %dma_wait3A_411 : memref<1x88x128xf32, #tpu.memory_space<vmem>> -> memref<88x128xf32, #tpu.memory_space<vmem>>
      %dma_wait3A_413 = arith.constant 0 : i32
      %dma_wait3A_414 = tpu.memref_slice %arg11[%add3A_289, %dma_wait3A_413] : memref<10016x128xf32, #tpu.memory_space<vmem_shared>> -> memref<88x128xf32, #tpu.memory_space<vmem_shared>>
      %dma_wait3A_415 = arith.constant 0 : i32
      %dma_wait3A_416 = tpu.memref_slice %arg11[%add3A_289, %dma_wait3A_415] : memref<10016x128xf32, #tpu.memory_space<vmem_shared>> -> memref<88x128xf32, #tpu.memory_space<vmem_shared>>
      %dma_wait3A_417 = arith.constant 0 : i32
      %dma_wait3A_418 = arith.constant 0 : i32
      %dma_wait3A_419 = tpu.memref_slice %arg10[%dma_wait3A_408, %dma_wait3A_417, %dma_wait3A_418] : memref<4x88x128xf32, #tpu.memory_space<vmem>> -> memref<1x88x128xf32, #tpu.memory_space<vmem>>
      %dma_wait3A_420 = tpu.memref_squeeze %dma_wait3A_419 : memref<1x88x128xf32, #tpu.memory_space<vmem>> -> memref<88x128xf32, #tpu.memory_space<vmem>>
      tpu.wait_dma2 semaphore(%arg13 : memref<!tpu.dma_semaphore, #tpu.memory_space<semaphore_mem>>) src(%dma_wait3A_420 : memref<88x128xf32, #tpu.memory_space<vmem>>) dst(%dma_wait3A_416 : memref<88x128xf32, #tpu.memory_space<vmem_shared>>)
      %dma_wait3A_421 = arith.constant 0 : i32
      %dma_wait3A_422 = arith.constant 0 : i32
      %dma_wait3A_423 = arith.constant 0 : i32
      %dma_wait3A_424 = tpu.memref_slice %arg10[%dma_wait3A_421, %dma_wait3A_422, %dma_wait3A_423] : memref<4x88x128xf32, #tpu.memory_space<vmem>> -> memref<1x88x128xf32, #tpu.memory_space<vmem>>
      %dma_wait3A_425 = tpu.memref_squeeze %dma_wait3A_424 : memref<1x88x128xf32, #tpu.memory_space<vmem>> -> memref<88x128xf32, #tpu.memory_space<vmem>>
      %dma_wait3A_426 = arith.constant 0 : i32
      %dma_wait3A_427 = tpu.memref_slice %arg11[%add3A_291, %dma_wait3A_426] : memref<10016x128xf32, #tpu.memory_space<vmem_shared>> -> memref<88x128xf32, #tpu.memory_space<vmem_shared>>
      %dma_wait3A_428 = arith.constant 0 : i32
      %dma_wait3A_429 = tpu.memref_slice %arg11[%add3A_291, %dma_wait3A_428] : memref<10016x128xf32, #tpu.memory_space<vmem_shared>> -> memref<88x128xf32, #tpu.memory_space<vmem_shared>>
      %dma_wait3A_430 = arith.constant 0 : i32
      %dma_wait3A_431 = arith.constant 0 : i32
      %dma_wait3A_432 = tpu.memref_slice %arg10[%dma_wait3A_421, %dma_wait3A_430, %dma_wait3A_431] : memref<4x88x128xf32, #tpu.memory_space<vmem>> -> memref<1x88x128xf32, #tpu.memory_space<vmem>>
      %dma_wait3A_433 = tpu.memref_squeeze %dma_wait3A_432 : memref<1x88x128xf32, #tpu.memory_space<vmem>> -> memref<88x128xf32, #tpu.memory_space<vmem>>
      tpu.wait_dma2 semaphore(%arg13 : memref<!tpu.dma_semaphore, #tpu.memory_space<semaphore_mem>>) src(%dma_wait3A_433 : memref<88x128xf32, #tpu.memory_space<vmem>>) dst(%dma_wait3A_429 : memref<88x128xf32, #tpu.memory_space<vmem_shared>>)
      %dma_wait3A_434 = arith.constant 0 : i32
      %dma_wait3A_435 = arith.constant 0 : i32
      %dma_wait3A_436 = arith.constant 0 : i32
      %dma_wait3A_437 = tpu.memref_slice %arg10[%dma_wait3A_434, %dma_wait3A_435, %dma_wait3A_436] : memref<4x88x128xf32, #tpu.memory_space<vmem>> -> memref<1x88x128xf32, #tpu.memory_space<vmem>>
      %dma_wait3A_438 = tpu.memref_squeeze %dma_wait3A_437 : memref<1x88x128xf32, #tpu.memory_space<vmem>> -> memref<88x128xf32, #tpu.memory_space<vmem>>
      %dma_wait3A_439 = arith.constant 0 : i32
      %dma_wait3A_440 = tpu.memref_slice %arg11[%add3A_293, %dma_wait3A_439] : memref<10016x128xf32, #tpu.memory_space<vmem_shared>> -> memref<88x128xf32, #tpu.memory_space<vmem_shared>>
      %dma_wait3A_441 = arith.constant 0 : i32
      %dma_wait3A_442 = tpu.memref_slice %arg11[%add3A_293, %dma_wait3A_441] : memref<10016x128xf32, #tpu.memory_space<vmem_shared>> -> memref<88x128xf32, #tpu.memory_space<vmem_shared>>
      %dma_wait3A_443 = arith.constant 0 : i32
      %dma_wait3A_444 = arith.constant 0 : i32
      %dma_wait3A_445 = tpu.memref_slice %arg10[%dma_wait3A_434, %dma_wait3A_443, %dma_wait3A_444] : memref<4x88x128xf32, #tpu.memory_space<vmem>> -> memref<1x88x128xf32, #tpu.memory_space<vmem>>
      %dma_wait3A_446 = tpu.memref_squeeze %dma_wait3A_445 : memref<1x88x128xf32, #tpu.memory_space<vmem>> -> memref<88x128xf32, #tpu.memory_space<vmem>>
      tpu.wait_dma2 semaphore(%arg13 : memref<!tpu.dma_semaphore, #tpu.memory_space<semaphore_mem>>) src(%dma_wait3A_446 : memref<88x128xf32, #tpu.memory_space<vmem>>) dst(%dma_wait3A_442 : memref<88x128xf32, #tpu.memory_space<vmem_shared>>)
      %dma_wait3A_447 = arith.constant 0 : i32
      %dma_wait3A_448 = arith.constant 0 : i32
      %dma_wait3A_449 = arith.constant 0 : i32
      %dma_wait3A_450 = tpu.memref_slice %arg10[%dma_wait3A_447, %dma_wait3A_448, %dma_wait3A_449] : memref<4x88x128xf32, #tpu.memory_space<vmem>> -> memref<1x88x128xf32, #tpu.memory_space<vmem>>
      %dma_wait3A_451 = tpu.memref_squeeze %dma_wait3A_450 : memref<1x88x128xf32, #tpu.memory_space<vmem>> -> memref<88x128xf32, #tpu.memory_space<vmem>>
      %dma_wait3A_452 = arith.constant 0 : i32
      %dma_wait3A_453 = tpu.memref_slice %arg11[%add3A_295, %dma_wait3A_452] : memref<10016x128xf32, #tpu.memory_space<vmem_shared>> -> memref<88x128xf32, #tpu.memory_space<vmem_shared>>
      %dma_wait3A_454 = arith.constant 0 : i32
      %dma_wait3A_455 = tpu.memref_slice %arg11[%add3A_295, %dma_wait3A_454] : memref<10016x128xf32, #tpu.memory_space<vmem_shared>> -> memref<88x128xf32, #tpu.memory_space<vmem_shared>>
      %dma_wait3A_456 = arith.constant 0 : i32
      %dma_wait3A_457 = arith.constant 0 : i32
      %dma_wait3A_458 = tpu.memref_slice %arg10[%dma_wait3A_447, %dma_wait3A_456, %dma_wait3A_457] : memref<4x88x128xf32, #tpu.memory_space<vmem>> -> memref<1x88x128xf32, #tpu.memory_space<vmem>>
      %dma_wait3A_459 = tpu.memref_squeeze %dma_wait3A_458 : memref<1x88x128xf32, #tpu.memory_space<vmem>> -> memref<88x128xf32, #tpu.memory_space<vmem>>
      tpu.wait_dma2 semaphore(%arg13 : memref<!tpu.dma_semaphore, #tpu.memory_space<semaphore_mem>>) src(%dma_wait3A_459 : memref<88x128xf32, #tpu.memory_space<vmem>>) dst(%dma_wait3A_455 : memref<88x128xf32, #tpu.memory_space<vmem_shared>>)
      %dma_wait3A_460 = arith.constant 0 : i32
      %dma_wait3A_461 = arith.constant 0 : i32
      %dma_wait3A_462 = arith.constant 0 : i32
      %dma_wait3A_463 = tpu.memref_slice %arg10[%dma_wait3A_460, %dma_wait3A_461, %dma_wait3A_462] : memref<4x88x128xf32, #tpu.memory_space<vmem>> -> memref<1x88x128xf32, #tpu.memory_space<vmem>>
      %dma_wait3A_464 = tpu.memref_squeeze %dma_wait3A_463 : memref<1x88x128xf32, #tpu.memory_space<vmem>> -> memref<88x128xf32, #tpu.memory_space<vmem>>
      %dma_wait3A_465 = arith.constant 0 : i32
      %dma_wait3A_466 = tpu.memref_slice %arg11[%add3A_297, %dma_wait3A_465] : memref<10016x128xf32, #tpu.memory_space<vmem_shared>> -> memref<88x128xf32, #tpu.memory_space<vmem_shared>>
      %dma_wait3A_467 = arith.constant 0 : i32
      %dma_wait3A_468 = tpu.memref_slice %arg11[%add3A_297, %dma_wait3A_467] : memref<10016x128xf32, #tpu.memory_space<vmem_shared>> -> memref<88x128xf32, #tpu.memory_space<vmem_shared>>
      %dma_wait3A_469 = arith.constant 0 : i32
      %dma_wait3A_470 = arith.constant 0 : i32
      %dma_wait3A_471 = tpu.memref_slice %arg10[%dma_wait3A_460, %dma_wait3A_469, %dma_wait3A_470] : memref<4x88x128xf32, #tpu.memory_space<vmem>> -> memref<1x88x128xf32, #tpu.memory_space<vmem>>
      %dma_wait3A_472 = tpu.memref_squeeze %dma_wait3A_471 : memref<1x88x128xf32, #tpu.memory_space<vmem>> -> memref<88x128xf32, #tpu.memory_space<vmem>>
      tpu.wait_dma2 semaphore(%arg13 : memref<!tpu.dma_semaphore, #tpu.memory_space<semaphore_mem>>) src(%dma_wait3A_472 : memref<88x128xf32, #tpu.memory_space<vmem>>) dst(%dma_wait3A_468 : memref<88x128xf32, #tpu.memory_space<vmem_shared>>)
      %dma_wait3A_473 = arith.constant 0 : i32
      %dma_wait3A_474 = arith.constant 0 : i32
      %dma_wait3A_475 = arith.constant 0 : i32
      %dma_wait3A_476 = tpu.memref_slice %arg10[%dma_wait3A_473, %dma_wait3A_474, %dma_wait3A_475] : memref<4x88x128xf32, #tpu.memory_space<vmem>> -> memref<1x88x128xf32, #tpu.memory_space<vmem>>
      %dma_wait3A_477 = tpu.memref_squeeze %dma_wait3A_476 : memref<1x88x128xf32, #tpu.memory_space<vmem>> -> memref<88x128xf32, #tpu.memory_space<vmem>>
      %dma_wait3A_478 = arith.constant 0 : i32
      %dma_wait3A_479 = tpu.memref_slice %arg11[%add3A_299, %dma_wait3A_478] : memref<10016x128xf32, #tpu.memory_space<vmem_shared>> -> memref<88x128xf32, #tpu.memory_space<vmem_shared>>
      %dma_wait3A_480 = arith.constant 0 : i32
      %dma_wait3A_481 = tpu.memref_slice %arg11[%add3A_299, %dma_wait3A_480] : memref<10016x128xf32, #tpu.memory_space<vmem_shared>> -> memref<88x128xf32, #tpu.memory_space<vmem_shared>>
      %dma_wait3A_482 = arith.constant 0 : i32
      %dma_wait3A_483 = arith.constant 0 : i32
      %dma_wait3A_484 = tpu.memref_slice %arg10[%dma_wait3A_473, %dma_wait3A_482, %dma_wait3A_483] : memref<4x88x128xf32, #tpu.memory_space<vmem>> -> memref<1x88x128xf32, #tpu.memory_space<vmem>>
      %dma_wait3A_485 = tpu.memref_squeeze %dma_wait3A_484 : memref<1x88x128xf32, #tpu.memory_space<vmem>> -> memref<88x128xf32, #tpu.memory_space<vmem>>
      tpu.wait_dma2 semaphore(%arg13 : memref<!tpu.dma_semaphore, #tpu.memory_space<semaphore_mem>>) src(%dma_wait3A_485 : memref<88x128xf32, #tpu.memory_space<vmem>>) dst(%dma_wait3A_481 : memref<88x128xf32, #tpu.memory_space<vmem_shared>>)
      %dma_wait3A_486 = arith.constant 0 : i32
      %dma_wait3A_487 = arith.constant 0 : i32
      %dma_wait3A_488 = arith.constant 0 : i32
      %dma_wait3A_489 = tpu.memref_slice %arg10[%dma_wait3A_486, %dma_wait3A_487, %dma_wait3A_488] : memref<4x88x128xf32, #tpu.memory_space<vmem>> -> memref<1x88x128xf32, #tpu.memory_space<vmem>>
      %dma_wait3A_490 = tpu.memref_squeeze %dma_wait3A_489 : memref<1x88x128xf32, #tpu.memory_space<vmem>> -> memref<88x128xf32, #tpu.memory_space<vmem>>
      %dma_wait3A_491 = arith.constant 0 : i32
      %dma_wait3A_492 = tpu.memref_slice %arg11[%add3A_301, %dma_wait3A_491] : memref<10016x128xf32, #tpu.memory_space<vmem_shared>> -> memref<88x128xf32, #tpu.memory_space<vmem_shared>>
      %dma_wait3A_493 = arith.constant 0 : i32
      %dma_wait3A_494 = tpu.memref_slice %arg11[%add3A_301, %dma_wait3A_493] : memref<10016x128xf32, #tpu.memory_space<vmem_shared>> -> memref<88x128xf32, #tpu.memory_space<vmem_shared>>
      %dma_wait3A_495 = arith.constant 0 : i32
      %dma_wait3A_496 = arith.constant 0 : i32
      %dma_wait3A_497 = tpu.memref_slice %arg10[%dma_wait3A_486, %dma_wait3A_495, %dma_wait3A_496] : memref<4x88x128xf32, #tpu.memory_space<vmem>> -> memref<1x88x128xf32, #tpu.memory_space<vmem>>
      %dma_wait3A_498 = tpu.memref_squeeze %dma_wait3A_497 : memref<1x88x128xf32, #tpu.memory_space<vmem>> -> memref<88x128xf32, #tpu.memory_space<vmem>>
      tpu.wait_dma2 semaphore(%arg13 : memref<!tpu.dma_semaphore, #tpu.memory_space<semaphore_mem>>) src(%dma_wait3A_498 : memref<88x128xf32, #tpu.memory_space<vmem>>) dst(%dma_wait3A_494 : memref<88x128xf32, #tpu.memory_space<vmem_shared>>)
      %dma_wait3A_499 = arith.constant 0 : i32
      %dma_wait3A_500 = arith.constant 0 : i32
      %dma_wait3A_501 = arith.constant 0 : i32
      %dma_wait3A_502 = tpu.memref_slice %arg10[%dma_wait3A_499, %dma_wait3A_500, %dma_wait3A_501] : memref<4x88x128xf32, #tpu.memory_space<vmem>> -> memref<1x24x128xf32, #tpu.memory_space<vmem>>
      %dma_wait3A_503 = tpu.memref_squeeze %dma_wait3A_502 : memref<1x24x128xf32, #tpu.memory_space<vmem>> -> memref<24x128xf32, #tpu.memory_space<vmem>>
      %dma_wait3A_504 = arith.constant 0 : i32
      %dma_wait3A_505 = tpu.memref_slice %arg11[%add3A_303, %dma_wait3A_504] : memref<10016x128xf32, #tpu.memory_space<vmem_shared>> -> memref<24x128xf32, #tpu.memory_space<vmem_shared>>
      %dma_wait3A_506 = arith.constant 0 : i32
      %dma_wait3A_507 = tpu.memref_slice %arg11[%add3A_303, %dma_wait3A_506] : memref<10016x128xf32, #tpu.memory_space<vmem_shared>> -> memref<24x128xf32, #tpu.memory_space<vmem_shared>>
      %dma_wait3A_508 = arith.constant 0 : i32
      %dma_wait3A_509 = arith.constant 0 : i32
      %dma_wait3A_510 = tpu.memref_slice %arg10[%dma_wait3A_499, %dma_wait3A_508, %dma_wait3A_509] : memref<4x88x128xf32, #tpu.memory_space<vmem>> -> memref<1x24x128xf32, #tpu.memory_space<vmem>>
      %dma_wait3A_511 = tpu.memref_squeeze %dma_wait3A_510 : memref<1x24x128xf32, #tpu.memory_space<vmem>> -> memref<24x128xf32, #tpu.memory_space<vmem>>
      tpu.wait_dma2 semaphore(%arg13 : memref<!tpu.dma_semaphore, #tpu.memory_space<semaphore_mem>>) src(%dma_wait3A_511 : memref<24x128xf32, #tpu.memory_space<vmem>>) dst(%dma_wait3A_507 : memref<24x128xf32, #tpu.memory_space<vmem_shared>>)
    } else {
    }
    %dma_start3A = arith.constant 0 : i32
    %dma_start3A_12 = arith.constant 0 : i32
    %dma_start3A_13 = arith.constant 0 : i32
    %dma_start3A_14 = tpu.memref_slice %arg8[%dma_start3A_12, %dma_start3A_13] : memref<5x88xi32, #tpu.memory_space<vmem>> -> memref<1x88xi32, #tpu.memory_space<vmem>>
    %dma_start3A_15 = tpu.memref_squeeze %dma_start3A_14 : memref<1x88xi32, #tpu.memory_space<vmem>> -> memref<88xi32, #tpu.memory_space<vmem>>
    %dma_start3A_16 = arith.constant 0 : i32
    %dma_start3A_17 = tpu.memref_slice %arg4[%arg1, %dma_start3A, %dma_start3A_16] : memref<16x114x88xi32, #tpu.memory_space<hbm>> -> memref<1x1x88xi32, #tpu.memory_space<hbm>>
    %dma_start3A_18 = tpu.memref_squeeze %dma_start3A_17 : memref<1x1x88xi32, #tpu.memory_space<hbm>> -> memref<88xi32, #tpu.memory_space<hbm>>
    %dma_start3A_19 = arith.constant 0 : i32
    %dma_start3A_20 = tpu.memref_slice %arg8[%dma_start3A_12, %dma_start3A_19] : memref<5x88xi32, #tpu.memory_space<vmem>> -> memref<1x88xi32, #tpu.memory_space<vmem>>
    %dma_start3A_21 = tpu.memref_squeeze %dma_start3A_20 : memref<1x88xi32, #tpu.memory_space<vmem>> -> memref<88xi32, #tpu.memory_space<vmem>>
    %dma_start3A_22 = arith.constant 0 : i32
    %dma_start3A_23 = tpu.memref_slice %arg4[%arg1, %dma_start3A, %dma_start3A_22] : memref<16x114x88xi32, #tpu.memory_space<hbm>> -> memref<1x1x88xi32, #tpu.memory_space<hbm>>
    %dma_start3A_24 = tpu.memref_squeeze %dma_start3A_23 : memref<1x1x88xi32, #tpu.memory_space<hbm>> -> memref<88xi32, #tpu.memory_space<hbm>>
    tpu.enqueue_dma source(%dma_start3A_24 : memref<88xi32, #tpu.memory_space<hbm>>) target(%dma_start3A_21 : memref<88xi32, #tpu.memory_space<vmem>>) target_semaphore(%arg14 : memref<!tpu.dma_semaphore, #tpu.memory_space<semaphore_mem>>)
    %dma_start3A_25 = arith.constant 0 : i32
    %dma_start3A_26 = arith.constant 0 : i32
    %dma_start3A_27 = arith.constant 0 : i32
    %dma_start3A_28 = tpu.memref_slice %arg9[%dma_start3A_26, %dma_start3A_27] : memref<5x88xi32, #tpu.memory_space<vmem>> -> memref<1x88xi32, #tpu.memory_space<vmem>>
    %dma_start3A_29 = tpu.memref_squeeze %dma_start3A_28 : memref<1x88xi32, #tpu.memory_space<vmem>> -> memref<88xi32, #tpu.memory_space<vmem>>
    %dma_start3A_30 = arith.constant 0 : i32
    %dma_start3A_31 = tpu.memref_slice %arg5[%arg1, %dma_start3A_25, %dma_start3A_30] : memref<16x114x88xi32, #tpu.memory_space<hbm>> -> memref<1x1x88xi32, #tpu.memory_space<hbm>>
    %dma_start3A_32 = tpu.memref_squeeze %dma_start3A_31 : memref<1x1x88xi32, #tpu.memory_space<hbm>> -> memref<88xi32, #tpu.memory_space<hbm>>
    %dma_start3A_33 = arith.constant 0 : i32
    %dma_start3A_34 = tpu.memref_slice %arg9[%dma_start3A_26, %dma_start3A_33] : memref<5x88xi32, #tpu.memory_space<vmem>> -> memref<1x88xi32, #tpu.memory_space<vmem>>
    %dma_start3A_35 = tpu.memref_squeeze %dma_start3A_34 : memref<1x88xi32, #tpu.memory_space<vmem>> -> memref<88xi32, #tpu.memory_space<vmem>>
    %dma_start3A_36 = arith.constant 0 : i32
    %dma_start3A_37 = tpu.memref_slice %arg5[%arg1, %dma_start3A_25, %dma_start3A_36] : memref<16x114x88xi32, #tpu.memory_space<hbm>> -> memref<1x1x88xi32, #tpu.memory_space<hbm>>
    %dma_start3A_38 = tpu.memref_squeeze %dma_start3A_37 : memref<1x1x88xi32, #tpu.memory_space<hbm>> -> memref<88xi32, #tpu.memory_space<hbm>>
    tpu.enqueue_dma source(%dma_start3A_38 : memref<88xi32, #tpu.memory_space<hbm>>) target(%dma_start3A_35 : memref<88xi32, #tpu.memory_space<vmem>>) target_semaphore(%arg14 : memref<!tpu.dma_semaphore, #tpu.memory_space<semaphore_mem>>)
    %dma_start3A_39 = arith.constant 1 : i32
    %dma_start3A_40 = arith.constant 1 : i32
    %dma_start3A_41 = arith.constant 0 : i32
    %dma_start3A_42 = tpu.memref_slice %arg8[%dma_start3A_40, %dma_start3A_41] : memref<5x88xi32, #tpu.memory_space<vmem>> -> memref<1x88xi32, #tpu.memory_space<vmem>>
    %dma_start3A_43 = tpu.memref_squeeze %dma_start3A_42 : memref<1x88xi32, #tpu.memory_space<vmem>> -> memref<88xi32, #tpu.memory_space<vmem>>
    %dma_start3A_44 = arith.constant 0 : i32
    %dma_start3A_45 = tpu.memref_slice %arg4[%arg1, %dma_start3A_39, %dma_start3A_44] : memref<16x114x88xi32, #tpu.memory_space<hbm>> -> memref<1x1x88xi32, #tpu.memory_space<hbm>>
    %dma_start3A_46 = tpu.memref_squeeze %dma_start3A_45 : memref<1x1x88xi32, #tpu.memory_space<hbm>> -> memref<88xi32, #tpu.memory_space<hbm>>
    %dma_start3A_47 = arith.constant 0 : i32
    %dma_start3A_48 = tpu.memref_slice %arg8[%dma_start3A_40, %dma_start3A_47] : memref<5x88xi32, #tpu.memory_space<vmem>> -> memref<1x88xi32, #tpu.memory_space<vmem>>
    %dma_start3A_49 = tpu.memref_squeeze %dma_start3A_48 : memref<1x88xi32, #tpu.memory_space<vmem>> -> memref<88xi32, #tpu.memory_space<vmem>>
    %dma_start3A_50 = arith.constant 0 : i32
    %dma_start3A_51 = tpu.memref_slice %arg4[%arg1, %dma_start3A_39, %dma_start3A_50] : memref<16x114x88xi32, #tpu.memory_space<hbm>> -> memref<1x1x88xi32, #tpu.memory_space<hbm>>
    %dma_start3A_52 = tpu.memref_squeeze %dma_start3A_51 : memref<1x1x88xi32, #tpu.memory_space<hbm>> -> memref<88xi32, #tpu.memory_space<hbm>>
    tpu.enqueue_dma source(%dma_start3A_52 : memref<88xi32, #tpu.memory_space<hbm>>) target(%dma_start3A_49 : memref<88xi32, #tpu.memory_space<vmem>>) target_semaphore(%arg14 : memref<!tpu.dma_semaphore, #tpu.memory_space<semaphore_mem>>)
    %dma_start3A_53 = arith.constant 1 : i32
    %dma_start3A_54 = arith.constant 1 : i32
    %dma_start3A_55 = arith.constant 0 : i32
    %dma_start3A_56 = tpu.memref_slice %arg9[%dma_start3A_54, %dma_start3A_55] : memref<5x88xi32, #tpu.memory_space<vmem>> -> memref<1x88xi32, #tpu.memory_space<vmem>>
    %dma_start3A_57 = tpu.memref_squeeze %dma_start3A_56 : memref<1x88xi32, #tpu.memory_space<vmem>> -> memref<88xi32, #tpu.memory_space<vmem>>
    %dma_start3A_58 = arith.constant 0 : i32
    %dma_start3A_59 = tpu.memref_slice %arg5[%arg1, %dma_start3A_53, %dma_start3A_58] : memref<16x114x88xi32, #tpu.memory_space<hbm>> -> memref<1x1x88xi32, #tpu.memory_space<hbm>>
    %dma_start3A_60 = tpu.memref_squeeze %dma_start3A_59 : memref<1x1x88xi32, #tpu.memory_space<hbm>> -> memref<88xi32, #tpu.memory_space<hbm>>
    %dma_start3A_61 = arith.constant 0 : i32
    %dma_start3A_62 = tpu.memref_slice %arg9[%dma_start3A_54, %dma_start3A_61] : memref<5x88xi32, #tpu.memory_space<vmem>> -> memref<1x88xi32, #tpu.memory_space<vmem>>
    %dma_start3A_63 = tpu.memref_squeeze %dma_start3A_62 : memref<1x88xi32, #tpu.memory_space<vmem>> -> memref<88xi32, #tpu.memory_space<vmem>>
    %dma_start3A_64 = arith.constant 0 : i32
    %dma_start3A_65 = tpu.memref_slice %arg5[%arg1, %dma_start3A_53, %dma_start3A_64] : memref<16x114x88xi32, #tpu.memory_space<hbm>> -> memref<1x1x88xi32, #tpu.memory_space<hbm>>
    %dma_start3A_66 = tpu.memref_squeeze %dma_start3A_65 : memref<1x1x88xi32, #tpu.memory_space<hbm>> -> memref<88xi32, #tpu.memory_space<hbm>>
    tpu.enqueue_dma source(%dma_start3A_66 : memref<88xi32, #tpu.memory_space<hbm>>) target(%dma_start3A_63 : memref<88xi32, #tpu.memory_space<vmem>>) target_semaphore(%arg14 : memref<!tpu.dma_semaphore, #tpu.memory_space<semaphore_mem>>)
    %dma_start3A_67 = arith.constant 2 : i32
    %dma_start3A_68 = arith.constant 2 : i32
    %dma_start3A_69 = arith.constant 0 : i32
    %dma_start3A_70 = tpu.memref_slice %arg8[%dma_start3A_68, %dma_start3A_69] : memref<5x88xi32, #tpu.memory_space<vmem>> -> memref<1x88xi32, #tpu.memory_space<vmem>>
    %dma_start3A_71 = tpu.memref_squeeze %dma_start3A_70 : memref<1x88xi32, #tpu.memory_space<vmem>> -> memref<88xi32, #tpu.memory_space<vmem>>
    %dma_start3A_72 = arith.constant 0 : i32
    %dma_start3A_73 = tpu.memref_slice %arg4[%arg1, %dma_start3A_67, %dma_start3A_72] : memref<16x114x88xi32, #tpu.memory_space<hbm>> -> memref<1x1x88xi32, #tpu.memory_space<hbm>>
    %dma_start3A_74 = tpu.memref_squeeze %dma_start3A_73 : memref<1x1x88xi32, #tpu.memory_space<hbm>> -> memref<88xi32, #tpu.memory_space<hbm>>
    %dma_start3A_75 = arith.constant 0 : i32
    %dma_start3A_76 = tpu.memref_slice %arg8[%dma_start3A_68, %dma_start3A_75] : memref<5x88xi32, #tpu.memory_space<vmem>> -> memref<1x88xi32, #tpu.memory_space<vmem>>
    %dma_start3A_77 = tpu.memref_squeeze %dma_start3A_76 : memref<1x88xi32, #tpu.memory_space<vmem>> -> memref<88xi32, #tpu.memory_space<vmem>>
    %dma_start3A_78 = arith.constant 0 : i32
    %dma_start3A_79 = tpu.memref_slice %arg4[%arg1, %dma_start3A_67, %dma_start3A_78] : memref<16x114x88xi32, #tpu.memory_space<hbm>> -> memref<1x1x88xi32, #tpu.memory_space<hbm>>
    %dma_start3A_80 = tpu.memref_squeeze %dma_start3A_79 : memref<1x1x88xi32, #tpu.memory_space<hbm>> -> memref<88xi32, #tpu.memory_space<hbm>>
    tpu.enqueue_dma source(%dma_start3A_80 : memref<88xi32, #tpu.memory_space<hbm>>) target(%dma_start3A_77 : memref<88xi32, #tpu.memory_space<vmem>>) target_semaphore(%arg14 : memref<!tpu.dma_semaphore, #tpu.memory_space<semaphore_mem>>)
    %dma_start3A_81 = arith.constant 2 : i32
    %dma_start3A_82 = arith.constant 2 : i32
    %dma_start3A_83 = arith.constant 0 : i32
    %dma_start3A_84 = tpu.memref_slice %arg9[%dma_start3A_82, %dma_start3A_83] : memref<5x88xi32, #tpu.memory_space<vmem>> -> memref<1x88xi32, #tpu.memory_space<vmem>>
    %dma_start3A_85 = tpu.memref_squeeze %dma_start3A_84 : memref<1x88xi32, #tpu.memory_space<vmem>> -> memref<88xi32, #tpu.memory_space<vmem>>
    %dma_start3A_86 = arith.constant 0 : i32
    %dma_start3A_87 = tpu.memref_slice %arg5[%arg1, %dma_start3A_81, %dma_start3A_86] : memref<16x114x88xi32, #tpu.memory_space<hbm>> -> memref<1x1x88xi32, #tpu.memory_space<hbm>>
    %dma_start3A_88 = tpu.memref_squeeze %dma_start3A_87 : memref<1x1x88xi32, #tpu.memory_space<hbm>> -> memref<88xi32, #tpu.memory_space<hbm>>
    %dma_start3A_89 = arith.constant 0 : i32
    %dma_start3A_90 = tpu.memref_slice %arg9[%dma_start3A_82, %dma_start3A_89] : memref<5x88xi32, #tpu.memory_space<vmem>> -> memref<1x88xi32, #tpu.memory_space<vmem>>
    %dma_start3A_91 = tpu.memref_squeeze %dma_start3A_90 : memref<1x88xi32, #tpu.memory_space<vmem>> -> memref<88xi32, #tpu.memory_space<vmem>>
    %dma_start3A_92 = arith.constant 0 : i32
    %dma_start3A_93 = tpu.memref_slice %arg5[%arg1, %dma_start3A_81, %dma_start3A_92] : memref<16x114x88xi32, #tpu.memory_space<hbm>> -> memref<1x1x88xi32, #tpu.memory_space<hbm>>
    %dma_start3A_94 = tpu.memref_squeeze %dma_start3A_93 : memref<1x1x88xi32, #tpu.memory_space<hbm>> -> memref<88xi32, #tpu.memory_space<hbm>>
    tpu.enqueue_dma source(%dma_start3A_94 : memref<88xi32, #tpu.memory_space<hbm>>) target(%dma_start3A_91 : memref<88xi32, #tpu.memory_space<vmem>>) target_semaphore(%arg14 : memref<!tpu.dma_semaphore, #tpu.memory_space<semaphore_mem>>)
    %dma_start3A_95 = arith.constant 3 : i32
    %dma_start3A_96 = arith.constant 3 : i32
    %dma_start3A_97 = arith.constant 0 : i32
    %dma_start3A_98 = tpu.memref_slice %arg8[%dma_start3A_96, %dma_start3A_97] : memref<5x88xi32, #tpu.memory_space<vmem>> -> memref<1x88xi32, #tpu.memory_space<vmem>>
    %dma_start3A_99 = tpu.memref_squeeze %dma_start3A_98 : memref<1x88xi32, #tpu.memory_space<vmem>> -> memref<88xi32, #tpu.memory_space<vmem>>
    %dma_start3A_100 = arith.constant 0 : i32
    %dma_start3A_101 = tpu.memref_slice %arg4[%arg1, %dma_start3A_95, %dma_start3A_100] : memref<16x114x88xi32, #tpu.memory_space<hbm>> -> memref<1x1x88xi32, #tpu.memory_space<hbm>>
    %dma_start3A_102 = tpu.memref_squeeze %dma_start3A_101 : memref<1x1x88xi32, #tpu.memory_space<hbm>> -> memref<88xi32, #tpu.memory_space<hbm>>
    %dma_start3A_103 = arith.constant 0 : i32
    %dma_start3A_104 = tpu.memref_slice %arg8[%dma_start3A_96, %dma_start3A_103] : memref<5x88xi32, #tpu.memory_space<vmem>> -> memref<1x88xi32, #tpu.memory_space<vmem>>
    %dma_start3A_105 = tpu.memref_squeeze %dma_start3A_104 : memref<1x88xi32, #tpu.memory_space<vmem>> -> memref<88xi32, #tpu.memory_space<vmem>>
    %dma_start3A_106 = arith.constant 0 : i32
    %dma_start3A_107 = tpu.memref_slice %arg4[%arg1, %dma_start3A_95, %dma_start3A_106] : memref<16x114x88xi32, #tpu.memory_space<hbm>> -> memref<1x1x88xi32, #tpu.memory_space<hbm>>
    %dma_start3A_108 = tpu.memref_squeeze %dma_start3A_107 : memref<1x1x88xi32, #tpu.memory_space<hbm>> -> memref<88xi32, #tpu.memory_space<hbm>>
    tpu.enqueue_dma source(%dma_start3A_108 : memref<88xi32, #tpu.memory_space<hbm>>) target(%dma_start3A_105 : memref<88xi32, #tpu.memory_space<vmem>>) target_semaphore(%arg14 : memref<!tpu.dma_semaphore, #tpu.memory_space<semaphore_mem>>)
    %dma_start3A_109 = arith.constant 3 : i32
    %dma_start3A_110 = arith.constant 3 : i32
    %dma_start3A_111 = arith.constant 0 : i32
    %dma_start3A_112 = tpu.memref_slice %arg9[%dma_start3A_110, %dma_start3A_111] : memref<5x88xi32, #tpu.memory_space<vmem>> -> memref<1x88xi32, #tpu.memory_space<vmem>>
    %dma_start3A_113 = tpu.memref_squeeze %dma_start3A_112 : memref<1x88xi32, #tpu.memory_space<vmem>> -> memref<88xi32, #tpu.memory_space<vmem>>
    %dma_start3A_114 = arith.constant 0 : i32
    %dma_start3A_115 = tpu.memref_slice %arg5[%arg1, %dma_start3A_109, %dma_start3A_114] : memref<16x114x88xi32, #tpu.memory_space<hbm>> -> memref<1x1x88xi32, #tpu.memory_space<hbm>>
    %dma_start3A_116 = tpu.memref_squeeze %dma_start3A_115 : memref<1x1x88xi32, #tpu.memory_space<hbm>> -> memref<88xi32, #tpu.memory_space<hbm>>
    %dma_start3A_117 = arith.constant 0 : i32
    %dma_start3A_118 = tpu.memref_slice %arg9[%dma_start3A_110, %dma_start3A_117] : memref<5x88xi32, #tpu.memory_space<vmem>> -> memref<1x88xi32, #tpu.memory_space<vmem>>
    %dma_start3A_119 = tpu.memref_squeeze %dma_start3A_118 : memref<1x88xi32, #tpu.memory_space<vmem>> -> memref<88xi32, #tpu.memory_space<vmem>>
    %dma_start3A_120 = arith.constant 0 : i32
    %dma_start3A_121 = tpu.memref_slice %arg5[%arg1, %dma_start3A_109, %dma_start3A_120] : memref<16x114x88xi32, #tpu.memory_space<hbm>> -> memref<1x1x88xi32, #tpu.memory_space<hbm>>
    %dma_start3A_122 = tpu.memref_squeeze %dma_start3A_121 : memref<1x1x88xi32, #tpu.memory_space<hbm>> -> memref<88xi32, #tpu.memory_space<hbm>>
    tpu.enqueue_dma source(%dma_start3A_122 : memref<88xi32, #tpu.memory_space<hbm>>) target(%dma_start3A_119 : memref<88xi32, #tpu.memory_space<vmem>>) target_semaphore(%arg14 : memref<!tpu.dma_semaphore, #tpu.memory_space<semaphore_mem>>)
    %dma_wait3A = arith.constant 0 : i32
    %dma_wait3A_123 = arith.constant 0 : i32
    %dma_wait3A_124 = arith.constant 0 : i32
    %dma_wait3A_125 = tpu.memref_slice %arg8[%dma_wait3A_123, %dma_wait3A_124] : memref<5x88xi32, #tpu.memory_space<vmem>> -> memref<1x88xi32, #tpu.memory_space<vmem>>
    %dma_wait3A_126 = tpu.memref_squeeze %dma_wait3A_125 : memref<1x88xi32, #tpu.memory_space<vmem>> -> memref<88xi32, #tpu.memory_space<vmem>>
    %dma_wait3A_127 = arith.constant 0 : i32
    %dma_wait3A_128 = tpu.memref_slice %arg4[%arg1, %dma_wait3A, %dma_wait3A_127] : memref<16x114x88xi32, #tpu.memory_space<hbm>> -> memref<1x1x88xi32, #tpu.memory_space<hbm>>
    %dma_wait3A_129 = tpu.memref_squeeze %dma_wait3A_128 : memref<1x1x88xi32, #tpu.memory_space<hbm>> -> memref<88xi32, #tpu.memory_space<hbm>>
    %dma_wait3A_130 = arith.constant 0 : i32
    %dma_wait3A_131 = tpu.memref_slice %arg8[%dma_wait3A_123, %dma_wait3A_130] : memref<5x88xi32, #tpu.memory_space<vmem>> -> memref<1x88xi32, #tpu.memory_space<vmem>>
    %dma_wait3A_132 = tpu.memref_squeeze %dma_wait3A_131 : memref<1x88xi32, #tpu.memory_space<vmem>> -> memref<88xi32, #tpu.memory_space<vmem>>
    %dma_wait3A_133 = arith.constant 0 : i32
    %dma_wait3A_134 = tpu.memref_slice %arg4[%arg1, %dma_wait3A, %dma_wait3A_133] : memref<16x114x88xi32, #tpu.memory_space<hbm>> -> memref<1x1x88xi32, #tpu.memory_space<hbm>>
    %dma_wait3A_135 = tpu.memref_squeeze %dma_wait3A_134 : memref<1x1x88xi32, #tpu.memory_space<hbm>> -> memref<88xi32, #tpu.memory_space<hbm>>
    tpu.wait_dma2 semaphore(%arg14 : memref<!tpu.dma_semaphore, #tpu.memory_space<semaphore_mem>>) src(%dma_wait3A_135 : memref<88xi32, #tpu.memory_space<hbm>>) dst(%dma_wait3A_132 : memref<88xi32, #tpu.memory_space<vmem>>)
    %dma_wait3A_136 = arith.constant 0 : i32
    %dma_wait3A_137 = arith.constant 0 : i32
    %dma_wait3A_138 = arith.constant 0 : i32
    %dma_wait3A_139 = tpu.memref_slice %arg9[%dma_wait3A_137, %dma_wait3A_138] : memref<5x88xi32, #tpu.memory_space<vmem>> -> memref<1x88xi32, #tpu.memory_space<vmem>>
    %dma_wait3A_140 = tpu.memref_squeeze %dma_wait3A_139 : memref<1x88xi32, #tpu.memory_space<vmem>> -> memref<88xi32, #tpu.memory_space<vmem>>
    %dma_wait3A_141 = arith.constant 0 : i32
    %dma_wait3A_142 = tpu.memref_slice %arg5[%arg1, %dma_wait3A_136, %dma_wait3A_141] : memref<16x114x88xi32, #tpu.memory_space<hbm>> -> memref<1x1x88xi32, #tpu.memory_space<hbm>>
    %dma_wait3A_143 = tpu.memref_squeeze %dma_wait3A_142 : memref<1x1x88xi32, #tpu.memory_space<hbm>> -> memref<88xi32, #tpu.memory_space<hbm>>
    %dma_wait3A_144 = arith.constant 0 : i32
    %dma_wait3A_145 = tpu.memref_slice %arg9[%dma_wait3A_137, %dma_wait3A_144] : memref<5x88xi32, #tpu.memory_space<vmem>> -> memref<1x88xi32, #tpu.memory_space<vmem>>
    %dma_wait3A_146 = tpu.memref_squeeze %dma_wait3A_145 : memref<1x88xi32, #tpu.memory_space<vmem>> -> memref<88xi32, #tpu.memory_space<vmem>>
    %dma_wait3A_147 = arith.constant 0 : i32
    %dma_wait3A_148 = tpu.memref_slice %arg5[%arg1, %dma_wait3A_136, %dma_wait3A_147] : memref<16x114x88xi32, #tpu.memory_space<hbm>> -> memref<1x1x88xi32, #tpu.memory_space<hbm>>
    %dma_wait3A_149 = tpu.memref_squeeze %dma_wait3A_148 : memref<1x1x88xi32, #tpu.memory_space<hbm>> -> memref<88xi32, #tpu.memory_space<hbm>>
    tpu.wait_dma2 semaphore(%arg14 : memref<!tpu.dma_semaphore, #tpu.memory_space<semaphore_mem>>) src(%dma_wait3A_149 : memref<88xi32, #tpu.memory_space<hbm>>) dst(%dma_wait3A_146 : memref<88xi32, #tpu.memory_space<vmem>>)
    %dma_wait3A_150 = arith.constant 1 : i32
    %dma_wait3A_151 = arith.constant 1 : i32
    %dma_wait3A_152 = arith.constant 0 : i32
    %dma_wait3A_153 = tpu.memref_slice %arg8[%dma_wait3A_151, %dma_wait3A_152] : memref<5x88xi32, #tpu.memory_space<vmem>> -> memref<1x88xi32, #tpu.memory_space<vmem>>
    %dma_wait3A_154 = tpu.memref_squeeze %dma_wait3A_153 : memref<1x88xi32, #tpu.memory_space<vmem>> -> memref<88xi32, #tpu.memory_space<vmem>>
    %dma_wait3A_155 = arith.constant 0 : i32
    %dma_wait3A_156 = tpu.memref_slice %arg4[%arg1, %dma_wait3A_150, %dma_wait3A_155] : memref<16x114x88xi32, #tpu.memory_space<hbm>> -> memref<1x1x88xi32, #tpu.memory_space<hbm>>
    %dma_wait3A_157 = tpu.memref_squeeze %dma_wait3A_156 : memref<1x1x88xi32, #tpu.memory_space<hbm>> -> memref<88xi32, #tpu.memory_space<hbm>>
    %dma_wait3A_158 = arith.constant 0 : i32
    %dma_wait3A_159 = tpu.memref_slice %arg8[%dma_wait3A_151, %dma_wait3A_158] : memref<5x88xi32, #tpu.memory_space<vmem>> -> memref<1x88xi32, #tpu.memory_space<vmem>>
    %dma_wait3A_160 = tpu.memref_squeeze %dma_wait3A_159 : memref<1x88xi32, #tpu.memory_space<vmem>> -> memref<88xi32, #tpu.memory_space<vmem>>
    %dma_wait3A_161 = arith.constant 0 : i32
    %dma_wait3A_162 = tpu.memref_slice %arg4[%arg1, %dma_wait3A_150, %dma_wait3A_161] : memref<16x114x88xi32, #tpu.memory_space<hbm>> -> memref<1x1x88xi32, #tpu.memory_space<hbm>>
    %dma_wait3A_163 = tpu.memref_squeeze %dma_wait3A_162 : memref<1x1x88xi32, #tpu.memory_space<hbm>> -> memref<88xi32, #tpu.memory_space<hbm>>
    tpu.wait_dma2 semaphore(%arg14 : memref<!tpu.dma_semaphore, #tpu.memory_space<semaphore_mem>>) src(%dma_wait3A_163 : memref<88xi32, #tpu.memory_space<hbm>>) dst(%dma_wait3A_160 : memref<88xi32, #tpu.memory_space<vmem>>)
    %dma_wait3A_164 = arith.constant 1 : i32
    %dma_wait3A_165 = arith.constant 1 : i32
    %dma_wait3A_166 = arith.constant 0 : i32
    %dma_wait3A_167 = tpu.memref_slice %arg9[%dma_wait3A_165, %dma_wait3A_166] : memref<5x88xi32, #tpu.memory_space<vmem>> -> memref<1x88xi32, #tpu.memory_space<vmem>>
    %dma_wait3A_168 = tpu.memref_squeeze %dma_wait3A_167 : memref<1x88xi32, #tpu.memory_space<vmem>> -> memref<88xi32, #tpu.memory_space<vmem>>
    %dma_wait3A_169 = arith.constant 0 : i32
    %dma_wait3A_170 = tpu.memref_slice %arg5[%arg1, %dma_wait3A_164, %dma_wait3A_169] : memref<16x114x88xi32, #tpu.memory_space<hbm>> -> memref<1x1x88xi32, #tpu.memory_space<hbm>>
    %dma_wait3A_171 = tpu.memref_squeeze %dma_wait3A_170 : memref<1x1x88xi32, #tpu.memory_space<hbm>> -> memref<88xi32, #tpu.memory_space<hbm>>
    %dma_wait3A_172 = arith.constant 0 : i32
    %dma_wait3A_173 = tpu.memref_slice %arg9[%dma_wait3A_165, %dma_wait3A_172] : memref<5x88xi32, #tpu.memory_space<vmem>> -> memref<1x88xi32, #tpu.memory_space<vmem>>
    %dma_wait3A_174 = tpu.memref_squeeze %dma_wait3A_173 : memref<1x88xi32, #tpu.memory_space<vmem>> -> memref<88xi32, #tpu.memory_space<vmem>>
    %dma_wait3A_175 = arith.constant 0 : i32
    %dma_wait3A_176 = tpu.memref_slice %arg5[%arg1, %dma_wait3A_164, %dma_wait3A_175] : memref<16x114x88xi32, #tpu.memory_space<hbm>> -> memref<1x1x88xi32, #tpu.memory_space<hbm>>
    %dma_wait3A_177 = tpu.memref_squeeze %dma_wait3A_176 : memref<1x1x88xi32, #tpu.memory_space<hbm>> -> memref<88xi32, #tpu.memory_space<hbm>>
    tpu.wait_dma2 semaphore(%arg14 : memref<!tpu.dma_semaphore, #tpu.memory_space<semaphore_mem>>) src(%dma_wait3A_177 : memref<88xi32, #tpu.memory_space<hbm>>) dst(%dma_wait3A_174 : memref<88xi32, #tpu.memory_space<vmem>>)
    %dma_wait3A_178 = arith.constant 2 : i32
    %dma_wait3A_179 = arith.constant 2 : i32
    %dma_wait3A_180 = arith.constant 0 : i32
    %dma_wait3A_181 = tpu.memref_slice %arg8[%dma_wait3A_179, %dma_wait3A_180] : memref<5x88xi32, #tpu.memory_space<vmem>> -> memref<1x88xi32, #tpu.memory_space<vmem>>
    %dma_wait3A_182 = tpu.memref_squeeze %dma_wait3A_181 : memref<1x88xi32, #tpu.memory_space<vmem>> -> memref<88xi32, #tpu.memory_space<vmem>>
    %dma_wait3A_183 = arith.constant 0 : i32
    %dma_wait3A_184 = tpu.memref_slice %arg4[%arg1, %dma_wait3A_178, %dma_wait3A_183] : memref<16x114x88xi32, #tpu.memory_space<hbm>> -> memref<1x1x88xi32, #tpu.memory_space<hbm>>
    %dma_wait3A_185 = tpu.memref_squeeze %dma_wait3A_184 : memref<1x1x88xi32, #tpu.memory_space<hbm>> -> memref<88xi32, #tpu.memory_space<hbm>>
    %dma_wait3A_186 = arith.constant 0 : i32
    %dma_wait3A_187 = tpu.memref_slice %arg8[%dma_wait3A_179, %dma_wait3A_186] : memref<5x88xi32, #tpu.memory_space<vmem>> -> memref<1x88xi32, #tpu.memory_space<vmem>>
    %dma_wait3A_188 = tpu.memref_squeeze %dma_wait3A_187 : memref<1x88xi32, #tpu.memory_space<vmem>> -> memref<88xi32, #tpu.memory_space<vmem>>
    %dma_wait3A_189 = arith.constant 0 : i32
    %dma_wait3A_190 = tpu.memref_slice %arg4[%arg1, %dma_wait3A_178, %dma_wait3A_189] : memref<16x114x88xi32, #tpu.memory_space<hbm>> -> memref<1x1x88xi32, #tpu.memory_space<hbm>>
    %dma_wait3A_191 = tpu.memref_squeeze %dma_wait3A_190 : memref<1x1x88xi32, #tpu.memory_space<hbm>> -> memref<88xi32, #tpu.memory_space<hbm>>
    tpu.wait_dma2 semaphore(%arg14 : memref<!tpu.dma_semaphore, #tpu.memory_space<semaphore_mem>>) src(%dma_wait3A_191 : memref<88xi32, #tpu.memory_space<hbm>>) dst(%dma_wait3A_188 : memref<88xi32, #tpu.memory_space<vmem>>)
    %dma_wait3A_192 = arith.constant 2 : i32
    %dma_wait3A_193 = arith.constant 2 : i32
    %dma_wait3A_194 = arith.constant 0 : i32
    %dma_wait3A_195 = tpu.memref_slice %arg9[%dma_wait3A_193, %dma_wait3A_194] : memref<5x88xi32, #tpu.memory_space<vmem>> -> memref<1x88xi32, #tpu.memory_space<vmem>>
    %dma_wait3A_196 = tpu.memref_squeeze %dma_wait3A_195 : memref<1x88xi32, #tpu.memory_space<vmem>> -> memref<88xi32, #tpu.memory_space<vmem>>
    %dma_wait3A_197 = arith.constant 0 : i32
    %dma_wait3A_198 = tpu.memref_slice %arg5[%arg1, %dma_wait3A_192, %dma_wait3A_197] : memref<16x114x88xi32, #tpu.memory_space<hbm>> -> memref<1x1x88xi32, #tpu.memory_space<hbm>>
    %dma_wait3A_199 = tpu.memref_squeeze %dma_wait3A_198 : memref<1x1x88xi32, #tpu.memory_space<hbm>> -> memref<88xi32, #tpu.memory_space<hbm>>
    %dma_wait3A_200 = arith.constant 0 : i32
    %dma_wait3A_201 = tpu.memref_slice %arg9[%dma_wait3A_193, %dma_wait3A_200] : memref<5x88xi32, #tpu.memory_space<vmem>> -> memref<1x88xi32, #tpu.memory_space<vmem>>
    %dma_wait3A_202 = tpu.memref_squeeze %dma_wait3A_201 : memref<1x88xi32, #tpu.memory_space<vmem>> -> memref<88xi32, #tpu.memory_space<vmem>>
    %dma_wait3A_203 = arith.constant 0 : i32
    %dma_wait3A_204 = tpu.memref_slice %arg5[%arg1, %dma_wait3A_192, %dma_wait3A_203] : memref<16x114x88xi32, #tpu.memory_space<hbm>> -> memref<1x1x88xi32, #tpu.memory_space<hbm>>
    %dma_wait3A_205 = tpu.memref_squeeze %dma_wait3A_204 : memref<1x1x88xi32, #tpu.memory_space<hbm>> -> memref<88xi32, #tpu.memory_space<hbm>>
    tpu.wait_dma2 semaphore(%arg14 : memref<!tpu.dma_semaphore, #tpu.memory_space<semaphore_mem>>) src(%dma_wait3A_205 : memref<88xi32, #tpu.memory_space<hbm>>) dst(%dma_wait3A_202 : memref<88xi32, #tpu.memory_space<vmem>>)
    %barrier3A = arith.constant 0 : index
    tpu.barrier barrier_id(%barrier3A)
    %eq3A_206 = arith.constant 0 : i32
    %eq3A_207 = arith.cmpi eq, %arg0, %eq3A_206 : i32
    %convert_element_type3A_208 = arith.extui %eq3A_207 : i1 to i32
    %cond3A_209 = arith.constant 0 : i32
    %cond3A_210 = arith.cmpi ne, %convert_element_type3A_208, %cond3A_209 : i32
    scf.if %cond3A_210 {
      %dma_start3A_289 = arith.constant 0 : i32
      %dma_start3A_290 = arith.constant 0 : i32
      %dma_start3A_291 = arith.constant 0 : i32
      %dma_start3A_292 = arith.constant 0 : i32
      %dma_start3A_293 = tpu.memref_slice %arg10[%dma_start3A_290, %dma_start3A_291, %dma_start3A_292] : memref<4x88x128xf32, #tpu.memory_space<vmem>> -> memref<1x88x128xf32, #tpu.memory_space<vmem>>
      %dma_start3A_294 = tpu.memref_squeeze %dma_start3A_293 : memref<1x88x128xf32, #tpu.memory_space<vmem>> -> memref<88x128xf32, #tpu.memory_space<vmem>>
      %dma_start3A_295 = arith.constant 0 : i32
      %dma_start3A_296 = tpu.memref_slice %arg8[%dma_start3A_289, %dma_start3A_295] : memref<5x88xi32, #tpu.memory_space<vmem>> -> memref<1x88xi32, #tpu.memory_space<vmem>>
      %dma_start3A_297 = tpu.memref_squeeze %dma_start3A_296 : memref<1x88xi32, #tpu.memory_space<vmem>> -> memref<88xi32, #tpu.memory_space<vmem>>
      %dma_start3A_298 = arith.constant 0 : i32
      %dma_start3A_299 = arith.constant 0 : i32
      %dma_start3A_300 = tpu.memref_slice %arg2[%dma_start3A_298, %dma_start3A_299] : memref<10000x128xf32, #tpu.memory_space<hbm>> -> memref<10000x128xf32, #tpu.memory_space<hbm>>
      tpu.enqueue_indirect_dma source(%dma_start3A_300 : memref<10000x128xf32, #tpu.memory_space<hbm>>) target(%dma_start3A_294 : memref<88x128xf32, #tpu.memory_space<vmem>>) offsets(%dma_start3A_297 : memref<88xi32, #tpu.memory_space<vmem>>) semaphore(%arg12 : memref<!tpu.dma_semaphore, #tpu.memory_space<semaphore_mem>>)
    } else {
    }
    %eq3A_211 = arith.constant 1 : i32
    %eq3A_212 = arith.cmpi eq, %arg0, %eq3A_211 : i32
    %convert_element_type3A_213 = arith.extui %eq3A_212 : i1 to i32
    %cond3A_214 = arith.constant 0 : i32
    %cond3A_215 = arith.cmpi ne, %convert_element_type3A_213, %cond3A_214 : i32
    scf.if %cond3A_215 {
      %dma_start3A_289 = arith.constant 0 : i32
      %dma_start3A_290 = arith.constant 0 : i32
      %dma_start3A_291 = arith.constant 0 : i32
      %dma_start3A_292 = arith.constant 0 : i32
      %dma_start3A_293 = tpu.memref_slice %arg10[%dma_start3A_290, %dma_start3A_291, %dma_start3A_292] : memref<4x88x128xf32, #tpu.memory_space<vmem>> -> memref<1x88x128xf32, #tpu.memory_space<vmem>>
      %dma_start3A_294 = tpu.memref_squeeze %dma_start3A_293 : memref<1x88x128xf32, #tpu.memory_space<vmem>> -> memref<88x128xf32, #tpu.memory_space<vmem>>
      %dma_start3A_295 = arith.constant 0 : i32
      %dma_start3A_296 = tpu.memref_slice %arg8[%dma_start3A_289, %dma_start3A_295] : memref<5x88xi32, #tpu.memory_space<vmem>> -> memref<1x88xi32, #tpu.memory_space<vmem>>
      %dma_start3A_297 = tpu.memref_squeeze %dma_start3A_296 : memref<1x88xi32, #tpu.memory_space<vmem>> -> memref<88xi32, #tpu.memory_space<vmem>>
      %dma_start3A_298 = arith.constant 0 : i32
      %dma_start3A_299 = arith.constant 0 : i32
      %dma_start3A_300 = tpu.memref_slice %arg3[%dma_start3A_298, %dma_start3A_299] : memref<10000x128xf32, #tpu.memory_space<hbm>> -> memref<10000x128xf32, #tpu.memory_space<hbm>>
      tpu.enqueue_indirect_dma source(%dma_start3A_300 : memref<10000x128xf32, #tpu.memory_space<hbm>>) target(%dma_start3A_294 : memref<88x128xf32, #tpu.memory_space<vmem>>) offsets(%dma_start3A_297 : memref<88xi32, #tpu.memory_space<vmem>>) semaphore(%arg12 : memref<!tpu.dma_semaphore, #tpu.memory_space<semaphore_mem>>)
    } else {
    }
    %eq3A_216 = arith.constant 0 : i32
    %eq3A_217 = arith.cmpi eq, %arg0, %eq3A_216 : i32
    %convert_element_type3A_218 = arith.extui %eq3A_217 : i1 to i32
    %cond3A_219 = arith.constant 0 : i32
    %cond3A_220 = arith.cmpi ne, %convert_element_type3A_218, %cond3A_219 : i32
    scf.if %cond3A_220 {
      %dma_start3A_289 = arith.constant 1 : i32
      %dma_start3A_290 = arith.constant 1 : i32
      %dma_start3A_291 = arith.constant 0 : i32
      %dma_start3A_292 = arith.constant 0 : i32
      %dma_start3A_293 = tpu.memref_slice %arg10[%dma_start3A_290, %dma_start3A_291, %dma_start3A_292] : memref<4x88x128xf32, #tpu.memory_space<vmem>> -> memref<1x88x128xf32, #tpu.memory_space<vmem>>
      %dma_start3A_294 = tpu.memref_squeeze %dma_start3A_293 : memref<1x88x128xf32, #tpu.memory_space<vmem>> -> memref<88x128xf32, #tpu.memory_space<vmem>>
      %dma_start3A_295 = arith.constant 0 : i32
      %dma_start3A_296 = tpu.memref_slice %arg8[%dma_start3A_289, %dma_start3A_295] : memref<5x88xi32, #tpu.memory_space<vmem>> -> memref<1x88xi32, #tpu.memory_space<vmem>>
      %dma_start3A_297 = tpu.memref_squeeze %dma_start3A_296 : memref<1x88xi32, #tpu.memory_space<vmem>> -> memref<88xi32, #tpu.memory_space<vmem>>
      %dma_start3A_298 = arith.constant 0 : i32
      %dma_start3A_299 = arith.constant 0 : i32
      %dma_start3A_300 = tpu.memref_slice %arg2[%dma_start3A_298, %dma_start3A_299] : memref<10000x128xf32, #tpu.memory_space<hbm>> -> memref<10000x128xf32, #tpu.memory_space<hbm>>
      tpu.enqueue_indirect_dma source(%dma_start3A_300 : memref<10000x128xf32, #tpu.memory_space<hbm>>) target(%dma_start3A_294 : memref<88x128xf32, #tpu.memory_space<vmem>>) offsets(%dma_start3A_297 : memref<88xi32, #tpu.memory_space<vmem>>) semaphore(%arg12 : memref<!tpu.dma_semaphore, #tpu.memory_space<semaphore_mem>>)
    } else {
    }
    %eq3A_221 = arith.constant 1 : i32
    %eq3A_222 = arith.cmpi eq, %arg0, %eq3A_221 : i32
    %convert_element_type3A_223 = arith.extui %eq3A_222 : i1 to i32
    %cond3A_224 = arith.constant 0 : i32
    %cond3A_225 = arith.cmpi ne, %convert_element_type3A_223, %cond3A_224 : i32
    scf.if %cond3A_225 {
      %dma_start3A_289 = arith.constant 1 : i32
      %dma_start3A_290 = arith.constant 1 : i32
      %dma_start3A_291 = arith.constant 0 : i32
      %dma_start3A_292 = arith.constant 0 : i32
      %dma_start3A_293 = tpu.memref_slice %arg10[%dma_start3A_290, %dma_start3A_291, %dma_start3A_292] : memref<4x88x128xf32, #tpu.memory_space<vmem>> -> memref<1x88x128xf32, #tpu.memory_space<vmem>>
      %dma_start3A_294 = tpu.memref_squeeze %dma_start3A_293 : memref<1x88x128xf32, #tpu.memory_space<vmem>> -> memref<88x128xf32, #tpu.memory_space<vmem>>
      %dma_start3A_295 = arith.constant 0 : i32
      %dma_start3A_296 = tpu.memref_slice %arg8[%dma_start3A_289, %dma_start3A_295] : memref<5x88xi32, #tpu.memory_space<vmem>> -> memref<1x88xi32, #tpu.memory_space<vmem>>
      %dma_start3A_297 = tpu.memref_squeeze %dma_start3A_296 : memref<1x88xi32, #tpu.memory_space<vmem>> -> memref<88xi32, #tpu.memory_space<vmem>>
      %dma_start3A_298 = arith.constant 0 : i32
      %dma_start3A_299 = arith.constant 0 : i32
      %dma_start3A_300 = tpu.memref_slice %arg3[%dma_start3A_298, %dma_start3A_299] : memref<10000x128xf32, #tpu.memory_space<hbm>> -> memref<10000x128xf32, #tpu.memory_space<hbm>>
      tpu.enqueue_indirect_dma source(%dma_start3A_300 : memref<10000x128xf32, #tpu.memory_space<hbm>>) target(%dma_start3A_294 : memref<88x128xf32, #tpu.memory_space<vmem>>) offsets(%dma_start3A_297 : memref<88xi32, #tpu.memory_space<vmem>>) semaphore(%arg12 : memref<!tpu.dma_semaphore, #tpu.memory_space<semaphore_mem>>)
    } else {
    }
    %eq3A_226 = arith.constant 0 : i32
    %eq3A_227 = arith.cmpi eq, %arg0, %eq3A_226 : i32
    %convert_element_type3A_228 = arith.extui %eq3A_227 : i1 to i32
    %cond3A_229 = arith.constant 0 : i32
    %cond3A_230 = arith.cmpi ne, %convert_element_type3A_228, %cond3A_229 : i32
    scf.if %cond3A_230 {
      %dma_start3A_289 = arith.constant 2 : i32
      %dma_start3A_290 = arith.constant 2 : i32
      %dma_start3A_291 = arith.constant 0 : i32
      %dma_start3A_292 = arith.constant 0 : i32
      %dma_start3A_293 = tpu.memref_slice %arg10[%dma_start3A_290, %dma_start3A_291, %dma_start3A_292] : memref<4x88x128xf32, #tpu.memory_space<vmem>> -> memref<1x88x128xf32, #tpu.memory_space<vmem>>
      %dma_start3A_294 = tpu.memref_squeeze %dma_start3A_293 : memref<1x88x128xf32, #tpu.memory_space<vmem>> -> memref<88x128xf32, #tpu.memory_space<vmem>>
      %dma_start3A_295 = arith.constant 0 : i32
      %dma_start3A_296 = tpu.memref_slice %arg8[%dma_start3A_289, %dma_start3A_295] : memref<5x88xi32, #tpu.memory_space<vmem>> -> memref<1x88xi32, #tpu.memory_space<vmem>>
      %dma_start3A_297 = tpu.memref_squeeze %dma_start3A_296 : memref<1x88xi32, #tpu.memory_space<vmem>> -> memref<88xi32, #tpu.memory_space<vmem>>
      %dma_start3A_298 = arith.constant 0 : i32
      %dma_start3A_299 = arith.constant 0 : i32
      %dma_start3A_300 = tpu.memref_slice %arg2[%dma_start3A_298, %dma_start3A_299] : memref<10000x128xf32, #tpu.memory_space<hbm>> -> memref<10000x128xf32, #tpu.memory_space<hbm>>
      tpu.enqueue_indirect_dma source(%dma_start3A_300 : memref<10000x128xf32, #tpu.memory_space<hbm>>) target(%dma_start3A_294 : memref<88x128xf32, #tpu.memory_space<vmem>>) offsets(%dma_start3A_297 : memref<88xi32, #tpu.memory_space<vmem>>) semaphore(%arg12 : memref<!tpu.dma_semaphore, #tpu.memory_space<semaphore_mem>>)
    } else {
    }
    %eq3A_231 = arith.constant 1 : i32
    %eq3A_232 = arith.cmpi eq, %arg0, %eq3A_231 : i32
    %convert_element_type3A_233 = arith.extui %eq3A_232 : i1 to i32
    %cond3A_234 = arith.constant 0 : i32
    %cond3A_235 = arith.cmpi ne, %convert_element_type3A_233, %cond3A_234 : i32
    scf.if %cond3A_235 {
      %dma_start3A_289 = arith.constant 2 : i32
      %dma_start3A_290 = arith.constant 2 : i32
      %dma_start3A_291 = arith.constant 0 : i32
      %dma_start3A_292 = arith.constant 0 : i32
      %dma_start3A_293 = tpu.memref_slice %arg10[%dma_start3A_290, %dma_start3A_291, %dma_start3A_292] : memref<4x88x128xf32, #tpu.memory_space<vmem>> -> memref<1x88x128xf32, #tpu.memory_space<vmem>>
      %dma_start3A_294 = tpu.memref_squeeze %dma_start3A_293 : memref<1x88x128xf32, #tpu.memory_space<vmem>> -> memref<88x128xf32, #tpu.memory_space<vmem>>
      %dma_start3A_295 = arith.constant 0 : i32
      %dma_start3A_296 = tpu.memref_slice %arg8[%dma_start3A_289, %dma_start3A_295] : memref<5x88xi32, #tpu.memory_space<vmem>> -> memref<1x88xi32, #tpu.memory_space<vmem>>
      %dma_start3A_297 = tpu.memref_squeeze %dma_start3A_296 : memref<1x88xi32, #tpu.memory_space<vmem>> -> memref<88xi32, #tpu.memory_space<vmem>>
      %dma_start3A_298 = arith.constant 0 : i32
      %dma_start3A_299 = arith.constant 0 : i32
      %dma_start3A_300 = tpu.memref_slice %arg3[%dma_start3A_298, %dma_start3A_299] : memref<10000x128xf32, #tpu.memory_space<hbm>> -> memref<10000x128xf32, #tpu.memory_space<hbm>>
      tpu.enqueue_indirect_dma source(%dma_start3A_300 : memref<10000x128xf32, #tpu.memory_space<hbm>>) target(%dma_start3A_294 : memref<88x128xf32, #tpu.memory_space<vmem>>) offsets(%dma_start3A_297 : memref<88xi32, #tpu.memory_space<vmem>>) semaphore(%arg12 : memref<!tpu.dma_semaphore, #tpu.memory_space<semaphore_mem>>)
    } else {
    }
    %scan3A_236 = arith.constant 0 : i32
    %scan3A_237 = arith.constant 0 : i32
    %scan3A_238 = arith.constant 114 : i32
    %scan3A_239 = arith.addi %scan3A_237, %scan3A_238 : i32
    %scan3A_240 = arith.constant 1 : i32
    scf.for %scan3A_289 = %scan3A_237 to %scan3A_239 step %scan3A_240  : i32 {
      %rem3A_290 = arith.constant 4 : i32
      %rem3A_291 = arith.remsi %scan3A_289, %rem3A_290 : i32
      %rem3A_292 = arith.constant 5 : i32
      %rem3A_293 = arith.remsi %scan3A_289, %rem3A_292 : i32
      %dma_wait3A_294 = arith.constant 0 : i32
      %dma_wait3A_295 = arith.constant 0 : i32
      %dma_wait3A_296 = tpu.memref_slice %arg10[%rem3A_291, %dma_wait3A_294, %dma_wait3A_295] : memref<4x88x128xf32, #tpu.memory_space<vmem>> -> memref<1x88x128xf32, #tpu.memory_space<vmem>>
      %dma_wait3A_297 = tpu.memref_squeeze %dma_wait3A_296 : memref<1x88x128xf32, #tpu.memory_space<vmem>> -> memref<88x128xf32, #tpu.memory_space<vmem>>
      %dma_wait3A_298 = arith.constant 0 : i32
      %dma_wait3A_299 = tpu.memref_slice %arg8[%rem3A_293, %dma_wait3A_298] : memref<5x88xi32, #tpu.memory_space<vmem>> -> memref<1x88xi32, #tpu.memory_space<vmem>>
      %dma_wait3A_300 = tpu.memref_squeeze %dma_wait3A_299 : memref<1x88xi32, #tpu.memory_space<vmem>> -> memref<88xi32, #tpu.memory_space<vmem>>
      %dma_wait3A_301 = arith.constant 0 : i32
      %dma_wait3A_302 = arith.constant 0 : i32
      %dma_wait3A_303 = tpu.memref_slice %arg2[%dma_wait3A_301, %dma_wait3A_302] : memref<10000x128xf32, #tpu.memory_space<hbm>> -> memref<10000x128xf32, #tpu.memory_space<hbm>>
      tpu.wait_indirect_dma semaphore(%arg12 : memref<!tpu.dma_semaphore, #tpu.memory_space<semaphore_mem>>) src(%dma_wait3A_303 : memref<10000x128xf32, #tpu.memory_space<hbm>>) dst(%dma_wait3A_297 : memref<88x128xf32, #tpu.memory_space<vmem>>)
      %dma_start3A_304 = arith.constant 0 : i32
      %dma_start3A_305 = arith.constant 0 : i32
      %dma_start3A_306 = tpu.memref_slice %arg10[%rem3A_291, %dma_start3A_304, %dma_start3A_305] : memref<4x88x128xf32, #tpu.memory_space<vmem>> -> memref<1x88x128xf32, #tpu.memory_space<vmem>>
      %dma_start3A_307 = tpu.memref_squeeze %dma_start3A_306 : memref<1x88x128xf32, #tpu.memory_space<vmem>> -> memref<88x128xf32, #tpu.memory_space<vmem>>
      %dma_start3A_308 = arith.constant 0 : i32
      %dma_start3A_309 = tpu.memref_slice %arg9[%rem3A_293, %dma_start3A_308] : memref<5x88xi32, #tpu.memory_space<vmem>> -> memref<1x88xi32, #tpu.memory_space<vmem>>
      %dma_start3A_310 = tpu.memref_squeeze %dma_start3A_309 : memref<1x88xi32, #tpu.memory_space<vmem>> -> memref<88xi32, #tpu.memory_space<vmem>>
      %dma_start3A_311 = arith.constant 0 : i32
      %dma_start3A_312 = arith.constant 0 : i32
      %dma_start3A_313 = tpu.memref_slice %arg11[%dma_start3A_311, %dma_start3A_312] : memref<10016x128xf32, #tpu.memory_space<vmem_shared>> -> memref<10016x128xf32, #tpu.memory_space<vmem_shared>>
      tpu.enqueue_indirect_dma source(%dma_start3A_307 : memref<88x128xf32, #tpu.memory_space<vmem>>) target(%dma_start3A_313 : memref<10016x128xf32, #tpu.memory_space<vmem_shared>>) offsets(%dma_start3A_310 : memref<88xi32, #tpu.memory_space<vmem>>) semaphore(%arg13 : memref<!tpu.dma_semaphore, #tpu.memory_space<semaphore_mem>>) {add = true}
      %ge3A = arith.constant 1 : i32
      %ge3A_314 = arith.cmpi sge, %scan3A_289, %ge3A : i32
      %convert_element_type3A_315 = arith.extui %ge3A_314 : i1 to i32
      %cond3A_316 = arith.constant 0 : i32
      %cond3A_317 = arith.cmpi ne, %convert_element_type3A_315, %cond3A_316 : i32
      scf.if %cond3A_317 {
        %add3A_331 = arith.constant 5 : i32
        %add3A_332 = arith.addi %scan3A_289, %add3A_331 : i32
        %sub3A_333 = arith.constant 1 : i32
        %sub3A_334 = arith.subi %add3A_332, %sub3A_333 : i32
        %rem3A_335 = arith.constant 5 : i32
        %rem3A_336 = arith.remsi %sub3A_334, %rem3A_335 : i32
        %add3A_337 = arith.constant 4 : i32
        %add3A_338 = arith.addi %scan3A_289, %add3A_337 : i32
        %sub3A_339 = arith.constant 1 : i32
        %sub3A_340 = arith.subi %add3A_338, %sub3A_339 : i32
        %rem3A_341 = arith.constant 4 : i32
        %rem3A_342 = arith.remsi %sub3A_340, %rem3A_341 : i32
        %dma_wait3A_343 = arith.constant 0 : i32
        %dma_wait3A_344 = arith.constant 0 : i32
        %dma_wait3A_345 = tpu.memref_slice %arg10[%rem3A_342, %dma_wait3A_343, %dma_wait3A_344] : memref<4x88x128xf32, #tpu.memory_space<vmem>> -> memref<1x88x128xf32, #tpu.memory_space<vmem>>
        %dma_wait3A_346 = tpu.memref_squeeze %dma_wait3A_345 : memref<1x88x128xf32, #tpu.memory_space<vmem>> -> memref<88x128xf32, #tpu.memory_space<vmem>>
        %dma_wait3A_347 = arith.constant 0 : i32
        %dma_wait3A_348 = tpu.memref_slice %arg9[%rem3A_336, %dma_wait3A_347] : memref<5x88xi32, #tpu.memory_space<vmem>> -> memref<1x88xi32, #tpu.memory_space<vmem>>
        %dma_wait3A_349 = tpu.memref_squeeze %dma_wait3A_348 : memref<1x88xi32, #tpu.memory_space<vmem>> -> memref<88xi32, #tpu.memory_space<vmem>>
        %dma_wait3A_350 = arith.constant 0 : i32
        %dma_wait3A_351 = arith.constant 0 : i32
        %dma_wait3A_352 = tpu.memref_slice %arg11[%dma_wait3A_350, %dma_wait3A_351] : memref<10016x128xf32, #tpu.memory_space<vmem_shared>> -> memref<10016x128xf32, #tpu.memory_space<vmem_shared>>
        tpu.wait_indirect_dma semaphore(%arg13 : memref<!tpu.dma_semaphore, #tpu.memory_space<semaphore_mem>>) src(%dma_wait3A_346 : memref<88x128xf32, #tpu.memory_space<vmem>>) dst(%dma_wait3A_352 : memref<10016x128xf32, #tpu.memory_space<vmem_shared>>)
      } else {
      }
      %add3A = arith.constant 5 : i32
      %add3A_318 = arith.addi %scan3A_289, %add3A : i32
      %sub3A = arith.constant 1 : i32
      %sub3A_319 = arith.subi %add3A_318, %sub3A : i32
      %le3A = arith.constant 113 : i32
      %le3A_320 = arith.cmpi sle, %sub3A_319, %le3A : i32
      %convert_element_type3A_321 = arith.extui %le3A_320 : i1 to i32
      %cond3A_322 = arith.constant 0 : i32
      %cond3A_323 = arith.cmpi ne, %convert_element_type3A_321, %cond3A_322 : i32
      scf.if %cond3A_323 {
        %add3A_331 = arith.constant 5 : i32
        %add3A_332 = arith.addi %scan3A_289, %add3A_331 : i32
        %sub3A_333 = arith.constant 1 : i32
        %sub3A_334 = arith.subi %add3A_332, %sub3A_333 : i32
        %add3A_335 = arith.constant 5 : i32
        %add3A_336 = arith.addi %scan3A_289, %add3A_335 : i32
        %sub3A_337 = arith.constant 1 : i32
        %sub3A_338 = arith.subi %add3A_336, %sub3A_337 : i32
        %rem3A_339 = arith.constant 5 : i32
        %rem3A_340 = arith.remsi %sub3A_338, %rem3A_339 : i32
        %dma_start3A_341 = arith.constant 0 : i32
        %dma_start3A_342 = tpu.memref_slice %arg8[%rem3A_340, %dma_start3A_341] : memref<5x88xi32, #tpu.memory_space<vmem>> -> memref<1x88xi32, #tpu.memory_space<vmem>>
        %dma_start3A_343 = tpu.memref_squeeze %dma_start3A_342 : memref<1x88xi32, #tpu.memory_space<vmem>> -> memref<88xi32, #tpu.memory_space<vmem>>
        %dma_start3A_344 = arith.constant 0 : i32
        %dma_start3A_345 = tpu.memref_slice %arg4[%arg1, %sub3A_334, %dma_start3A_344] : memref<16x114x88xi32, #tpu.memory_space<hbm>> -> memref<1x1x88xi32, #tpu.memory_space<hbm>>
        %dma_start3A_346 = tpu.memref_squeeze %dma_start3A_345 : memref<1x1x88xi32, #tpu.memory_space<hbm>> -> memref<88xi32, #tpu.memory_space<hbm>>
        %dma_start3A_347 = arith.constant 0 : i32
        %dma_start3A_348 = tpu.memref_slice %arg8[%rem3A_340, %dma_start3A_347] : memref<5x88xi32, #tpu.memory_space<vmem>> -> memref<1x88xi32, #tpu.memory_space<vmem>>
        %dma_start3A_349 = tpu.memref_squeeze %dma_start3A_348 : memref<1x88xi32, #tpu.memory_space<vmem>> -> memref<88xi32, #tpu.memory_space<vmem>>
        %dma_start3A_350 = arith.constant 0 : i32
        %dma_start3A_351 = tpu.memref_slice %arg4[%arg1, %sub3A_334, %dma_start3A_350] : memref<16x114x88xi32, #tpu.memory_space<hbm>> -> memref<1x1x88xi32, #tpu.memory_space<hbm>>
        %dma_start3A_352 = tpu.memref_squeeze %dma_start3A_351 : memref<1x1x88xi32, #tpu.memory_space<hbm>> -> memref<88xi32, #tpu.memory_space<hbm>>
        tpu.enqueue_dma source(%dma_start3A_352 : memref<88xi32, #tpu.memory_space<hbm>>) target(%dma_start3A_349 : memref<88xi32, #tpu.memory_space<vmem>>) target_semaphore(%arg14 : memref<!tpu.dma_semaphore, #tpu.memory_space<semaphore_mem>>)
        %dma_start3A_353 = arith.constant 0 : i32
        %dma_start3A_354 = tpu.memref_slice %arg9[%rem3A_340, %dma_start3A_353] : memref<5x88xi32, #tpu.memory_space<vmem>> -> memref<1x88xi32, #tpu.memory_space<vmem>>
        %dma_start3A_355 = tpu.memref_squeeze %dma_start3A_354 : memref<1x88xi32, #tpu.memory_space<vmem>> -> memref<88xi32, #tpu.memory_space<vmem>>
        %dma_start3A_356 = arith.constant 0 : i32
        %dma_start3A_357 = tpu.memref_slice %arg5[%arg1, %sub3A_334, %dma_start3A_356] : memref<16x114x88xi32, #tpu.memory_space<hbm>> -> memref<1x1x88xi32, #tpu.memory_space<hbm>>
        %dma_start3A_358 = tpu.memref_squeeze %dma_start3A_357 : memref<1x1x88xi32, #tpu.memory_space<hbm>> -> memref<88xi32, #tpu.memory_space<hbm>>
        %dma_start3A_359 = arith.constant 0 : i32
        %dma_start3A_360 = tpu.memref_slice %arg9[%rem3A_340, %dma_start3A_359] : memref<5x88xi32, #tpu.memory_space<vmem>> -> memref<1x88xi32, #tpu.memory_space<vmem>>
        %dma_start3A_361 = tpu.memref_squeeze %dma_start3A_360 : memref<1x88xi32, #tpu.memory_space<vmem>> -> memref<88xi32, #tpu.memory_space<vmem>>
        %dma_start3A_362 = arith.constant 0 : i32
        %dma_start3A_363 = tpu.memref_slice %arg5[%arg1, %sub3A_334, %dma_start3A_362] : memref<16x114x88xi32, #tpu.memory_space<hbm>> -> memref<1x1x88xi32, #tpu.memory_space<hbm>>
        %dma_start3A_364 = tpu.memref_squeeze %dma_start3A_363 : memref<1x1x88xi32, #tpu.memory_space<hbm>> -> memref<88xi32, #tpu.memory_space<hbm>>
        tpu.enqueue_dma source(%dma_start3A_364 : memref<88xi32, #tpu.memory_space<hbm>>) target(%dma_start3A_361 : memref<88xi32, #tpu.memory_space<vmem>>) target_semaphore(%arg14 : memref<!tpu.dma_semaphore, #tpu.memory_space<semaphore_mem>>)
      } else {
      }
      %add3A_324 = arith.constant 3 : i32
      %add3A_325 = arith.addi %scan3A_289, %add3A_324 : i32
      %le3A_326 = arith.constant 113 : i32
      %le3A_327 = arith.cmpi sle, %add3A_325, %le3A_326 : i32
      %convert_element_type3A_328 = arith.extui %le3A_327 : i1 to i32
      %cond3A_329 = arith.constant 0 : i32
      %cond3A_330 = arith.cmpi ne, %convert_element_type3A_328, %cond3A_329 : i32
      scf.if %cond3A_330 {
        %add3A_331 = arith.constant 3 : i32
        %add3A_332 = arith.addi %scan3A_289, %add3A_331 : i32
        %rem3A_333 = arith.constant 5 : i32
        %rem3A_334 = arith.remsi %add3A_332, %rem3A_333 : i32
        %add3A_335 = arith.constant 3 : i32
        %add3A_336 = arith.addi %scan3A_289, %add3A_335 : i32
        %dma_wait3A_337 = arith.constant 0 : i32
        %dma_wait3A_338 = tpu.memref_slice %arg8[%rem3A_334, %dma_wait3A_337] : memref<5x88xi32, #tpu.memory_space<vmem>> -> memref<1x88xi32, #tpu.memory_space<vmem>>
        %dma_wait3A_339 = tpu.memref_squeeze %dma_wait3A_338 : memref<1x88xi32, #tpu.memory_space<vmem>> -> memref<88xi32, #tpu.memory_space<vmem>>
        %dma_wait3A_340 = arith.constant 0 : i32
        %dma_wait3A_341 = tpu.memref_slice %arg4[%arg1, %add3A_336, %dma_wait3A_340] : memref<16x114x88xi32, #tpu.memory_space<hbm>> -> memref<1x1x88xi32, #tpu.memory_space<hbm>>
        %dma_wait3A_342 = tpu.memref_squeeze %dma_wait3A_341 : memref<1x1x88xi32, #tpu.memory_space<hbm>> -> memref<88xi32, #tpu.memory_space<hbm>>
        %dma_wait3A_343 = arith.constant 0 : i32
        %dma_wait3A_344 = tpu.memref_slice %arg8[%rem3A_334, %dma_wait3A_343] : memref<5x88xi32, #tpu.memory_space<vmem>> -> memref<1x88xi32, #tpu.memory_space<vmem>>
        %dma_wait3A_345 = tpu.memref_squeeze %dma_wait3A_344 : memref<1x88xi32, #tpu.memory_space<vmem>> -> memref<88xi32, #tpu.memory_space<vmem>>
        %dma_wait3A_346 = arith.constant 0 : i32
        %dma_wait3A_347 = tpu.memref_slice %arg4[%arg1, %add3A_336, %dma_wait3A_346] : memref<16x114x88xi32, #tpu.memory_space<hbm>> -> memref<1x1x88xi32, #tpu.memory_space<hbm>>
        %dma_wait3A_348 = tpu.memref_squeeze %dma_wait3A_347 : memref<1x1x88xi32, #tpu.memory_space<hbm>> -> memref<88xi32, #tpu.memory_space<hbm>>
        tpu.wait_dma2 semaphore(%arg14 : memref<!tpu.dma_semaphore, #tpu.memory_space<semaphore_mem>>) src(%dma_wait3A_348 : memref<88xi32, #tpu.memory_space<hbm>>) dst(%dma_wait3A_345 : memref<88xi32, #tpu.memory_space<vmem>>)
        %dma_wait3A_349 = arith.constant 0 : i32
        %dma_wait3A_350 = tpu.memref_slice %arg9[%rem3A_334, %dma_wait3A_349] : memref<5x88xi32, #tpu.memory_space<vmem>> -> memref<1x88xi32, #tpu.memory_space<vmem>>
        %dma_wait3A_351 = tpu.memref_squeeze %dma_wait3A_350 : memref<1x88xi32, #tpu.memory_space<vmem>> -> memref<88xi32, #tpu.memory_space<vmem>>
        %dma_wait3A_352 = arith.constant 0 : i32
        %dma_wait3A_353 = tpu.memref_slice %arg5[%arg1, %add3A_336, %dma_wait3A_352] : memref<16x114x88xi32, #tpu.memory_space<hbm>> -> memref<1x1x88xi32, #tpu.memory_space<hbm>>
        %dma_wait3A_354 = tpu.memref_squeeze %dma_wait3A_353 : memref<1x1x88xi32, #tpu.memory_space<hbm>> -> memref<88xi32, #tpu.memory_space<hbm>>
        %dma_wait3A_355 = arith.constant 0 : i32
        %dma_wait3A_356 = tpu.memref_slice %arg9[%rem3A_334, %dma_wait3A_355] : memref<5x88xi32, #tpu.memory_space<vmem>> -> memref<1x88xi32, #tpu.memory_space<vmem>>
        %dma_wait3A_357 = tpu.memref_squeeze %dma_wait3A_356 : memref<1x88xi32, #tpu.memory_space<vmem>> -> memref<88xi32, #tpu.memory_space<vmem>>
        %dma_wait3A_358 = arith.constant 0 : i32
        %dma_wait3A_359 = tpu.memref_slice %arg5[%arg1, %add3A_336, %dma_wait3A_358] : memref<16x114x88xi32, #tpu.memory_space<hbm>> -> memref<1x1x88xi32, #tpu.memory_space<hbm>>
        %dma_wait3A_360 = tpu.memref_squeeze %dma_wait3A_359 : memref<1x1x88xi32, #tpu.memory_space<hbm>> -> memref<88xi32, #tpu.memory_space<hbm>>
        tpu.wait_dma2 semaphore(%arg14 : memref<!tpu.dma_semaphore, #tpu.memory_space<semaphore_mem>>) src(%dma_wait3A_360 : memref<88xi32, #tpu.memory_space<hbm>>) dst(%dma_wait3A_357 : memref<88xi32, #tpu.memory_space<vmem>>)
        %add3A_361 = arith.constant 3 : i32
        %add3A_362 = arith.addi %scan3A_289, %add3A_361 : i32
        %rem3A_363 = arith.constant 4 : i32
        %rem3A_364 = arith.remsi %add3A_362, %rem3A_363 : i32
        %eq3A_365 = arith.constant 0 : i32
        %eq3A_366 = arith.cmpi eq, %arg0, %eq3A_365 : i32
        %convert_element_type3A_367 = arith.extui %eq3A_366 : i1 to i32
        %cond3A_368 = arith.constant 0 : i32
        %cond3A_369 = arith.cmpi ne, %convert_element_type3A_367, %cond3A_368 : i32
        scf.if %cond3A_369 {
          %dma_start3A_375 = arith.constant 0 : i32
          %dma_start3A_376 = arith.constant 0 : i32
          %dma_start3A_377 = tpu.memref_slice %arg10[%rem3A_364, %dma_start3A_375, %dma_start3A_376] : memref<4x88x128xf32, #tpu.memory_space<vmem>> -> memref<1x88x128xf32, #tpu.memory_space<vmem>>
          %dma_start3A_378 = tpu.memref_squeeze %dma_start3A_377 : memref<1x88x128xf32, #tpu.memory_space<vmem>> -> memref<88x128xf32, #tpu.memory_space<vmem>>
          %dma_start3A_379 = arith.constant 0 : i32
          %dma_start3A_380 = tpu.memref_slice %arg8[%rem3A_334, %dma_start3A_379] : memref<5x88xi32, #tpu.memory_space<vmem>> -> memref<1x88xi32, #tpu.memory_space<vmem>>
          %dma_start3A_381 = tpu.memref_squeeze %dma_start3A_380 : memref<1x88xi32, #tpu.memory_space<vmem>> -> memref<88xi32, #tpu.memory_space<vmem>>
          %dma_start3A_382 = arith.constant 0 : i32
          %dma_start3A_383 = arith.constant 0 : i32
          %dma_start3A_384 = tpu.memref_slice %arg2[%dma_start3A_382, %dma_start3A_383] : memref<10000x128xf32, #tpu.memory_space<hbm>> -> memref<10000x128xf32, #tpu.memory_space<hbm>>
          tpu.enqueue_indirect_dma source(%dma_start3A_384 : memref<10000x128xf32, #tpu.memory_space<hbm>>) target(%dma_start3A_378 : memref<88x128xf32, #tpu.memory_space<vmem>>) offsets(%dma_start3A_381 : memref<88xi32, #tpu.memory_space<vmem>>) semaphore(%arg12 : memref<!tpu.dma_semaphore, #tpu.memory_space<semaphore_mem>>)
        } else {
        }
        %eq3A_370 = arith.constant 1 : i32
        %eq3A_371 = arith.cmpi eq, %arg0, %eq3A_370 : i32
        %convert_element_type3A_372 = arith.extui %eq3A_371 : i1 to i32
        %cond3A_373 = arith.constant 0 : i32
        %cond3A_374 = arith.cmpi ne, %convert_element_type3A_372, %cond3A_373 : i32
        scf.if %cond3A_374 {
          %dma_start3A_375 = arith.constant 0 : i32
          %dma_start3A_376 = arith.constant 0 : i32
          %dma_start3A_377 = tpu.memref_slice %arg10[%rem3A_364, %dma_start3A_375, %dma_start3A_376] : memref<4x88x128xf32, #tpu.memory_space<vmem>> -> memref<1x88x128xf32, #tpu.memory_space<vmem>>
          %dma_start3A_378 = tpu.memref_squeeze %dma_start3A_377 : memref<1x88x128xf32, #tpu.memory_space<vmem>> -> memref<88x128xf32, #tpu.memory_space<vmem>>
          %dma_start3A_379 = arith.constant 0 : i32
          %dma_start3A_380 = tpu.memref_slice %arg8[%rem3A_334, %dma_start3A_379] : memref<5x88xi32, #tpu.memory_space<vmem>> -> memref<1x88xi32, #tpu.memory_space<vmem>>
          %dma_start3A_381 = tpu.memref_squeeze %dma_start3A_380 : memref<1x88xi32, #tpu.memory_space<vmem>> -> memref<88xi32, #tpu.memory_space<vmem>>
          %dma_start3A_382 = arith.constant 0 : i32
          %dma_start3A_383 = arith.constant 0 : i32
          %dma_start3A_384 = tpu.memref_slice %arg3[%dma_start3A_382, %dma_start3A_383] : memref<10000x128xf32, #tpu.memory_space<hbm>> -> memref<10000x128xf32, #tpu.memory_space<hbm>>
          tpu.enqueue_indirect_dma source(%dma_start3A_384 : memref<10000x128xf32, #tpu.memory_space<hbm>>) target(%dma_start3A_378 : memref<88x128xf32, #tpu.memory_space<vmem>>) offsets(%dma_start3A_381 : memref<88xi32, #tpu.memory_space<vmem>>) semaphore(%arg12 : memref<!tpu.dma_semaphore, #tpu.memory_space<semaphore_mem>>)
        } else {
        }
      } else {
      }
    }
    %scan3A_241 = arith.constant 114 : i32
    %rem3A = arith.constant 113 : i32
    %rem3A_242 = arith.constant 5 : i32
    %rem3A_243 = arith.remsi %rem3A, %rem3A_242 : i32
    %rem3A_244 = arith.constant 113 : i32
    %rem3A_245 = arith.constant 4 : i32
    %rem3A_246 = arith.remsi %rem3A_244, %rem3A_245 : i32
    %dma_wait3A_247 = arith.constant 0 : i32
    %dma_wait3A_248 = arith.constant 0 : i32
    %dma_wait3A_249 = tpu.memref_slice %arg10[%rem3A_246, %dma_wait3A_247, %dma_wait3A_248] : memref<4x88x128xf32, #tpu.memory_space<vmem>> -> memref<1x88x128xf32, #tpu.memory_space<vmem>>
    %dma_wait3A_250 = tpu.memref_squeeze %dma_wait3A_249 : memref<1x88x128xf32, #tpu.memory_space<vmem>> -> memref<88x128xf32, #tpu.memory_space<vmem>>
    %dma_wait3A_251 = arith.constant 0 : i32
    %dma_wait3A_252 = tpu.memref_slice %arg9[%rem3A_243, %dma_wait3A_251] : memref<5x88xi32, #tpu.memory_space<vmem>> -> memref<1x88xi32, #tpu.memory_space<vmem>>
    %dma_wait3A_253 = tpu.memref_squeeze %dma_wait3A_252 : memref<1x88xi32, #tpu.memory_space<vmem>> -> memref<88xi32, #tpu.memory_space<vmem>>
    %dma_wait3A_254 = arith.constant 0 : i32
    %dma_wait3A_255 = arith.constant 0 : i32
    %dma_wait3A_256 = tpu.memref_slice %arg11[%dma_wait3A_254, %dma_wait3A_255] : memref<10016x128xf32, #tpu.memory_space<vmem_shared>> -> memref<10016x128xf32, #tpu.memory_space<vmem_shared>>
    tpu.wait_indirect_dma semaphore(%arg13 : memref<!tpu.dma_semaphore, #tpu.memory_space<semaphore_mem>>) src(%dma_wait3A_250 : memref<88x128xf32, #tpu.memory_space<vmem>>) dst(%dma_wait3A_256 : memref<10016x128xf32, #tpu.memory_space<vmem_shared>>)
    %barrier3A_257 = arith.constant 0 : index
    tpu.barrier barrier_id(%barrier3A_257)
    %eq3A_258 = arith.constant 0 : i32
    %eq3A_259 = arith.cmpi eq, %arg0, %eq3A_258 : i32
    %lt3A_260 = arith.constant 15 : i32
    %lt3A_261 = arith.cmpi slt, %arg1, %lt3A_260 : i32
    %and3A = arith.andi %eq3A_259, %lt3A_261 : i1
    %convert_element_type3A_262 = arith.extui %and3A : i1 to i32
    %cond3A_263 = arith.constant 0 : i32
    %cond3A_264 = arith.cmpi ne, %convert_element_type3A_262, %cond3A_263 : i32
    scf.if %cond3A_264 {
      "tpu.region"() ({
        %run_scoped3A = tpu.sem_alloc : memref<!tpu.dma_semaphore, #tpu.memory_space<semaphore_mem>>
        %dma_start3A_289 = arith.constant 0 : i32
        %dma_start3A_290 = tpu.memref_slice %arg6[%mul3A_0, %dma_start3A_289] : memref<10000x128xf32, #tpu.memory_space<hbm>> -> memref<624x128xf32, #tpu.memory_space<hbm>>
        %dma_start3A_291 = arith.constant 0 : i32
        %dma_start3A_292 = tpu.memref_slice %arg11[%mul3A_0, %dma_start3A_291] : memref<10016x128xf32, #tpu.memory_space<vmem_shared>> -> memref<624x128xf32, #tpu.memory_space<vmem_shared>>
        tpu.enqueue_dma source(%dma_start3A_292 : memref<624x128xf32, #tpu.memory_space<vmem_shared>>) target(%dma_start3A_290 : memref<624x128xf32, #tpu.memory_space<hbm>>) target_semaphore(%run_scoped3A : memref<!tpu.dma_semaphore, #tpu.memory_space<semaphore_mem>>)
        %dma_wait3A_293 = arith.constant 0 : i32
        %dma_wait3A_294 = tpu.memref_slice %arg6[%mul3A_0, %dma_wait3A_293] : memref<10000x128xf32, #tpu.memory_space<hbm>> -> memref<624x128xf32, #tpu.memory_space<hbm>>
        %dma_wait3A_295 = arith.constant 0 : i32
        %dma_wait3A_296 = tpu.memref_slice %arg11[%mul3A_0, %dma_wait3A_295] : memref<10016x128xf32, #tpu.memory_space<vmem_shared>> -> memref<624x128xf32, #tpu.memory_space<vmem_shared>>
        tpu.wait_dma2 semaphore(%run_scoped3A : memref<!tpu.dma_semaphore, #tpu.memory_space<semaphore_mem>>) src(%dma_wait3A_296 : memref<624x128xf32, #tpu.memory_space<vmem_shared>>) dst(%dma_wait3A_294 : memref<624x128xf32, #tpu.memory_space<hbm>>)
        tpu.yield
      }) : () -> ()
    } else {
    }
    %eq3A_265 = arith.constant 0 : i32
    %eq3A_266 = arith.cmpi eq, %arg0, %eq3A_265 : i32
    %eq3A_267 = arith.constant 15 : i32
    %eq3A_268 = arith.cmpi eq, %arg1, %eq3A_267 : i32
    %and3A_269 = arith.andi %eq3A_266, %eq3A_268 : i1
    %convert_element_type3A_270 = arith.extui %and3A_269 : i1 to i32
    %cond3A_271 = arith.constant 0 : i32
    %cond3A_272 = arith.cmpi ne, %convert_element_type3A_270, %cond3A_271 : i32
    scf.if %cond3A_272 {
      "tpu.region"() ({
        %run_scoped3A = tpu.sem_alloc : memref<!tpu.dma_semaphore, #tpu.memory_space<semaphore_mem>>
        %dma_start3A_289 = arith.constant 0 : i32
        %dma_start3A_290 = tpu.memref_slice %arg6[%mul3A_0, %dma_start3A_289] : memref<10000x128xf32, #tpu.memory_space<hbm>> -> memref<640x128xf32, #tpu.memory_space<hbm>>
        %dma_start3A_291 = arith.constant 0 : i32
        %dma_start3A_292 = tpu.memref_slice %arg11[%mul3A_0, %dma_start3A_291] : memref<10016x128xf32, #tpu.memory_space<vmem_shared>> -> memref<640x128xf32, #tpu.memory_space<vmem_shared>>
        tpu.enqueue_dma source(%dma_start3A_292 : memref<640x128xf32, #tpu.memory_space<vmem_shared>>) target(%dma_start3A_290 : memref<640x128xf32, #tpu.memory_space<hbm>>) target_semaphore(%run_scoped3A : memref<!tpu.dma_semaphore, #tpu.memory_space<semaphore_mem>>)
        %dma_wait3A_293 = arith.constant 0 : i32
        %dma_wait3A_294 = tpu.memref_slice %arg6[%mul3A_0, %dma_wait3A_293] : memref<10000x128xf32, #tpu.memory_space<hbm>> -> memref<640x128xf32, #tpu.memory_space<hbm>>
        %dma_wait3A_295 = arith.constant 0 : i32
        %dma_wait3A_296 = tpu.memref_slice %arg11[%mul3A_0, %dma_wait3A_295] : memref<10016x128xf32, #tpu.memory_space<vmem_shared>> -> memref<640x128xf32, #tpu.memory_space<vmem_shared>>
        tpu.wait_dma2 semaphore(%run_scoped3A : memref<!tpu.dma_semaphore, #tpu.memory_space<semaphore_mem>>) src(%dma_wait3A_296 : memref<640x128xf32, #tpu.memory_space<vmem_shared>>) dst(%dma_wait3A_294 : memref<640x128xf32, #tpu.memory_space<hbm>>)
        tpu.yield
      }) : () -> ()
    } else {
    }
    %eq3A_273 = arith.constant 1 : i32
    %eq3A_274 = arith.cmpi eq, %arg0, %eq3A_273 : i32
    %lt3A_275 = arith.constant 15 : i32
    %lt3A_276 = arith.cmpi slt, %arg1, %lt3A_275 : i32
    %and3A_277 = arith.andi %eq3A_274, %lt3A_276 : i1
    %convert_element_type3A_278 = arith.extui %and3A_277 : i1 to i32
    %cond3A_279 = arith.constant 0 : i32
    %cond3A_280 = arith.cmpi ne, %convert_element_type3A_278, %cond3A_279 : i32
    scf.if %cond3A_280 {
      "tpu.region"() ({
        %run_scoped3A = tpu.sem_alloc : memref<!tpu.dma_semaphore, #tpu.memory_space<semaphore_mem>>
        %dma_start3A_289 = arith.constant 0 : i32
        %dma_start3A_290 = tpu.memref_slice %arg7[%mul3A_0, %dma_start3A_289] : memref<10000x128xf32, #tpu.memory_space<hbm>> -> memref<624x128xf32, #tpu.memory_space<hbm>>
        %dma_start3A_291 = arith.constant 0 : i32
        %dma_start3A_292 = tpu.memref_slice %arg11[%mul3A_0, %dma_start3A_291] : memref<10016x128xf32, #tpu.memory_space<vmem_shared>> -> memref<624x128xf32, #tpu.memory_space<vmem_shared>>
        tpu.enqueue_dma source(%dma_start3A_292 : memref<624x128xf32, #tpu.memory_space<vmem_shared>>) target(%dma_start3A_290 : memref<624x128xf32, #tpu.memory_space<hbm>>) target_semaphore(%run_scoped3A : memref<!tpu.dma_semaphore, #tpu.memory_space<semaphore_mem>>)
        %dma_wait3A_293 = arith.constant 0 : i32
        %dma_wait3A_294 = tpu.memref_slice %arg7[%mul3A_0, %dma_wait3A_293] : memref<10000x128xf32, #tpu.memory_space<hbm>> -> memref<624x128xf32, #tpu.memory_space<hbm>>
        %dma_wait3A_295 = arith.constant 0 : i32
        %dma_wait3A_296 = tpu.memref_slice %arg11[%mul3A_0, %dma_wait3A_295] : memref<10016x128xf32, #tpu.memory_space<vmem_shared>> -> memref<624x128xf32, #tpu.memory_space<vmem_shared>>
        tpu.wait_dma2 semaphore(%run_scoped3A : memref<!tpu.dma_semaphore, #tpu.memory_space<semaphore_mem>>) src(%dma_wait3A_296 : memref<624x128xf32, #tpu.memory_space<vmem_shared>>) dst(%dma_wait3A_294 : memref<624x128xf32, #tpu.memory_space<hbm>>)
        tpu.yield
      }) : () -> ()
    } else {
    }
    %eq3A_281 = arith.constant 1 : i32
    %eq3A_282 = arith.cmpi eq, %arg0, %eq3A_281 : i32
    %eq3A_283 = arith.constant 15 : i32
    %eq3A_284 = arith.cmpi eq, %arg1, %eq3A_283 : i32
    %and3A_285 = arith.andi %eq3A_282, %eq3A_284 : i1
    %convert_element_type3A_286 = arith.extui %and3A_285 : i1 to i32
    %cond3A_287 = arith.constant 0 : i32
    %cond3A_288 = arith.cmpi ne, %convert_element_type3A_286, %cond3A_287 : i32
    scf.if %cond3A_288 {
      "tpu.region"() ({
        %run_scoped3A = tpu.sem_alloc : memref<!tpu.dma_semaphore, #tpu.memory_space<semaphore_mem>>
        %dma_start3A_289 = arith.constant 0 : i32
        %dma_start3A_290 = tpu.memref_slice %arg7[%mul3A_0, %dma_start3A_289] : memref<10000x128xf32, #tpu.memory_space<hbm>> -> memref<640x128xf32, #tpu.memory_space<hbm>>
        %dma_start3A_291 = arith.constant 0 : i32
        %dma_start3A_292 = tpu.memref_slice %arg11[%mul3A_0, %dma_start3A_291] : memref<10016x128xf32, #tpu.memory_space<vmem_shared>> -> memref<640x128xf32, #tpu.memory_space<vmem_shared>>
        tpu.enqueue_dma source(%dma_start3A_292 : memref<640x128xf32, #tpu.memory_space<vmem_shared>>) target(%dma_start3A_290 : memref<640x128xf32, #tpu.memory_space<hbm>>) target_semaphore(%run_scoped3A : memref<!tpu.dma_semaphore, #tpu.memory_space<semaphore_mem>>)
        %dma_wait3A_293 = arith.constant 0 : i32
        %dma_wait3A_294 = tpu.memref_slice %arg7[%mul3A_0, %dma_wait3A_293] : memref<10000x128xf32, #tpu.memory_space<hbm>> -> memref<640x128xf32, #tpu.memory_space<hbm>>
        %dma_wait3A_295 = arith.constant 0 : i32
        %dma_wait3A_296 = tpu.memref_slice %arg11[%mul3A_0, %dma_wait3A_295] : memref<10016x128xf32, #tpu.memory_space<vmem_shared>> -> memref<640x128xf32, #tpu.memory_space<vmem_shared>>
        tpu.wait_dma2 semaphore(%run_scoped3A : memref<!tpu.dma_semaphore, #tpu.memory_space<semaphore_mem>>) src(%dma_wait3A_296 : memref<640x128xf32, #tpu.memory_space<vmem_shared>>) dst(%dma_wait3A_294 : memref<640x128xf32, #tpu.memory_space<hbm>>)
        tpu.yield
      }) : () -> ()
    } else {
    }
    return
  }
}

#map = affine_map<(d0, d1) -> (0, 0)>
#map1 = affine_map<(d0, d1) -> (0, 0, 0)>
module attributes {stable_mosaic.version = 14 : i64} {
  func.func @_sc_aggregate(%arg0: i32, %arg1: i32, %arg2: memref<10000x128xf32, #tpu.memory_space<hbm>>, %arg3: memref<10000x128xf32, #tpu.memory_space<hbm>>, %arg4: memref<16x114x88xi32, #tpu.memory_space<hbm>>, %arg5: memref<16x114x88xi32, #tpu.memory_space<hbm>>, %arg6: memref<10000x128xf32, #tpu.memory_space<hbm>>, %arg7: memref<10000x128xf32, #tpu.memory_space<hbm>>, %arg8: memref<5x88xi32, #tpu.memory_space<vmem>>, %arg9: memref<5x88xi32, #tpu.memory_space<vmem>>, %arg10: memref<4x88x128xf32, #tpu.memory_space<vmem>>, %arg11: memref<10016x128xf32, #tpu.memory_space<vmem_shared>>, %arg12: memref<!tpu.dma_semaphore, #tpu.memory_space<semaphore_mem>>, %arg13: memref<!tpu.dma_semaphore, #tpu.memory_space<semaphore_mem>>, %arg14: memref<!tpu.dma_semaphore, #tpu.memory_space<semaphore_mem>>) attributes {dimension_semantics = [#tpu.dimension_semantics<core_parallel>, #tpu.dimension_semantics<subcore_parallel>], iteration_bounds = array<i64: 2, 16>, scalar_prefetch = 0 : i64, scratch_operands = 7 : i64, tpu.core_type = #tpu.core_type<sc_vector_subcore>, window_params = [{transform_indices = #map}, {transform_indices = #map}, {transform_indices = #map1}, {transform_indices = #map1}, {transform_indices = #map}, {transform_indices = #map}]} {
    %mul3A = arith.constant 624 : i32
    %mul3A_0 = arith.muli %arg1, %mul3A : i32
    %scan3A = arith.constant 0 : i32
    %scan3A_1 = arith.constant 0 : i32
    %scan3A_2 = arith.constant 88 : i32
    %scan3A_3 = arith.addi %scan3A_1, %scan3A_2 : i32
    %scan3A_4 = arith.constant 1 : i32
    scf.for %scan3A_289 = %scan3A_1 to %scan3A_3 step %scan3A_4  : i32 {
      %broadcast_in_dim3A = arith.constant 0.000000e+00 : f32
      %broadcast_in_dim3A_290 = vector.broadcast %broadcast_in_dim3A : f32 to vector<16xf32>
      %swap3A = arith.constant 0 : i32
      %swap3A_291 = arith.index_cast %swap3A : i32 to index
      %swap3A_292 = arith.index_cast %scan3A_289 : i32 to index
      %swap3A_293 = arith.constant 0 : index
      %swap3A_294 = tpu.vector_load %arg10[%swap3A_291, %swap3A_292, %swap3A_293] {strides = array<i32>} : memref<4x88x128xf32, #tpu.memory_space<vmem>>, vector<1x1x16xf32>,
      %swap3A_295 = vector.shape_cast %swap3A_294 : vector<1x1x16xf32> to vector<16xf32>
      %swap3A_296 = vector.shape_cast %broadcast_in_dim3A_290 : vector<16xf32> to vector<1x1x16xf32>
      tpu.vector_store %arg10[%swap3A_291, %swap3A_292, %swap3A_293], %swap3A_296 {strides = array<i32>} : memref<4x88x128xf32, #tpu.memory_space<vmem>>, vector<1x1x16xf32>,
      %broadcast_in_dim3A_297 = arith.constant 0.000000e+00 : f32
      %broadcast_in_dim3A_298 = vector.broadcast %broadcast_in_dim3A_297 : f32 to vector<16xf32>
      %swap3A_299 = arith.constant 0 : i32
      %swap3A_300 = arith.index_cast %swap3A_299 : i32 to index
      %swap3A_301 = arith.index_cast %scan3A_289 : i32 to index
      %swap3A_302 = arith.constant 16 : index
      %swap3A_303 = tpu.vector_load %arg10[%swap3A_300, %swap3A_301, %swap3A_302] {strides = array<i32>} : memref<4x88x128xf32, #tpu.memory_space<vmem>>, vector<1x1x16xf32>,
      %swap3A_304 = vector.shape_cast %swap3A_303 : vector<1x1x16xf32> to vector<16xf32>
      %swap3A_305 = vector.shape_cast %broadcast_in_dim3A_298 : vector<16xf32> to vector<1x1x16xf32>
      tpu.vector_store %arg10[%swap3A_300, %swap3A_301, %swap3A_302], %swap3A_305 {strides = array<i32>} : memref<4x88x128xf32, #tpu.memory_space<vmem>>, vector<1x1x16xf32>,
      %broadcast_in_dim3A_306 = arith.constant 0.000000e+00 : f32
      %broadcast_in_dim3A_307 = vector.broadcast %broadcast_in_dim3A_306 : f32 to vector<16xf32>
      %swap3A_308 = arith.constant 0 : i32
      %swap3A_309 = arith.index_cast %swap3A_308 : i32 to index
      %swap3A_310 = arith.index_cast %scan3A_289 : i32 to index
      %swap3A_311 = arith.constant 32 : index
      %swap3A_312 = tpu.vector_load %arg10[%swap3A_309, %swap3A_310, %swap3A_311] {strides = array<i32>} : memref<4x88x128xf32, #tpu.memory_space<vmem>>, vector<1x1x16xf32>,
      %swap3A_313 = vector.shape_cast %swap3A_312 : vector<1x1x16xf32> to vector<16xf32>
      %swap3A_314 = vector.shape_cast %broadcast_in_dim3A_307 : vector<16xf32> to vector<1x1x16xf32>
      tpu.vector_store %arg10[%swap3A_309, %swap3A_310, %swap3A_311], %swap3A_314 {strides = array<i32>} : memref<4x88x128xf32, #tpu.memory_space<vmem>>, vector<1x1x16xf32>,
      %broadcast_in_dim3A_315 = arith.constant 0.000000e+00 : f32
      %broadcast_in_dim3A_316 = vector.broadcast %broadcast_in_dim3A_315 : f32 to vector<16xf32>
      %swap3A_317 = arith.constant 0 : i32
      %swap3A_318 = arith.index_cast %swap3A_317 : i32 to index
      %swap3A_319 = arith.index_cast %scan3A_289 : i32 to index
      %swap3A_320 = arith.constant 48 : index
      %swap3A_321 = tpu.vector_load %arg10[%swap3A_318, %swap3A_319, %swap3A_320] {strides = array<i32>} : memref<4x88x128xf32, #tpu.memory_space<vmem>>, vector<1x1x16xf32>,
      %swap3A_322 = vector.shape_cast %swap3A_321 : vector<1x1x16xf32> to vector<16xf32>
      %swap3A_323 = vector.shape_cast %broadcast_in_dim3A_316 : vector<16xf32> to vector<1x1x16xf32>
      tpu.vector_store %arg10[%swap3A_318, %swap3A_319, %swap3A_320], %swap3A_323 {strides = array<i32>} : memref<4x88x128xf32, #tpu.memory_space<vmem>>, vector<1x1x16xf32>,
      %broadcast_in_dim3A_324 = arith.constant 0.000000e+00 : f32
      %broadcast_in_dim3A_325 = vector.broadcast %broadcast_in_dim3A_324 : f32 to vector<16xf32>
      %swap3A_326 = arith.constant 0 : i32
      %swap3A_327 = arith.index_cast %swap3A_326 : i32 to index
      %swap3A_328 = arith.index_cast %scan3A_289 : i32 to index
      %swap3A_329 = arith.constant 64 : index
      %swap3A_330 = tpu.vector_load %arg10[%swap3A_327, %swap3A_328, %swap3A_329] {strides = array<i32>} : memref<4x88x128xf32, #tpu.memory_space<vmem>>, vector<1x1x16xf32>,
      %swap3A_331 = vector.shape_cast %swap3A_330 : vector<1x1x16xf32> to vector<16xf32>
      %swap3A_332 = vector.shape_cast %broadcast_in_dim3A_325 : vector<16xf32> to vector<1x1x16xf32>
      tpu.vector_store %arg10[%swap3A_327, %swap3A_328, %swap3A_329], %swap3A_332 {strides = array<i32>} : memref<4x88x128xf32, #tpu.memory_space<vmem>>, vector<1x1x16xf32>,
      %broadcast_in_dim3A_333 = arith.constant 0.000000e+00 : f32
      %broadcast_in_dim3A_334 = vector.broadcast %broadcast_in_dim3A_333 : f32 to vector<16xf32>
      %swap3A_335 = arith.constant 0 : i32
      %swap3A_336 = arith.index_cast %swap3A_335 : i32 to index
      %swap3A_337 = arith.index_cast %scan3A_289 : i32 to index
      %swap3A_338 = arith.constant 80 : index
      %swap3A_339 = tpu.vector_load %arg10[%swap3A_336, %swap3A_337, %swap3A_338] {strides = array<i32>} : memref<4x88x128xf32, #tpu.memory_space<vmem>>, vector<1x1x16xf32>,
      %swap3A_340 = vector.shape_cast %swap3A_339 : vector<1x1x16xf32> to vector<16xf32>
      %swap3A_341 = vector.shape_cast %broadcast_in_dim3A_334 : vector<16xf32> to vector<1x1x16xf32>
      tpu.vector_store %arg10[%swap3A_336, %swap3A_337, %swap3A_338], %swap3A_341 {strides = array<i32>} : memref<4x88x128xf32, #tpu.memory_space<vmem>>, vector<1x1x16xf32>,
      %broadcast_in_dim3A_342 = arith.constant 0.000000e+00 : f32
      %broadcast_in_dim3A_343 = vector.broadcast %broadcast_in_dim3A_342 : f32 to vector<16xf32>
      %swap3A_344 = arith.constant 0 : i32
      %swap3A_345 = arith.index_cast %swap3A_344 : i32 to index
      %swap3A_346 = arith.index_cast %scan3A_289 : i32 to index
      %swap3A_347 = arith.constant 96 : index
      %swap3A_348 = tpu.vector_load %arg10[%swap3A_345, %swap3A_346, %swap3A_347] {strides = array<i32>} : memref<4x88x128xf32, #tpu.memory_space<vmem>>, vector<1x1x16xf32>,
      %swap3A_349 = vector.shape_cast %swap3A_348 : vector<1x1x16xf32> to vector<16xf32>
      %swap3A_350 = vector.shape_cast %broadcast_in_dim3A_343 : vector<16xf32> to vector<1x1x16xf32>
      tpu.vector_store %arg10[%swap3A_345, %swap3A_346, %swap3A_347], %swap3A_350 {strides = array<i32>} : memref<4x88x128xf32, #tpu.memory_space<vmem>>, vector<1x1x16xf32>,
      %broadcast_in_dim3A_351 = arith.constant 0.000000e+00 : f32
      %broadcast_in_dim3A_352 = vector.broadcast %broadcast_in_dim3A_351 : f32 to vector<16xf32>
      %swap3A_353 = arith.constant 0 : i32
      %swap3A_354 = arith.index_cast %swap3A_353 : i32 to index
      %swap3A_355 = arith.index_cast %scan3A_289 : i32 to index
      %swap3A_356 = arith.constant 112 : index
      %swap3A_357 = tpu.vector_load %arg10[%swap3A_354, %swap3A_355, %swap3A_356] {strides = array<i32>} : memref<4x88x128xf32, #tpu.memory_space<vmem>>, vector<1x1x16xf32>,
      %swap3A_358 = vector.shape_cast %swap3A_357 : vector<1x1x16xf32> to vector<16xf32>
      %swap3A_359 = vector.shape_cast %broadcast_in_dim3A_352 : vector<16xf32> to vector<1x1x16xf32>
      tpu.vector_store %arg10[%swap3A_354, %swap3A_355, %swap3A_356], %swap3A_359 {strides = array<i32>} : memref<4x88x128xf32, #tpu.memory_space<vmem>>, vector<1x1x16xf32>,
    }
    %scan3A_5 = arith.constant 88 : i32
    %lt3A = arith.constant 15 : i32
    %lt3A_6 = arith.cmpi slt, %arg1, %lt3A : i32
    %convert_element_type3A = arith.extui %lt3A_6 : i1 to i32
    %cond3A = arith.constant 0 : i32
    %cond3A_7 = arith.cmpi ne, %convert_element_type3A, %cond3A : i32
    scf.if %cond3A_7 {
      %add3A = arith.constant 0 : i32
      %add3A_289 = arith.addi %mul3A_0, %add3A : i32
      %add3A_290 = arith.constant 88 : i32
      %add3A_291 = arith.addi %mul3A_0, %add3A_290 : i32
      %add3A_292 = arith.constant 176 : i32
      %add3A_293 = arith.addi %mul3A_0, %add3A_292 : i32
      %add3A_294 = arith.constant 264 : i32
      %add3A_295 = arith.addi %mul3A_0, %add3A_294 : i32
      %add3A_296 = arith.constant 352 : i32
      %add3A_297 = arith.addi %mul3A_0, %add3A_296 : i32
      %add3A_298 = arith.constant 440 : i32
      %add3A_299 = arith.addi %mul3A_0, %add3A_298 : i32
      %add3A_300 = arith.constant 528 : i32
      %add3A_301 = arith.addi %mul3A_0, %add3A_300 : i32
      %add3A_302 = arith.constant 616 : i32
      %add3A_303 = arith.addi %mul3A_0, %add3A_302 : i32
      %dma_start3A_304 = arith.constant 0 : i32
      %dma_start3A_305 = arith.constant 0 : i32
      %dma_start3A_306 = arith.constant 0 : i32
      %dma_start3A_307 = tpu.memref_slice %arg10[%dma_start3A_304, %dma_start3A_305, %dma_start3A_306] : memref<4x88x128xf32, #tpu.memory_space<vmem>> -> memref<1x88x128xf32, #tpu.memory_space<vmem>>
      %dma_start3A_308 = tpu.memref_squeeze %dma_start3A_307 : memref<1x88x128xf32, #tpu.memory_space<vmem>> -> memref<88x128xf32, #tpu.memory_space<vmem>>
      %dma_start3A_309 = arith.constant 0 : i32
      %dma_start3A_310 = tpu.memref_slice %arg11[%add3A_289, %dma_start3A_309] : memref<10016x128xf32, #tpu.memory_space<vmem_shared>> -> memref<88x128xf32, #tpu.memory_space<vmem_shared>>
      %dma_start3A_311 = arith.constant 0 : i32
      %dma_start3A_312 = tpu.memref_slice %arg11[%add3A_289, %dma_start3A_311] : memref<10016x128xf32, #tpu.memory_space<vmem_shared>> -> memref<88x128xf32, #tpu.memory_space<vmem_shared>>
      %dma_start3A_313 = arith.constant 0 : i32
      %dma_start3A_314 = arith.constant 0 : i32
      %dma_start3A_315 = tpu.memref_slice %arg10[%dma_start3A_304, %dma_start3A_313, %dma_start3A_314] : memref<4x88x128xf32, #tpu.memory_space<vmem>> -> memref<1x88x128xf32, #tpu.memory_space<vmem>>
      %dma_start3A_316 = tpu.memref_squeeze %dma_start3A_315 : memref<1x88x128xf32, #tpu.memory_space<vmem>> -> memref<88x128xf32, #tpu.memory_space<vmem>>
      tpu.enqueue_dma source(%dma_start3A_316 : memref<88x128xf32, #tpu.memory_space<vmem>>) target(%dma_start3A_312 : memref<88x128xf32, #tpu.memory_space<vmem_shared>>) target_semaphore(%arg13 : memref<!tpu.dma_semaphore, #tpu.memory_space<semaphore_mem>>)
      %dma_start3A_317 = arith.constant 0 : i32
      %dma_start3A_318 = arith.constant 0 : i32
      %dma_start3A_319 = arith.constant 0 : i32
      %dma_start3A_320 = tpu.memref_slice %arg10[%dma_start3A_317, %dma_start3A_318, %dma_start3A_319] : memref<4x88x128xf32, #tpu.memory_space<vmem>> -> memref<1x88x128xf32, #tpu.memory_space<vmem>>
      %dma_start3A_321 = tpu.memref_squeeze %dma_start3A_320 : memref<1x88x128xf32, #tpu.memory_space<vmem>> -> memref<88x128xf32, #tpu.memory_space<vmem>>
      %dma_start3A_322 = arith.constant 0 : i32
      %dma_start3A_323 = tpu.memref_slice %arg11[%add3A_291, %dma_start3A_322] : memref<10016x128xf32, #tpu.memory_space<vmem_shared>> -> memref<88x128xf32, #tpu.memory_space<vmem_shared>>
      %dma_start3A_324 = arith.constant 0 : i32
      %dma_start3A_325 = tpu.memref_slice %arg11[%add3A_291, %dma_start3A_324] : memref<10016x128xf32, #tpu.memory_space<vmem_shared>> -> memref<88x128xf32, #tpu.memory_space<vmem_shared>>
      %dma_start3A_326 = arith.constant 0 : i32
      %dma_start3A_327 = arith.constant 0 : i32
      %dma_start3A_328 = tpu.memref_slice %arg10[%dma_start3A_317, %dma_start3A_326, %dma_start3A_327] : memref<4x88x128xf32, #tpu.memory_space<vmem>> -> memref<1x88x128xf32, #tpu.memory_space<vmem>>
      %dma_start3A_329 = tpu.memref_squeeze %dma_start3A_328 : memref<1x88x128xf32, #tpu.memory_space<vmem>> -> memref<88x128xf32, #tpu.memory_space<vmem>>
      tpu.enqueue_dma source(%dma_start3A_329 : memref<88x128xf32, #tpu.memory_space<vmem>>) target(%dma_start3A_325 : memref<88x128xf32, #tpu.memory_space<vmem_shared>>) target_semaphore(%arg13 : memref<!tpu.dma_semaphore, #tpu.memory_space<semaphore_mem>>)
      %dma_start3A_330 = arith.constant 0 : i32
      %dma_start3A_331 = arith.constant 0 : i32
      %dma_start3A_332 = arith.constant 0 : i32
      %dma_start3A_333 = tpu.memref_slice %arg10[%dma_start3A_330, %dma_start3A_331, %dma_start3A_332] : memref<4x88x128xf32, #tpu.memory_space<vmem>> -> memref<1x88x128xf32, #tpu.memory_space<vmem>>
      %dma_start3A_334 = tpu.memref_squeeze %dma_start3A_333 : memref<1x88x128xf32, #tpu.memory_space<vmem>> -> memref<88x128xf32, #tpu.memory_space<vmem>>
      %dma_start3A_335 = arith.constant 0 : i32
      %dma_start3A_336 = tpu.memref_slice %arg11[%add3A_293, %dma_start3A_335] : memref<10016x128xf32, #tpu.memory_space<vmem_shared>> -> memref<88x128xf32, #tpu.memory_space<vmem_shared>>
      %dma_start3A_337 = arith.constant 0 : i32
      %dma_start3A_338 = tpu.memref_slice %arg11[%add3A_293, %dma_start3A_337] : memref<10016x128xf32, #tpu.memory_space<vmem_shared>> -> memref<88x128xf32, #tpu.memory_space<vmem_shared>>
      %dma_start3A_339 = arith.constant 0 : i32
      %dma_start3A_340 = arith.constant 0 : i32
      %dma_start3A_341 = tpu.memref_slice %arg10[%dma_start3A_330, %dma_start3A_339, %dma_start3A_340] : memref<4x88x128xf32, #tpu.memory_space<vmem>> -> memref<1x88x128xf32, #tpu.memory_space<vmem>>
      %dma_start3A_342 = tpu.memref_squeeze %dma_start3A_341 : memref<1x88x128xf32, #tpu.memory_space<vmem>> -> memref<88x128xf32, #tpu.memory_space<vmem>>
      tpu.enqueue_dma source(%dma_start3A_342 : memref<88x128xf32, #tpu.memory_space<vmem>>) target(%dma_start3A_338 : memref<88x128xf32, #tpu.memory_space<vmem_shared>>) target_semaphore(%arg13 : memref<!tpu.dma_semaphore, #tpu.memory_space<semaphore_mem>>)
      %dma_start3A_343 = arith.constant 0 : i32
      %dma_start3A_344 = arith.constant 0 : i32
      %dma_start3A_345 = arith.constant 0 : i32
      %dma_start3A_346 = tpu.memref_slice %arg10[%dma_start3A_343, %dma_start3A_344, %dma_start3A_345] : memref<4x88x128xf32, #tpu.memory_space<vmem>> -> memref<1x88x128xf32, #tpu.memory_space<vmem>>
      %dma_start3A_347 = tpu.memref_squeeze %dma_start3A_346 : memref<1x88x128xf32, #tpu.memory_space<vmem>> -> memref<88x128xf32, #tpu.memory_space<vmem>>
      %dma_start3A_348 = arith.constant 0 : i32
      %dma_start3A_349 = tpu.memref_slice %arg11[%add3A_295, %dma_start3A_348] : memref<10016x128xf32, #tpu.memory_space<vmem_shared>> -> memref<88x128xf32, #tpu.memory_space<vmem_shared>>
      %dma_start3A_350 = arith.constant 0 : i32
      %dma_start3A_351 = tpu.memref_slice %arg11[%add3A_295, %dma_start3A_350] : memref<10016x128xf32, #tpu.memory_space<vmem_shared>> -> memref<88x128xf32, #tpu.memory_space<vmem_shared>>
      %dma_start3A_352 = arith.constant 0 : i32
      %dma_start3A_353 = arith.constant 0 : i32
      %dma_start3A_354 = tpu.memref_slice %arg10[%dma_start3A_343, %dma_start3A_352, %dma_start3A_353] : memref<4x88x128xf32, #tpu.memory_space<vmem>> -> memref<1x88x128xf32, #tpu.memory_space<vmem>>
      %dma_start3A_355 = tpu.memref_squeeze %dma_start3A_354 : memref<1x88x128xf32, #tpu.memory_space<vmem>> -> memref<88x128xf32, #tpu.memory_space<vmem>>
      tpu.enqueue_dma source(%dma_start3A_355 : memref<88x128xf32, #tpu.memory_space<vmem>>) target(%dma_start3A_351 : memref<88x128xf32, #tpu.memory_space<vmem_shared>>) target_semaphore(%arg13 : memref<!tpu.dma_semaphore, #tpu.memory_space<semaphore_mem>>)
      %dma_start3A_356 = arith.constant 0 : i32
      %dma_start3A_357 = arith.constant 0 : i32
      %dma_start3A_358 = arith.constant 0 : i32
      %dma_start3A_359 = tpu.memref_slice %arg10[%dma_start3A_356, %dma_start3A_357, %dma_start3A_358] : memref<4x88x128xf32, #tpu.memory_space<vmem>> -> memref<1x88x128xf32, #tpu.memory_space<vmem>>
      %dma_start3A_360 = tpu.memref_squeeze %dma_start3A_359 : memref<1x88x128xf32, #tpu.memory_space<vmem>> -> memref<88x128xf32, #tpu.memory_space<vmem>>
      %dma_start3A_361 = arith.constant 0 : i32
      %dma_start3A_362 = tpu.memref_slice %arg11[%add3A_297, %dma_start3A_361] : memref<10016x128xf32, #tpu.memory_space<vmem_shared>> -> memref<88x128xf32, #tpu.memory_space<vmem_shared>>
      %dma_start3A_363 = arith.constant 0 : i32
      %dma_start3A_364 = tpu.memref_slice %arg11[%add3A_297, %dma_start3A_363] : memref<10016x128xf32, #tpu.memory_space<vmem_shared>> -> memref<88x128xf32, #tpu.memory_space<vmem_shared>>
      %dma_start3A_365 = arith.constant 0 : i32
      %dma_start3A_366 = arith.constant 0 : i32
      %dma_start3A_367 = tpu.memref_slice %arg10[%dma_start3A_356, %dma_start3A_365, %dma_start3A_366] : memref<4x88x128xf32, #tpu.memory_space<vmem>> -> memref<1x88x128xf32, #tpu.memory_space<vmem>>
      %dma_start3A_368 = tpu.memref_squeeze %dma_start3A_367 : memref<1x88x128xf32, #tpu.memory_space<vmem>> -> memref<88x128xf32, #tpu.memory_space<vmem>>
      tpu.enqueue_dma source(%dma_start3A_368 : memref<88x128xf32, #tpu.memory_space<vmem>>) target(%dma_start3A_364 : memref<88x128xf32, #tpu.memory_space<vmem_shared>>) target_semaphore(%arg13 : memref<!tpu.dma_semaphore, #tpu.memory_space<semaphore_mem>>)
      %dma_start3A_369 = arith.constant 0 : i32
      %dma_start3A_370 = arith.constant 0 : i32
      %dma_start3A_371 = arith.constant 0 : i32
      %dma_start3A_372 = tpu.memref_slice %arg10[%dma_start3A_369, %dma_start3A_370, %dma_start3A_371] : memref<4x88x128xf32, #tpu.memory_space<vmem>> -> memref<1x88x128xf32, #tpu.memory_space<vmem>>
      %dma_start3A_373 = tpu.memref_squeeze %dma_start3A_372 : memref<1x88x128xf32, #tpu.memory_space<vmem>> -> memref<88x128xf32, #tpu.memory_space<vmem>>
      %dma_start3A_374 = arith.constant 0 : i32
      %dma_start3A_375 = tpu.memref_slice %arg11[%add3A_299, %dma_start3A_374] : memref<10016x128xf32, #tpu.memory_space<vmem_shared>> -> memref<88x128xf32, #tpu.memory_space<vmem_shared>>
      %dma_start3A_376 = arith.constant 0 : i32
      %dma_start3A_377 = tpu.memref_slice %arg11[%add3A_299, %dma_start3A_376] : memref<10016x128xf32, #tpu.memory_space<vmem_shared>> -> memref<88x128xf32, #tpu.memory_space<vmem_shared>>
      %dma_start3A_378 = arith.constant 0 : i32
      %dma_start3A_379 = arith.constant 0 : i32
      %dma_start3A_380 = tpu.memref_slice %arg10[%dma_start3A_369, %dma_start3A_378, %dma_start3A_379] : memref<4x88x128xf32, #tpu.memory_space<vmem>> -> memref<1x88x128xf32, #tpu.memory_space<vmem>>
      %dma_start3A_381 = tpu.memref_squeeze %dma_start3A_380 : memref<1x88x128xf32, #tpu.memory_space<vmem>> -> memref<88x128xf32, #tpu.memory_space<vmem>>
      tpu.enqueue_dma source(%dma_start3A_381 : memref<88x128xf32, #tpu.memory_space<vmem>>) target(%dma_start3A_377 : memref<88x128xf32, #tpu.memory_space<vmem_shared>>) target_semaphore(%arg13 : memref<!tpu.dma_semaphore, #tpu.memory_space<semaphore_mem>>)
      %dma_start3A_382 = arith.constant 0 : i32
      %dma_start3A_383 = arith.constant 0 : i32
      %dma_start3A_384 = arith.constant 0 : i32
      %dma_start3A_385 = tpu.memref_slice %arg10[%dma_start3A_382, %dma_start3A_383, %dma_start3A_384] : memref<4x88x128xf32, #tpu.memory_space<vmem>> -> memref<1x88x128xf32, #tpu.memory_space<vmem>>
      %dma_start3A_386 = tpu.memref_squeeze %dma_start3A_385 : memref<1x88x128xf32, #tpu.memory_space<vmem>> -> memref<88x128xf32, #tpu.memory_space<vmem>>
      %dma_start3A_387 = arith.constant 0 : i32
      %dma_start3A_388 = tpu.memref_slice %arg11[%add3A_301, %dma_start3A_387] : memref<10016x128xf32, #tpu.memory_space<vmem_shared>> -> memref<88x128xf32, #tpu.memory_space<vmem_shared>>
      %dma_start3A_389 = arith.constant 0 : i32
      %dma_start3A_390 = tpu.memref_slice %arg11[%add3A_301, %dma_start3A_389] : memref<10016x128xf32, #tpu.memory_space<vmem_shared>> -> memref<88x128xf32, #tpu.memory_space<vmem_shared>>
      %dma_start3A_391 = arith.constant 0 : i32
      %dma_start3A_392 = arith.constant 0 : i32
      %dma_start3A_393 = tpu.memref_slice %arg10[%dma_start3A_382, %dma_start3A_391, %dma_start3A_392] : memref<4x88x128xf32, #tpu.memory_space<vmem>> -> memref<1x88x128xf32, #tpu.memory_space<vmem>>
      %dma_start3A_394 = tpu.memref_squeeze %dma_start3A_393 : memref<1x88x128xf32, #tpu.memory_space<vmem>> -> memref<88x128xf32, #tpu.memory_space<vmem>>
      tpu.enqueue_dma source(%dma_start3A_394 : memref<88x128xf32, #tpu.memory_space<vmem>>) target(%dma_start3A_390 : memref<88x128xf32, #tpu.memory_space<vmem_shared>>) target_semaphore(%arg13 : memref<!tpu.dma_semaphore, #tpu.memory_space<semaphore_mem>>)
      %dma_start3A_395 = arith.constant 0 : i32
      %dma_start3A_396 = arith.constant 0 : i32
      %dma_start3A_397 = arith.constant 0 : i32
      %dma_start3A_398 = tpu.memref_slice %arg10[%dma_start3A_395, %dma_start3A_396, %dma_start3A_397] : memref<4x88x128xf32, #tpu.memory_space<vmem>> -> memref<1x8x128xf32, #tpu.memory_space<vmem>>
      %dma_start3A_399 = tpu.memref_squeeze %dma_start3A_398 : memref<1x8x128xf32, #tpu.memory_space<vmem>> -> memref<8x128xf32, #tpu.memory_space<vmem>>
      %dma_start3A_400 = arith.constant 0 : i32
      %dma_start3A_401 = tpu.memref_slice %arg11[%add3A_303, %dma_start3A_400] : memref<10016x128xf32, #tpu.memory_space<vmem_shared>> -> memref<8x128xf32, #tpu.memory_space<vmem_shared>>
      %dma_start3A_402 = arith.constant 0 : i32
      %dma_start3A_403 = tpu.memref_slice %arg11[%add3A_303, %dma_start3A_402] : memref<10016x128xf32, #tpu.memory_space<vmem_shared>> -> memref<8x128xf32, #tpu.memory_space<vmem_shared>>
      %dma_start3A_404 = arith.constant 0 : i32
      %dma_start3A_405 = arith.constant 0 : i32
      %dma_start3A_406 = tpu.memref_slice %arg10[%dma_start3A_395, %dma_start3A_404, %dma_start3A_405] : memref<4x88x128xf32, #tpu.memory_space<vmem>> -> memref<1x8x128xf32, #tpu.memory_space<vmem>>
      %dma_start3A_407 = tpu.memref_squeeze %dma_start3A_406 : memref<1x8x128xf32, #tpu.memory_space<vmem>> -> memref<8x128xf32, #tpu.memory_space<vmem>>
      tpu.enqueue_dma source(%dma_start3A_407 : memref<8x128xf32, #tpu.memory_space<vmem>>) target(%dma_start3A_403 : memref<8x128xf32, #tpu.memory_space<vmem_shared>>) target_semaphore(%arg13 : memref<!tpu.dma_semaphore, #tpu.memory_space<semaphore_mem>>)
      %dma_wait3A_408 = arith.constant 0 : i32
      %dma_wait3A_409 = arith.constant 0 : i32
      %dma_wait3A_410 = arith.constant 0 : i32
      %dma_wait3A_411 = tpu.memref_slice %arg10[%dma_wait3A_408, %dma_wait3A_409, %dma_wait3A_410] : memref<4x88x128xf32, #tpu.memory_space<vmem>> -> memref<1x88x128xf32, #tpu.memory_space<vmem>>
      %dma_wait3A_412 = tpu.memref_squeeze %dma_wait3A_411 : memref<1x88x128xf32, #tpu.memory_space<vmem>> -> memref<88x128xf32, #tpu.memory_space<vmem>>
      %dma_wait3A_413 = arith.constant 0 : i32
      %dma_wait3A_414 = tpu.memref_slice %arg11[%add3A_289, %dma_wait3A_413] : memref<10016x128xf32, #tpu.memory_space<vmem_shared>> -> memref<88x128xf32, #tpu.memory_space<vmem_shared>>
      %dma_wait3A_415 = arith.constant 0 : i32
      %dma_wait3A_416 = tpu.memref_slice %arg11[%add3A_289, %dma_wait3A_415] : memref<10016x128xf32, #tpu.memory_space<vmem_shared>> -> memref<88x128xf32, #tpu.memory_space<vmem_shared>>
      %dma_wait3A_417 = arith.constant 0 : i32
      %dma_wait3A_418 = arith.constant 0 : i32
      %dma_wait3A_419 = tpu.memref_slice %arg10[%dma_wait3A_408, %dma_wait3A_417, %dma_wait3A_418] : memref<4x88x128xf32, #tpu.memory_space<vmem>> -> memref<1x88x128xf32, #tpu.memory_space<vmem>>
      %dma_wait3A_420 = tpu.memref_squeeze %dma_wait3A_419 : memref<1x88x128xf32, #tpu.memory_space<vmem>> -> memref<88x128xf32, #tpu.memory_space<vmem>>
      tpu.wait_dma2 semaphore(%arg13 : memref<!tpu.dma_semaphore, #tpu.memory_space<semaphore_mem>>) src(%dma_wait3A_420 : memref<88x128xf32, #tpu.memory_space<vmem>>) dst(%dma_wait3A_416 : memref<88x128xf32, #tpu.memory_space<vmem_shared>>)
      %dma_wait3A_421 = arith.constant 0 : i32
      %dma_wait3A_422 = arith.constant 0 : i32
      %dma_wait3A_423 = arith.constant 0 : i32
      %dma_wait3A_424 = tpu.memref_slice %arg10[%dma_wait3A_421, %dma_wait3A_422, %dma_wait3A_423] : memref<4x88x128xf32, #tpu.memory_space<vmem>> -> memref<1x88x128xf32, #tpu.memory_space<vmem>>
      %dma_wait3A_425 = tpu.memref_squeeze %dma_wait3A_424 : memref<1x88x128xf32, #tpu.memory_space<vmem>> -> memref<88x128xf32, #tpu.memory_space<vmem>>
      %dma_wait3A_426 = arith.constant 0 : i32
      %dma_wait3A_427 = tpu.memref_slice %arg11[%add3A_291, %dma_wait3A_426] : memref<10016x128xf32, #tpu.memory_space<vmem_shared>> -> memref<88x128xf32, #tpu.memory_space<vmem_shared>>
      %dma_wait3A_428 = arith.constant 0 : i32
      %dma_wait3A_429 = tpu.memref_slice %arg11[%add3A_291, %dma_wait3A_428] : memref<10016x128xf32, #tpu.memory_space<vmem_shared>> -> memref<88x128xf32, #tpu.memory_space<vmem_shared>>
      %dma_wait3A_430 = arith.constant 0 : i32
      %dma_wait3A_431 = arith.constant 0 : i32
      %dma_wait3A_432 = tpu.memref_slice %arg10[%dma_wait3A_421, %dma_wait3A_430, %dma_wait3A_431] : memref<4x88x128xf32, #tpu.memory_space<vmem>> -> memref<1x88x128xf32, #tpu.memory_space<vmem>>
      %dma_wait3A_433 = tpu.memref_squeeze %dma_wait3A_432 : memref<1x88x128xf32, #tpu.memory_space<vmem>> -> memref<88x128xf32, #tpu.memory_space<vmem>>
      tpu.wait_dma2 semaphore(%arg13 : memref<!tpu.dma_semaphore, #tpu.memory_space<semaphore_mem>>) src(%dma_wait3A_433 : memref<88x128xf32, #tpu.memory_space<vmem>>) dst(%dma_wait3A_429 : memref<88x128xf32, #tpu.memory_space<vmem_shared>>)
      %dma_wait3A_434 = arith.constant 0 : i32
      %dma_wait3A_435 = arith.constant 0 : i32
      %dma_wait3A_436 = arith.constant 0 : i32
      %dma_wait3A_437 = tpu.memref_slice %arg10[%dma_wait3A_434, %dma_wait3A_435, %dma_wait3A_436] : memref<4x88x128xf32, #tpu.memory_space<vmem>> -> memref<1x88x128xf32, #tpu.memory_space<vmem>>
      %dma_wait3A_438 = tpu.memref_squeeze %dma_wait3A_437 : memref<1x88x128xf32, #tpu.memory_space<vmem>> -> memref<88x128xf32, #tpu.memory_space<vmem>>
      %dma_wait3A_439 = arith.constant 0 : i32
      %dma_wait3A_440 = tpu.memref_slice %arg11[%add3A_293, %dma_wait3A_439] : memref<10016x128xf32, #tpu.memory_space<vmem_shared>> -> memref<88x128xf32, #tpu.memory_space<vmem_shared>>
      %dma_wait3A_441 = arith.constant 0 : i32
      %dma_wait3A_442 = tpu.memref_slice %arg11[%add3A_293, %dma_wait3A_441] : memref<10016x128xf32, #tpu.memory_space<vmem_shared>> -> memref<88x128xf32, #tpu.memory_space<vmem_shared>>
      %dma_wait3A_443 = arith.constant 0 : i32
      %dma_wait3A_444 = arith.constant 0 : i32
      %dma_wait3A_445 = tpu.memref_slice %arg10[%dma_wait3A_434, %dma_wait3A_443, %dma_wait3A_444] : memref<4x88x128xf32, #tpu.memory_space<vmem>> -> memref<1x88x128xf32, #tpu.memory_space<vmem>>
      %dma_wait3A_446 = tpu.memref_squeeze %dma_wait3A_445 : memref<1x88x128xf32, #tpu.memory_space<vmem>> -> memref<88x128xf32, #tpu.memory_space<vmem>>
      tpu.wait_dma2 semaphore(%arg13 : memref<!tpu.dma_semaphore, #tpu.memory_space<semaphore_mem>>) src(%dma_wait3A_446 : memref<88x128xf32, #tpu.memory_space<vmem>>) dst(%dma_wait3A_442 : memref<88x128xf32, #tpu.memory_space<vmem_shared>>)
      %dma_wait3A_447 = arith.constant 0 : i32
      %dma_wait3A_448 = arith.constant 0 : i32
      %dma_wait3A_449 = arith.constant 0 : i32
      %dma_wait3A_450 = tpu.memref_slice %arg10[%dma_wait3A_447, %dma_wait3A_448, %dma_wait3A_449] : memref<4x88x128xf32, #tpu.memory_space<vmem>> -> memref<1x88x128xf32, #tpu.memory_space<vmem>>
      %dma_wait3A_451 = tpu.memref_squeeze %dma_wait3A_450 : memref<1x88x128xf32, #tpu.memory_space<vmem>> -> memref<88x128xf32, #tpu.memory_space<vmem>>
      %dma_wait3A_452 = arith.constant 0 : i32
      %dma_wait3A_453 = tpu.memref_slice %arg11[%add3A_295, %dma_wait3A_452] : memref<10016x128xf32, #tpu.memory_space<vmem_shared>> -> memref<88x128xf32, #tpu.memory_space<vmem_shared>>
      %dma_wait3A_454 = arith.constant 0 : i32
      %dma_wait3A_455 = tpu.memref_slice %arg11[%add3A_295, %dma_wait3A_454] : memref<10016x128xf32, #tpu.memory_space<vmem_shared>> -> memref<88x128xf32, #tpu.memory_space<vmem_shared>>
      %dma_wait3A_456 = arith.constant 0 : i32
      %dma_wait3A_457 = arith.constant 0 : i32
      %dma_wait3A_458 = tpu.memref_slice %arg10[%dma_wait3A_447, %dma_wait3A_456, %dma_wait3A_457] : memref<4x88x128xf32, #tpu.memory_space<vmem>> -> memref<1x88x128xf32, #tpu.memory_space<vmem>>
      %dma_wait3A_459 = tpu.memref_squeeze %dma_wait3A_458 : memref<1x88x128xf32, #tpu.memory_space<vmem>> -> memref<88x128xf32, #tpu.memory_space<vmem>>
      tpu.wait_dma2 semaphore(%arg13 : memref<!tpu.dma_semaphore, #tpu.memory_space<semaphore_mem>>) src(%dma_wait3A_459 : memref<88x128xf32, #tpu.memory_space<vmem>>) dst(%dma_wait3A_455 : memref<88x128xf32, #tpu.memory_space<vmem_shared>>)
      %dma_wait3A_460 = arith.constant 0 : i32
      %dma_wait3A_461 = arith.constant 0 : i32
      %dma_wait3A_462 = arith.constant 0 : i32
      %dma_wait3A_463 = tpu.memref_slice %arg10[%dma_wait3A_460, %dma_wait3A_461, %dma_wait3A_462] : memref<4x88x128xf32, #tpu.memory_space<vmem>> -> memref<1x88x128xf32, #tpu.memory_space<vmem>>
      %dma_wait3A_464 = tpu.memref_squeeze %dma_wait3A_463 : memref<1x88x128xf32, #tpu.memory_space<vmem>> -> memref<88x128xf32, #tpu.memory_space<vmem>>
      %dma_wait3A_465 = arith.constant 0 : i32
      %dma_wait3A_466 = tpu.memref_slice %arg11[%add3A_297, %dma_wait3A_465] : memref<10016x128xf32, #tpu.memory_space<vmem_shared>> -> memref<88x128xf32, #tpu.memory_space<vmem_shared>>
      %dma_wait3A_467 = arith.constant 0 : i32
      %dma_wait3A_468 = tpu.memref_slice %arg11[%add3A_297, %dma_wait3A_467] : memref<10016x128xf32, #tpu.memory_space<vmem_shared>> -> memref<88x128xf32, #tpu.memory_space<vmem_shared>>
      %dma_wait3A_469 = arith.constant 0 : i32
      %dma_wait3A_470 = arith.constant 0 : i32
      %dma_wait3A_471 = tpu.memref_slice %arg10[%dma_wait3A_460, %dma_wait3A_469, %dma_wait3A_470] : memref<4x88x128xf32, #tpu.memory_space<vmem>> -> memref<1x88x128xf32, #tpu.memory_space<vmem>>
      %dma_wait3A_472 = tpu.memref_squeeze %dma_wait3A_471 : memref<1x88x128xf32, #tpu.memory_space<vmem>> -> memref<88x128xf32, #tpu.memory_space<vmem>>
      tpu.wait_dma2 semaphore(%arg13 : memref<!tpu.dma_semaphore, #tpu.memory_space<semaphore_mem>>) src(%dma_wait3A_472 : memref<88x128xf32, #tpu.memory_space<vmem>>) dst(%dma_wait3A_468 : memref<88x128xf32, #tpu.memory_space<vmem_shared>>)
      %dma_wait3A_473 = arith.constant 0 : i32
      %dma_wait3A_474 = arith.constant 0 : i32
      %dma_wait3A_475 = arith.constant 0 : i32
      %dma_wait3A_476 = tpu.memref_slice %arg10[%dma_wait3A_473, %dma_wait3A_474, %dma_wait3A_475] : memref<4x88x128xf32, #tpu.memory_space<vmem>> -> memref<1x88x128xf32, #tpu.memory_space<vmem>>
      %dma_wait3A_477 = tpu.memref_squeeze %dma_wait3A_476 : memref<1x88x128xf32, #tpu.memory_space<vmem>> -> memref<88x128xf32, #tpu.memory_space<vmem>>
      %dma_wait3A_478 = arith.constant 0 : i32
      %dma_wait3A_479 = tpu.memref_slice %arg11[%add3A_299, %dma_wait3A_478] : memref<10016x128xf32, #tpu.memory_space<vmem_shared>> -> memref<88x128xf32, #tpu.memory_space<vmem_shared>>
      %dma_wait3A_480 = arith.constant 0 : i32
      %dma_wait3A_481 = tpu.memref_slice %arg11[%add3A_299, %dma_wait3A_480] : memref<10016x128xf32, #tpu.memory_space<vmem_shared>> -> memref<88x128xf32, #tpu.memory_space<vmem_shared>>
      %dma_wait3A_482 = arith.constant 0 : i32
      %dma_wait3A_483 = arith.constant 0 : i32
      %dma_wait3A_484 = tpu.memref_slice %arg10[%dma_wait3A_473, %dma_wait3A_482, %dma_wait3A_483] : memref<4x88x128xf32, #tpu.memory_space<vmem>> -> memref<1x88x128xf32, #tpu.memory_space<vmem>>
      %dma_wait3A_485 = tpu.memref_squeeze %dma_wait3A_484 : memref<1x88x128xf32, #tpu.memory_space<vmem>> -> memref<88x128xf32, #tpu.memory_space<vmem>>
      tpu.wait_dma2 semaphore(%arg13 : memref<!tpu.dma_semaphore, #tpu.memory_space<semaphore_mem>>) src(%dma_wait3A_485 : memref<88x128xf32, #tpu.memory_space<vmem>>) dst(%dma_wait3A_481 : memref<88x128xf32, #tpu.memory_space<vmem_shared>>)
      %dma_wait3A_486 = arith.constant 0 : i32
      %dma_wait3A_487 = arith.constant 0 : i32
      %dma_wait3A_488 = arith.constant 0 : i32
      %dma_wait3A_489 = tpu.memref_slice %arg10[%dma_wait3A_486, %dma_wait3A_487, %dma_wait3A_488] : memref<4x88x128xf32, #tpu.memory_space<vmem>> -> memref<1x88x128xf32, #tpu.memory_space<vmem>>
      %dma_wait3A_490 = tpu.memref_squeeze %dma_wait3A_489 : memref<1x88x128xf32, #tpu.memory_space<vmem>> -> memref<88x128xf32, #tpu.memory_space<vmem>>
      %dma_wait3A_491 = arith.constant 0 : i32
      %dma_wait3A_492 = tpu.memref_slice %arg11[%add3A_301, %dma_wait3A_491] : memref<10016x128xf32, #tpu.memory_space<vmem_shared>> -> memref<88x128xf32, #tpu.memory_space<vmem_shared>>
      %dma_wait3A_493 = arith.constant 0 : i32
      %dma_wait3A_494 = tpu.memref_slice %arg11[%add3A_301, %dma_wait3A_493] : memref<10016x128xf32, #tpu.memory_space<vmem_shared>> -> memref<88x128xf32, #tpu.memory_space<vmem_shared>>
      %dma_wait3A_495 = arith.constant 0 : i32
      %dma_wait3A_496 = arith.constant 0 : i32
      %dma_wait3A_497 = tpu.memref_slice %arg10[%dma_wait3A_486, %dma_wait3A_495, %dma_wait3A_496] : memref<4x88x128xf32, #tpu.memory_space<vmem>> -> memref<1x88x128xf32, #tpu.memory_space<vmem>>
      %dma_wait3A_498 = tpu.memref_squeeze %dma_wait3A_497 : memref<1x88x128xf32, #tpu.memory_space<vmem>> -> memref<88x128xf32, #tpu.memory_space<vmem>>
      tpu.wait_dma2 semaphore(%arg13 : memref<!tpu.dma_semaphore, #tpu.memory_space<semaphore_mem>>) src(%dma_wait3A_498 : memref<88x128xf32, #tpu.memory_space<vmem>>) dst(%dma_wait3A_494 : memref<88x128xf32, #tpu.memory_space<vmem_shared>>)
      %dma_wait3A_499 = arith.constant 0 : i32
      %dma_wait3A_500 = arith.constant 0 : i32
      %dma_wait3A_501 = arith.constant 0 : i32
      %dma_wait3A_502 = tpu.memref_slice %arg10[%dma_wait3A_499, %dma_wait3A_500, %dma_wait3A_501] : memref<4x88x128xf32, #tpu.memory_space<vmem>> -> memref<1x8x128xf32, #tpu.memory_space<vmem>>
      %dma_wait3A_503 = tpu.memref_squeeze %dma_wait3A_502 : memref<1x8x128xf32, #tpu.memory_space<vmem>> -> memref<8x128xf32, #tpu.memory_space<vmem>>
      %dma_wait3A_504 = arith.constant 0 : i32
      %dma_wait3A_505 = tpu.memref_slice %arg11[%add3A_303, %dma_wait3A_504] : memref<10016x128xf32, #tpu.memory_space<vmem_shared>> -> memref<8x128xf32, #tpu.memory_space<vmem_shared>>
      %dma_wait3A_506 = arith.constant 0 : i32
      %dma_wait3A_507 = tpu.memref_slice %arg11[%add3A_303, %dma_wait3A_506] : memref<10016x128xf32, #tpu.memory_space<vmem_shared>> -> memref<8x128xf32, #tpu.memory_space<vmem_shared>>
      %dma_wait3A_508 = arith.constant 0 : i32
      %dma_wait3A_509 = arith.constant 0 : i32
      %dma_wait3A_510 = tpu.memref_slice %arg10[%dma_wait3A_499, %dma_wait3A_508, %dma_wait3A_509] : memref<4x88x128xf32, #tpu.memory_space<vmem>> -> memref<1x8x128xf32, #tpu.memory_space<vmem>>
      %dma_wait3A_511 = tpu.memref_squeeze %dma_wait3A_510 : memref<1x8x128xf32, #tpu.memory_space<vmem>> -> memref<8x128xf32, #tpu.memory_space<vmem>>
      tpu.wait_dma2 semaphore(%arg13 : memref<!tpu.dma_semaphore, #tpu.memory_space<semaphore_mem>>) src(%dma_wait3A_511 : memref<8x128xf32, #tpu.memory_space<vmem>>) dst(%dma_wait3A_507 : memref<8x128xf32, #tpu.memory_space<vmem_shared>>)
    } else {
    }
    %eq3A = arith.constant 15 : i32
    %eq3A_8 = arith.cmpi eq, %arg1, %eq3A : i32
    %convert_element_type3A_9 = arith.extui %eq3A_8 : i1 to i32
    %cond3A_10 = arith.constant 0 : i32
    %cond3A_11 = arith.cmpi ne, %convert_element_type3A_9, %cond3A_10 : i32
    scf.if %cond3A_11 {
      %add3A = arith.constant 0 : i32
      %add3A_289 = arith.addi %mul3A_0, %add3A : i32
      %add3A_290 = arith.constant 88 : i32
      %add3A_291 = arith.addi %mul3A_0, %add3A_290 : i32
      %add3A_292 = arith.constant 176 : i32
      %add3A_293 = arith.addi %mul3A_0, %add3A_292 : i32
      %add3A_294 = arith.constant 264 : i32
      %add3A_295 = arith.addi %mul3A_0, %add3A_294 : i32
      %add3A_296 = arith.constant 352 : i32
      %add3A_297 = arith.addi %mul3A_0, %add3A_296 : i32
      %add3A_298 = arith.constant 440 : i32
      %add3A_299 = arith.addi %mul3A_0, %add3A_298 : i32
      %add3A_300 = arith.constant 528 : i32
      %add3A_301 = arith.addi %mul3A_0, %add3A_300 : i32
      %add3A_302 = arith.constant 616 : i32
      %add3A_303 = arith.addi %mul3A_0, %add3A_302 : i32
      %dma_start3A_304 = arith.constant 0 : i32
      %dma_start3A_305 = arith.constant 0 : i32
      %dma_start3A_306 = arith.constant 0 : i32
      %dma_start3A_307 = tpu.memref_slice %arg10[%dma_start3A_304, %dma_start3A_305, %dma_start3A_306] : memref<4x88x128xf32, #tpu.memory_space<vmem>> -> memref<1x88x128xf32, #tpu.memory_space<vmem>>
      %dma_start3A_308 = tpu.memref_squeeze %dma_start3A_307 : memref<1x88x128xf32, #tpu.memory_space<vmem>> -> memref<88x128xf32, #tpu.memory_space<vmem>>
      %dma_start3A_309 = arith.constant 0 : i32
      %dma_start3A_310 = tpu.memref_slice %arg11[%add3A_289, %dma_start3A_309] : memref<10016x128xf32, #tpu.memory_space<vmem_shared>> -> memref<88x128xf32, #tpu.memory_space<vmem_shared>>
      %dma_start3A_311 = arith.constant 0 : i32
      %dma_start3A_312 = tpu.memref_slice %arg11[%add3A_289, %dma_start3A_311] : memref<10016x128xf32, #tpu.memory_space<vmem_shared>> -> memref<88x128xf32, #tpu.memory_space<vmem_shared>>
      %dma_start3A_313 = arith.constant 0 : i32
      %dma_start3A_314 = arith.constant 0 : i32
      %dma_start3A_315 = tpu.memref_slice %arg10[%dma_start3A_304, %dma_start3A_313, %dma_start3A_314] : memref<4x88x128xf32, #tpu.memory_space<vmem>> -> memref<1x88x128xf32, #tpu.memory_space<vmem>>
      %dma_start3A_316 = tpu.memref_squeeze %dma_start3A_315 : memref<1x88x128xf32, #tpu.memory_space<vmem>> -> memref<88x128xf32, #tpu.memory_space<vmem>>
      tpu.enqueue_dma source(%dma_start3A_316 : memref<88x128xf32, #tpu.memory_space<vmem>>) target(%dma_start3A_312 : memref<88x128xf32, #tpu.memory_space<vmem_shared>>) target_semaphore(%arg13 : memref<!tpu.dma_semaphore, #tpu.memory_space<semaphore_mem>>)
      %dma_start3A_317 = arith.constant 0 : i32
      %dma_start3A_318 = arith.constant 0 : i32
      %dma_start3A_319 = arith.constant 0 : i32
      %dma_start3A_320 = tpu.memref_slice %arg10[%dma_start3A_317, %dma_start3A_318, %dma_start3A_319] : memref<4x88x128xf32, #tpu.memory_space<vmem>> -> memref<1x88x128xf32, #tpu.memory_space<vmem>>
      %dma_start3A_321 = tpu.memref_squeeze %dma_start3A_320 : memref<1x88x128xf32, #tpu.memory_space<vmem>> -> memref<88x128xf32, #tpu.memory_space<vmem>>
      %dma_start3A_322 = arith.constant 0 : i32
      %dma_start3A_323 = tpu.memref_slice %arg11[%add3A_291, %dma_start3A_322] : memref<10016x128xf32, #tpu.memory_space<vmem_shared>> -> memref<88x128xf32, #tpu.memory_space<vmem_shared>>
      %dma_start3A_324 = arith.constant 0 : i32
      %dma_start3A_325 = tpu.memref_slice %arg11[%add3A_291, %dma_start3A_324] : memref<10016x128xf32, #tpu.memory_space<vmem_shared>> -> memref<88x128xf32, #tpu.memory_space<vmem_shared>>
      %dma_start3A_326 = arith.constant 0 : i32
      %dma_start3A_327 = arith.constant 0 : i32
      %dma_start3A_328 = tpu.memref_slice %arg10[%dma_start3A_317, %dma_start3A_326, %dma_start3A_327] : memref<4x88x128xf32, #tpu.memory_space<vmem>> -> memref<1x88x128xf32, #tpu.memory_space<vmem>>
      %dma_start3A_329 = tpu.memref_squeeze %dma_start3A_328 : memref<1x88x128xf32, #tpu.memory_space<vmem>> -> memref<88x128xf32, #tpu.memory_space<vmem>>
      tpu.enqueue_dma source(%dma_start3A_329 : memref<88x128xf32, #tpu.memory_space<vmem>>) target(%dma_start3A_325 : memref<88x128xf32, #tpu.memory_space<vmem_shared>>) target_semaphore(%arg13 : memref<!tpu.dma_semaphore, #tpu.memory_space<semaphore_mem>>)
      %dma_start3A_330 = arith.constant 0 : i32
      %dma_start3A_331 = arith.constant 0 : i32
      %dma_start3A_332 = arith.constant 0 : i32
      %dma_start3A_333 = tpu.memref_slice %arg10[%dma_start3A_330, %dma_start3A_331, %dma_start3A_332] : memref<4x88x128xf32, #tpu.memory_space<vmem>> -> memref<1x88x128xf32, #tpu.memory_space<vmem>>
      %dma_start3A_334 = tpu.memref_squeeze %dma_start3A_333 : memref<1x88x128xf32, #tpu.memory_space<vmem>> -> memref<88x128xf32, #tpu.memory_space<vmem>>
      %dma_start3A_335 = arith.constant 0 : i32
      %dma_start3A_336 = tpu.memref_slice %arg11[%add3A_293, %dma_start3A_335] : memref<10016x128xf32, #tpu.memory_space<vmem_shared>> -> memref<88x128xf32, #tpu.memory_space<vmem_shared>>
      %dma_start3A_337 = arith.constant 0 : i32
      %dma_start3A_338 = tpu.memref_slice %arg11[%add3A_293, %dma_start3A_337] : memref<10016x128xf32, #tpu.memory_space<vmem_shared>> -> memref<88x128xf32, #tpu.memory_space<vmem_shared>>
      %dma_start3A_339 = arith.constant 0 : i32
      %dma_start3A_340 = arith.constant 0 : i32
      %dma_start3A_341 = tpu.memref_slice %arg10[%dma_start3A_330, %dma_start3A_339, %dma_start3A_340] : memref<4x88x128xf32, #tpu.memory_space<vmem>> -> memref<1x88x128xf32, #tpu.memory_space<vmem>>
      %dma_start3A_342 = tpu.memref_squeeze %dma_start3A_341 : memref<1x88x128xf32, #tpu.memory_space<vmem>> -> memref<88x128xf32, #tpu.memory_space<vmem>>
      tpu.enqueue_dma source(%dma_start3A_342 : memref<88x128xf32, #tpu.memory_space<vmem>>) target(%dma_start3A_338 : memref<88x128xf32, #tpu.memory_space<vmem_shared>>) target_semaphore(%arg13 : memref<!tpu.dma_semaphore, #tpu.memory_space<semaphore_mem>>)
      %dma_start3A_343 = arith.constant 0 : i32
      %dma_start3A_344 = arith.constant 0 : i32
      %dma_start3A_345 = arith.constant 0 : i32
      %dma_start3A_346 = tpu.memref_slice %arg10[%dma_start3A_343, %dma_start3A_344, %dma_start3A_345] : memref<4x88x128xf32, #tpu.memory_space<vmem>> -> memref<1x88x128xf32, #tpu.memory_space<vmem>>
      %dma_start3A_347 = tpu.memref_squeeze %dma_start3A_346 : memref<1x88x128xf32, #tpu.memory_space<vmem>> -> memref<88x128xf32, #tpu.memory_space<vmem>>
      %dma_start3A_348 = arith.constant 0 : i32
      %dma_start3A_349 = tpu.memref_slice %arg11[%add3A_295, %dma_start3A_348] : memref<10016x128xf32, #tpu.memory_space<vmem_shared>> -> memref<88x128xf32, #tpu.memory_space<vmem_shared>>
      %dma_start3A_350 = arith.constant 0 : i32
      %dma_start3A_351 = tpu.memref_slice %arg11[%add3A_295, %dma_start3A_350] : memref<10016x128xf32, #tpu.memory_space<vmem_shared>> -> memref<88x128xf32, #tpu.memory_space<vmem_shared>>
      %dma_start3A_352 = arith.constant 0 : i32
      %dma_start3A_353 = arith.constant 0 : i32
      %dma_start3A_354 = tpu.memref_slice %arg10[%dma_start3A_343, %dma_start3A_352, %dma_start3A_353] : memref<4x88x128xf32, #tpu.memory_space<vmem>> -> memref<1x88x128xf32, #tpu.memory_space<vmem>>
      %dma_start3A_355 = tpu.memref_squeeze %dma_start3A_354 : memref<1x88x128xf32, #tpu.memory_space<vmem>> -> memref<88x128xf32, #tpu.memory_space<vmem>>
      tpu.enqueue_dma source(%dma_start3A_355 : memref<88x128xf32, #tpu.memory_space<vmem>>) target(%dma_start3A_351 : memref<88x128xf32, #tpu.memory_space<vmem_shared>>) target_semaphore(%arg13 : memref<!tpu.dma_semaphore, #tpu.memory_space<semaphore_mem>>)
      %dma_start3A_356 = arith.constant 0 : i32
      %dma_start3A_357 = arith.constant 0 : i32
      %dma_start3A_358 = arith.constant 0 : i32
      %dma_start3A_359 = tpu.memref_slice %arg10[%dma_start3A_356, %dma_start3A_357, %dma_start3A_358] : memref<4x88x128xf32, #tpu.memory_space<vmem>> -> memref<1x88x128xf32, #tpu.memory_space<vmem>>
      %dma_start3A_360 = tpu.memref_squeeze %dma_start3A_359 : memref<1x88x128xf32, #tpu.memory_space<vmem>> -> memref<88x128xf32, #tpu.memory_space<vmem>>
      %dma_start3A_361 = arith.constant 0 : i32
      %dma_start3A_362 = tpu.memref_slice %arg11[%add3A_297, %dma_start3A_361] : memref<10016x128xf32, #tpu.memory_space<vmem_shared>> -> memref<88x128xf32, #tpu.memory_space<vmem_shared>>
      %dma_start3A_363 = arith.constant 0 : i32
      %dma_start3A_364 = tpu.memref_slice %arg11[%add3A_297, %dma_start3A_363] : memref<10016x128xf32, #tpu.memory_space<vmem_shared>> -> memref<88x128xf32, #tpu.memory_space<vmem_shared>>
      %dma_start3A_365 = arith.constant 0 : i32
      %dma_start3A_366 = arith.constant 0 : i32
      %dma_start3A_367 = tpu.memref_slice %arg10[%dma_start3A_356, %dma_start3A_365, %dma_start3A_366] : memref<4x88x128xf32, #tpu.memory_space<vmem>> -> memref<1x88x128xf32, #tpu.memory_space<vmem>>
      %dma_start3A_368 = tpu.memref_squeeze %dma_start3A_367 : memref<1x88x128xf32, #tpu.memory_space<vmem>> -> memref<88x128xf32, #tpu.memory_space<vmem>>
      tpu.enqueue_dma source(%dma_start3A_368 : memref<88x128xf32, #tpu.memory_space<vmem>>) target(%dma_start3A_364 : memref<88x128xf32, #tpu.memory_space<vmem_shared>>) target_semaphore(%arg13 : memref<!tpu.dma_semaphore, #tpu.memory_space<semaphore_mem>>)
      %dma_start3A_369 = arith.constant 0 : i32
      %dma_start3A_370 = arith.constant 0 : i32
      %dma_start3A_371 = arith.constant 0 : i32
      %dma_start3A_372 = tpu.memref_slice %arg10[%dma_start3A_369, %dma_start3A_370, %dma_start3A_371] : memref<4x88x128xf32, #tpu.memory_space<vmem>> -> memref<1x88x128xf32, #tpu.memory_space<vmem>>
      %dma_start3A_373 = tpu.memref_squeeze %dma_start3A_372 : memref<1x88x128xf32, #tpu.memory_space<vmem>> -> memref<88x128xf32, #tpu.memory_space<vmem>>
      %dma_start3A_374 = arith.constant 0 : i32
      %dma_start3A_375 = tpu.memref_slice %arg11[%add3A_299, %dma_start3A_374] : memref<10016x128xf32, #tpu.memory_space<vmem_shared>> -> memref<88x128xf32, #tpu.memory_space<vmem_shared>>
      %dma_start3A_376 = arith.constant 0 : i32
      %dma_start3A_377 = tpu.memref_slice %arg11[%add3A_299, %dma_start3A_376] : memref<10016x128xf32, #tpu.memory_space<vmem_shared>> -> memref<88x128xf32, #tpu.memory_space<vmem_shared>>
      %dma_start3A_378 = arith.constant 0 : i32
      %dma_start3A_379 = arith.constant 0 : i32
      %dma_start3A_380 = tpu.memref_slice %arg10[%dma_start3A_369, %dma_start3A_378, %dma_start3A_379] : memref<4x88x128xf32, #tpu.memory_space<vmem>> -> memref<1x88x128xf32, #tpu.memory_space<vmem>>
      %dma_start3A_381 = tpu.memref_squeeze %dma_start3A_380 : memref<1x88x128xf32, #tpu.memory_space<vmem>> -> memref<88x128xf32, #tpu.memory_space<vmem>>
      tpu.enqueue_dma source(%dma_start3A_381 : memref<88x128xf32, #tpu.memory_space<vmem>>) target(%dma_start3A_377 : memref<88x128xf32, #tpu.memory_space<vmem_shared>>) target_semaphore(%arg13 : memref<!tpu.dma_semaphore, #tpu.memory_space<semaphore_mem>>)
      %dma_start3A_382 = arith.constant 0 : i32
      %dma_start3A_383 = arith.constant 0 : i32
      %dma_start3A_384 = arith.constant 0 : i32
      %dma_start3A_385 = tpu.memref_slice %arg10[%dma_start3A_382, %dma_start3A_383, %dma_start3A_384] : memref<4x88x128xf32, #tpu.memory_space<vmem>> -> memref<1x88x128xf32, #tpu.memory_space<vmem>>
      %dma_start3A_386 = tpu.memref_squeeze %dma_start3A_385 : memref<1x88x128xf32, #tpu.memory_space<vmem>> -> memref<88x128xf32, #tpu.memory_space<vmem>>
      %dma_start3A_387 = arith.constant 0 : i32
      %dma_start3A_388 = tpu.memref_slice %arg11[%add3A_301, %dma_start3A_387] : memref<10016x128xf32, #tpu.memory_space<vmem_shared>> -> memref<88x128xf32, #tpu.memory_space<vmem_shared>>
      %dma_start3A_389 = arith.constant 0 : i32
      %dma_start3A_390 = tpu.memref_slice %arg11[%add3A_301, %dma_start3A_389] : memref<10016x128xf32, #tpu.memory_space<vmem_shared>> -> memref<88x128xf32, #tpu.memory_space<vmem_shared>>
      %dma_start3A_391 = arith.constant 0 : i32
      %dma_start3A_392 = arith.constant 0 : i32
      %dma_start3A_393 = tpu.memref_slice %arg10[%dma_start3A_382, %dma_start3A_391, %dma_start3A_392] : memref<4x88x128xf32, #tpu.memory_space<vmem>> -> memref<1x88x128xf32, #tpu.memory_space<vmem>>
      %dma_start3A_394 = tpu.memref_squeeze %dma_start3A_393 : memref<1x88x128xf32, #tpu.memory_space<vmem>> -> memref<88x128xf32, #tpu.memory_space<vmem>>
      tpu.enqueue_dma source(%dma_start3A_394 : memref<88x128xf32, #tpu.memory_space<vmem>>) target(%dma_start3A_390 : memref<88x128xf32, #tpu.memory_space<vmem_shared>>) target_semaphore(%arg13 : memref<!tpu.dma_semaphore, #tpu.memory_space<semaphore_mem>>)
      %dma_start3A_395 = arith.constant 0 : i32
      %dma_start3A_396 = arith.constant 0 : i32
      %dma_start3A_397 = arith.constant 0 : i32
      %dma_start3A_398 = tpu.memref_slice %arg10[%dma_start3A_395, %dma_start3A_396, %dma_start3A_397] : memref<4x88x128xf32, #tpu.memory_space<vmem>> -> memref<1x24x128xf32, #tpu.memory_space<vmem>>
      %dma_start3A_399 = tpu.memref_squeeze %dma_start3A_398 : memref<1x24x128xf32, #tpu.memory_space<vmem>> -> memref<24x128xf32, #tpu.memory_space<vmem>>
      %dma_start3A_400 = arith.constant 0 : i32
      %dma_start3A_401 = tpu.memref_slice %arg11[%add3A_303, %dma_start3A_400] : memref<10016x128xf32, #tpu.memory_space<vmem_shared>> -> memref<24x128xf32, #tpu.memory_space<vmem_shared>>
      %dma_start3A_402 = arith.constant 0 : i32
      %dma_start3A_403 = tpu.memref_slice %arg11[%add3A_303, %dma_start3A_402] : memref<10016x128xf32, #tpu.memory_space<vmem_shared>> -> memref<24x128xf32, #tpu.memory_space<vmem_shared>>
      %dma_start3A_404 = arith.constant 0 : i32
      %dma_start3A_405 = arith.constant 0 : i32
      %dma_start3A_406 = tpu.memref_slice %arg10[%dma_start3A_395, %dma_start3A_404, %dma_start3A_405] : memref<4x88x128xf32, #tpu.memory_space<vmem>> -> memref<1x24x128xf32, #tpu.memory_space<vmem>>
      %dma_start3A_407 = tpu.memref_squeeze %dma_start3A_406 : memref<1x24x128xf32, #tpu.memory_space<vmem>> -> memref<24x128xf32, #tpu.memory_space<vmem>>
      tpu.enqueue_dma source(%dma_start3A_407 : memref<24x128xf32, #tpu.memory_space<vmem>>) target(%dma_start3A_403 : memref<24x128xf32, #tpu.memory_space<vmem_shared>>) target_semaphore(%arg13 : memref<!tpu.dma_semaphore, #tpu.memory_space<semaphore_mem>>)
      %dma_wait3A_408 = arith.constant 0 : i32
      %dma_wait3A_409 = arith.constant 0 : i32
      %dma_wait3A_410 = arith.constant 0 : i32
      %dma_wait3A_411 = tpu.memref_slice %arg10[%dma_wait3A_408, %dma_wait3A_409, %dma_wait3A_410] : memref<4x88x128xf32, #tpu.memory_space<vmem>> -> memref<1x88x128xf32, #tpu.memory_space<vmem>>
      %dma_wait3A_412 = tpu.memref_squeeze %dma_wait3A_411 : memref<1x88x128xf32, #tpu.memory_space<vmem>> -> memref<88x128xf32, #tpu.memory_space<vmem>>
      %dma_wait3A_413 = arith.constant 0 : i32
      %dma_wait3A_414 = tpu.memref_slice %arg11[%add3A_289, %dma_wait3A_413] : memref<10016x128xf32, #tpu.memory_space<vmem_shared>> -> memref<88x128xf32, #tpu.memory_space<vmem_shared>>
      %dma_wait3A_415 = arith.constant 0 : i32
      %dma_wait3A_416 = tpu.memref_slice %arg11[%add3A_289, %dma_wait3A_415] : memref<10016x128xf32, #tpu.memory_space<vmem_shared>> -> memref<88x128xf32, #tpu.memory_space<vmem_shared>>
      %dma_wait3A_417 = arith.constant 0 : i32
      %dma_wait3A_418 = arith.constant 0 : i32
      %dma_wait3A_419 = tpu.memref_slice %arg10[%dma_wait3A_408, %dma_wait3A_417, %dma_wait3A_418] : memref<4x88x128xf32, #tpu.memory_space<vmem>> -> memref<1x88x128xf32, #tpu.memory_space<vmem>>
      %dma_wait3A_420 = tpu.memref_squeeze %dma_wait3A_419 : memref<1x88x128xf32, #tpu.memory_space<vmem>> -> memref<88x128xf32, #tpu.memory_space<vmem>>
      tpu.wait_dma2 semaphore(%arg13 : memref<!tpu.dma_semaphore, #tpu.memory_space<semaphore_mem>>) src(%dma_wait3A_420 : memref<88x128xf32, #tpu.memory_space<vmem>>) dst(%dma_wait3A_416 : memref<88x128xf32, #tpu.memory_space<vmem_shared>>)
      %dma_wait3A_421 = arith.constant 0 : i32
      %dma_wait3A_422 = arith.constant 0 : i32
      %dma_wait3A_423 = arith.constant 0 : i32
      %dma_wait3A_424 = tpu.memref_slice %arg10[%dma_wait3A_421, %dma_wait3A_422, %dma_wait3A_423] : memref<4x88x128xf32, #tpu.memory_space<vmem>> -> memref<1x88x128xf32, #tpu.memory_space<vmem>>
      %dma_wait3A_425 = tpu.memref_squeeze %dma_wait3A_424 : memref<1x88x128xf32, #tpu.memory_space<vmem>> -> memref<88x128xf32, #tpu.memory_space<vmem>>
      %dma_wait3A_426 = arith.constant 0 : i32
      %dma_wait3A_427 = tpu.memref_slice %arg11[%add3A_291, %dma_wait3A_426] : memref<10016x128xf32, #tpu.memory_space<vmem_shared>> -> memref<88x128xf32, #tpu.memory_space<vmem_shared>>
      %dma_wait3A_428 = arith.constant 0 : i32
      %dma_wait3A_429 = tpu.memref_slice %arg11[%add3A_291, %dma_wait3A_428] : memref<10016x128xf32, #tpu.memory_space<vmem_shared>> -> memref<88x128xf32, #tpu.memory_space<vmem_shared>>
      %dma_wait3A_430 = arith.constant 0 : i32
      %dma_wait3A_431 = arith.constant 0 : i32
      %dma_wait3A_432 = tpu.memref_slice %arg10[%dma_wait3A_421, %dma_wait3A_430, %dma_wait3A_431] : memref<4x88x128xf32, #tpu.memory_space<vmem>> -> memref<1x88x128xf32, #tpu.memory_space<vmem>>
      %dma_wait3A_433 = tpu.memref_squeeze %dma_wait3A_432 : memref<1x88x128xf32, #tpu.memory_space<vmem>> -> memref<88x128xf32, #tpu.memory_space<vmem>>
      tpu.wait_dma2 semaphore(%arg13 : memref<!tpu.dma_semaphore, #tpu.memory_space<semaphore_mem>>) src(%dma_wait3A_433 : memref<88x128xf32, #tpu.memory_space<vmem>>) dst(%dma_wait3A_429 : memref<88x128xf32, #tpu.memory_space<vmem_shared>>)
      %dma_wait3A_434 = arith.constant 0 : i32
      %dma_wait3A_435 = arith.constant 0 : i32
      %dma_wait3A_436 = arith.constant 0 : i32
      %dma_wait3A_437 = tpu.memref_slice %arg10[%dma_wait3A_434, %dma_wait3A_435, %dma_wait3A_436] : memref<4x88x128xf32, #tpu.memory_space<vmem>> -> memref<1x88x128xf32, #tpu.memory_space<vmem>>
      %dma_wait3A_438 = tpu.memref_squeeze %dma_wait3A_437 : memref<1x88x128xf32, #tpu.memory_space<vmem>> -> memref<88x128xf32, #tpu.memory_space<vmem>>
      %dma_wait3A_439 = arith.constant 0 : i32
      %dma_wait3A_440 = tpu.memref_slice %arg11[%add3A_293, %dma_wait3A_439] : memref<10016x128xf32, #tpu.memory_space<vmem_shared>> -> memref<88x128xf32, #tpu.memory_space<vmem_shared>>
      %dma_wait3A_441 = arith.constant 0 : i32
      %dma_wait3A_442 = tpu.memref_slice %arg11[%add3A_293, %dma_wait3A_441] : memref<10016x128xf32, #tpu.memory_space<vmem_shared>> -> memref<88x128xf32, #tpu.memory_space<vmem_shared>>
      %dma_wait3A_443 = arith.constant 0 : i32
      %dma_wait3A_444 = arith.constant 0 : i32
      %dma_wait3A_445 = tpu.memref_slice %arg10[%dma_wait3A_434, %dma_wait3A_443, %dma_wait3A_444] : memref<4x88x128xf32, #tpu.memory_space<vmem>> -> memref<1x88x128xf32, #tpu.memory_space<vmem>>
      %dma_wait3A_446 = tpu.memref_squeeze %dma_wait3A_445 : memref<1x88x128xf32, #tpu.memory_space<vmem>> -> memref<88x128xf32, #tpu.memory_space<vmem>>
      tpu.wait_dma2 semaphore(%arg13 : memref<!tpu.dma_semaphore, #tpu.memory_space<semaphore_mem>>) src(%dma_wait3A_446 : memref<88x128xf32, #tpu.memory_space<vmem>>) dst(%dma_wait3A_442 : memref<88x128xf32, #tpu.memory_space<vmem_shared>>)
      %dma_wait3A_447 = arith.constant 0 : i32
      %dma_wait3A_448 = arith.constant 0 : i32
      %dma_wait3A_449 = arith.constant 0 : i32
      %dma_wait3A_450 = tpu.memref_slice %arg10[%dma_wait3A_447, %dma_wait3A_448, %dma_wait3A_449] : memref<4x88x128xf32, #tpu.memory_space<vmem>> -> memref<1x88x128xf32, #tpu.memory_space<vmem>>
      %dma_wait3A_451 = tpu.memref_squeeze %dma_wait3A_450 : memref<1x88x128xf32, #tpu.memory_space<vmem>> -> memref<88x128xf32, #tpu.memory_space<vmem>>
      %dma_wait3A_452 = arith.constant 0 : i32
      %dma_wait3A_453 = tpu.memref_slice %arg11[%add3A_295, %dma_wait3A_452] : memref<10016x128xf32, #tpu.memory_space<vmem_shared>> -> memref<88x128xf32, #tpu.memory_space<vmem_shared>>
      %dma_wait3A_454 = arith.constant 0 : i32
      %dma_wait3A_455 = tpu.memref_slice %arg11[%add3A_295, %dma_wait3A_454] : memref<10016x128xf32, #tpu.memory_space<vmem_shared>> -> memref<88x128xf32, #tpu.memory_space<vmem_shared>>
      %dma_wait3A_456 = arith.constant 0 : i32
      %dma_wait3A_457 = arith.constant 0 : i32
      %dma_wait3A_458 = tpu.memref_slice %arg10[%dma_wait3A_447, %dma_wait3A_456, %dma_wait3A_457] : memref<4x88x128xf32, #tpu.memory_space<vmem>> -> memref<1x88x128xf32, #tpu.memory_space<vmem>>
      %dma_wait3A_459 = tpu.memref_squeeze %dma_wait3A_458 : memref<1x88x128xf32, #tpu.memory_space<vmem>> -> memref<88x128xf32, #tpu.memory_space<vmem>>
      tpu.wait_dma2 semaphore(%arg13 : memref<!tpu.dma_semaphore, #tpu.memory_space<semaphore_mem>>) src(%dma_wait3A_459 : memref<88x128xf32, #tpu.memory_space<vmem>>) dst(%dma_wait3A_455 : memref<88x128xf32, #tpu.memory_space<vmem_shared>>)
      %dma_wait3A_460 = arith.constant 0 : i32
      %dma_wait3A_461 = arith.constant 0 : i32
      %dma_wait3A_462 = arith.constant 0 : i32
      %dma_wait3A_463 = tpu.memref_slice %arg10[%dma_wait3A_460, %dma_wait3A_461, %dma_wait3A_462] : memref<4x88x128xf32, #tpu.memory_space<vmem>> -> memref<1x88x128xf32, #tpu.memory_space<vmem>>
      %dma_wait3A_464 = tpu.memref_squeeze %dma_wait3A_463 : memref<1x88x128xf32, #tpu.memory_space<vmem>> -> memref<88x128xf32, #tpu.memory_space<vmem>>
      %dma_wait3A_465 = arith.constant 0 : i32
      %dma_wait3A_466 = tpu.memref_slice %arg11[%add3A_297, %dma_wait3A_465] : memref<10016x128xf32, #tpu.memory_space<vmem_shared>> -> memref<88x128xf32, #tpu.memory_space<vmem_shared>>
      %dma_wait3A_467 = arith.constant 0 : i32
      %dma_wait3A_468 = tpu.memref_slice %arg11[%add3A_297, %dma_wait3A_467] : memref<10016x128xf32, #tpu.memory_space<vmem_shared>> -> memref<88x128xf32, #tpu.memory_space<vmem_shared>>
      %dma_wait3A_469 = arith.constant 0 : i32
      %dma_wait3A_470 = arith.constant 0 : i32
      %dma_wait3A_471 = tpu.memref_slice %arg10[%dma_wait3A_460, %dma_wait3A_469, %dma_wait3A_470] : memref<4x88x128xf32, #tpu.memory_space<vmem>> -> memref<1x88x128xf32, #tpu.memory_space<vmem>>
      %dma_wait3A_472 = tpu.memref_squeeze %dma_wait3A_471 : memref<1x88x128xf32, #tpu.memory_space<vmem>> -> memref<88x128xf32, #tpu.memory_space<vmem>>
      tpu.wait_dma2 semaphore(%arg13 : memref<!tpu.dma_semaphore, #tpu.memory_space<semaphore_mem>>) src(%dma_wait3A_472 : memref<88x128xf32, #tpu.memory_space<vmem>>) dst(%dma_wait3A_468 : memref<88x128xf32, #tpu.memory_space<vmem_shared>>)
      %dma_wait3A_473 = arith.constant 0 : i32
      %dma_wait3A_474 = arith.constant 0 : i32
      %dma_wait3A_475 = arith.constant 0 : i32
      %dma_wait3A_476 = tpu.memref_slice %arg10[%dma_wait3A_473, %dma_wait3A_474, %dma_wait3A_475] : memref<4x88x128xf32, #tpu.memory_space<vmem>> -> memref<1x88x128xf32, #tpu.memory_space<vmem>>
      %dma_wait3A_477 = tpu.memref_squeeze %dma_wait3A_476 : memref<1x88x128xf32, #tpu.memory_space<vmem>> -> memref<88x128xf32, #tpu.memory_space<vmem>>
      %dma_wait3A_478 = arith.constant 0 : i32
      %dma_wait3A_479 = tpu.memref_slice %arg11[%add3A_299, %dma_wait3A_478] : memref<10016x128xf32, #tpu.memory_space<vmem_shared>> -> memref<88x128xf32, #tpu.memory_space<vmem_shared>>
      %dma_wait3A_480 = arith.constant 0 : i32
      %dma_wait3A_481 = tpu.memref_slice %arg11[%add3A_299, %dma_wait3A_480] : memref<10016x128xf32, #tpu.memory_space<vmem_shared>> -> memref<88x128xf32, #tpu.memory_space<vmem_shared>>
      %dma_wait3A_482 = arith.constant 0 : i32
      %dma_wait3A_483 = arith.constant 0 : i32
      %dma_wait3A_484 = tpu.memref_slice %arg10[%dma_wait3A_473, %dma_wait3A_482, %dma_wait3A_483] : memref<4x88x128xf32, #tpu.memory_space<vmem>> -> memref<1x88x128xf32, #tpu.memory_space<vmem>>
      %dma_wait3A_485 = tpu.memref_squeeze %dma_wait3A_484 : memref<1x88x128xf32, #tpu.memory_space<vmem>> -> memref<88x128xf32, #tpu.memory_space<vmem>>
      tpu.wait_dma2 semaphore(%arg13 : memref<!tpu.dma_semaphore, #tpu.memory_space<semaphore_mem>>) src(%dma_wait3A_485 : memref<88x128xf32, #tpu.memory_space<vmem>>) dst(%dma_wait3A_481 : memref<88x128xf32, #tpu.memory_space<vmem_shared>>)
      %dma_wait3A_486 = arith.constant 0 : i32
      %dma_wait3A_487 = arith.constant 0 : i32
      %dma_wait3A_488 = arith.constant 0 : i32
      %dma_wait3A_489 = tpu.memref_slice %arg10[%dma_wait3A_486, %dma_wait3A_487, %dma_wait3A_488] : memref<4x88x128xf32, #tpu.memory_space<vmem>> -> memref<1x88x128xf32, #tpu.memory_space<vmem>>
      %dma_wait3A_490 = tpu.memref_squeeze %dma_wait3A_489 : memref<1x88x128xf32, #tpu.memory_space<vmem>> -> memref<88x128xf32, #tpu.memory_space<vmem>>
      %dma_wait3A_491 = arith.constant 0 : i32
      %dma_wait3A_492 = tpu.memref_slice %arg11[%add3A_301, %dma_wait3A_491] : memref<10016x128xf32, #tpu.memory_space<vmem_shared>> -> memref<88x128xf32, #tpu.memory_space<vmem_shared>>
      %dma_wait3A_493 = arith.constant 0 : i32
      %dma_wait3A_494 = tpu.memref_slice %arg11[%add3A_301, %dma_wait3A_493] : memref<10016x128xf32, #tpu.memory_space<vmem_shared>> -> memref<88x128xf32, #tpu.memory_space<vmem_shared>>
      %dma_wait3A_495 = arith.constant 0 : i32
      %dma_wait3A_496 = arith.constant 0 : i32
      %dma_wait3A_497 = tpu.memref_slice %arg10[%dma_wait3A_486, %dma_wait3A_495, %dma_wait3A_496] : memref<4x88x128xf32, #tpu.memory_space<vmem>> -> memref<1x88x128xf32, #tpu.memory_space<vmem>>
      %dma_wait3A_498 = tpu.memref_squeeze %dma_wait3A_497 : memref<1x88x128xf32, #tpu.memory_space<vmem>> -> memref<88x128xf32, #tpu.memory_space<vmem>>
      tpu.wait_dma2 semaphore(%arg13 : memref<!tpu.dma_semaphore, #tpu.memory_space<semaphore_mem>>) src(%dma_wait3A_498 : memref<88x128xf32, #tpu.memory_space<vmem>>) dst(%dma_wait3A_494 : memref<88x128xf32, #tpu.memory_space<vmem_shared>>)
      %dma_wait3A_499 = arith.constant 0 : i32
      %dma_wait3A_500 = arith.constant 0 : i32
      %dma_wait3A_501 = arith.constant 0 : i32
      %dma_wait3A_502 = tpu.memref_slice %arg10[%dma_wait3A_499, %dma_wait3A_500, %dma_wait3A_501] : memref<4x88x128xf32, #tpu.memory_space<vmem>> -> memref<1x24x128xf32, #tpu.memory_space<vmem>>
      %dma_wait3A_503 = tpu.memref_squeeze %dma_wait3A_502 : memref<1x24x128xf32, #tpu.memory_space<vmem>> -> memref<24x128xf32, #tpu.memory_space<vmem>>
      %dma_wait3A_504 = arith.constant 0 : i32
      %dma_wait3A_505 = tpu.memref_slice %arg11[%add3A_303, %dma_wait3A_504] : memref<10016x128xf32, #tpu.memory_space<vmem_shared>> -> memref<24x128xf32, #tpu.memory_space<vmem_shared>>
      %dma_wait3A_506 = arith.constant 0 : i32
      %dma_wait3A_507 = tpu.memref_slice %arg11[%add3A_303, %dma_wait3A_506] : memref<10016x128xf32, #tpu.memory_space<vmem_shared>> -> memref<24x128xf32, #tpu.memory_space<vmem_shared>>
      %dma_wait3A_508 = arith.constant 0 : i32
      %dma_wait3A_509 = arith.constant 0 : i32
      %dma_wait3A_510 = tpu.memref_slice %arg10[%dma_wait3A_499, %dma_wait3A_508, %dma_wait3A_509] : memref<4x88x128xf32, #tpu.memory_space<vmem>> -> memref<1x24x128xf32, #tpu.memory_space<vmem>>
      %dma_wait3A_511 = tpu.memref_squeeze %dma_wait3A_510 : memref<1x24x128xf32, #tpu.memory_space<vmem>> -> memref<24x128xf32, #tpu.memory_space<vmem>>
      tpu.wait_dma2 semaphore(%arg13 : memref<!tpu.dma_semaphore, #tpu.memory_space<semaphore_mem>>) src(%dma_wait3A_511 : memref<24x128xf32, #tpu.memory_space<vmem>>) dst(%dma_wait3A_507 : memref<24x128xf32, #tpu.memory_space<vmem_shared>>)
    } else {
    }
    %dma_start3A = arith.constant 0 : i32
    %dma_start3A_12 = arith.constant 0 : i32
    %dma_start3A_13 = arith.constant 0 : i32
    %dma_start3A_14 = tpu.memref_slice %arg8[%dma_start3A_12, %dma_start3A_13] : memref<5x88xi32, #tpu.memory_space<vmem>> -> memref<1x88xi32, #tpu.memory_space<vmem>>
    %dma_start3A_15 = tpu.memref_squeeze %dma_start3A_14 : memref<1x88xi32, #tpu.memory_space<vmem>> -> memref<88xi32, #tpu.memory_space<vmem>>
    %dma_start3A_16 = arith.constant 0 : i32
    %dma_start3A_17 = tpu.memref_slice %arg4[%arg1, %dma_start3A, %dma_start3A_16] : memref<16x114x88xi32, #tpu.memory_space<hbm>> -> memref<1x1x88xi32, #tpu.memory_space<hbm>>
    %dma_start3A_18 = tpu.memref_squeeze %dma_start3A_17 : memref<1x1x88xi32, #tpu.memory_space<hbm>> -> memref<88xi32, #tpu.memory_space<hbm>>
    %dma_start3A_19 = arith.constant 0 : i32
    %dma_start3A_20 = tpu.memref_slice %arg8[%dma_start3A_12, %dma_start3A_19] : memref<5x88xi32, #tpu.memory_space<vmem>> -> memref<1x88xi32, #tpu.memory_space<vmem>>
    %dma_start3A_21 = tpu.memref_squeeze %dma_start3A_20 : memref<1x88xi32, #tpu.memory_space<vmem>> -> memref<88xi32, #tpu.memory_space<vmem>>
    %dma_start3A_22 = arith.constant 0 : i32
    %dma_start3A_23 = tpu.memref_slice %arg4[%arg1, %dma_start3A, %dma_start3A_22] : memref<16x114x88xi32, #tpu.memory_space<hbm>> -> memref<1x1x88xi32, #tpu.memory_space<hbm>>
    %dma_start3A_24 = tpu.memref_squeeze %dma_start3A_23 : memref<1x1x88xi32, #tpu.memory_space<hbm>> -> memref<88xi32, #tpu.memory_space<hbm>>
    tpu.enqueue_dma source(%dma_start3A_24 : memref<88xi32, #tpu.memory_space<hbm>>) target(%dma_start3A_21 : memref<88xi32, #tpu.memory_space<vmem>>) target_semaphore(%arg14 : memref<!tpu.dma_semaphore, #tpu.memory_space<semaphore_mem>>)
    %dma_start3A_25 = arith.constant 0 : i32
    %dma_start3A_26 = arith.constant 0 : i32
    %dma_start3A_27 = arith.constant 0 : i32
    %dma_start3A_28 = tpu.memref_slice %arg9[%dma_start3A_26, %dma_start3A_27] : memref<5x88xi32, #tpu.memory_space<vmem>> -> memref<1x88xi32, #tpu.memory_space<vmem>>
    %dma_start3A_29 = tpu.memref_squeeze %dma_start3A_28 : memref<1x88xi32, #tpu.memory_space<vmem>> -> memref<88xi32, #tpu.memory_space<vmem>>
    %dma_start3A_30 = arith.constant 0 : i32
    %dma_start3A_31 = tpu.memref_slice %arg5[%arg1, %dma_start3A_25, %dma_start3A_30] : memref<16x114x88xi32, #tpu.memory_space<hbm>> -> memref<1x1x88xi32, #tpu.memory_space<hbm>>
    %dma_start3A_32 = tpu.memref_squeeze %dma_start3A_31 : memref<1x1x88xi32, #tpu.memory_space<hbm>> -> memref<88xi32, #tpu.memory_space<hbm>>
    %dma_start3A_33 = arith.constant 0 : i32
    %dma_start3A_34 = tpu.memref_slice %arg9[%dma_start3A_26, %dma_start3A_33] : memref<5x88xi32, #tpu.memory_space<vmem>> -> memref<1x88xi32, #tpu.memory_space<vmem>>
    %dma_start3A_35 = tpu.memref_squeeze %dma_start3A_34 : memref<1x88xi32, #tpu.memory_space<vmem>> -> memref<88xi32, #tpu.memory_space<vmem>>
    %dma_start3A_36 = arith.constant 0 : i32
    %dma_start3A_37 = tpu.memref_slice %arg5[%arg1, %dma_start3A_25, %dma_start3A_36] : memref<16x114x88xi32, #tpu.memory_space<hbm>> -> memref<1x1x88xi32, #tpu.memory_space<hbm>>
    %dma_start3A_38 = tpu.memref_squeeze %dma_start3A_37 : memref<1x1x88xi32, #tpu.memory_space<hbm>> -> memref<88xi32, #tpu.memory_space<hbm>>
    tpu.enqueue_dma source(%dma_start3A_38 : memref<88xi32, #tpu.memory_space<hbm>>) target(%dma_start3A_35 : memref<88xi32, #tpu.memory_space<vmem>>) target_semaphore(%arg14 : memref<!tpu.dma_semaphore, #tpu.memory_space<semaphore_mem>>)
    %dma_start3A_39 = arith.constant 1 : i32
    %dma_start3A_40 = arith.constant 1 : i32
    %dma_start3A_41 = arith.constant 0 : i32
    %dma_start3A_42 = tpu.memref_slice %arg8[%dma_start3A_40, %dma_start3A_41] : memref<5x88xi32, #tpu.memory_space<vmem>> -> memref<1x88xi32, #tpu.memory_space<vmem>>
    %dma_start3A_43 = tpu.memref_squeeze %dma_start3A_42 : memref<1x88xi32, #tpu.memory_space<vmem>> -> memref<88xi32, #tpu.memory_space<vmem>>
    %dma_start3A_44 = arith.constant 0 : i32
    %dma_start3A_45 = tpu.memref_slice %arg4[%arg1, %dma_start3A_39, %dma_start3A_44] : memref<16x114x88xi32, #tpu.memory_space<hbm>> -> memref<1x1x88xi32, #tpu.memory_space<hbm>>
    %dma_start3A_46 = tpu.memref_squeeze %dma_start3A_45 : memref<1x1x88xi32, #tpu.memory_space<hbm>> -> memref<88xi32, #tpu.memory_space<hbm>>
    %dma_start3A_47 = arith.constant 0 : i32
    %dma_start3A_48 = tpu.memref_slice %arg8[%dma_start3A_40, %dma_start3A_47] : memref<5x88xi32, #tpu.memory_space<vmem>> -> memref<1x88xi32, #tpu.memory_space<vmem>>
    %dma_start3A_49 = tpu.memref_squeeze %dma_start3A_48 : memref<1x88xi32, #tpu.memory_space<vmem>> -> memref<88xi32, #tpu.memory_space<vmem>>
    %dma_start3A_50 = arith.constant 0 : i32
    %dma_start3A_51 = tpu.memref_slice %arg4[%arg1, %dma_start3A_39, %dma_start3A_50] : memref<16x114x88xi32, #tpu.memory_space<hbm>> -> memref<1x1x88xi32, #tpu.memory_space<hbm>>
    %dma_start3A_52 = tpu.memref_squeeze %dma_start3A_51 : memref<1x1x88xi32, #tpu.memory_space<hbm>> -> memref<88xi32, #tpu.memory_space<hbm>>
    tpu.enqueue_dma source(%dma_start3A_52 : memref<88xi32, #tpu.memory_space<hbm>>) target(%dma_start3A_49 : memref<88xi32, #tpu.memory_space<vmem>>) target_semaphore(%arg14 : memref<!tpu.dma_semaphore, #tpu.memory_space<semaphore_mem>>)
    %dma_start3A_53 = arith.constant 1 : i32
    %dma_start3A_54 = arith.constant 1 : i32
    %dma_start3A_55 = arith.constant 0 : i32
    %dma_start3A_56 = tpu.memref_slice %arg9[%dma_start3A_54, %dma_start3A_55] : memref<5x88xi32, #tpu.memory_space<vmem>> -> memref<1x88xi32, #tpu.memory_space<vmem>>
    %dma_start3A_57 = tpu.memref_squeeze %dma_start3A_56 : memref<1x88xi32, #tpu.memory_space<vmem>> -> memref<88xi32, #tpu.memory_space<vmem>>
    %dma_start3A_58 = arith.constant 0 : i32
    %dma_start3A_59 = tpu.memref_slice %arg5[%arg1, %dma_start3A_53, %dma_start3A_58] : memref<16x114x88xi32, #tpu.memory_space<hbm>> -> memref<1x1x88xi32, #tpu.memory_space<hbm>>
    %dma_start3A_60 = tpu.memref_squeeze %dma_start3A_59 : memref<1x1x88xi32, #tpu.memory_space<hbm>> -> memref<88xi32, #tpu.memory_space<hbm>>
    %dma_start3A_61 = arith.constant 0 : i32
    %dma_start3A_62 = tpu.memref_slice %arg9[%dma_start3A_54, %dma_start3A_61] : memref<5x88xi32, #tpu.memory_space<vmem>> -> memref<1x88xi32, #tpu.memory_space<vmem>>
    %dma_start3A_63 = tpu.memref_squeeze %dma_start3A_62 : memref<1x88xi32, #tpu.memory_space<vmem>> -> memref<88xi32, #tpu.memory_space<vmem>>
    %dma_start3A_64 = arith.constant 0 : i32
    %dma_start3A_65 = tpu.memref_slice %arg5[%arg1, %dma_start3A_53, %dma_start3A_64] : memref<16x114x88xi32, #tpu.memory_space<hbm>> -> memref<1x1x88xi32, #tpu.memory_space<hbm>>
    %dma_start3A_66 = tpu.memref_squeeze %dma_start3A_65 : memref<1x1x88xi32, #tpu.memory_space<hbm>> -> memref<88xi32, #tpu.memory_space<hbm>>
    tpu.enqueue_dma source(%dma_start3A_66 : memref<88xi32, #tpu.memory_space<hbm>>) target(%dma_start3A_63 : memref<88xi32, #tpu.memory_space<vmem>>) target_semaphore(%arg14 : memref<!tpu.dma_semaphore, #tpu.memory_space<semaphore_mem>>)
    %dma_start3A_67 = arith.constant 2 : i32
    %dma_start3A_68 = arith.constant 2 : i32
    %dma_start3A_69 = arith.constant 0 : i32
    %dma_start3A_70 = tpu.memref_slice %arg8[%dma_start3A_68, %dma_start3A_69] : memref<5x88xi32, #tpu.memory_space<vmem>> -> memref<1x88xi32, #tpu.memory_space<vmem>>
    %dma_start3A_71 = tpu.memref_squeeze %dma_start3A_70 : memref<1x88xi32, #tpu.memory_space<vmem>> -> memref<88xi32, #tpu.memory_space<vmem>>
    %dma_start3A_72 = arith.constant 0 : i32
    %dma_start3A_73 = tpu.memref_slice %arg4[%arg1, %dma_start3A_67, %dma_start3A_72] : memref<16x114x88xi32, #tpu.memory_space<hbm>> -> memref<1x1x88xi32, #tpu.memory_space<hbm>>
    %dma_start3A_74 = tpu.memref_squeeze %dma_start3A_73 : memref<1x1x88xi32, #tpu.memory_space<hbm>> -> memref<88xi32, #tpu.memory_space<hbm>>
    %dma_start3A_75 = arith.constant 0 : i32
    %dma_start3A_76 = tpu.memref_slice %arg8[%dma_start3A_68, %dma_start3A_75] : memref<5x88xi32, #tpu.memory_space<vmem>> -> memref<1x88xi32, #tpu.memory_space<vmem>>
    %dma_start3A_77 = tpu.memref_squeeze %dma_start3A_76 : memref<1x88xi32, #tpu.memory_space<vmem>> -> memref<88xi32, #tpu.memory_space<vmem>>
    %dma_start3A_78 = arith.constant 0 : i32
    %dma_start3A_79 = tpu.memref_slice %arg4[%arg1, %dma_start3A_67, %dma_start3A_78] : memref<16x114x88xi32, #tpu.memory_space<hbm>> -> memref<1x1x88xi32, #tpu.memory_space<hbm>>
    %dma_start3A_80 = tpu.memref_squeeze %dma_start3A_79 : memref<1x1x88xi32, #tpu.memory_space<hbm>> -> memref<88xi32, #tpu.memory_space<hbm>>
    tpu.enqueue_dma source(%dma_start3A_80 : memref<88xi32, #tpu.memory_space<hbm>>) target(%dma_start3A_77 : memref<88xi32, #tpu.memory_space<vmem>>) target_semaphore(%arg14 : memref<!tpu.dma_semaphore, #tpu.memory_space<semaphore_mem>>)
    %dma_start3A_81 = arith.constant 2 : i32
    %dma_start3A_82 = arith.constant 2 : i32
    %dma_start3A_83 = arith.constant 0 : i32
    %dma_start3A_84 = tpu.memref_slice %arg9[%dma_start3A_82, %dma_start3A_83] : memref<5x88xi32, #tpu.memory_space<vmem>> -> memref<1x88xi32, #tpu.memory_space<vmem>>
    %dma_start3A_85 = tpu.memref_squeeze %dma_start3A_84 : memref<1x88xi32, #tpu.memory_space<vmem>> -> memref<88xi32, #tpu.memory_space<vmem>>
    %dma_start3A_86 = arith.constant 0 : i32
    %dma_start3A_87 = tpu.memref_slice %arg5[%arg1, %dma_start3A_81, %dma_start3A_86] : memref<16x114x88xi32, #tpu.memory_space<hbm>> -> memref<1x1x88xi32, #tpu.memory_space<hbm>>
    %dma_start3A_88 = tpu.memref_squeeze %dma_start3A_87 : memref<1x1x88xi32, #tpu.memory_space<hbm>> -> memref<88xi32, #tpu.memory_space<hbm>>
    %dma_start3A_89 = arith.constant 0 : i32
    %dma_start3A_90 = tpu.memref_slice %arg9[%dma_start3A_82, %dma_start3A_89] : memref<5x88xi32, #tpu.memory_space<vmem>> -> memref<1x88xi32, #tpu.memory_space<vmem>>
    %dma_start3A_91 = tpu.memref_squeeze %dma_start3A_90 : memref<1x88xi32, #tpu.memory_space<vmem>> -> memref<88xi32, #tpu.memory_space<vmem>>
    %dma_start3A_92 = arith.constant 0 : i32
    %dma_start3A_93 = tpu.memref_slice %arg5[%arg1, %dma_start3A_81, %dma_start3A_92] : memref<16x114x88xi32, #tpu.memory_space<hbm>> -> memref<1x1x88xi32, #tpu.memory_space<hbm>>
    %dma_start3A_94 = tpu.memref_squeeze %dma_start3A_93 : memref<1x1x88xi32, #tpu.memory_space<hbm>> -> memref<88xi32, #tpu.memory_space<hbm>>
    tpu.enqueue_dma source(%dma_start3A_94 : memref<88xi32, #tpu.memory_space<hbm>>) target(%dma_start3A_91 : memref<88xi32, #tpu.memory_space<vmem>>) target_semaphore(%arg14 : memref<!tpu.dma_semaphore, #tpu.memory_space<semaphore_mem>>)
    %dma_start3A_95 = arith.constant 3 : i32
    %dma_start3A_96 = arith.constant 3 : i32
    %dma_start3A_97 = arith.constant 0 : i32
    %dma_start3A_98 = tpu.memref_slice %arg8[%dma_start3A_96, %dma_start3A_97] : memref<5x88xi32, #tpu.memory_space<vmem>> -> memref<1x88xi32, #tpu.memory_space<vmem>>
    %dma_start3A_99 = tpu.memref_squeeze %dma_start3A_98 : memref<1x88xi32, #tpu.memory_space<vmem>> -> memref<88xi32, #tpu.memory_space<vmem>>
    %dma_start3A_100 = arith.constant 0 : i32
    %dma_start3A_101 = tpu.memref_slice %arg4[%arg1, %dma_start3A_95, %dma_start3A_100] : memref<16x114x88xi32, #tpu.memory_space<hbm>> -> memref<1x1x88xi32, #tpu.memory_space<hbm>>
    %dma_start3A_102 = tpu.memref_squeeze %dma_start3A_101 : memref<1x1x88xi32, #tpu.memory_space<hbm>> -> memref<88xi32, #tpu.memory_space<hbm>>
    %dma_start3A_103 = arith.constant 0 : i32
    %dma_start3A_104 = tpu.memref_slice %arg8[%dma_start3A_96, %dma_start3A_103] : memref<5x88xi32, #tpu.memory_space<vmem>> -> memref<1x88xi32, #tpu.memory_space<vmem>>
    %dma_start3A_105 = tpu.memref_squeeze %dma_start3A_104 : memref<1x88xi32, #tpu.memory_space<vmem>> -> memref<88xi32, #tpu.memory_space<vmem>>
    %dma_start3A_106 = arith.constant 0 : i32
    %dma_start3A_107 = tpu.memref_slice %arg4[%arg1, %dma_start3A_95, %dma_start3A_106] : memref<16x114x88xi32, #tpu.memory_space<hbm>> -> memref<1x1x88xi32, #tpu.memory_space<hbm>>
    %dma_start3A_108 = tpu.memref_squeeze %dma_start3A_107 : memref<1x1x88xi32, #tpu.memory_space<hbm>> -> memref<88xi32, #tpu.memory_space<hbm>>
    tpu.enqueue_dma source(%dma_start3A_108 : memref<88xi32, #tpu.memory_space<hbm>>) target(%dma_start3A_105 : memref<88xi32, #tpu.memory_space<vmem>>) target_semaphore(%arg14 : memref<!tpu.dma_semaphore, #tpu.memory_space<semaphore_mem>>)
    %dma_start3A_109 = arith.constant 3 : i32
    %dma_start3A_110 = arith.constant 3 : i32
    %dma_start3A_111 = arith.constant 0 : i32
    %dma_start3A_112 = tpu.memref_slice %arg9[%dma_start3A_110, %dma_start3A_111] : memref<5x88xi32, #tpu.memory_space<vmem>> -> memref<1x88xi32, #tpu.memory_space<vmem>>
    %dma_start3A_113 = tpu.memref_squeeze %dma_start3A_112 : memref<1x88xi32, #tpu.memory_space<vmem>> -> memref<88xi32, #tpu.memory_space<vmem>>
    %dma_start3A_114 = arith.constant 0 : i32
    %dma_start3A_115 = tpu.memref_slice %arg5[%arg1, %dma_start3A_109, %dma_start3A_114] : memref<16x114x88xi32, #tpu.memory_space<hbm>> -> memref<1x1x88xi32, #tpu.memory_space<hbm>>
    %dma_start3A_116 = tpu.memref_squeeze %dma_start3A_115 : memref<1x1x88xi32, #tpu.memory_space<hbm>> -> memref<88xi32, #tpu.memory_space<hbm>>
    %dma_start3A_117 = arith.constant 0 : i32
    %dma_start3A_118 = tpu.memref_slice %arg9[%dma_start3A_110, %dma_start3A_117] : memref<5x88xi32, #tpu.memory_space<vmem>> -> memref<1x88xi32, #tpu.memory_space<vmem>>
    %dma_start3A_119 = tpu.memref_squeeze %dma_start3A_118 : memref<1x88xi32, #tpu.memory_space<vmem>> -> memref<88xi32, #tpu.memory_space<vmem>>
    %dma_start3A_120 = arith.constant 0 : i32
    %dma_start3A_121 = tpu.memref_slice %arg5[%arg1, %dma_start3A_109, %dma_start3A_120] : memref<16x114x88xi32, #tpu.memory_space<hbm>> -> memref<1x1x88xi32, #tpu.memory_space<hbm>>
    %dma_start3A_122 = tpu.memref_squeeze %dma_start3A_121 : memref<1x1x88xi32, #tpu.memory_space<hbm>> -> memref<88xi32, #tpu.memory_space<hbm>>
    tpu.enqueue_dma source(%dma_start3A_122 : memref<88xi32, #tpu.memory_space<hbm>>) target(%dma_start3A_119 : memref<88xi32, #tpu.memory_space<vmem>>) target_semaphore(%arg14 : memref<!tpu.dma_semaphore, #tpu.memory_space<semaphore_mem>>)
    %dma_wait3A = arith.constant 0 : i32
    %dma_wait3A_123 = arith.constant 0 : i32
    %dma_wait3A_124 = arith.constant 0 : i32
    %dma_wait3A_125 = tpu.memref_slice %arg8[%dma_wait3A_123, %dma_wait3A_124] : memref<5x88xi32, #tpu.memory_space<vmem>> -> memref<1x88xi32, #tpu.memory_space<vmem>>
    %dma_wait3A_126 = tpu.memref_squeeze %dma_wait3A_125 : memref<1x88xi32, #tpu.memory_space<vmem>> -> memref<88xi32, #tpu.memory_space<vmem>>
    %dma_wait3A_127 = arith.constant 0 : i32
    %dma_wait3A_128 = tpu.memref_slice %arg4[%arg1, %dma_wait3A, %dma_wait3A_127] : memref<16x114x88xi32, #tpu.memory_space<hbm>> -> memref<1x1x88xi32, #tpu.memory_space<hbm>>
    %dma_wait3A_129 = tpu.memref_squeeze %dma_wait3A_128 : memref<1x1x88xi32, #tpu.memory_space<hbm>> -> memref<88xi32, #tpu.memory_space<hbm>>
    %dma_wait3A_130 = arith.constant 0 : i32
    %dma_wait3A_131 = tpu.memref_slice %arg8[%dma_wait3A_123, %dma_wait3A_130] : memref<5x88xi32, #tpu.memory_space<vmem>> -> memref<1x88xi32, #tpu.memory_space<vmem>>
    %dma_wait3A_132 = tpu.memref_squeeze %dma_wait3A_131 : memref<1x88xi32, #tpu.memory_space<vmem>> -> memref<88xi32, #tpu.memory_space<vmem>>
    %dma_wait3A_133 = arith.constant 0 : i32
    %dma_wait3A_134 = tpu.memref_slice %arg4[%arg1, %dma_wait3A, %dma_wait3A_133] : memref<16x114x88xi32, #tpu.memory_space<hbm>> -> memref<1x1x88xi32, #tpu.memory_space<hbm>>
    %dma_wait3A_135 = tpu.memref_squeeze %dma_wait3A_134 : memref<1x1x88xi32, #tpu.memory_space<hbm>> -> memref<88xi32, #tpu.memory_space<hbm>>
    tpu.wait_dma2 semaphore(%arg14 : memref<!tpu.dma_semaphore, #tpu.memory_space<semaphore_mem>>) src(%dma_wait3A_135 : memref<88xi32, #tpu.memory_space<hbm>>) dst(%dma_wait3A_132 : memref<88xi32, #tpu.memory_space<vmem>>)
    %dma_wait3A_136 = arith.constant 0 : i32
    %dma_wait3A_137 = arith.constant 0 : i32
    %dma_wait3A_138 = arith.constant 0 : i32
    %dma_wait3A_139 = tpu.memref_slice %arg9[%dma_wait3A_137, %dma_wait3A_138] : memref<5x88xi32, #tpu.memory_space<vmem>> -> memref<1x88xi32, #tpu.memory_space<vmem>>
    %dma_wait3A_140 = tpu.memref_squeeze %dma_wait3A_139 : memref<1x88xi32, #tpu.memory_space<vmem>> -> memref<88xi32, #tpu.memory_space<vmem>>
    %dma_wait3A_141 = arith.constant 0 : i32
    %dma_wait3A_142 = tpu.memref_slice %arg5[%arg1, %dma_wait3A_136, %dma_wait3A_141] : memref<16x114x88xi32, #tpu.memory_space<hbm>> -> memref<1x1x88xi32, #tpu.memory_space<hbm>>
    %dma_wait3A_143 = tpu.memref_squeeze %dma_wait3A_142 : memref<1x1x88xi32, #tpu.memory_space<hbm>> -> memref<88xi32, #tpu.memory_space<hbm>>
    %dma_wait3A_144 = arith.constant 0 : i32
    %dma_wait3A_145 = tpu.memref_slice %arg9[%dma_wait3A_137, %dma_wait3A_144] : memref<5x88xi32, #tpu.memory_space<vmem>> -> memref<1x88xi32, #tpu.memory_space<vmem>>
    %dma_wait3A_146 = tpu.memref_squeeze %dma_wait3A_145 : memref<1x88xi32, #tpu.memory_space<vmem>> -> memref<88xi32, #tpu.memory_space<vmem>>
    %dma_wait3A_147 = arith.constant 0 : i32
    %dma_wait3A_148 = tpu.memref_slice %arg5[%arg1, %dma_wait3A_136, %dma_wait3A_147] : memref<16x114x88xi32, #tpu.memory_space<hbm>> -> memref<1x1x88xi32, #tpu.memory_space<hbm>>
    %dma_wait3A_149 = tpu.memref_squeeze %dma_wait3A_148 : memref<1x1x88xi32, #tpu.memory_space<hbm>> -> memref<88xi32, #tpu.memory_space<hbm>>
    tpu.wait_dma2 semaphore(%arg14 : memref<!tpu.dma_semaphore, #tpu.memory_space<semaphore_mem>>) src(%dma_wait3A_149 : memref<88xi32, #tpu.memory_space<hbm>>) dst(%dma_wait3A_146 : memref<88xi32, #tpu.memory_space<vmem>>)
    %dma_wait3A_150 = arith.constant 1 : i32
    %dma_wait3A_151 = arith.constant 1 : i32
    %dma_wait3A_152 = arith.constant 0 : i32
    %dma_wait3A_153 = tpu.memref_slice %arg8[%dma_wait3A_151, %dma_wait3A_152] : memref<5x88xi32, #tpu.memory_space<vmem>> -> memref<1x88xi32, #tpu.memory_space<vmem>>
    %dma_wait3A_154 = tpu.memref_squeeze %dma_wait3A_153 : memref<1x88xi32, #tpu.memory_space<vmem>> -> memref<88xi32, #tpu.memory_space<vmem>>
    %dma_wait3A_155 = arith.constant 0 : i32
    %dma_wait3A_156 = tpu.memref_slice %arg4[%arg1, %dma_wait3A_150, %dma_wait3A_155] : memref<16x114x88xi32, #tpu.memory_space<hbm>> -> memref<1x1x88xi32, #tpu.memory_space<hbm>>
    %dma_wait3A_157 = tpu.memref_squeeze %dma_wait3A_156 : memref<1x1x88xi32, #tpu.memory_space<hbm>> -> memref<88xi32, #tpu.memory_space<hbm>>
    %dma_wait3A_158 = arith.constant 0 : i32
    %dma_wait3A_159 = tpu.memref_slice %arg8[%dma_wait3A_151, %dma_wait3A_158] : memref<5x88xi32, #tpu.memory_space<vmem>> -> memref<1x88xi32, #tpu.memory_space<vmem>>
    %dma_wait3A_160 = tpu.memref_squeeze %dma_wait3A_159 : memref<1x88xi32, #tpu.memory_space<vmem>> -> memref<88xi32, #tpu.memory_space<vmem>>
    %dma_wait3A_161 = arith.constant 0 : i32
    %dma_wait3A_162 = tpu.memref_slice %arg4[%arg1, %dma_wait3A_150, %dma_wait3A_161] : memref<16x114x88xi32, #tpu.memory_space<hbm>> -> memref<1x1x88xi32, #tpu.memory_space<hbm>>
    %dma_wait3A_163 = tpu.memref_squeeze %dma_wait3A_162 : memref<1x1x88xi32, #tpu.memory_space<hbm>> -> memref<88xi32, #tpu.memory_space<hbm>>
    tpu.wait_dma2 semaphore(%arg14 : memref<!tpu.dma_semaphore, #tpu.memory_space<semaphore_mem>>) src(%dma_wait3A_163 : memref<88xi32, #tpu.memory_space<hbm>>) dst(%dma_wait3A_160 : memref<88xi32, #tpu.memory_space<vmem>>)
    %dma_wait3A_164 = arith.constant 1 : i32
    %dma_wait3A_165 = arith.constant 1 : i32
    %dma_wait3A_166 = arith.constant 0 : i32
    %dma_wait3A_167 = tpu.memref_slice %arg9[%dma_wait3A_165, %dma_wait3A_166] : memref<5x88xi32, #tpu.memory_space<vmem>> -> memref<1x88xi32, #tpu.memory_space<vmem>>
    %dma_wait3A_168 = tpu.memref_squeeze %dma_wait3A_167 : memref<1x88xi32, #tpu.memory_space<vmem>> -> memref<88xi32, #tpu.memory_space<vmem>>
    %dma_wait3A_169 = arith.constant 0 : i32
    %dma_wait3A_170 = tpu.memref_slice %arg5[%arg1, %dma_wait3A_164, %dma_wait3A_169] : memref<16x114x88xi32, #tpu.memory_space<hbm>> -> memref<1x1x88xi32, #tpu.memory_space<hbm>>
    %dma_wait3A_171 = tpu.memref_squeeze %dma_wait3A_170 : memref<1x1x88xi32, #tpu.memory_space<hbm>> -> memref<88xi32, #tpu.memory_space<hbm>>
    %dma_wait3A_172 = arith.constant 0 : i32
    %dma_wait3A_173 = tpu.memref_slice %arg9[%dma_wait3A_165, %dma_wait3A_172] : memref<5x88xi32, #tpu.memory_space<vmem>> -> memref<1x88xi32, #tpu.memory_space<vmem>>
    %dma_wait3A_174 = tpu.memref_squeeze %dma_wait3A_173 : memref<1x88xi32, #tpu.memory_space<vmem>> -> memref<88xi32, #tpu.memory_space<vmem>>
    %dma_wait3A_175 = arith.constant 0 : i32
    %dma_wait3A_176 = tpu.memref_slice %arg5[%arg1, %dma_wait3A_164, %dma_wait3A_175] : memref<16x114x88xi32, #tpu.memory_space<hbm>> -> memref<1x1x88xi32, #tpu.memory_space<hbm>>
    %dma_wait3A_177 = tpu.memref_squeeze %dma_wait3A_176 : memref<1x1x88xi32, #tpu.memory_space<hbm>> -> memref<88xi32, #tpu.memory_space<hbm>>
    tpu.wait_dma2 semaphore(%arg14 : memref<!tpu.dma_semaphore, #tpu.memory_space<semaphore_mem>>) src(%dma_wait3A_177 : memref<88xi32, #tpu.memory_space<hbm>>) dst(%dma_wait3A_174 : memref<88xi32, #tpu.memory_space<vmem>>)
    %dma_wait3A_178 = arith.constant 2 : i32
    %dma_wait3A_179 = arith.constant 2 : i32
    %dma_wait3A_180 = arith.constant 0 : i32
    %dma_wait3A_181 = tpu.memref_slice %arg8[%dma_wait3A_179, %dma_wait3A_180] : memref<5x88xi32, #tpu.memory_space<vmem>> -> memref<1x88xi32, #tpu.memory_space<vmem>>
    %dma_wait3A_182 = tpu.memref_squeeze %dma_wait3A_181 : memref<1x88xi32, #tpu.memory_space<vmem>> -> memref<88xi32, #tpu.memory_space<vmem>>
    %dma_wait3A_183 = arith.constant 0 : i32
    %dma_wait3A_184 = tpu.memref_slice %arg4[%arg1, %dma_wait3A_178, %dma_wait3A_183] : memref<16x114x88xi32, #tpu.memory_space<hbm>> -> memref<1x1x88xi32, #tpu.memory_space<hbm>>
    %dma_wait3A_185 = tpu.memref_squeeze %dma_wait3A_184 : memref<1x1x88xi32, #tpu.memory_space<hbm>> -> memref<88xi32, #tpu.memory_space<hbm>>
    %dma_wait3A_186 = arith.constant 0 : i32
    %dma_wait3A_187 = tpu.memref_slice %arg8[%dma_wait3A_179, %dma_wait3A_186] : memref<5x88xi32, #tpu.memory_space<vmem>> -> memref<1x88xi32, #tpu.memory_space<vmem>>
    %dma_wait3A_188 = tpu.memref_squeeze %dma_wait3A_187 : memref<1x88xi32, #tpu.memory_space<vmem>> -> memref<88xi32, #tpu.memory_space<vmem>>
    %dma_wait3A_189 = arith.constant 0 : i32
    %dma_wait3A_190 = tpu.memref_slice %arg4[%arg1, %dma_wait3A_178, %dma_wait3A_189] : memref<16x114x88xi32, #tpu.memory_space<hbm>> -> memref<1x1x88xi32, #tpu.memory_space<hbm>>
    %dma_wait3A_191 = tpu.memref_squeeze %dma_wait3A_190 : memref<1x1x88xi32, #tpu.memory_space<hbm>> -> memref<88xi32, #tpu.memory_space<hbm>>
    tpu.wait_dma2 semaphore(%arg14 : memref<!tpu.dma_semaphore, #tpu.memory_space<semaphore_mem>>) src(%dma_wait3A_191 : memref<88xi32, #tpu.memory_space<hbm>>) dst(%dma_wait3A_188 : memref<88xi32, #tpu.memory_space<vmem>>)
    %dma_wait3A_192 = arith.constant 2 : i32
    %dma_wait3A_193 = arith.constant 2 : i32
    %dma_wait3A_194 = arith.constant 0 : i32
    %dma_wait3A_195 = tpu.memref_slice %arg9[%dma_wait3A_193, %dma_wait3A_194] : memref<5x88xi32, #tpu.memory_space<vmem>> -> memref<1x88xi32, #tpu.memory_space<vmem>>
    %dma_wait3A_196 = tpu.memref_squeeze %dma_wait3A_195 : memref<1x88xi32, #tpu.memory_space<vmem>> -> memref<88xi32, #tpu.memory_space<vmem>>
    %dma_wait3A_197 = arith.constant 0 : i32
    %dma_wait3A_198 = tpu.memref_slice %arg5[%arg1, %dma_wait3A_192, %dma_wait3A_197] : memref<16x114x88xi32, #tpu.memory_space<hbm>> -> memref<1x1x88xi32, #tpu.memory_space<hbm>>
    %dma_wait3A_199 = tpu.memref_squeeze %dma_wait3A_198 : memref<1x1x88xi32, #tpu.memory_space<hbm>> -> memref<88xi32, #tpu.memory_space<hbm>>
    %dma_wait3A_200 = arith.constant 0 : i32
    %dma_wait3A_201 = tpu.memref_slice %arg9[%dma_wait3A_193, %dma_wait3A_200] : memref<5x88xi32, #tpu.memory_space<vmem>> -> memref<1x88xi32, #tpu.memory_space<vmem>>
    %dma_wait3A_202 = tpu.memref_squeeze %dma_wait3A_201 : memref<1x88xi32, #tpu.memory_space<vmem>> -> memref<88xi32, #tpu.memory_space<vmem>>
    %dma_wait3A_203 = arith.constant 0 : i32
    %dma_wait3A_204 = tpu.memref_slice %arg5[%arg1, %dma_wait3A_192, %dma_wait3A_203] : memref<16x114x88xi32, #tpu.memory_space<hbm>> -> memref<1x1x88xi32, #tpu.memory_space<hbm>>
    %dma_wait3A_205 = tpu.memref_squeeze %dma_wait3A_204 : memref<1x1x88xi32, #tpu.memory_space<hbm>> -> memref<88xi32, #tpu.memory_space<hbm>>
    tpu.wait_dma2 semaphore(%arg14 : memref<!tpu.dma_semaphore, #tpu.memory_space<semaphore_mem>>) src(%dma_wait3A_205 : memref<88xi32, #tpu.memory_space<hbm>>) dst(%dma_wait3A_202 : memref<88xi32, #tpu.memory_space<vmem>>)
    %barrier3A = arith.constant 0 : index
    tpu.barrier barrier_id(%barrier3A)
    %eq3A_206 = arith.constant 0 : i32
    %eq3A_207 = arith.cmpi eq, %arg0, %eq3A_206 : i32
    %convert_element_type3A_208 = arith.extui %eq3A_207 : i1 to i32
    %cond3A_209 = arith.constant 0 : i32
    %cond3A_210 = arith.cmpi ne, %convert_element_type3A_208, %cond3A_209 : i32
    scf.if %cond3A_210 {
      %dma_start3A_289 = arith.constant 0 : i32
      %dma_start3A_290 = arith.constant 0 : i32
      %dma_start3A_291 = arith.constant 0 : i32
      %dma_start3A_292 = arith.constant 0 : i32
      %dma_start3A_293 = tpu.memref_slice %arg10[%dma_start3A_290, %dma_start3A_291, %dma_start3A_292] : memref<4x88x128xf32, #tpu.memory_space<vmem>> -> memref<1x88x128xf32, #tpu.memory_space<vmem>>
      %dma_start3A_294 = tpu.memref_squeeze %dma_start3A_293 : memref<1x88x128xf32, #tpu.memory_space<vmem>> -> memref<88x128xf32, #tpu.memory_space<vmem>>
      %dma_start3A_295 = arith.constant 0 : i32
      %dma_start3A_296 = tpu.memref_slice %arg8[%dma_start3A_289, %dma_start3A_295] : memref<5x88xi32, #tpu.memory_space<vmem>> -> memref<1x88xi32, #tpu.memory_space<vmem>>
      %dma_start3A_297 = tpu.memref_squeeze %dma_start3A_296 : memref<1x88xi32, #tpu.memory_space<vmem>> -> memref<88xi32, #tpu.memory_space<vmem>>
      %dma_start3A_298 = arith.constant 0 : i32
      %dma_start3A_299 = arith.constant 0 : i32
      %dma_start3A_300 = tpu.memref_slice %arg2[%dma_start3A_298, %dma_start3A_299] : memref<10000x128xf32, #tpu.memory_space<hbm>> -> memref<10000x128xf32, #tpu.memory_space<hbm>>
      tpu.enqueue_indirect_dma source(%dma_start3A_300 : memref<10000x128xf32, #tpu.memory_space<hbm>>) target(%dma_start3A_294 : memref<88x128xf32, #tpu.memory_space<vmem>>) offsets(%dma_start3A_297 : memref<88xi32, #tpu.memory_space<vmem>>) semaphore(%arg12 : memref<!tpu.dma_semaphore, #tpu.memory_space<semaphore_mem>>)
    } else {
    }
    %eq3A_211 = arith.constant 1 : i32
    %eq3A_212 = arith.cmpi eq, %arg0, %eq3A_211 : i32
    %convert_element_type3A_213 = arith.extui %eq3A_212 : i1 to i32
    %cond3A_214 = arith.constant 0 : i32
    %cond3A_215 = arith.cmpi ne, %convert_element_type3A_213, %cond3A_214 : i32
    scf.if %cond3A_215 {
      %dma_start3A_289 = arith.constant 0 : i32
      %dma_start3A_290 = arith.constant 0 : i32
      %dma_start3A_291 = arith.constant 0 : i32
      %dma_start3A_292 = arith.constant 0 : i32
      %dma_start3A_293 = tpu.memref_slice %arg10[%dma_start3A_290, %dma_start3A_291, %dma_start3A_292] : memref<4x88x128xf32, #tpu.memory_space<vmem>> -> memref<1x88x128xf32, #tpu.memory_space<vmem>>
      %dma_start3A_294 = tpu.memref_squeeze %dma_start3A_293 : memref<1x88x128xf32, #tpu.memory_space<vmem>> -> memref<88x128xf32, #tpu.memory_space<vmem>>
      %dma_start3A_295 = arith.constant 0 : i32
      %dma_start3A_296 = tpu.memref_slice %arg8[%dma_start3A_289, %dma_start3A_295] : memref<5x88xi32, #tpu.memory_space<vmem>> -> memref<1x88xi32, #tpu.memory_space<vmem>>
      %dma_start3A_297 = tpu.memref_squeeze %dma_start3A_296 : memref<1x88xi32, #tpu.memory_space<vmem>> -> memref<88xi32, #tpu.memory_space<vmem>>
      %dma_start3A_298 = arith.constant 0 : i32
      %dma_start3A_299 = arith.constant 0 : i32
      %dma_start3A_300 = tpu.memref_slice %arg3[%dma_start3A_298, %dma_start3A_299] : memref<10000x128xf32, #tpu.memory_space<hbm>> -> memref<10000x128xf32, #tpu.memory_space<hbm>>
      tpu.enqueue_indirect_dma source(%dma_start3A_300 : memref<10000x128xf32, #tpu.memory_space<hbm>>) target(%dma_start3A_294 : memref<88x128xf32, #tpu.memory_space<vmem>>) offsets(%dma_start3A_297 : memref<88xi32, #tpu.memory_space<vmem>>) semaphore(%arg12 : memref<!tpu.dma_semaphore, #tpu.memory_space<semaphore_mem>>)
    } else {
    }
    %eq3A_216 = arith.constant 0 : i32
    %eq3A_217 = arith.cmpi eq, %arg0, %eq3A_216 : i32
    %convert_element_type3A_218 = arith.extui %eq3A_217 : i1 to i32
    %cond3A_219 = arith.constant 0 : i32
    %cond3A_220 = arith.cmpi ne, %convert_element_type3A_218, %cond3A_219 : i32
    scf.if %cond3A_220 {
      %dma_start3A_289 = arith.constant 1 : i32
      %dma_start3A_290 = arith.constant 1 : i32
      %dma_start3A_291 = arith.constant 0 : i32
      %dma_start3A_292 = arith.constant 0 : i32
      %dma_start3A_293 = tpu.memref_slice %arg10[%dma_start3A_290, %dma_start3A_291, %dma_start3A_292] : memref<4x88x128xf32, #tpu.memory_space<vmem>> -> memref<1x88x128xf32, #tpu.memory_space<vmem>>
      %dma_start3A_294 = tpu.memref_squeeze %dma_start3A_293 : memref<1x88x128xf32, #tpu.memory_space<vmem>> -> memref<88x128xf32, #tpu.memory_space<vmem>>
      %dma_start3A_295 = arith.constant 0 : i32
      %dma_start3A_296 = tpu.memref_slice %arg8[%dma_start3A_289, %dma_start3A_295] : memref<5x88xi32, #tpu.memory_space<vmem>> -> memref<1x88xi32, #tpu.memory_space<vmem>>
      %dma_start3A_297 = tpu.memref_squeeze %dma_start3A_296 : memref<1x88xi32, #tpu.memory_space<vmem>> -> memref<88xi32, #tpu.memory_space<vmem>>
      %dma_start3A_298 = arith.constant 0 : i32
      %dma_start3A_299 = arith.constant 0 : i32
      %dma_start3A_300 = tpu.memref_slice %arg2[%dma_start3A_298, %dma_start3A_299] : memref<10000x128xf32, #tpu.memory_space<hbm>> -> memref<10000x128xf32, #tpu.memory_space<hbm>>
      tpu.enqueue_indirect_dma source(%dma_start3A_300 : memref<10000x128xf32, #tpu.memory_space<hbm>>) target(%dma_start3A_294 : memref<88x128xf32, #tpu.memory_space<vmem>>) offsets(%dma_start3A_297 : memref<88xi32, #tpu.memory_space<vmem>>) semaphore(%arg12 : memref<!tpu.dma_semaphore, #tpu.memory_space<semaphore_mem>>)
    } else {
    }
    %eq3A_221 = arith.constant 1 : i32
    %eq3A_222 = arith.cmpi eq, %arg0, %eq3A_221 : i32
    %convert_element_type3A_223 = arith.extui %eq3A_222 : i1 to i32
    %cond3A_224 = arith.constant 0 : i32
    %cond3A_225 = arith.cmpi ne, %convert_element_type3A_223, %cond3A_224 : i32
    scf.if %cond3A_225 {
      %dma_start3A_289 = arith.constant 1 : i32
      %dma_start3A_290 = arith.constant 1 : i32
      %dma_start3A_291 = arith.constant 0 : i32
      %dma_start3A_292 = arith.constant 0 : i32
      %dma_start3A_293 = tpu.memref_slice %arg10[%dma_start3A_290, %dma_start3A_291, %dma_start3A_292] : memref<4x88x128xf32, #tpu.memory_space<vmem>> -> memref<1x88x128xf32, #tpu.memory_space<vmem>>
      %dma_start3A_294 = tpu.memref_squeeze %dma_start3A_293 : memref<1x88x128xf32, #tpu.memory_space<vmem>> -> memref<88x128xf32, #tpu.memory_space<vmem>>
      %dma_start3A_295 = arith.constant 0 : i32
      %dma_start3A_296 = tpu.memref_slice %arg8[%dma_start3A_289, %dma_start3A_295] : memref<5x88xi32, #tpu.memory_space<vmem>> -> memref<1x88xi32, #tpu.memory_space<vmem>>
      %dma_start3A_297 = tpu.memref_squeeze %dma_start3A_296 : memref<1x88xi32, #tpu.memory_space<vmem>> -> memref<88xi32, #tpu.memory_space<vmem>>
      %dma_start3A_298 = arith.constant 0 : i32
      %dma_start3A_299 = arith.constant 0 : i32
      %dma_start3A_300 = tpu.memref_slice %arg3[%dma_start3A_298, %dma_start3A_299] : memref<10000x128xf32, #tpu.memory_space<hbm>> -> memref<10000x128xf32, #tpu.memory_space<hbm>>
      tpu.enqueue_indirect_dma source(%dma_start3A_300 : memref<10000x128xf32, #tpu.memory_space<hbm>>) target(%dma_start3A_294 : memref<88x128xf32, #tpu.memory_space<vmem>>) offsets(%dma_start3A_297 : memref<88xi32, #tpu.memory_space<vmem>>) semaphore(%arg12 : memref<!tpu.dma_semaphore, #tpu.memory_space<semaphore_mem>>)
    } else {
    }
    %eq3A_226 = arith.constant 0 : i32
    %eq3A_227 = arith.cmpi eq, %arg0, %eq3A_226 : i32
    %convert_element_type3A_228 = arith.extui %eq3A_227 : i1 to i32
    %cond3A_229 = arith.constant 0 : i32
    %cond3A_230 = arith.cmpi ne, %convert_element_type3A_228, %cond3A_229 : i32
    scf.if %cond3A_230 {
      %dma_start3A_289 = arith.constant 2 : i32
      %dma_start3A_290 = arith.constant 2 : i32
      %dma_start3A_291 = arith.constant 0 : i32
      %dma_start3A_292 = arith.constant 0 : i32
      %dma_start3A_293 = tpu.memref_slice %arg10[%dma_start3A_290, %dma_start3A_291, %dma_start3A_292] : memref<4x88x128xf32, #tpu.memory_space<vmem>> -> memref<1x88x128xf32, #tpu.memory_space<vmem>>
      %dma_start3A_294 = tpu.memref_squeeze %dma_start3A_293 : memref<1x88x128xf32, #tpu.memory_space<vmem>> -> memref<88x128xf32, #tpu.memory_space<vmem>>
      %dma_start3A_295 = arith.constant 0 : i32
      %dma_start3A_296 = tpu.memref_slice %arg8[%dma_start3A_289, %dma_start3A_295] : memref<5x88xi32, #tpu.memory_space<vmem>> -> memref<1x88xi32, #tpu.memory_space<vmem>>
      %dma_start3A_297 = tpu.memref_squeeze %dma_start3A_296 : memref<1x88xi32, #tpu.memory_space<vmem>> -> memref<88xi32, #tpu.memory_space<vmem>>
      %dma_start3A_298 = arith.constant 0 : i32
      %dma_start3A_299 = arith.constant 0 : i32
      %dma_start3A_300 = tpu.memref_slice %arg2[%dma_start3A_298, %dma_start3A_299] : memref<10000x128xf32, #tpu.memory_space<hbm>> -> memref<10000x128xf32, #tpu.memory_space<hbm>>
      tpu.enqueue_indirect_dma source(%dma_start3A_300 : memref<10000x128xf32, #tpu.memory_space<hbm>>) target(%dma_start3A_294 : memref<88x128xf32, #tpu.memory_space<vmem>>) offsets(%dma_start3A_297 : memref<88xi32, #tpu.memory_space<vmem>>) semaphore(%arg12 : memref<!tpu.dma_semaphore, #tpu.memory_space<semaphore_mem>>)
    } else {
    }
    %eq3A_231 = arith.constant 1 : i32
    %eq3A_232 = arith.cmpi eq, %arg0, %eq3A_231 : i32
    %convert_element_type3A_233 = arith.extui %eq3A_232 : i1 to i32
    %cond3A_234 = arith.constant 0 : i32
    %cond3A_235 = arith.cmpi ne, %convert_element_type3A_233, %cond3A_234 : i32
    scf.if %cond3A_235 {
      %dma_start3A_289 = arith.constant 2 : i32
      %dma_start3A_290 = arith.constant 2 : i32
      %dma_start3A_291 = arith.constant 0 : i32
      %dma_start3A_292 = arith.constant 0 : i32
      %dma_start3A_293 = tpu.memref_slice %arg10[%dma_start3A_290, %dma_start3A_291, %dma_start3A_292] : memref<4x88x128xf32, #tpu.memory_space<vmem>> -> memref<1x88x128xf32, #tpu.memory_space<vmem>>
      %dma_start3A_294 = tpu.memref_squeeze %dma_start3A_293 : memref<1x88x128xf32, #tpu.memory_space<vmem>> -> memref<88x128xf32, #tpu.memory_space<vmem>>
      %dma_start3A_295 = arith.constant 0 : i32
      %dma_start3A_296 = tpu.memref_slice %arg8[%dma_start3A_289, %dma_start3A_295] : memref<5x88xi32, #tpu.memory_space<vmem>> -> memref<1x88xi32, #tpu.memory_space<vmem>>
      %dma_start3A_297 = tpu.memref_squeeze %dma_start3A_296 : memref<1x88xi32, #tpu.memory_space<vmem>> -> memref<88xi32, #tpu.memory_space<vmem>>
      %dma_start3A_298 = arith.constant 0 : i32
      %dma_start3A_299 = arith.constant 0 : i32
      %dma_start3A_300 = tpu.memref_slice %arg3[%dma_start3A_298, %dma_start3A_299] : memref<10000x128xf32, #tpu.memory_space<hbm>> -> memref<10000x128xf32, #tpu.memory_space<hbm>>
      tpu.enqueue_indirect_dma source(%dma_start3A_300 : memref<10000x128xf32, #tpu.memory_space<hbm>>) target(%dma_start3A_294 : memref<88x128xf32, #tpu.memory_space<vmem>>) offsets(%dma_start3A_297 : memref<88xi32, #tpu.memory_space<vmem>>) semaphore(%arg12 : memref<!tpu.dma_semaphore, #tpu.memory_space<semaphore_mem>>)
    } else {
    }
    %scan3A_236 = arith.constant 0 : i32
    %scan3A_237 = arith.constant 0 : i32
    %scan3A_238 = arith.constant 114 : i32
    %scan3A_239 = arith.addi %scan3A_237, %scan3A_238 : i32
    %scan3A_240 = arith.constant 1 : i32
    scf.for %scan3A_289 = %scan3A_237 to %scan3A_239 step %scan3A_240  : i32 {
      %rem3A_290 = arith.constant 4 : i32
      %rem3A_291 = arith.remsi %scan3A_289, %rem3A_290 : i32
      %rem3A_292 = arith.constant 5 : i32
      %rem3A_293 = arith.remsi %scan3A_289, %rem3A_292 : i32
      %dma_wait3A_294 = arith.constant 0 : i32
      %dma_wait3A_295 = arith.constant 0 : i32
      %dma_wait3A_296 = tpu.memref_slice %arg10[%rem3A_291, %dma_wait3A_294, %dma_wait3A_295] : memref<4x88x128xf32, #tpu.memory_space<vmem>> -> memref<1x88x128xf32, #tpu.memory_space<vmem>>
      %dma_wait3A_297 = tpu.memref_squeeze %dma_wait3A_296 : memref<1x88x128xf32, #tpu.memory_space<vmem>> -> memref<88x128xf32, #tpu.memory_space<vmem>>
      %dma_wait3A_298 = arith.constant 0 : i32
      %dma_wait3A_299 = tpu.memref_slice %arg8[%rem3A_293, %dma_wait3A_298] : memref<5x88xi32, #tpu.memory_space<vmem>> -> memref<1x88xi32, #tpu.memory_space<vmem>>
      %dma_wait3A_300 = tpu.memref_squeeze %dma_wait3A_299 : memref<1x88xi32, #tpu.memory_space<vmem>> -> memref<88xi32, #tpu.memory_space<vmem>>
      %dma_wait3A_301 = arith.constant 0 : i32
      %dma_wait3A_302 = arith.constant 0 : i32
      %dma_wait3A_303 = tpu.memref_slice %arg2[%dma_wait3A_301, %dma_wait3A_302] : memref<10000x128xf32, #tpu.memory_space<hbm>> -> memref<10000x128xf32, #tpu.memory_space<hbm>>
      tpu.wait_indirect_dma semaphore(%arg12 : memref<!tpu.dma_semaphore, #tpu.memory_space<semaphore_mem>>) src(%dma_wait3A_303 : memref<10000x128xf32, #tpu.memory_space<hbm>>) dst(%dma_wait3A_297 : memref<88x128xf32, #tpu.memory_space<vmem>>)
      %dma_start3A_304 = arith.constant 0 : i32
      %dma_start3A_305 = arith.constant 0 : i32
      %dma_start3A_306 = tpu.memref_slice %arg10[%rem3A_291, %dma_start3A_304, %dma_start3A_305] : memref<4x88x128xf32, #tpu.memory_space<vmem>> -> memref<1x88x128xf32, #tpu.memory_space<vmem>>
      %dma_start3A_307 = tpu.memref_squeeze %dma_start3A_306 : memref<1x88x128xf32, #tpu.memory_space<vmem>> -> memref<88x128xf32, #tpu.memory_space<vmem>>
      %dma_start3A_308 = arith.constant 0 : i32
      %dma_start3A_309 = tpu.memref_slice %arg9[%rem3A_293, %dma_start3A_308] : memref<5x88xi32, #tpu.memory_space<vmem>> -> memref<1x88xi32, #tpu.memory_space<vmem>>
      %dma_start3A_310 = tpu.memref_squeeze %dma_start3A_309 : memref<1x88xi32, #tpu.memory_space<vmem>> -> memref<88xi32, #tpu.memory_space<vmem>>
      %dma_start3A_311 = arith.constant 0 : i32
      %dma_start3A_312 = arith.constant 0 : i32
      %dma_start3A_313 = tpu.memref_slice %arg11[%dma_start3A_311, %dma_start3A_312] : memref<10016x128xf32, #tpu.memory_space<vmem_shared>> -> memref<10016x128xf32, #tpu.memory_space<vmem_shared>>
      tpu.enqueue_indirect_dma source(%dma_start3A_307 : memref<88x128xf32, #tpu.memory_space<vmem>>) target(%dma_start3A_313 : memref<10016x128xf32, #tpu.memory_space<vmem_shared>>) offsets(%dma_start3A_310 : memref<88xi32, #tpu.memory_space<vmem>>) semaphore(%arg13 : memref<!tpu.dma_semaphore, #tpu.memory_space<semaphore_mem>>) {add = true}
      %ge3A = arith.constant 1 : i32
      %ge3A_314 = arith.cmpi sge, %scan3A_289, %ge3A : i32
      %convert_element_type3A_315 = arith.extui %ge3A_314 : i1 to i32
      %cond3A_316 = arith.constant 0 : i32
      %cond3A_317 = arith.cmpi ne, %convert_element_type3A_315, %cond3A_316 : i32
      scf.if %cond3A_317 {
        %add3A_331 = arith.constant 5 : i32
        %add3A_332 = arith.addi %scan3A_289, %add3A_331 : i32
        %sub3A_333 = arith.constant 1 : i32
        %sub3A_334 = arith.subi %add3A_332, %sub3A_333 : i32
        %rem3A_335 = arith.constant 5 : i32
        %rem3A_336 = arith.remsi %sub3A_334, %rem3A_335 : i32
        %add3A_337 = arith.constant 4 : i32
        %add3A_338 = arith.addi %scan3A_289, %add3A_337 : i32
        %sub3A_339 = arith.constant 1 : i32
        %sub3A_340 = arith.subi %add3A_338, %sub3A_339 : i32
        %rem3A_341 = arith.constant 4 : i32
        %rem3A_342 = arith.remsi %sub3A_340, %rem3A_341 : i32
        %dma_wait3A_343 = arith.constant 0 : i32
        %dma_wait3A_344 = arith.constant 0 : i32
        %dma_wait3A_345 = tpu.memref_slice %arg10[%rem3A_342, %dma_wait3A_343, %dma_wait3A_344] : memref<4x88x128xf32, #tpu.memory_space<vmem>> -> memref<1x88x128xf32, #tpu.memory_space<vmem>>
        %dma_wait3A_346 = tpu.memref_squeeze %dma_wait3A_345 : memref<1x88x128xf32, #tpu.memory_space<vmem>> -> memref<88x128xf32, #tpu.memory_space<vmem>>
        %dma_wait3A_347 = arith.constant 0 : i32
        %dma_wait3A_348 = tpu.memref_slice %arg9[%rem3A_336, %dma_wait3A_347] : memref<5x88xi32, #tpu.memory_space<vmem>> -> memref<1x88xi32, #tpu.memory_space<vmem>>
        %dma_wait3A_349 = tpu.memref_squeeze %dma_wait3A_348 : memref<1x88xi32, #tpu.memory_space<vmem>> -> memref<88xi32, #tpu.memory_space<vmem>>
        %dma_wait3A_350 = arith.constant 0 : i32
        %dma_wait3A_351 = arith.constant 0 : i32
        %dma_wait3A_352 = tpu.memref_slice %arg11[%dma_wait3A_350, %dma_wait3A_351] : memref<10016x128xf32, #tpu.memory_space<vmem_shared>> -> memref<10016x128xf32, #tpu.memory_space<vmem_shared>>
        tpu.wait_indirect_dma semaphore(%arg13 : memref<!tpu.dma_semaphore, #tpu.memory_space<semaphore_mem>>) src(%dma_wait3A_346 : memref<88x128xf32, #tpu.memory_space<vmem>>) dst(%dma_wait3A_352 : memref<10016x128xf32, #tpu.memory_space<vmem_shared>>)
      } else {
      }
      %add3A = arith.constant 5 : i32
      %add3A_318 = arith.addi %scan3A_289, %add3A : i32
      %sub3A = arith.constant 1 : i32
      %sub3A_319 = arith.subi %add3A_318, %sub3A : i32
      %le3A = arith.constant 113 : i32
      %le3A_320 = arith.cmpi sle, %sub3A_319, %le3A : i32
      %convert_element_type3A_321 = arith.extui %le3A_320 : i1 to i32
      %cond3A_322 = arith.constant 0 : i32
      %cond3A_323 = arith.cmpi ne, %convert_element_type3A_321, %cond3A_322 : i32
      scf.if %cond3A_323 {
        %add3A_331 = arith.constant 5 : i32
        %add3A_332 = arith.addi %scan3A_289, %add3A_331 : i32
        %sub3A_333 = arith.constant 1 : i32
        %sub3A_334 = arith.subi %add3A_332, %sub3A_333 : i32
        %add3A_335 = arith.constant 5 : i32
        %add3A_336 = arith.addi %scan3A_289, %add3A_335 : i32
        %sub3A_337 = arith.constant 1 : i32
        %sub3A_338 = arith.subi %add3A_336, %sub3A_337 : i32
        %rem3A_339 = arith.constant 5 : i32
        %rem3A_340 = arith.remsi %sub3A_338, %rem3A_339 : i32
        %dma_start3A_341 = arith.constant 0 : i32
        %dma_start3A_342 = tpu.memref_slice %arg8[%rem3A_340, %dma_start3A_341] : memref<5x88xi32, #tpu.memory_space<vmem>> -> memref<1x88xi32, #tpu.memory_space<vmem>>
        %dma_start3A_343 = tpu.memref_squeeze %dma_start3A_342 : memref<1x88xi32, #tpu.memory_space<vmem>> -> memref<88xi32, #tpu.memory_space<vmem>>
        %dma_start3A_344 = arith.constant 0 : i32
        %dma_start3A_345 = tpu.memref_slice %arg4[%arg1, %sub3A_334, %dma_start3A_344] : memref<16x114x88xi32, #tpu.memory_space<hbm>> -> memref<1x1x88xi32, #tpu.memory_space<hbm>>
        %dma_start3A_346 = tpu.memref_squeeze %dma_start3A_345 : memref<1x1x88xi32, #tpu.memory_space<hbm>> -> memref<88xi32, #tpu.memory_space<hbm>>
        %dma_start3A_347 = arith.constant 0 : i32
        %dma_start3A_348 = tpu.memref_slice %arg8[%rem3A_340, %dma_start3A_347] : memref<5x88xi32, #tpu.memory_space<vmem>> -> memref<1x88xi32, #tpu.memory_space<vmem>>
        %dma_start3A_349 = tpu.memref_squeeze %dma_start3A_348 : memref<1x88xi32, #tpu.memory_space<vmem>> -> memref<88xi32, #tpu.memory_space<vmem>>
        %dma_start3A_350 = arith.constant 0 : i32
        %dma_start3A_351 = tpu.memref_slice %arg4[%arg1, %sub3A_334, %dma_start3A_350] : memref<16x114x88xi32, #tpu.memory_space<hbm>> -> memref<1x1x88xi32, #tpu.memory_space<hbm>>
        %dma_start3A_352 = tpu.memref_squeeze %dma_start3A_351 : memref<1x1x88xi32, #tpu.memory_space<hbm>> -> memref<88xi32, #tpu.memory_space<hbm>>
        tpu.enqueue_dma source(%dma_start3A_352 : memref<88xi32, #tpu.memory_space<hbm>>) target(%dma_start3A_349 : memref<88xi32, #tpu.memory_space<vmem>>) target_semaphore(%arg14 : memref<!tpu.dma_semaphore, #tpu.memory_space<semaphore_mem>>)
        %dma_start3A_353 = arith.constant 0 : i32
        %dma_start3A_354 = tpu.memref_slice %arg9[%rem3A_340, %dma_start3A_353] : memref<5x88xi32, #tpu.memory_space<vmem>> -> memref<1x88xi32, #tpu.memory_space<vmem>>
        %dma_start3A_355 = tpu.memref_squeeze %dma_start3A_354 : memref<1x88xi32, #tpu.memory_space<vmem>> -> memref<88xi32, #tpu.memory_space<vmem>>
        %dma_start3A_356 = arith.constant 0 : i32
        %dma_start3A_357 = tpu.memref_slice %arg5[%arg1, %sub3A_334, %dma_start3A_356] : memref<16x114x88xi32, #tpu.memory_space<hbm>> -> memref<1x1x88xi32, #tpu.memory_space<hbm>>
        %dma_start3A_358 = tpu.memref_squeeze %dma_start3A_357 : memref<1x1x88xi32, #tpu.memory_space<hbm>> -> memref<88xi32, #tpu.memory_space<hbm>>
        %dma_start3A_359 = arith.constant 0 : i32
        %dma_start3A_360 = tpu.memref_slice %arg9[%rem3A_340, %dma_start3A_359] : memref<5x88xi32, #tpu.memory_space<vmem>> -> memref<1x88xi32, #tpu.memory_space<vmem>>
        %dma_start3A_361 = tpu.memref_squeeze %dma_start3A_360 : memref<1x88xi32, #tpu.memory_space<vmem>> -> memref<88xi32, #tpu.memory_space<vmem>>
        %dma_start3A_362 = arith.constant 0 : i32
        %dma_start3A_363 = tpu.memref_slice %arg5[%arg1, %sub3A_334, %dma_start3A_362] : memref<16x114x88xi32, #tpu.memory_space<hbm>> -> memref<1x1x88xi32, #tpu.memory_space<hbm>>
        %dma_start3A_364 = tpu.memref_squeeze %dma_start3A_363 : memref<1x1x88xi32, #tpu.memory_space<hbm>> -> memref<88xi32, #tpu.memory_space<hbm>>
        tpu.enqueue_dma source(%dma_start3A_364 : memref<88xi32, #tpu.memory_space<hbm>>) target(%dma_start3A_361 : memref<88xi32, #tpu.memory_space<vmem>>) target_semaphore(%arg14 : memref<!tpu.dma_semaphore, #tpu.memory_space<semaphore_mem>>)
      } else {
      }
      %add3A_324 = arith.constant 3 : i32
      %add3A_325 = arith.addi %scan3A_289, %add3A_324 : i32
      %le3A_326 = arith.constant 113 : i32
      %le3A_327 = arith.cmpi sle, %add3A_325, %le3A_326 : i32
      %convert_element_type3A_328 = arith.extui %le3A_327 : i1 to i32
      %cond3A_329 = arith.constant 0 : i32
      %cond3A_330 = arith.cmpi ne, %convert_element_type3A_328, %cond3A_329 : i32
      scf.if %cond3A_330 {
        %add3A_331 = arith.constant 3 : i32
        %add3A_332 = arith.addi %scan3A_289, %add3A_331 : i32
        %rem3A_333 = arith.constant 5 : i32
        %rem3A_334 = arith.remsi %add3A_332, %rem3A_333 : i32
        %add3A_335 = arith.constant 3 : i32
        %add3A_336 = arith.addi %scan3A_289, %add3A_335 : i32
        %dma_wait3A_337 = arith.constant 0 : i32
        %dma_wait3A_338 = tpu.memref_slice %arg8[%rem3A_334, %dma_wait3A_337] : memref<5x88xi32, #tpu.memory_space<vmem>> -> memref<1x88xi32, #tpu.memory_space<vmem>>
        %dma_wait3A_339 = tpu.memref_squeeze %dma_wait3A_338 : memref<1x88xi32, #tpu.memory_space<vmem>> -> memref<88xi32, #tpu.memory_space<vmem>>
        %dma_wait3A_340 = arith.constant 0 : i32
        %dma_wait3A_341 = tpu.memref_slice %arg4[%arg1, %add3A_336, %dma_wait3A_340] : memref<16x114x88xi32, #tpu.memory_space<hbm>> -> memref<1x1x88xi32, #tpu.memory_space<hbm>>
        %dma_wait3A_342 = tpu.memref_squeeze %dma_wait3A_341 : memref<1x1x88xi32, #tpu.memory_space<hbm>> -> memref<88xi32, #tpu.memory_space<hbm>>
        %dma_wait3A_343 = arith.constant 0 : i32
        %dma_wait3A_344 = tpu.memref_slice %arg8[%rem3A_334, %dma_wait3A_343] : memref<5x88xi32, #tpu.memory_space<vmem>> -> memref<1x88xi32, #tpu.memory_space<vmem>>
        %dma_wait3A_345 = tpu.memref_squeeze %dma_wait3A_344 : memref<1x88xi32, #tpu.memory_space<vmem>> -> memref<88xi32, #tpu.memory_space<vmem>>
        %dma_wait3A_346 = arith.constant 0 : i32
        %dma_wait3A_347 = tpu.memref_slice %arg4[%arg1, %add3A_336, %dma_wait3A_346] : memref<16x114x88xi32, #tpu.memory_space<hbm>> -> memref<1x1x88xi32, #tpu.memory_space<hbm>>
        %dma_wait3A_348 = tpu.memref_squeeze %dma_wait3A_347 : memref<1x1x88xi32, #tpu.memory_space<hbm>> -> memref<88xi32, #tpu.memory_space<hbm>>
        tpu.wait_dma2 semaphore(%arg14 : memref<!tpu.dma_semaphore, #tpu.memory_space<semaphore_mem>>) src(%dma_wait3A_348 : memref<88xi32, #tpu.memory_space<hbm>>) dst(%dma_wait3A_345 : memref<88xi32, #tpu.memory_space<vmem>>)
        %dma_wait3A_349 = arith.constant 0 : i32
        %dma_wait3A_350 = tpu.memref_slice %arg9[%rem3A_334, %dma_wait3A_349] : memref<5x88xi32, #tpu.memory_space<vmem>> -> memref<1x88xi32, #tpu.memory_space<vmem>>
        %dma_wait3A_351 = tpu.memref_squeeze %dma_wait3A_350 : memref<1x88xi32, #tpu.memory_space<vmem>> -> memref<88xi32, #tpu.memory_space<vmem>>
        %dma_wait3A_352 = arith.constant 0 : i32
        %dma_wait3A_353 = tpu.memref_slice %arg5[%arg1, %add3A_336, %dma_wait3A_352] : memref<16x114x88xi32, #tpu.memory_space<hbm>> -> memref<1x1x88xi32, #tpu.memory_space<hbm>>
        %dma_wait3A_354 = tpu.memref_squeeze %dma_wait3A_353 : memref<1x1x88xi32, #tpu.memory_space<hbm>> -> memref<88xi32, #tpu.memory_space<hbm>>
        %dma_wait3A_355 = arith.constant 0 : i32
        %dma_wait3A_356 = tpu.memref_slice %arg9[%rem3A_334, %dma_wait3A_355] : memref<5x88xi32, #tpu.memory_space<vmem>> -> memref<1x88xi32, #tpu.memory_space<vmem>>
        %dma_wait3A_357 = tpu.memref_squeeze %dma_wait3A_356 : memref<1x88xi32, #tpu.memory_space<vmem>> -> memref<88xi32, #tpu.memory_space<vmem>>
        %dma_wait3A_358 = arith.constant 0 : i32
        %dma_wait3A_359 = tpu.memref_slice %arg5[%arg1, %add3A_336, %dma_wait3A_358] : memref<16x114x88xi32, #tpu.memory_space<hbm>> -> memref<1x1x88xi32, #tpu.memory_space<hbm>>
        %dma_wait3A_360 = tpu.memref_squeeze %dma_wait3A_359 : memref<1x1x88xi32, #tpu.memory_space<hbm>> -> memref<88xi32, #tpu.memory_space<hbm>>
        tpu.wait_dma2 semaphore(%arg14 : memref<!tpu.dma_semaphore, #tpu.memory_space<semaphore_mem>>) src(%dma_wait3A_360 : memref<88xi32, #tpu.memory_space<hbm>>) dst(%dma_wait3A_357 : memref<88xi32, #tpu.memory_space<vmem>>)
        %add3A_361 = arith.constant 3 : i32
        %add3A_362 = arith.addi %scan3A_289, %add3A_361 : i32
        %rem3A_363 = arith.constant 4 : i32
        %rem3A_364 = arith.remsi %add3A_362, %rem3A_363 : i32
        %eq3A_365 = arith.constant 0 : i32
        %eq3A_366 = arith.cmpi eq, %arg0, %eq3A_365 : i32
        %convert_element_type3A_367 = arith.extui %eq3A_366 : i1 to i32
        %cond3A_368 = arith.constant 0 : i32
        %cond3A_369 = arith.cmpi ne, %convert_element_type3A_367, %cond3A_368 : i32
        scf.if %cond3A_369 {
          %dma_start3A_375 = arith.constant 0 : i32
          %dma_start3A_376 = arith.constant 0 : i32
          %dma_start3A_377 = tpu.memref_slice %arg10[%rem3A_364, %dma_start3A_375, %dma_start3A_376] : memref<4x88x128xf32, #tpu.memory_space<vmem>> -> memref<1x88x128xf32, #tpu.memory_space<vmem>>
          %dma_start3A_378 = tpu.memref_squeeze %dma_start3A_377 : memref<1x88x128xf32, #tpu.memory_space<vmem>> -> memref<88x128xf32, #tpu.memory_space<vmem>>
          %dma_start3A_379 = arith.constant 0 : i32
          %dma_start3A_380 = tpu.memref_slice %arg8[%rem3A_334, %dma_start3A_379] : memref<5x88xi32, #tpu.memory_space<vmem>> -> memref<1x88xi32, #tpu.memory_space<vmem>>
          %dma_start3A_381 = tpu.memref_squeeze %dma_start3A_380 : memref<1x88xi32, #tpu.memory_space<vmem>> -> memref<88xi32, #tpu.memory_space<vmem>>
          %dma_start3A_382 = arith.constant 0 : i32
          %dma_start3A_383 = arith.constant 0 : i32
          %dma_start3A_384 = tpu.memref_slice %arg2[%dma_start3A_382, %dma_start3A_383] : memref<10000x128xf32, #tpu.memory_space<hbm>> -> memref<10000x128xf32, #tpu.memory_space<hbm>>
          tpu.enqueue_indirect_dma source(%dma_start3A_384 : memref<10000x128xf32, #tpu.memory_space<hbm>>) target(%dma_start3A_378 : memref<88x128xf32, #tpu.memory_space<vmem>>) offsets(%dma_start3A_381 : memref<88xi32, #tpu.memory_space<vmem>>) semaphore(%arg12 : memref<!tpu.dma_semaphore, #tpu.memory_space<semaphore_mem>>)
        } else {
        }
        %eq3A_370 = arith.constant 1 : i32
        %eq3A_371 = arith.cmpi eq, %arg0, %eq3A_370 : i32
        %convert_element_type3A_372 = arith.extui %eq3A_371 : i1 to i32
        %cond3A_373 = arith.constant 0 : i32
        %cond3A_374 = arith.cmpi ne, %convert_element_type3A_372, %cond3A_373 : i32
        scf.if %cond3A_374 {
          %dma_start3A_375 = arith.constant 0 : i32
          %dma_start3A_376 = arith.constant 0 : i32
          %dma_start3A_377 = tpu.memref_slice %arg10[%rem3A_364, %dma_start3A_375, %dma_start3A_376] : memref<4x88x128xf32, #tpu.memory_space<vmem>> -> memref<1x88x128xf32, #tpu.memory_space<vmem>>
          %dma_start3A_378 = tpu.memref_squeeze %dma_start3A_377 : memref<1x88x128xf32, #tpu.memory_space<vmem>> -> memref<88x128xf32, #tpu.memory_space<vmem>>
          %dma_start3A_379 = arith.constant 0 : i32
          %dma_start3A_380 = tpu.memref_slice %arg8[%rem3A_334, %dma_start3A_379] : memref<5x88xi32, #tpu.memory_space<vmem>> -> memref<1x88xi32, #tpu.memory_space<vmem>>
          %dma_start3A_381 = tpu.memref_squeeze %dma_start3A_380 : memref<1x88xi32, #tpu.memory_space<vmem>> -> memref<88xi32, #tpu.memory_space<vmem>>
          %dma_start3A_382 = arith.constant 0 : i32
          %dma_start3A_383 = arith.constant 0 : i32
          %dma_start3A_384 = tpu.memref_slice %arg3[%dma_start3A_382, %dma_start3A_383] : memref<10000x128xf32, #tpu.memory_space<hbm>> -> memref<10000x128xf32, #tpu.memory_space<hbm>>
          tpu.enqueue_indirect_dma source(%dma_start3A_384 : memref<10000x128xf32, #tpu.memory_space<hbm>>) target(%dma_start3A_378 : memref<88x128xf32, #tpu.memory_space<vmem>>) offsets(%dma_start3A_381 : memref<88xi32, #tpu.memory_space<vmem>>) semaphore(%arg12 : memref<!tpu.dma_semaphore, #tpu.memory_space<semaphore_mem>>)
        } else {
        }
      } else {
      }
    }
    %scan3A_241 = arith.constant 114 : i32
    %rem3A = arith.constant 113 : i32
    %rem3A_242 = arith.constant 5 : i32
    %rem3A_243 = arith.remsi %rem3A, %rem3A_242 : i32
    %rem3A_244 = arith.constant 113 : i32
    %rem3A_245 = arith.constant 4 : i32
    %rem3A_246 = arith.remsi %rem3A_244, %rem3A_245 : i32
    %dma_wait3A_247 = arith.constant 0 : i32
    %dma_wait3A_248 = arith.constant 0 : i32
    %dma_wait3A_249 = tpu.memref_slice %arg10[%rem3A_246, %dma_wait3A_247, %dma_wait3A_248] : memref<4x88x128xf32, #tpu.memory_space<vmem>> -> memref<1x88x128xf32, #tpu.memory_space<vmem>>
    %dma_wait3A_250 = tpu.memref_squeeze %dma_wait3A_249 : memref<1x88x128xf32, #tpu.memory_space<vmem>> -> memref<88x128xf32, #tpu.memory_space<vmem>>
    %dma_wait3A_251 = arith.constant 0 : i32
    %dma_wait3A_252 = tpu.memref_slice %arg9[%rem3A_243, %dma_wait3A_251] : memref<5x88xi32, #tpu.memory_space<vmem>> -> memref<1x88xi32, #tpu.memory_space<vmem>>
    %dma_wait3A_253 = tpu.memref_squeeze %dma_wait3A_252 : memref<1x88xi32, #tpu.memory_space<vmem>> -> memref<88xi32, #tpu.memory_space<vmem>>
    %dma_wait3A_254 = arith.constant 0 : i32
    %dma_wait3A_255 = arith.constant 0 : i32
    %dma_wait3A_256 = tpu.memref_slice %arg11[%dma_wait3A_254, %dma_wait3A_255] : memref<10016x128xf32, #tpu.memory_space<vmem_shared>> -> memref<10016x128xf32, #tpu.memory_space<vmem_shared>>
    tpu.wait_indirect_dma semaphore(%arg13 : memref<!tpu.dma_semaphore, #tpu.memory_space<semaphore_mem>>) src(%dma_wait3A_250 : memref<88x128xf32, #tpu.memory_space<vmem>>) dst(%dma_wait3A_256 : memref<10016x128xf32, #tpu.memory_space<vmem_shared>>)
    %barrier3A_257 = arith.constant 0 : index
    tpu.barrier barrier_id(%barrier3A_257)
    %eq3A_258 = arith.constant 0 : i32
    %eq3A_259 = arith.cmpi eq, %arg0, %eq3A_258 : i32
    %lt3A_260 = arith.constant 15 : i32
    %lt3A_261 = arith.cmpi slt, %arg1, %lt3A_260 : i32
    %and3A = arith.andi %eq3A_259, %lt3A_261 : i1
    %convert_element_type3A_262 = arith.extui %and3A : i1 to i32
    %cond3A_263 = arith.constant 0 : i32
    %cond3A_264 = arith.cmpi ne, %convert_element_type3A_262, %cond3A_263 : i32
    scf.if %cond3A_264 {
      "tpu.region"() ({
        %run_scoped3A = tpu.sem_alloc : memref<!tpu.dma_semaphore, #tpu.memory_space<semaphore_mem>>
        %dma_start3A_289 = arith.constant 0 : i32
        %dma_start3A_290 = tpu.memref_slice %arg6[%mul3A_0, %dma_start3A_289] : memref<10000x128xf32, #tpu.memory_space<hbm>> -> memref<624x128xf32, #tpu.memory_space<hbm>>
        %dma_start3A_291 = arith.constant 0 : i32
        %dma_start3A_292 = tpu.memref_slice %arg11[%mul3A_0, %dma_start3A_291] : memref<10016x128xf32, #tpu.memory_space<vmem_shared>> -> memref<624x128xf32, #tpu.memory_space<vmem_shared>>
        tpu.enqueue_dma source(%dma_start3A_292 : memref<624x128xf32, #tpu.memory_space<vmem_shared>>) target(%dma_start3A_290 : memref<624x128xf32, #tpu.memory_space<hbm>>) target_semaphore(%run_scoped3A : memref<!tpu.dma_semaphore, #tpu.memory_space<semaphore_mem>>)
        %dma_wait3A_293 = arith.constant 0 : i32
        %dma_wait3A_294 = tpu.memref_slice %arg6[%mul3A_0, %dma_wait3A_293] : memref<10000x128xf32, #tpu.memory_space<hbm>> -> memref<624x128xf32, #tpu.memory_space<hbm>>
        %dma_wait3A_295 = arith.constant 0 : i32
        %dma_wait3A_296 = tpu.memref_slice %arg11[%mul3A_0, %dma_wait3A_295] : memref<10016x128xf32, #tpu.memory_space<vmem_shared>> -> memref<624x128xf32, #tpu.memory_space<vmem_shared>>
        tpu.wait_dma2 semaphore(%run_scoped3A : memref<!tpu.dma_semaphore, #tpu.memory_space<semaphore_mem>>) src(%dma_wait3A_296 : memref<624x128xf32, #tpu.memory_space<vmem_shared>>) dst(%dma_wait3A_294 : memref<624x128xf32, #tpu.memory_space<hbm>>)
        tpu.yield
      }) : () -> ()
    } else {
    }
    %eq3A_265 = arith.constant 0 : i32
    %eq3A_266 = arith.cmpi eq, %arg0, %eq3A_265 : i32
    %eq3A_267 = arith.constant 15 : i32
    %eq3A_268 = arith.cmpi eq, %arg1, %eq3A_267 : i32
    %and3A_269 = arith.andi %eq3A_266, %eq3A_268 : i1
    %convert_element_type3A_270 = arith.extui %and3A_269 : i1 to i32
    %cond3A_271 = arith.constant 0 : i32
    %cond3A_272 = arith.cmpi ne, %convert_element_type3A_270, %cond3A_271 : i32
    scf.if %cond3A_272 {
      "tpu.region"() ({
        %run_scoped3A = tpu.sem_alloc : memref<!tpu.dma_semaphore, #tpu.memory_space<semaphore_mem>>
        %dma_start3A_289 = arith.constant 0 : i32
        %dma_start3A_290 = tpu.memref_slice %arg6[%mul3A_0, %dma_start3A_289] : memref<10000x128xf32, #tpu.memory_space<hbm>> -> memref<640x128xf32, #tpu.memory_space<hbm>>
        %dma_start3A_291 = arith.constant 0 : i32
        %dma_start3A_292 = tpu.memref_slice %arg11[%mul3A_0, %dma_start3A_291] : memref<10016x128xf32, #tpu.memory_space<vmem_shared>> -> memref<640x128xf32, #tpu.memory_space<vmem_shared>>
        tpu.enqueue_dma source(%dma_start3A_292 : memref<640x128xf32, #tpu.memory_space<vmem_shared>>) target(%dma_start3A_290 : memref<640x128xf32, #tpu.memory_space<hbm>>) target_semaphore(%run_scoped3A : memref<!tpu.dma_semaphore, #tpu.memory_space<semaphore_mem>>)
        %dma_wait3A_293 = arith.constant 0 : i32
        %dma_wait3A_294 = tpu.memref_slice %arg6[%mul3A_0, %dma_wait3A_293] : memref<10000x128xf32, #tpu.memory_space<hbm>> -> memref<640x128xf32, #tpu.memory_space<hbm>>
        %dma_wait3A_295 = arith.constant 0 : i32
        %dma_wait3A_296 = tpu.memref_slice %arg11[%mul3A_0, %dma_wait3A_295] : memref<10016x128xf32, #tpu.memory_space<vmem_shared>> -> memref<640x128xf32, #tpu.memory_space<vmem_shared>>
        tpu.wait_dma2 semaphore(%run_scoped3A : memref<!tpu.dma_semaphore, #tpu.memory_space<semaphore_mem>>) src(%dma_wait3A_296 : memref<640x128xf32, #tpu.memory_space<vmem_shared>>) dst(%dma_wait3A_294 : memref<640x128xf32, #tpu.memory_space<hbm>>)
        tpu.yield
      }) : () -> ()
    } else {
    }
    %eq3A_273 = arith.constant 1 : i32
    %eq3A_274 = arith.cmpi eq, %arg0, %eq3A_273 : i32
    %lt3A_275 = arith.constant 15 : i32
    %lt3A_276 = arith.cmpi slt, %arg1, %lt3A_275 : i32
    %and3A_277 = arith.andi %eq3A_274, %lt3A_276 : i1
    %convert_element_type3A_278 = arith.extui %and3A_277 : i1 to i32
    %cond3A_279 = arith.constant 0 : i32
    %cond3A_280 = arith.cmpi ne, %convert_element_type3A_278, %cond3A_279 : i32
    scf.if %cond3A_280 {
      "tpu.region"() ({
        %run_scoped3A = tpu.sem_alloc : memref<!tpu.dma_semaphore, #tpu.memory_space<semaphore_mem>>
        %dma_start3A_289 = arith.constant 0 : i32
        %dma_start3A_290 = tpu.memref_slice %arg7[%mul3A_0, %dma_start3A_289] : memref<10000x128xf32, #tpu.memory_space<hbm>> -> memref<624x128xf32, #tpu.memory_space<hbm>>
        %dma_start3A_291 = arith.constant 0 : i32
        %dma_start3A_292 = tpu.memref_slice %arg11[%mul3A_0, %dma_start3A_291] : memref<10016x128xf32, #tpu.memory_space<vmem_shared>> -> memref<624x128xf32, #tpu.memory_space<vmem_shared>>
        tpu.enqueue_dma source(%dma_start3A_292 : memref<624x128xf32, #tpu.memory_space<vmem_shared>>) target(%dma_start3A_290 : memref<624x128xf32, #tpu.memory_space<hbm>>) target_semaphore(%run_scoped3A : memref<!tpu.dma_semaphore, #tpu.memory_space<semaphore_mem>>)
        %dma_wait3A_293 = arith.constant 0 : i32
        %dma_wait3A_294 = tpu.memref_slice %arg7[%mul3A_0, %dma_wait3A_293] : memref<10000x128xf32, #tpu.memory_space<hbm>> -> memref<624x128xf32, #tpu.memory_space<hbm>>
        %dma_wait3A_295 = arith.constant 0 : i32
        %dma_wait3A_296 = tpu.memref_slice %arg11[%mul3A_0, %dma_wait3A_295] : memref<10016x128xf32, #tpu.memory_space<vmem_shared>> -> memref<624x128xf32, #tpu.memory_space<vmem_shared>>
        tpu.wait_dma2 semaphore(%run_scoped3A : memref<!tpu.dma_semaphore, #tpu.memory_space<semaphore_mem>>) src(%dma_wait3A_296 : memref<624x128xf32, #tpu.memory_space<vmem_shared>>) dst(%dma_wait3A_294 : memref<624x128xf32, #tpu.memory_space<hbm>>)
        tpu.yield
      }) : () -> ()
    } else {
    }
    %eq3A_281 = arith.constant 1 : i32
    %eq3A_282 = arith.cmpi eq, %arg0, %eq3A_281 : i32
    %eq3A_283 = arith.constant 15 : i32
    %eq3A_284 = arith.cmpi eq, %arg1, %eq3A_283 : i32
    %and3A_285 = arith.andi %eq3A_282, %eq3A_284 : i1
    %convert_element_type3A_286 = arith.extui %and3A_285 : i1 to i32
    %cond3A_287 = arith.constant 0 : i32
    %cond3A_288 = arith.cmpi ne, %convert_element_type3A_286, %cond3A_287 : i32
    scf.if %cond3A_288 {
      "tpu.region"() ({
        %run_scoped3A = tpu.sem_alloc : memref<!tpu.dma_semaphore, #tpu.memory_space<semaphore_mem>>
        %dma_start3A_289 = arith.constant 0 : i32
        %dma_start3A_290 = tpu.memref_slice %arg7[%mul3A_0, %dma_start3A_289] : memref<10000x128xf32, #tpu.memory_space<hbm>> -> memref<640x128xf32, #tpu.memory_space<hbm>>
        %dma_start3A_291 = arith.constant 0 : i32
        %dma_start3A_292 = tpu.memref_slice %arg11[%mul3A_0, %dma_start3A_291] : memref<10016x128xf32, #tpu.memory_space<vmem_shared>> -> memref<640x128xf32, #tpu.memory_space<vmem_shared>>
        tpu.enqueue_dma source(%dma_start3A_292 : memref<640x128xf32, #tpu.memory_space<vmem_shared>>) target(%dma_start3A_290 : memref<640x128xf32, #tpu.memory_space<hbm>>) target_semaphore(%run_scoped3A : memref<!tpu.dma_semaphore, #tpu.memory_space<semaphore_mem>>)
        %dma_wait3A_293 = arith.constant 0 : i32
        %dma_wait3A_294 = tpu.memref_slice %arg7[%mul3A_0, %dma_wait3A_293] : memref<10000x128xf32, #tpu.memory_space<hbm>> -> memref<640x128xf32, #tpu.memory_space<hbm>>
        %dma_wait3A_295 = arith.constant 0 : i32
        %dma_wait3A_296 = tpu.memref_slice %arg11[%mul3A_0, %dma_wait3A_295] : memref<10016x128xf32, #tpu.memory_space<vmem_shared>> -> memref<640x128xf32, #tpu.memory_space<vmem_shared>>
        tpu.wait_dma2 semaphore(%run_scoped3A : memref<!tpu.dma_semaphore, #tpu.memory_space<semaphore_mem>>) src(%dma_wait3A_296 : memref<640x128xf32, #tpu.memory_space<vmem_shared>>) dst(%dma_wait3A_294 : memref<640x128xf32, #tpu.memory_space<hbm>>)
        tpu.yield
      }) : () -> ()
    } else {
    }
    return
  }
}

module attributes {stable_mosaic.version = 14 : i64} {
  func.func @_mlp2_body(%arg0: i32, %arg1: memref<2000x128xf32, #tpu.memory_space<vmem>>, %arg2: memref<2000x128xf32, #tpu.memory_space<vmem>>, %arg3: memref<2000x128xf32, #tpu.memory_space<vmem>>, %arg4: memref<2000x128xf32, #tpu.memory_space<vmem>>, %arg5: memref<256x256xf32, #tpu.memory_space<vmem>>, %arg6: memref<1x256xf32, #tpu.memory_space<vmem>>, %arg7: memref<256x256xf32, #tpu.memory_space<vmem>>, %arg8: memref<1x256xf32, #tpu.memory_space<vmem>>, %arg9: memref<2000x128xf32, #tpu.memory_space<vmem>>, %arg10: memref<2000x128xf32, #tpu.memory_space<vmem>>) attributes {dimension_semantics = [#tpu.dimension_semantics<arbitrary>], iteration_bounds = array<i64: 5>, scalar_prefetch = 0 : i64, scratch_operands = 0 : i64, tpu.core_type = #tpu.core_type<tc>, window_params = [{transform_indices = @transform_0, window_bounds = array<i64: 2000, 128>}, {transform_indices = @transform_1, window_bounds = array<i64: 2000, 128>}, {transform_indices = @transform_2, window_bounds = array<i64: 2000, 128>}, {transform_indices = @transform_3, window_bounds = array<i64: 2000, 128>}, {pipeline_mode = #tpu.pipeline_mode<synchronous>, transform_indices = @transform_4, window_bounds = array<i64: 256, 256>}, {pipeline_mode = #tpu.pipeline_mode<synchronous>, transform_indices = @transform_5, window_bounds = array<i64: 1, 256>}, {pipeline_mode = #tpu.pipeline_mode<synchronous>, transform_indices = @transform_6, window_bounds = array<i64: 256, 256>}, {pipeline_mode = #tpu.pipeline_mode<synchronous>, transform_indices = @transform_7, window_bounds = array<i64: 1, 256>}, {transform_indices = @transform_8, window_bounds = array<i64: 2000, 128>}, {transform_indices = @transform_9, window_bounds = array<i64: 2000, 128>}]} {
    %get3A = arith.constant 0 : index
    %get3A_0 = arith.constant 0 : index
    %get3A_1 = vector.load %arg1[%get3A, %get3A_0] : memref<2000x128xf32, #tpu.memory_space<vmem>>, vector<2000x128xf32>
    %get3A_2 = arith.constant 0 : index
    %get3A_3 = arith.constant 0 : index
    %get3A_4 = vector.load %arg3[%get3A_2, %get3A_3] : memref<2000x128xf32, #tpu.memory_space<vmem>>, vector<2000x128xf32>
    %add3A = arith.addf %get3A_1, %get3A_4 : vector<2000x128xf32>
    %get3A_5 = arith.constant 0 : index
    %get3A_6 = arith.constant 0 : index
    %get3A_7 = vector.load %arg2[%get3A_5, %get3A_6] : memref<2000x128xf32, #tpu.memory_space<vmem>>, vector<2000x128xf32>
    %get3A_8 = arith.constant 0 : index
    %get3A_9 = arith.constant 0 : index
    %get3A_10 = vector.load %arg4[%get3A_8, %get3A_9] : memref<2000x128xf32, #tpu.memory_space<vmem>>, vector<2000x128xf32>
    %add3A_11 = arith.addf %get3A_7, %get3A_10 : vector<2000x128xf32>
    %get3A_12 = arith.constant 0 : index
    %get3A_13 = arith.constant 0 : index
    %get3A_14 = vector.load %arg5[%get3A_12, %get3A_13] : memref<256x256xf32, #tpu.memory_space<vmem>>, vector<256x256xf32>
    %slice3A = vector.extract_strided_slice %get3A_14 {offsets = [0, 0], sizes = [128, 256], strides = [1, 1]} : vector<256x256xf32> to vector<128x256xf32>
    %dot_general3A = arith.constant dense<0.000000e+00> : vector<2000x256xf32>
    %dot_general3A_15 = tpu.matmul %add3A, %slice3A, %dot_general3A {dimension_numbers = #tpu.dot_dimension_numbers<[1], [0], [0], [1], [0, 0, 1, 1], [], []>, transpose_lhs_hint = false} : vector<2000x128xf32>, vector<128x256xf32>, vector<2000x256xf32> -> vector<2000x256xf32>
    %slice3A_16 = vector.extract_strided_slice %get3A_14 {offsets = [128, 0], sizes = [128, 256], strides = [1, 1]} : vector<256x256xf32> to vector<128x256xf32>
    %dot_general3A_17 = arith.constant dense<0.000000e+00> : vector<2000x256xf32>
    %dot_general3A_18 = tpu.matmul %add3A_11, %slice3A_16, %dot_general3A_17 {dimension_numbers = #tpu.dot_dimension_numbers<[1], [0], [0], [1], [0, 0, 1, 1], [], []>, transpose_lhs_hint = false} : vector<2000x128xf32>, vector<128x256xf32>, vector<2000x256xf32> -> vector<2000x256xf32>
    %add3A_19 = arith.addf %dot_general3A_15, %dot_general3A_18 : vector<2000x256xf32>
    %get3A_20 = arith.constant 0 : index
    %get3A_21 = arith.constant 0 : index
    %get3A_22 = vector.load %arg6[%get3A_20, %get3A_21] : memref<1x256xf32, #tpu.memory_space<vmem>>, vector<1x256xf32>
    %add3A_23 = vector.broadcast %get3A_22 : vector<1x256xf32> to vector<2000x256xf32>
    %add3A_24 = arith.addf %add3A_19, %add3A_23 : vector<2000x256xf32>
    %max3A = arith.constant 0.000000e+00 : f32
    %max3A_25 = vector.broadcast %max3A : f32 to vector<2000x256xf32>
    %max3A_26 = arith.maximumf %add3A_24, %max3A_25 : vector<2000x256xf32>
    %get3A_27 = arith.constant 0 : index
    %get3A_28 = arith.constant 0 : index
    %get3A_29 = vector.load %arg7[%get3A_27, %get3A_28] : memref<256x256xf32, #tpu.memory_space<vmem>>, vector<256x256xf32>
    %dot_general3A_30 = arith.constant dense<0.000000e+00> : vector<2000x256xf32>
    %dot_general3A_31 = tpu.matmul %max3A_26, %get3A_29, %dot_general3A_30 {dimension_numbers = #tpu.dot_dimension_numbers<[1], [0], [0], [1], [0, 0, 1, 1], [], []>, transpose_lhs_hint = false} : vector<2000x256xf32>, vector<256x256xf32>, vector<2000x256xf32> -> vector<2000x256xf32>
    %get3A_32 = arith.constant 0 : index
    %get3A_33 = arith.constant 0 : index
    %get3A_34 = vector.load %arg8[%get3A_32, %get3A_33] : memref<1x256xf32, #tpu.memory_space<vmem>>, vector<1x256xf32>
    %add3A_35 = vector.broadcast %get3A_34 : vector<1x256xf32> to vector<2000x256xf32>
    %add3A_36 = arith.addf %dot_general3A_31, %add3A_35 : vector<2000x256xf32>
    %max3A_37 = arith.constant 0.000000e+00 : f32
    %max3A_38 = vector.broadcast %max3A_37 : f32 to vector<2000x256xf32>
    %max3A_39 = arith.maximumf %add3A_36, %max3A_38 : vector<2000x256xf32>
    %slice3A_40 = vector.extract_strided_slice %max3A_39 {offsets = [0, 0], sizes = [2000, 128], strides = [1, 1]} : vector<2000x256xf32> to vector<2000x128xf32>
    %swap3A = arith.constant 0 : index
    %swap3A_41 = arith.constant 0 : index
    %swap3A_42 = vector.load %arg9[%swap3A, %swap3A_41] : memref<2000x128xf32, #tpu.memory_space<vmem>>, vector<2000x128xf32>
    tpu.vector_store %arg9[%swap3A, %swap3A_41], %slice3A_40 {strides = array<i32>} : memref<2000x128xf32, #tpu.memory_space<vmem>>, vector<2000x128xf32>,
    %slice3A_43 = vector.extract_strided_slice %max3A_39 {offsets = [0, 128], sizes = [2000, 128], strides = [1, 1]} : vector<2000x256xf32> to vector<2000x128xf32>
    %swap3A_44 = arith.constant 0 : index
    %swap3A_45 = arith.constant 0 : index
    %swap3A_46 = vector.load %arg10[%swap3A_44, %swap3A_45] : memref<2000x128xf32, #tpu.memory_space<vmem>>, vector<2000x128xf32>
    tpu.vector_store %arg10[%swap3A_44, %swap3A_45], %slice3A_43 {strides = array<i32>} : memref<2000x128xf32, #tpu.memory_space<vmem>>, vector<2000x128xf32>,
    return
  }
  func.func @transform_0(%arg0: i32) -> (i32, i32) {
    %c0_i32 = arith.constant 0 : i32
    %c0_i32_0 = arith.constant 0 : i32
    return %arg0, %c0_i32 : i32, i32
  }
  func.func @transform_1(%arg0: i32) -> (i32, i32) {
    %c0_i32 = arith.constant 0 : i32
    %c0_i32_0 = arith.constant 0 : i32
    return %arg0, %c0_i32 : i32, i32
  }
  func.func @transform_2(%arg0: i32) -> (i32, i32) {
    %c0_i32 = arith.constant 0 : i32
    %c0_i32_0 = arith.constant 0 : i32
    return %arg0, %c0_i32 : i32, i32
  }
  func.func @transform_3(%arg0: i32) -> (i32, i32) {
    %c0_i32 = arith.constant 0 : i32
    %c0_i32_0 = arith.constant 0 : i32
    return %arg0, %c0_i32 : i32, i32
  }
  func.func @transform_4(%arg0: i32) -> (i32, i32) {
    %c0_i32 = arith.constant 0 : i32
    %c0_i32_0 = arith.constant 0 : i32
    %c0_i32_1 = arith.constant 0 : i32
    return %c0_i32, %c0_i32_0 : i32, i32
  }
  func.func @transform_5(%arg0: i32) -> (i32, i32) {
    %c0_i32 = arith.constant 0 : i32
    %c0_i32_0 = arith.constant 0 : i32
    %c0_i32_1 = arith.constant 0 : i32
    return %c0_i32, %c0_i32_0 : i32, i32
  }
  func.func @transform_6(%arg0: i32) -> (i32, i32) {
    %c0_i32 = arith.constant 0 : i32
    %c0_i32_0 = arith.constant 0 : i32
    %c0_i32_1 = arith.constant 0 : i32
    return %c0_i32, %c0_i32_0 : i32, i32
  }
  func.func @transform_7(%arg0: i32) -> (i32, i32) {
    %c0_i32 = arith.constant 0 : i32
    %c0_i32_0 = arith.constant 0 : i32
    %c0_i32_1 = arith.constant 0 : i32
    return %c0_i32, %c0_i32_0 : i32, i32
  }
  func.func @transform_8(%arg0: i32) -> (i32, i32) {
    %c0_i32 = arith.constant 0 : i32
    %c0_i32_0 = arith.constant 0 : i32
    return %arg0, %c0_i32 : i32, i32
  }
  func.func @transform_9(%arg0: i32) -> (i32, i32) {
    %c0_i32 = arith.constant 0 : i32
    %c0_i32_0 = arith.constant 0 : i32
    return %arg0, %c0_i32 : i32, i32
  }
}

module attributes {stable_mosaic.version = 14 : i64} {
  func.func @_mlp3_body(%arg0: i32, %arg1: memref<2000x128xf32, #tpu.memory_space<vmem>>, %arg2: memref<2000x128xf32, #tpu.memory_space<vmem>>, %arg3: memref<2000x128xf32, #tpu.memory_space<vmem>>, %arg4: memref<2000x128xf32, #tpu.memory_space<vmem>>, %arg5: memref<256x256xf32, #tpu.memory_space<vmem>>, %arg6: memref<1x256xf32, #tpu.memory_space<vmem>>, %arg7: memref<256x256xf32, #tpu.memory_space<vmem>>, %arg8: memref<1x256xf32, #tpu.memory_space<vmem>>, %arg9: memref<256x256xf32, #tpu.memory_space<vmem>>, %arg10: memref<1x256xf32, #tpu.memory_space<vmem>>, %arg11: memref<2000x256xf32, #tpu.memory_space<vmem>>) attributes {dimension_semantics = [#tpu.dimension_semantics<arbitrary>], iteration_bounds = array<i64: 5>, scalar_prefetch = 0 : i64, scratch_operands = 0 : i64, tpu.core_type = #tpu.core_type<tc>, window_params = [{transform_indices = @transform_0, window_bounds = array<i64: 2000, 128>}, {transform_indices = @transform_1, window_bounds = array<i64: 2000, 128>}, {transform_indices = @transform_2, window_bounds = array<i64: 2000, 128>}, {transform_indices = @transform_3, window_bounds = array<i64: 2000, 128>}, {pipeline_mode = #tpu.pipeline_mode<synchronous>, transform_indices = @transform_4, window_bounds = array<i64: 256, 256>}, {pipeline_mode = #tpu.pipeline_mode<synchronous>, transform_indices = @transform_5, window_bounds = array<i64: 1, 256>}, {pipeline_mode = #tpu.pipeline_mode<synchronous>, transform_indices = @transform_6, window_bounds = array<i64: 256, 256>}, {pipeline_mode = #tpu.pipeline_mode<synchronous>, transform_indices = @transform_7, window_bounds = array<i64: 1, 256>}, {pipeline_mode = #tpu.pipeline_mode<synchronous>, transform_indices = @transform_8, window_bounds = array<i64: 256, 256>}, {pipeline_mode = #tpu.pipeline_mode<synchronous>, transform_indices = @transform_9, window_bounds = array<i64: 1, 256>}, {transform_indices = @transform_10, window_bounds = array<i64: 2000, 256>}]} {
    %get3A = arith.constant 0 : index
    %get3A_0 = arith.constant 0 : index
    %get3A_1 = vector.load %arg1[%get3A, %get3A_0] : memref<2000x128xf32, #tpu.memory_space<vmem>>, vector<2000x128xf32>
    %get3A_2 = arith.constant 0 : index
    %get3A_3 = arith.constant 0 : index
    %get3A_4 = vector.load %arg3[%get3A_2, %get3A_3] : memref<2000x128xf32, #tpu.memory_space<vmem>>, vector<2000x128xf32>
    %add3A = arith.addf %get3A_1, %get3A_4 : vector<2000x128xf32>
    %get3A_5 = arith.constant 0 : index
    %get3A_6 = arith.constant 0 : index
    %get3A_7 = vector.load %arg2[%get3A_5, %get3A_6] : memref<2000x128xf32, #tpu.memory_space<vmem>>, vector<2000x128xf32>
    %get3A_8 = arith.constant 0 : index
    %get3A_9 = arith.constant 0 : index
    %get3A_10 = vector.load %arg4[%get3A_8, %get3A_9] : memref<2000x128xf32, #tpu.memory_space<vmem>>, vector<2000x128xf32>
    %add3A_11 = arith.addf %get3A_7, %get3A_10 : vector<2000x128xf32>
    %get3A_12 = arith.constant 0 : index
    %get3A_13 = arith.constant 0 : index
    %get3A_14 = vector.load %arg5[%get3A_12, %get3A_13] : memref<256x256xf32, #tpu.memory_space<vmem>>, vector<256x256xf32>
    %slice3A = vector.extract_strided_slice %get3A_14 {offsets = [0, 0], sizes = [128, 256], strides = [1, 1]} : vector<256x256xf32> to vector<128x256xf32>
    %dot_general3A = arith.constant dense<0.000000e+00> : vector<2000x256xf32>
    %dot_general3A_15 = tpu.matmul %add3A, %slice3A, %dot_general3A {dimension_numbers = #tpu.dot_dimension_numbers<[1], [0], [0], [1], [0, 0, 1, 1], [], []>, transpose_lhs_hint = false} : vector<2000x128xf32>, vector<128x256xf32>, vector<2000x256xf32> -> vector<2000x256xf32>
    %slice3A_16 = vector.extract_strided_slice %get3A_14 {offsets = [128, 0], sizes = [128, 256], strides = [1, 1]} : vector<256x256xf32> to vector<128x256xf32>
    %dot_general3A_17 = arith.constant dense<0.000000e+00> : vector<2000x256xf32>
    %dot_general3A_18 = tpu.matmul %add3A_11, %slice3A_16, %dot_general3A_17 {dimension_numbers = #tpu.dot_dimension_numbers<[1], [0], [0], [1], [0, 0, 1, 1], [], []>, transpose_lhs_hint = false} : vector<2000x128xf32>, vector<128x256xf32>, vector<2000x256xf32> -> vector<2000x256xf32>
    %add3A_19 = arith.addf %dot_general3A_15, %dot_general3A_18 : vector<2000x256xf32>
    %get3A_20 = arith.constant 0 : index
    %get3A_21 = arith.constant 0 : index
    %get3A_22 = vector.load %arg6[%get3A_20, %get3A_21] : memref<1x256xf32, #tpu.memory_space<vmem>>, vector<1x256xf32>
    %add3A_23 = vector.broadcast %get3A_22 : vector<1x256xf32> to vector<2000x256xf32>
    %add3A_24 = arith.addf %add3A_19, %add3A_23 : vector<2000x256xf32>
    %max3A = arith.constant 0.000000e+00 : f32
    %max3A_25 = vector.broadcast %max3A : f32 to vector<2000x256xf32>
    %max3A_26 = arith.maximumf %add3A_24, %max3A_25 : vector<2000x256xf32>
    %get3A_27 = arith.constant 0 : index
    %get3A_28 = arith.constant 0 : index
    %get3A_29 = vector.load %arg7[%get3A_27, %get3A_28] : memref<256x256xf32, #tpu.memory_space<vmem>>, vector<256x256xf32>
    %dot_general3A_30 = arith.constant dense<0.000000e+00> : vector<2000x256xf32>
    %dot_general3A_31 = tpu.matmul %max3A_26, %get3A_29, %dot_general3A_30 {dimension_numbers = #tpu.dot_dimension_numbers<[1], [0], [0], [1], [0, 0, 1, 1], [], []>, transpose_lhs_hint = false} : vector<2000x256xf32>, vector<256x256xf32>, vector<2000x256xf32> -> vector<2000x256xf32>
    %get3A_32 = arith.constant 0 : index
    %get3A_33 = arith.constant 0 : index
    %get3A_34 = vector.load %arg8[%get3A_32, %get3A_33] : memref<1x256xf32, #tpu.memory_space<vmem>>, vector<1x256xf32>
    %add3A_35 = vector.broadcast %get3A_34 : vector<1x256xf32> to vector<2000x256xf32>
    %add3A_36 = arith.addf %dot_general3A_31, %add3A_35 : vector<2000x256xf32>
    %max3A_37 = arith.constant 0.000000e+00 : f32
    %max3A_38 = vector.broadcast %max3A_37 : f32 to vector<2000x256xf32>
    %max3A_39 = arith.maximumf %add3A_36, %max3A_38 : vector<2000x256xf32>
    %get3A_40 = arith.constant 0 : index
    %get3A_41 = arith.constant 0 : index
    %get3A_42 = vector.load %arg9[%get3A_40, %get3A_41] : memref<256x256xf32, #tpu.memory_space<vmem>>, vector<256x256xf32>
    %dot_general3A_43 = arith.constant dense<0.000000e+00> : vector<2000x256xf32>
    %dot_general3A_44 = tpu.matmul %max3A_39, %get3A_42, %dot_general3A_43 {dimension_numbers = #tpu.dot_dimension_numbers<[1], [0], [0], [1], [0, 0, 1, 1], [], []>, transpose_lhs_hint = false} : vector<2000x256xf32>, vector<256x256xf32>, vector<2000x256xf32> -> vector<2000x256xf32>
    %get3A_45 = arith.constant 0 : index
    %get3A_46 = arith.constant 0 : index
    %get3A_47 = vector.load %arg10[%get3A_45, %get3A_46] : memref<1x256xf32, #tpu.memory_space<vmem>>, vector<1x256xf32>
    %add3A_48 = vector.broadcast %get3A_47 : vector<1x256xf32> to vector<2000x256xf32>
    %add3A_49 = arith.addf %dot_general3A_44, %add3A_48 : vector<2000x256xf32>
    %swap3A = arith.constant 0 : index
    %swap3A_50 = arith.constant 0 : index
    %swap3A_51 = vector.load %arg11[%swap3A, %swap3A_50] : memref<2000x256xf32, #tpu.memory_space<vmem>>, vector<2000x256xf32>
    tpu.vector_store %arg11[%swap3A, %swap3A_50], %add3A_49 {strides = array<i32>} : memref<2000x256xf32, #tpu.memory_space<vmem>>, vector<2000x256xf32>,
    return
  }
  func.func @transform_0(%arg0: i32) -> (i32, i32) {
    %c0_i32 = arith.constant 0 : i32
    %c0_i32_0 = arith.constant 0 : i32
    return %arg0, %c0_i32 : i32, i32
  }
  func.func @transform_1(%arg0: i32) -> (i32, i32) {
    %c0_i32 = arith.constant 0 : i32
    %c0_i32_0 = arith.constant 0 : i32
    return %arg0, %c0_i32 : i32, i32
  }
  func.func @transform_2(%arg0: i32) -> (i32, i32) {
    %c0_i32 = arith.constant 0 : i32
    %c0_i32_0 = arith.constant 0 : i32
    return %arg0, %c0_i32 : i32, i32
  }
  func.func @transform_3(%arg0: i32) -> (i32, i32) {
    %c0_i32 = arith.constant 0 : i32
    %c0_i32_0 = arith.constant 0 : i32
    return %arg0, %c0_i32 : i32, i32
  }
  func.func @transform_4(%arg0: i32) -> (i32, i32) {
    %c0_i32 = arith.constant 0 : i32
    %c0_i32_0 = arith.constant 0 : i32
    %c0_i32_1 = arith.constant 0 : i32
    return %c0_i32, %c0_i32_0 : i32, i32
  }
  func.func @transform_5(%arg0: i32) -> (i32, i32) {
    %c0_i32 = arith.constant 0 : i32
    %c0_i32_0 = arith.constant 0 : i32
    %c0_i32_1 = arith.constant 0 : i32
    return %c0_i32, %c0_i32_0 : i32, i32
  }
  func.func @transform_6(%arg0: i32) -> (i32, i32) {
    %c0_i32 = arith.constant 0 : i32
    %c0_i32_0 = arith.constant 0 : i32
    %c0_i32_1 = arith.constant 0 : i32
    return %c0_i32, %c0_i32_0 : i32, i32
  }
  func.func @transform_7(%arg0: i32) -> (i32, i32) {
    %c0_i32 = arith.constant 0 : i32
    %c0_i32_0 = arith.constant 0 : i32
    %c0_i32_1 = arith.constant 0 : i32
    return %c0_i32, %c0_i32_0 : i32, i32
  }
  func.func @transform_8(%arg0: i32) -> (i32, i32) {
    %c0_i32 = arith.constant 0 : i32
    %c0_i32_0 = arith.constant 0 : i32
    %c0_i32_1 = arith.constant 0 : i32
    return %c0_i32, %c0_i32_0 : i32, i32
  }
  func.func @transform_9(%arg0: i32) -> (i32, i32) {
    %c0_i32 = arith.constant 0 : i32
    %c0_i32_0 = arith.constant 0 : i32
    %c0_i32_1 = arith.constant 0 : i32
    return %c0_i32, %c0_i32_0 : i32, i32
  }
  func.func @transform_10(%arg0: i32) -> (i32, i32) {
    %c0_i32 = arith.constant 0 : i32
    %c0_i32_0 = arith.constant 0 : i32
    return %arg0, %c0_i32 : i32, i32
  }
}

</mosaic_0001>

<sc_bundles>
// kernel: kernel.6.cloned.1.call-start
scs
__scs_entry_jumppad:
0x0: {  	(pc) =	sbr.rel $0x88, $3  }
0x1: {  	(tag) =	ssettag $0x0;
	lr =	simm.s32 $0x1  }
0x2: {  	[smem:$0x3F95] =	sst lr;
	_ =	strace $0xD0000000  }
0x3: {  	_ = 	snop  }
0x4: {  	_ = 	snop  }
0x5: {  	_ = 	snop  }
0x6: {  	_ = 	snop  }
0x7: {  	_ = 	snop  }
__scs_overlays_trampoline_lowered:
0x8: {  	[smem:$0x3FA4] =	sst s0  }
0x9: {  	[smem:$0x3FA5] =	sst s1  }
0xa: {  	[smem:$0x3FA6] =	sst s2  }
0xb: {  	[smem:$0x3FA7] =	sst s3  }
0xc: {  	[smem:$0x3FA8] =	sst s4  }
0xd: {  	[smem:$0x3FA9] =	sst s5  }
0xe: {  	[smem:$0x3FAA] =	sst s6  }
0xf: {  	[smem:$0x3FAB] =	sst s7  }
0x10: {  	[smem:$0x3FAC] =	sst s8  }
0x11: {  	[smem:$0x3FAD] =	sst s9;
	s0 =	simm.s32 @!p0 $0x0  }
0x12: {  	s1 =	sld [smem:$0x3F93];
	s0 =	simm.s32 @p0 $0x1  }
0x13: {  	[smem:$0x3FAE] =	sst s0;
	s0 =	simm.s32 @!p1 $0x0  }
0x14: {  	s2 =	sld [smem:$0x3F92];
	s0 =	simm.s32 @p1 $0x1  }
0x15: {  	[smem:$0x3FAF] =	sst s0;
	s0 =	simm.s32 @!p2 $0x0  }
0x16: {  	s3 =	sld [smem:$0x3FDB];
	s0 =	simm.s32 @p2 $0x1  }
0x17: {  	s4 =	simm.s32 $0x1BF5;
	[smem:$0x3FB1] =	sst s0  }
0x18: {  	s0 =	sld [smem:$0x3F94];
	_ =	swait.ge [sflag:s4], $0x0  }
0x19: {  	s7 =	sld [smem:$0x3F95]  }
0x1a: {  	s8 =	sadd.s32 $0xFFFFE003, lr  }
0x1b: {  	s9 =	sadd.s32 $0xFFFFFEF7, lr;
	s5 =	simm.s32 $0xFFFFFFFF;
	p2 =	slt.u32 s8, $0xFFFFF086  }
0x1c: {  	p1 =	slt.u32 s9, $0xF7A;
	s5 =	simm.s32 @!p2 $0x0  }
0x1d: {  	s5 =	simm.s32 @p1 $0x1;
	p0 =	seq.s32 s7, s2  }
0x1e: {  	s7 =	smul.u32 @!p0 $0xF7A, s2;
	p2 =	seq.s32 @!p0 s5, $0x0  }
0x1f: {  	s9 =	smul.u32 $0xF7A, s1;
	s8 =	simm.s32 @!p0 $0x1BF5;
	p2 =	por !p2, p0  }
0x20: {  	[sflag:s8] =	ssyncset.s32 @!p0 $0xFFFFF086;
	s6 =	sadd.s32 @!p0 s3, s7;
	s7 =	simm.s32 @!p0 $0x108  }
0x21: {  	s3 =	sadd.s32 s3, s9;
	s6 =	sadd.s32 @!p0 $0x88, s6;
	s7 =	simm.s32 @p2 $0x1082  }
0x22: {  	[simem:s7], [sflag:s8] =	dma.local @!p0 [hbm:s6], $0xF7A  }
0x23: {  	s9 =	sor.u32 $0xD0000000, s2;
	s6 =	simm.s32 $0x108;
	_ =	swait.ge @!p0 [sflag:s8], $0x0  }
0x24: {  	s3 =	sadd.s32 $0x88, s3;
	s6 =	simm.s32 @!p1 $0x1082;
	[sflag:s4] =	ssyncset.s32 $0xFFFFF086  }
0x25: {  	[simem:s6], [sflag:s4] =	dma.local [hbm:s3], $0xF7A  }
0x26: {  	[smem:$0x3F95] =	sst s1;
	(tag) =	ssettag s2;
	_ =	strace s9  }
0x27: {  	s1 =	sld [smem:$0x3FA5]  }
0x28: {  	s2 =	sld [smem:$0x3FA6]  }
0x29: {  	s4 =	sld [smem:$0x3FA8]  }
0x2a: {  	p0 =	seq.s32 s5, $0x0;
	s5 =	sld [smem:$0x3FA9]  }
0x2b: {  	s6 =	sld [smem:$0x3FAA]  }
0x2c: {  	s7 =	sld [smem:$0x3FAB]  }
0x2d: {  	s3 =	simm.s32 $0x108;
	s8 =	sld [smem:$0x3FAC]  }
0x2e: {  	s3 =	simm.s32 @!p0 $0x1082;
	s9 =	sld [smem:$0x3FAD]  }
0x2f: {  	lr =	sadd.s32 s0, s3;
	s0 =	sld [smem:$0x3FA4]  }
0x30: {  	s3 =	sld [smem:$0x3FA7]  }
0x31: {  	[smem:$0x3FB0] =	sst s10  }
0x32: {  	s10 =	sld [smem:$0x3FAE];
	_ =	sdelay $0x3  }
0x33: {  	p0 =	seq.s32 s10, $0x1;
	s10 =	sld [smem:$0x3FB0];
	_ =	sdelay $0x3  }
0x34: {  	[smem:$0x3FB0] =	sst s10  }
0x35: {  	s10 =	sld [smem:$0x3FAF];
	_ =	sdelay $0x3  }
0x36: {  	p1 =	seq.s32 s10, $0x1;
	s10 =	sld [smem:$0x3FB0];
	_ =	sdelay $0x3  }
0x37: {  	[smem:$0x3FB0] =	sst s10  }
0x38: {  	s10 =	sld [smem:$0x3FB1]  }
0x39: {  	_ = 	snop;
	(pc) =	sbr.ind lr, $3  }
0x3a: {  	_ = 	snop  }
0x3b: {  	_ = 	snop  }
0x3c: {  	p2 =	seq.s32 s10, $0x1;
	s10 =	sld [smem:$0x3FB0]  }
0x3d: {  	_ =	shalt  }
0x3e: {  	_ =	shalt  }
0x3f: {  	_ =	shalt  }
0x40: {  	_ =	shalt  }
0x41: {  	_ =	shalt  }
0x42: {  	_ =	shalt  }
0x43: {  	_ =	shalt  }
0x44: {  	_ =	shalt  }
0x45: {  	_ =	shalt  }
0x46: {  	_ =	shalt  }
0x47: {  	_ =	shalt  }
0x48: {  	_ =	shalt  }
0x49: {  	_ =	shalt  }
0x4a: {  	_ =	shalt  }
0x4b: {  	_ =	shalt  }
0x4c: {  	_ =	shalt  }
0x4d: {  	_ =	shalt  }
0x4e: {  	_ =	shalt  }
0x4f: {  	_ =	shalt  }
0x50: {  	_ =	shalt  }
0x51: {  	_ =	shalt  }
0x52: {  	_ =	shalt  }
0x53: {  	_ =	shalt  }
0x54: {  	_ =	shalt  }
0x55: {  	_ =	shalt  }
0x56: {  	_ =	shalt  }
0x57: {  	_ =	shalt  }
0x58: {  	_ =	shalt  }
0x59: {  	_ =	shalt  }
0x5a: {  	_ =	shalt  }
0x5b: {  	_ =	shalt  }
0x5c: {  	_ =	shalt  }
0x5d: {  	_ =	shalt  }
0x5e: {  	_ =	shalt  }
0x5f: {  	_ =	shalt  }
0x60: {  	_ =	shalt  }
0x61: {  	_ =	shalt  }
0x62: {  	_ =	shalt  }
0x63: {  	_ =	shalt  }
0x64: {  	_ =	shalt  }
0x65: {  	_ =	shalt  }
0x66: {  	_ =	shalt  }
0x67: {  	_ =	shalt  }
0x68: {  	_ =	shalt  }
0x69: {  	_ =	shalt  }
0x6a: {  	_ =	shalt  }
0x6b: {  	_ =	shalt  }
0x6c: {  	_ =	shalt  }
0x6d: {  	_ =	shalt  }
0x6e: {  	_ =	shalt  }
0x6f: {  	_ =	shalt  }
0x70: {  	_ =	shalt  }
0x71: {  	_ =	shalt  }
0x72: {  	_ =	shalt  }
0x73: {  	_ =	shalt  }
0x74: {  	_ =	shalt  }
0x75: {  	_ =	shalt  }
0x76: {  	_ =	shalt  }
0x77: {  	_ =	shalt  }
0x78: {  	_ =	shalt  }
0x79: {  	_ =	shalt  }
0x7a: {  	_ =	shalt  }
0x7b: {  	_ =	shalt  }
0x7c: {  	_ =	shalt  }
0x7d: {  	_ =	shalt  }
0x7e: {  	_ =	shalt  }
0x7f: {  	_ =	shalt  }
0x80: {  	_ =	shalt  }
0x81: {  	_ =	shalt  }
0x82: {  	_ =	shalt  }
0x83: {  	_ =	shalt  }
0x84: {  	_ =	shalt  }
0x85: {  	_ =	shalt  }
0x86: {  	_ =	shalt  }
0x87: {  	_ =	shalt  }
.Lfunc_end0:
.L_simem_size_0:
called_computation_lowered:
.L_overlay_start_0:
0x88: {  	s2 =	sld [smem:$0x3FD9]  }
0x89: {  	s3 =	sld [smem:$0x3FFE];
	_ =	sdelay $0x1  }
0x8a: {  	s1 =	srdreg.scid  }
0x8b: {  	s0 =	sand.u32 $0x1, s1  }
0x8c: {  	s17 =	sshll.u32 s0, $0xA;
	s2 =	sadd.s32 s3, s2  }
0x8d: {  	s2 =	sadd.s32 s2, s17  }
0x8e: {  	[smem:$0x3FBC] =	sst s2  }
0x8f: {  	_ = 	snop  }
0x90: {  	s2 =	sld [smem:$0x3FD0];
	(tm) =	ssettm $0x1  }
0x91: {  	s18 =	sld [smem:$0x3FFB];
	_ =	sdelay $0x3  }
0x92: {  	_ =	strace s18  }
0x93: {  	s3 =	sld [smem:$0x3FFC];
	_ =	sdelay $0x3  }
0x94: {  	_ =	strace s3  }
0x95: {  	s3 =	sld [smem:$0x3FFD];
	_ =	sdelay $0x3  }
0x96: {  	_ =	strace s3  }
0x97: {  	_ =	strace $0x8FFFFFFF  }
0x98: {  	s19 =	sld [smem:$0x3FDB];
	_ =	sdelay $0x1  }
0x99: {  	s4 =	simm.s32 $_scs_section_size  }
0x9a: {  	s5 =	simm.s32 $_size__tile_overlayer_lowered;
	s6 =	simm.s32 $_tile_overlayer_lowered  }
0x9b: {  	s22 =	simm.s32 $0x1BFF;
	s21 =	sshll.u32 s6, $0x1;
	s3 =	sadd.s32 s4, s19  }
0x9c: {  	s7 =	simm.s32 $0x0;
	s20 =	sshll.u32 s5, $0x1;
	s5 =	sadd.s32 s21, s3  }
0x9d: {  	[timem:s7], [sflag:s22] =	dma.local [hbm:s5], s20  }
0x9e: {  	_ =	swait.ge [sflag:s22], s20  }
0x9f: {  	s4 =	ssub.s32 $0x0, s20;
	[sflag:s22] =	ssyncset.done $0x0  }
0xa0: {  	[sflag:s22] =	ssyncadd.s32 s4;
	_ =	sdelay $0x1  }
0xa1: {  	s23 =	simm.s32 $0x1B8B  }
0xa2: {  	_ =	swait.ge [sflag:s23], $0x1  }
0xa3: {  	[sflag:s23] =	ssyncset.done $0x0  }
0xa4: {  	s25 =	simm.s32 $0x1B8E;
	s24 =	sld [smem:$0x3FFE];
	[sflag:s23] =	ssyncadd.s32 $0xFFFFFFFF  }
0xa5: {  	s26 =	simm.s32 $execute0_lowered;
	[smem:$0x3FD2] =	sst s25  }
0xa6: {  	s5 =	sshll.u32 s26, $0x1;
	_ =	strace $0x80000046;
	[dreg:$0x1] =	wrdreg $0xFFFFFFFF  }
0xa7: {  	s28 =	simm.s32 $_size_execute0_lowered;
	s3 =	sadd.s32 s3, s5;
	[dreg:$0x0] =	wrdreg $0x0  }
0xa8: {  	s5 =	sshll.u32 s28, $0x1;
	[dreg:$0x2] =	wrdreg s3  }
0xa9: {  	[dreg:$0x3] =	wrdreg s5  }
0xaa: {  	[dreg:$0x4] =	wrdreg $0xC0  }
0xab: {  	_ =	task [dreg:s7], $0x5FFFF  }
0xac: {  	[dreg:$0x1] =	wrdreg $0xFFFFFFFF  }
0xad: {  	[dreg:$0x0] =	wrdreg $0x60  }
0xae: {  	[dreg:$0x2] =	wrdreg s24  }
0xaf: {  	[dreg:$0x3] =	wrdreg s2  }
0xb0: {  	[dreg:$0x4] =	wrdreg $0xB8000  }
0xb1: {  	[dreg:$0x5] =	wrdreg $0x9  }
0xb2: {  	_ =	task.clear_ibuf [dreg:s7], $0x6FFFF;
	_ =	strace $0x90000046  }
0xb3: {  	s29 =	simm.s32 $0x9;
	_ =	strace $0x80000048  }
0xb4: {  	_ =	swait.ge [sflag:s29], $0x1  }
0xb5: {  	[sflag:s29] =	ssyncadd.s32 $0xFFFFFFFF  }
0xb6: {  	_ =	strace $0x90000048  }
0xb7: {  	_ =	sfence  }
0xb8: {  	s30 =	sld [smem:$0x0];
	_ =	sdelay $0x2  }
0xb9: {  	s31 =	sshll.u32 s1, $0xD;
	s1 =	sshrl.u32 s1, $0x2  }
0xba: {  	s3 =	sand.u32 $0x4000, s31;
	s1 =	sadd.s32 s1, s30  }
0xbb: {  	s0 =	sor.u32 s3, s0;
	s1 =	sshll.u32 s1, $0x11  }
0xbc: {  	s0 =	sor.u32 s1, s0  }
0xbd: {  	s0 =	sadd.s32 $0x8F2B, s0  }
0xbe: {  	[sflag:s0] =	ssyncadd.remote.s32 $0x1  }
0xbf: {  	_ =	sfence.sel $0xFFFF  }
0xc0: {  	[dreg:$0x0] =	wrdreg $0xFFFFFFFF;
	(pc) =	sbr.abs _section_cstart, $3  }
0xc1: {  	[dreg:$0x1] =	wrdreg $0xFFFFFFFF  }
0xc2: {  	_ =	task.clear_ibuf [dreg:s7], $0x2FFFF;
	_ =	strace $0x9FFFFFFF  }
0xc3: {  	(tm) =	ssettm $0x7FFFFFFF  }
tec
execute0_lowered:
.L_overlay_start_1:
0x0: {  	(tag) =	ssettag $0x1  }
0x1: {  	s0 =	rddreg [dreg:$0x0]  }
0x2: {  	s1 =	rddreg [dreg:$0x1]  }
0x3: {  	s2 =	rddreg [dreg:$0x2];
	s3 =	simm.s32 $0x0;
	s4 =	srdreg.scid  }
0x4: {  	s12 =	stileid.u32;
	[smem:$0x7FF] =	sst s3;
	s5 =	sadd.s32 $0x12000, s0  }
0x5: {  	s6 =	sadd.s32 $0xA800, s0;
	s8 =	smul.u32 $0x2700, s12;
	s7 =	sadd.s32 $0x3000, s0  }
0x6: {  	s11 =	smul.u32 $0x4E000, s12;
	p0 =	seq.s32 s12, $0xF;
	p4 =	sne.s32 s12, $0xF  }
0x7: {  	s14 =	sadd.s32 $0x127400, s2;
	s15 =	sadd.s32 $0x12A000, s2;
	s24 =	sadd.s32 $0x5DB00, s0  }
0x8: {  	s4 =	sand.u32 $0x1, s4;
	s26 =	sadd.s32 $0x12CC00, s2;
	s28 =	sadd.s32 $0x12F800, s2  }
0x9: {  	s29 =	sadd.s32 $0x132400, s2;
	_ =	strace $0x80000047;
	[dreg:$0x4] =	wrdreg s14  }
0xa: {  	s30 =	sadd.s32 $0x135000, s2;
	s31 =	sadd.s32 $0x137C00, s2;
	[dreg:$0x5] =	wrdreg s15  }
0xb: {  	s9 =	ssub.s32 $0x2, s4;
	p3 =	seq.s32 s4, $0x0;
	[dreg:$0x10] =	wrdreg s24  }
0xc: {  	p1 =	seq.s32 s4, $0x1;
	[dreg:$0x13] =	wrdreg s26;
	s10 =	sshrl.u32 s9, $0x1  }
0xd: {  	s13 =	sadd.s32 s8, s0;
	s8 =	smul.u32 $0x3C00, s12;
	s11 =	sshrl.u32 s11, $0x2  }
0xe: {  	p2 =	por !p3, !p4;
	p3 =	por !p3, !p0;
	p5 =	por !p4, !p1  }
0xf: {  	p4 =	sne.s32 s4, $0x0;
	s0 =	sadd.s32 $0x84D00, s0;
	s10 =	ssub.s32 s9, s10  }
0x10: {  	s9 =	sadd.s32 $0x124800, s2;
	s12 =	sadd.s32 s11, s2;
	p2 =	por !p2, !p2  }
0x11: {  	s22 =	sadd.s32 $0x39200, s13;
	p6 =	por !p3, !p3;
	[dreg:$0x11] =	wrdreg s0  }
0x12: {  	p3 =	por !p5, !p5;
	s23 =	sadd.s32 $0x60400, s13;
	[dreg:$0xe] =	wrdreg s22  }
0x13: {  	p5 =	por !p1, !p0;
	s14 =	sshrl.u32 s8, $0x3;
	[dreg:$0xf] =	wrdreg s23  }
0x14: {  	p5 =	por !p5, !p5;
	s25 =	smax.u32 s10, $0x1;
	s0 =	simm.s32 @!p6 $0x0  }
0x15: {  	s10 =	sadd.s32 $0x5800, s12;
	s13 =	sadd.s32 $0xB000, s12;
	s16 =	sadd.s32 s6, s14  }
0x16: {  	s17 =	sadd.s32 s7, s14;
	s18 =	sor.u32 $0x10, s14;
	[dreg:$0x12] =	wrdreg s25  }
0x17: {  	s15 =	sor.u32 $0x20, s14;
	s21 =	sor.u32 $0x30, s14;
	[dreg:$0x6] =	wrdreg s16  }
0x18: {  	s4 =	simm.s32 @!p5 $0x0;
	s0 =	simm.s32 @p6 $0x1;
	[dreg:$0x7] =	wrdreg s17  }
0x19: {  	p6 =	por !p3, p6;
	s16 =	sadd.s32 s6, s18;
	[smem:$0x7FD] =	sst s0  }
0x1a: {  	s11 =	sadd.s32 s7, s18;
	s19 =	sadd.s32 s6, s15;
	[dreg:$0x8] =	wrdreg s16  }
0x1b: {  	s20 =	sadd.s32 s7, s15;
	s14 =	sadd.s32 s6, s21;
	[dreg:$0x9] =	wrdreg s11  }
0x1c: {  	s4 =	simm.s32 @p5 $0x1;
	s0 =	sadd.s32 $0x2C00, s12;
	[dreg:$0xa] =	wrdreg s19  }
.Ltmp0:
0x1d: {  	s15 =	sadd.s32 $0x13400, s12;
	[dreg:$0xb] =	wrdreg s20;
	(pc) =	sbr.rel .LBB2_1-.Ltmp0, $4  }
0x1e: {  	s17 =	simm.s32 $0x1;
	s18 =	simm.s32 $0x58;
	[dreg:$0xc] =	wrdreg s14  }
0x1f: {  	s11 =	sadd.s32 s7, s21;
	[smem:$0x7FC] =	sst s4;
	s14 =	sadd.s32 $0xDC00, s12  }
0x20: {  	s4 =	sadd.s32 $0x10800, s12;
	s16 =	simm.s32 $0x3;
	s19 =	simm.s32 $0x2  }
0x21: {  	v0 =	vimm.f32 $0.0e+00;
	s20 =	simm.s32 $0x0;
	[dreg:$0xd] =	wrdreg s11;
	s11 =	sadd.s32 $0x8400, s12  }
.LBB2_9:
0x22: {  	_ =	swait.ge [sflag:s19], $0x2C00  }
0x23: {  	[sflag:s19] =	ssyncset.done $0x0  }
0x24: {  	s24 =	stileid.u32;
	[sflag:s19] =	ssyncadd.s32 $0xFFFFD400  }
0x25: {  	s21 =	sshll.u32 @p2 s24, $0x6;
	[bflag:$0x0] =	sbarrier.arrive $0xFFFF  }
0x26: {  	s22 =	sshrl.u32 @p2 s12, $0x3;
	s21 =	sor.u32 @p2 $0x1C04, s21;
	s23 =	rddreg [dreg:$0xe]  }
0x27: {  	[hbm:s23], [sflag:s21] =	dma.local @p2 [spmem:s22], $0x2700  }
0x28: {  	s21 =	simm.s32 @p2 $0x4  }
0x29: {  	_ =	swait.ge @p2 [sflag:s21], $0x2700  }
0x2a: {  	s22 =	sshll.u32 @!p6 s24, $0x6;
	[sflag:s21] =	ssyncset.done @p2 $0x0;
	s24 =	rddreg [dreg:$0xf]  }
0x2b: {  	[sflag:s21] =	ssyncadd.s32 @p2 $0xFFFFD900;
	s21 =	sor.u32 @!p6 $0x1C04, s22;
	s22 =	sshrl.u32 @!p6 s12, $0x3  }
0x2c: {  	[hbm:s24], [sflag:s21] =	dma.local @!p6 [spmem:s22], $0x2700  }
0x2d: {  	s21 =	simm.s32 @!p6 $0x4  }
0x2e: {  	_ =	swait.ge @!p6 [sflag:s21], $0x2700  }
0x2f: {  	s24 =	sld [smem:$0x7FD];
	_ =	sdelay $0x1  }
0x30: {  	[sflag:s21] =	ssyncset.done @!p6 $0x0  }
0x31: {  	[sflag:s21] =	ssyncadd.s32 @!p6 $0xFFFFD900;
	p3 =	seq.s32 s24, $0x1  }
0x32: {  	s24 =	rddreg [dreg:$0x10];
	s21 =	sshrl.u32 @p3 s9, $0x3;
	s22 =	simm.s32 @p3 $0x1FC4  }
0x33: {  	[hbm:s24], [sflag:s22] =	dma.local @p3 [spmem:s21], $0x2800  }
0x34: {  	s21 =	simm.s32 @p3 $0x4  }
0x35: {  	_ =	swait.ge @p3 [sflag:s21], $0x2800  }
0x36: {  	s25 =	sld [smem:$0x7FC];
	_ =	sdelay $0x2  }
0x37: {  	[sflag:s21] =	ssyncset.done @p3 $0x0;
	s24 =	rddreg [dreg:$0x11];
	p5 =	seq.s32 s25, $0x1  }
0x38: {  	[sflag:s21] =	ssyncadd.s32 @p3 $0xFFFFD800;
	s21 =	sshrl.u32 @p5 s9, $0x3;
	s22 =	simm.s32 @p5 $0x1FC4  }
0x39: {  	[hbm:s24], [sflag:s22] =	dma.local @p5 [spmem:s21], $0x2800  }
0x3a: {  	s21 =	simm.s32 @p5 $0x4  }
0x3b: {  	_ =	swait.ge @p5 [sflag:s21], $0x2800  }
0x3c: {  	s20 =	sadd.s32 $0x1, s20;
	s26 =	rddreg [dreg:$0x12]  }
0x3d: {  	p3 =	sne.s32 s20, s26  }
.Ltmp1:
0x3e: {  	_ = 	snop;
	(pc) =	sbr.rel @!p3 .LBB2_10-.Ltmp1, $3  }
0x3f: {  	_ =	sdelay $0x1  }
0x40: {  	[sflag:s21] =	ssyncset.done @p5 $0x0  }
0x41: {  	s23 =	stileid.u32;
	[sflag:s21] =	ssyncadd.s32 @p5 $0xFFFFD800  }
.LBB2_1:
0x42: {  	s21 =	simm.s32 $0x0;
	s22 =	simm.s32 $0x200  }
.LBB2_2:
0x43: {  	p3 =	sne.s32 s22, $0xAE00;
	[tilespmem:s21+$0x870] =	vst v0  }
0x44: {  	[tilespmem:s21+$0x800] =	vst v0  }
0x45: {  	[tilespmem:s21+$0x810] =	vst v0  }
.Ltmp2:
0x46: {  	[tilespmem:s21+$0x820] =	vst v0;
	(pc) =	sbr.rel @p3 .LBB2_2-.Ltmp2, $4  }
0x47: {  	[tilespmem:s21+$0x830] =	vst v0  }
0x48: {  	[tilespmem:s21+$0x840] =	vst v0  }
0x49: {  	[tilespmem:s21+$0x850] =	vst v0  }
0x4a: {  	[tilespmem:s21+$0x860] =	vst v0;
	s21 =	sshra.s32 s22, $0x2;
	s22 =	sadd.s32 $0x200, s22  }
0x4b: {  	[tilespmem:s21+$0x870] =	vst v0  }
0x4c: {  	[tilespmem:s21+$0x800] =	vst v0  }
0x4d: {  	[tilespmem:s21+$0x810] =	vst v0  }
0x4e: {  	[tilespmem:s21+$0x820] =	vst v0  }
0x4f: {  	[tilespmem:s21+$0x830] =	vst v0  }
0x50: {  	[tilespmem:s21+$0x840] =	vst v0  }
0x51: {  	[tilespmem:s21+$0x850] =	vst v0  }
0x52: {  	[tilespmem:s21+$0x860] =	vst v0;
	s21 =	simm.s32 @p0 $0x800  }
0x53: {  	[spmem:s9] =	stream.linear.scatter @p0 [tilespmem:s21], [sflag:$0x2], $0x2C00, $0x38;
	[tilespmem:$0x1F100] =	vst v63  }
0x54: {  	s22 =	rddreg [dreg:$0x4]  }
0x55: {  	[spmem:s22] =	stream.linear.scatter @p0 [tilespmem:s21], [sflag:$0x2], $0x2C00, $0x38;
	[tilespmem:$0x1F100] =	vst v63  }
0x56: {  	s22 =	rddreg [dreg:$0x5]  }
0x57: {  	[spmem:s22] =	stream.linear.scatter @p0 [tilespmem:s21], [sflag:$0x2], $0x2C00, $0x38;
	[tilespmem:$0x1F100] =	vst v63  }
0x58: {  	s22 =	rddreg [dreg:$0x13]  }
0x59: {  	[spmem:s22] =	stream.linear.scatter @p0 [tilespmem:s21], [sflag:$0x2], $0x2C00, $0x38;
	[tilespmem:$0x1F100] =	vst v63  }
0x5a: {  	_ = 	snop  }
0x5b: {  	[spmem:s28] =	stream.linear.scatter @p0 [tilespmem:s21], [sflag:$0x2], $0x2C00, $0x38;
	[tilespmem:$0x1F100] =	vst v63  }
0x5c: {  	_ = 	snop  }
0x5d: {  	[spmem:s29] =	stream.linear.scatter @p0 [tilespmem:s21], [sflag:$0x2], $0x2C00, $0x38;
	[tilespmem:$0x1F100] =	vst v63  }
0x5e: {  	_ = 	snop  }
0x5f: {  	[spmem:s30] =	stream.linear.scatter @p0 [tilespmem:s21], [sflag:$0x2], $0x2C00, $0x38;
	[tilespmem:$0x1F100] =	vst v63  }
0x60: {  	_ = 	snop  }
0x61: {  	[spmem:s31] =	stream.linear.scatter @p0 [tilespmem:s21], [sflag:$0x2], $0xC00, $0x38;
	[tilespmem:$0x1F100] =	vst v63  }
0x62: {  	s21 =	simm.s32 @p0 $0x2  }
0x63: {  	_ =	swait.ge @p0 [sflag:s21], $0x2C00  }
0x64: {  	[sflag:s21] =	ssyncset.done @p0 $0x0  }
0x65: {  	[sflag:s21] =	ssyncadd.s32 @p0 $0xFFFFD400  }
0x66: {  	_ =	swait.ge @p0 [sflag:s21], $0x2C00  }
0x67: {  	[sflag:s21] =	ssyncset.done @p0 $0x0  }
0x68: {  	[sflag:s21] =	ssyncadd.s32 @p0 $0xFFFFD400  }
0x69: {  	_ =	swait.ge @p0 [sflag:s21], $0x2C00  }
0x6a: {  	[sflag:s21] =	ssyncset.done @p0 $0x0  }
0x6b: {  	[sflag:s21] =	ssyncadd.s32 @p0 $0xFFFFD400  }
0x6c: {  	_ =	swait.ge @p0 [sflag:s21], $0x2C00  }
0x6d: {  	[sflag:s21] =	ssyncset.done @p0 $0x0  }
0x6e: {  	[sflag:s21] =	ssyncadd.s32 @p0 $0xFFFFD400  }
0x6f: {  	_ =	swait.ge @p0 [sflag:s21], $0x2C00  }
0x70: {  	[sflag:s21] =	ssyncset.done @p0 $0x0  }
0x71: {  	[sflag:s21] =	ssyncadd.s32 @p0 $0xFFFFD400  }
0x72: {  	_ =	swait.ge @p0 [sflag:s21], $0x2C00  }
0x73: {  	[sflag:s21] =	ssyncset.done @p0 $0x0  }
0x74: {  	[sflag:s21] =	ssyncadd.s32 @p0 $0xFFFFD400  }
0x75: {  	_ =	swait.ge @p0 [sflag:s21], $0x2C00  }
0x76: {  	[sflag:s21] =	ssyncset.done @p0 $0x0  }
0x77: {  	[sflag:s21] =	ssyncadd.s32 @p0 $0xFFFFD400  }
0x78: {  	_ =	swait.ge @p0 [sflag:s21], $0xC00  }
0x79: {  	[sflag:s21] =	ssyncset.done @p0 $0x0  }
0x7a: {  	[sflag:s21] =	ssyncadd.s32 @p0 $0xFFFFF400;
	s21 =	simm.s32 @!p0 $0x800  }
0x7b: {  	[spmem:s12] =	stream.linear.scatter @!p0 [tilespmem:s21], [sflag:$0x2], $0x2C00, $0x38;
	[tilespmem:$0x1F100] =	vst v63  }
0x7c: {  	_ = 	snop  }
0x7d: {  	[spmem:s0] =	stream.linear.scatter @!p0 [tilespmem:s21], [sflag:$0x2], $0x2C00, $0x38;
	[tilespmem:$0x1F100] =	vst v63  }
0x7e: {  	_ = 	snop  }
0x7f: {  	[spmem:s10] =	stream.linear.scatter @!p0 [tilespmem:s21], [sflag:$0x2], $0x2C00, $0x38;
	[tilespmem:$0x1F100] =	vst v63  }
0x80: {  	_ = 	snop  }
0x81: {  	[spmem:s11] =	stream.linear.scatter @!p0 [tilespmem:s21], [sflag:$0x2], $0x2C00, $0x38;
	[tilespmem:$0x1F100] =	vst v63  }
0x82: {  	_ = 	snop  }
0x83: {  	[spmem:s13] =	stream.linear.scatter @!p0 [tilespmem:s21], [sflag:$0x2], $0x2C00, $0x38;
	[tilespmem:$0x1F100] =	vst v63  }
0x84: {  	_ = 	snop  }
0x85: {  	[spmem:s14] =	stream.linear.scatter @!p0 [tilespmem:s21], [sflag:$0x2], $0x2C00, $0x38;
	[tilespmem:$0x1F100] =	vst v63  }
0x86: {  	_ = 	snop  }
0x87: {  	[spmem:s4] =	stream.linear.scatter @!p0 [tilespmem:s21], [sflag:$0x2], $0x2C00, $0x38;
	[tilespmem:$0x1F100] =	vst v63  }
0x88: {  	_ = 	snop  }
0x89: {  	[spmem:s15] =	stream.linear.scatter @!p0 [tilespmem:s21], [sflag:$0x2], $0x400, $0x38;
	[tilespmem:$0x1F100] =	vst v63  }
0x8a: {  	s21 =	simm.s32 @!p0 $0x2  }
0x8b: {  	_ =	swait.ge @!p0 [sflag:s21], $0x2C00  }
0x8c: {  	[sflag:s21] =	ssyncset.done @!p0 $0x0  }
0x8d: {  	[sflag:s21] =	ssyncadd.s32 @!p0 $0xFFFFD400  }
0x8e: {  	_ =	swait.ge @!p0 [sflag:s21], $0x2C00  }
0x8f: {  	[sflag:s21] =	ssyncset.done @!p0 $0x0  }
0x90: {  	[sflag:s21] =	ssyncadd.s32 @!p0 $0xFFFFD400  }
0x91: {  	_ =	swait.ge @!p0 [sflag:s21], $0x2C00  }
0x92: {  	[sflag:s21] =	ssyncset.done @!p0 $0x0  }
0x93: {  	[sflag:s21] =	ssyncadd.s32 @!p0 $0xFFFFD400  }
0x94: {  	_ =	swait.ge @!p0 [sflag:s21], $0x2C00  }
0x95: {  	[sflag:s21] =	ssyncset.done @!p0 $0x0  }
0x96: {  	[sflag:s21] =	ssyncadd.s32 @!p0 $0xFFFFD400  }
0x97: {  	_ =	swait.ge @!p0 [sflag:s21], $0x2C00  }
0x98: {  	[sflag:s21] =	ssyncset.done @!p0 $0x0  }
0x99: {  	[sflag:s21] =	ssyncadd.s32 @!p0 $0xFFFFD400  }
0x9a: {  	_ =	swait.ge @!p0 [sflag:s21], $0x2C00  }
0x9b: {  	[sflag:s21] =	ssyncset.done @!p0 $0x0  }
0x9c: {  	[sflag:s21] =	ssyncadd.s32 @!p0 $0xFFFFD400  }
0x9d: {  	_ =	swait.ge @!p0 [sflag:s21], $0x2C00  }
0x9e: {  	[sflag:s21] =	ssyncset.done @!p0 $0x0  }
0x9f: {  	[sflag:s21] =	ssyncadd.s32 @!p0 $0xFFFFD400  }
0xa0: {  	_ =	swait.ge @!p0 [sflag:s21], $0x400  }
0xa1: {  	[sflag:s21] =	ssyncset.done @!p0 $0x0  }
0xa2: {  	s24 =	rddreg [dreg:$0x6];
	[sflag:s21] =	ssyncadd.s32 @!p0 $0xFFFFFC00  }
0xa3: {  	[tilespmem:s3], [sflag:$0x3] =	stream.linear.gather [hbm4b:s24+s3], $0x80, $0x38;
	[tilespmem:$0x1F100] =	vst v63  }
0xa4: {  	s26 =	simm.s32 $0x400;
	s25 =	rddreg [dreg:$0x7]  }
0xa5: {  	[tilespmem:s26], [sflag:$0x3] =	stream.linear.gather [hbm4b:s25+s3], $0x80, $0x38;
	[tilespmem:$0x1F100] =	vst v63  }
0xa6: {  	s23 =	rddreg [dreg:$0x8];
	s24 =	simm.s32 $0x80  }
0xa7: {  	[tilespmem:s24], [sflag:$0x3] =	stream.linear.gather [hbm4b:s23+s3], $0x80, $0x38;
	[tilespmem:$0x1F100] =	vst v63  }
0xa8: {  	s25 =	rddreg [dreg:$0x9];
	s26 =	simm.s32 $0x480  }
0xa9: {  	[tilespmem:s26], [sflag:$0x3] =	stream.linear.gather [hbm4b:s25+s3], $0x80, $0x38;
	[tilespmem:$0x1F100] =	vst v63  }
0xaa: {  	s23 =	rddreg [dreg:$0xa];
	s24 =	simm.s32 $0x100  }
0xab: {  	[tilespmem:s24], [sflag:$0x3] =	stream.linear.gather [hbm4b:s23+s3], $0x80, $0x38;
	[tilespmem:$0x1F100] =	vst v63  }
0xac: {  	s25 =	rddreg [dreg:$0xb];
	s26 =	simm.s32 $0x500  }
0xad: {  	[tilespmem:s26], [sflag:$0x3] =	stream.linear.gather [hbm4b:s25+s3], $0x80, $0x38;
	[tilespmem:$0x1F100] =	vst v63  }
0xae: {  	s23 =	rddreg [dreg:$0xc];
	s24 =	simm.s32 $0x180  }
0xaf: {  	[tilespmem:s24], [sflag:$0x3] =	stream.linear.gather [hbm4b:s23+s3], $0x80, $0x38;
	[tilespmem:$0x1F100] =	vst v63  }
0xb0: {  	s25 =	rddreg [dreg:$0xd];
	s26 =	simm.s32 $0x580  }
0xb1: {  	[tilespmem:s26], [sflag:$0x3] =	stream.linear.gather [hbm4b:s25+s3], $0x80, $0x38;
	[tilespmem:$0x1F100] =	vst v63  }
0xb2: {  	_ =	swait.ge [sflag:s16], $0x80  }
0xb3: {  	[sflag:s16] =	ssyncset.done $0x0  }
0xb4: {  	[sflag:s16] =	ssyncadd.s32 $0xFFFFFF80  }
0xb5: {  	_ =	swait.ge [sflag:s16], $0x80  }
0xb6: {  	[sflag:s16] =	ssyncset.done $0x0  }
0xb7: {  	[sflag:s16] =	ssyncadd.s32 $0xFFFFFF80  }
0xb8: {  	_ =	swait.ge [sflag:s16], $0x80  }
0xb9: {  	[sflag:s16] =	ssyncset.done $0x0  }
0xba: {  	[sflag:s16] =	ssyncadd.s32 $0xFFFFFF80  }
0xbb: {  	_ =	swait.ge [sflag:s16], $0x80  }
0xbc: {  	[sflag:s16] =	ssyncset.done $0x0  }
0xbd: {  	[sflag:s16] =	ssyncadd.s32 $0xFFFFFF80  }
0xbe: {  	_ =	swait.ge [sflag:s16], $0x80  }
0xbf: {  	[sflag:s16] =	ssyncset.done $0x0  }
0xc0: {  	[sflag:s16] =	ssyncadd.s32 $0xFFFFFF80  }
0xc1: {  	_ =	swait.ge [sflag:s16], $0x80  }
0xc2: {  	[sflag:s16] =	ssyncset.done $0x0  }
0xc3: {  	s22 =	simm.s32 @!p4 $0x0;
	[sflag:s16] =	ssyncadd.s32 $0xFFFFFF80  }
0xc4: {  	s21 =	simm.s32 @!p4 $0x58;
	s23 =	simm.s32 @!p4 $0x800;
	[bflag:$0x0] =	sbarrier.arrive $0xFFFF  }
0xc5: {  	[tilespmem:s23], [sflag:$0x1] =	stream.indirect.gather @!p4 [hbm4b:s5+s21], $0x80, s22, s21, $0xb8;
	[tilespmem:$0x1F100] =	vst v63  }
0xc6: {  	s24 =	simm.s32 @p1 $0x800;
	s22 =	simm.s32 @p1 $0x58;
	s23 =	simm.s32 @p1 $0x0  }
0xc7: {  	[tilespmem:s24], [sflag:$0x1] =	stream.indirect.gather @p1 [hbm4b:s1+s22], $0x80, s23, s22, $0xb8;
	[tilespmem:$0x1F100] =	vst v63  }
0xc8: {  	s23 =	simm.s32 @!p4 $0x80;
	s24 =	simm.s32 @!p4 $0x3400  }
0xc9: {  	[tilespmem:s24], [sflag:$0x1] =	stream.indirect.gather @!p4 [hbm4b:s5+s21], $0x80, s23, s21, $0xb8;
	[tilespmem:$0x1F100] =	vst v63  }
0xca: {  	s23 =	simm.s32 @p1 $0x80;
	s24 =	simm.s32 @p1 $0x3400  }
0xcb: {  	[tilespmem:s24], [sflag:$0x1] =	stream.indirect.gather @p1 [hbm4b:s1+s22], $0x80, s23, s22, $0xb8;
	[tilespmem:$0x1F100] =	vst v63  }
.Ltmp3:
0xcc: {  	s23 =	simm.s32 @!p4 $0x100;
	s24 =	simm.s32 @!p4 $0x6000;
	(pc) =	sbr.rel .LBB2_4-.Ltmp3, $4  }
0xcd: {  	[tilespmem:s24], [sflag:$0x1] =	stream.indirect.gather @!p4 [hbm4b:s5+s21], $0x80, s23, s21, $0xb8;
	[tilespmem:$0x1F100] =	vst v63  }
0xce: {  	s21 =	simm.s32 @p1 $0x100;
	s23 =	simm.s32 @p1 $0x6000  }
0xcf: {  	[tilespmem:s23], [sflag:$0x1] =	stream.indirect.gather @p1 [hbm4b:s1+s22], $0x80, s21, s22, $0xb8;
	[tilespmem:$0x1F100] =	vst v63  }
0xd0: {  	s21 =	simm.s32 $0x0;
	s22 =	simm.s32 $0x200  }
.LBB2_5:
0xd1: {  	s23 =	sadd.s32 $0x4, s21  }
0xd2: {  	s24 =	smul.u32 $0xCD, s23;
	_ =	sdelay $0x1  }
0xd3: {  	s24 =	sshrl.u32 s24, $0xA  }
0xd4: {  	s24 =	sand.u32 $0x3F, s24  }
0xd5: {  	s25 =	sand.u32 $0x7C00, s22;
	s24 =	smul.u32 $0x5, s24  }
0xd6: {  	s26 =	sand.u32 $0x380, s22;
	s25 =	sadd.s32 s8, s25  }
0xd7: {  	s25 =	sor.u32 s26, s25;
	s23 =	ssub.s32 s23, s24  }
0xd8: {  	s26 =	sshrl.u32 s25, $0x3;
	s23 =	sand.u32 $0xFF, s23  }
0xd9: {  	s25 =	sadd.s32 s6, s26;
	s23 =	sshll.u32 s23, $0x7  }
0xda: {  	[tilespmem:s23], [sflag:$0x3] =	stream.linear.gather [hbm4b:s25+s3], $0x80, $0x38;
	[tilespmem:$0x1F100] =	vst v63  }
0xdb: {  	s24 =	sadd.s32 s7, s26;
	s23 =	sor.u32 $0x400, s23  }
0xdc: {  	[tilespmem:s23], [sflag:$0x3] =	stream.linear.gather [hbm4b:s24+s3], $0x80, $0x38;
	[tilespmem:$0x1F100] =	vst v63  }
.LBB2_7:
0xdd: {  	s23 =	sadd.s32 $0x3, s21  }
0xde: {  	s24 =	smul.u32 $0xCD, s23;
	_ =	sdelay $0x1  }
0xdf: {  	s24 =	sshrl.u32 s24, $0xA  }
0xe0: {  	_ =	swait.ge [sflag:s16], $0x80;
	s24 =	sand.u32 $0x3F, s24  }
0xe1: {  	[sflag:s16] =	ssyncset.done $0x0;
	s24 =	smul.u32 $0x5, s24  }
0xe2: {  	s25 =	sand.u32 $0x3, s23;
	[sflag:s16] =	ssyncadd.s32 $0xFFFFFF80  }
0xe3: {  	_ =	swait.ge [sflag:s16], $0x80;
	s23 =	ssub.s32 s23, s24;
	s24 =	smul.u32 @!p4 $0xB000, s25  }
0xe4: {  	s26 =	simm.s32 @!p4 $0x58;
	[sflag:s16] =	ssyncset.done $0x0  }
0xe5: {  	[sflag:s16] =	ssyncadd.s32 $0xFFFFFF80;
	s23 =	sand.u32 $0xFF, s23;
	s24 =	sshrl.u32 @!p4 s24, $0x2  }
0xe6: {  	s25 =	smul.u32 @p1 $0xB000, s25;
	s23 =	sshll.u32 s23, $0x7;
	s24 =	sadd.s32 @!p4 $0x800, s24  }
0xe7: {  	[tilespmem:s24], [sflag:$0x1] =	stream.indirect.gather @!p4 [hbm4b:s5+s26], $0x80, s23, s26, $0xb8;
	[tilespmem:$0x1F100] =	vst v63  }
0xe8: {  	s24 =	sshrl.u32 @p1 s25, $0x2  }
0xe9: {  	s25 =	simm.s32 @p1 $0x58;
	s24 =	sadd.s32 @p1 $0x800, s24  }
0xea: {  	[tilespmem:s24], [sflag:$0x1] =	stream.indirect.gather @p1 [hbm4b:s1+s25], $0x80, s23, s25, $0xb8;
	[tilespmem:$0x1F100] =	vst v63  }
.LBB2_8:
0xeb: {  	s21 =	sadd.s32 $0x1, s21  }
0xec: {  	p3 =	sne.s32 s21, $0x72  }
.Ltmp4:
0xed: {  	_ = 	snop;
	(pc) =	sbr.rel @!p3 .LBB2_9-.Ltmp4, $2  }
0xee: {  	_ =	sdelay $0x2  }
0xef: {  	s22 =	sadd.s32 $0x80, s22  }
.LBB2_4:
0xf0: {  	s23 =	smul.u32 $0xCD, s21;
	_ =	sdelay $0x1  }
0xf1: {  	s23 =	sshrl.u32 s23, $0xA  }
0xf2: {  	s23 =	sand.u32 $0x3F, s23  }
0xf3: {  	s23 =	smul.u32 $0x5, s23  }
0xf4: {  	s24 =	sand.u32 $0x3, s21;
	_ =	swait.ge [sflag:s17], $0x2C00  }
0xf5: {  	p3 =	seq.s32 s21, $0x0;
	s24 =	smul.u32 $0xB000, s24;
	s23 =	ssub.s32 s21, s23  }
0xf6: {  	[sflag:s17] =	ssyncset.done $0x0;
	p5 =	sgt.u32 @!p3 s21, $0x6D;
	s23 =	sand.u32 $0xF7, s23  }
0xf7: {  	[sflag:s17] =	ssyncadd.s32 $0xFFFFD400;
	s24 =	sshrl.u32 s24, $0x2;
	s23 =	sshll.u32 s23, $0x7  }
0xf8: {  	p5 =	por p3, !p5;
	s24 =	sadd.s32 $0x800, s24;
	s23 =	sor.u32 $0x400, s23  }
0xf9: {  	[spmem:s2] =	stream.indirect.scatter.add.f32 [tilespmem:s24], [sflag:$0x2], $0x80, s23, s18, $0xb8;
	[tilespmem:$0x1F100] =	vst v63  }
.Ltmp5:
0xfa: {  	_ = 	snop;
	(pc) =	sbr.rel @p5 .LBB2_5-.Ltmp5, $4  }
0xfb: {  	s23 =	simm.s32 @!p3 $0x2  }
0xfc: {  	_ =	swait.ge @!p3 [sflag:s23], $0x2C00  }
0xfd: {  	[sflag:s23] =	ssyncset.done @!p3 $0x0  }
0xfe: {  	[sflag:s23] =	ssyncadd.s32 @!p3 $0xFFFFD400  }
0xff: {  	p3 =	sne.s32 s21, $0x6E  }
.Ltmp6:
0x100: {  	_ = 	snop;
	(pc) =	sbr.rel @p3 .LBB2_8-.Ltmp6, $4  }
.Ltmp7:
0x101: {  	_ = 	snop;
	(pc) =	sbr.rel @!p3 .LBB2_7-.Ltmp7, $4  }
0x102: {  	_ = 	snop  }
0x103: {  	_ = 	snop  }
0x104: {  	_ = 	snop  }
0x105: {  	_ = 	snop  }
.LBB2_10:
0x106: {  	_ =	sfence.sel $0x180000  }
0x107: {  	[bflag:$0x0] =	sbarrier.arrive $0xFFFF  }
0x108: {  	_ =	strace $0x90000047  }
0x109: {  	[bflag:$0x2] =	sbarrier.arrive $0xFFFF  }
0x10a: {  	p0 =	sne.s32 s23, $0x0;
	s0 =	rddreg [dreg:$0x3]  }
0x10b: {  	s0 =	sadd.s32 @!p0 $0x100000, s0  }
0x10c: {  	[sflag:s0] =	ssyncadd.tile.s32 @!p0 $0x1;
	_ =	shalt  }
.Lfunc_end2:
_tile_overlayer_lowered:
.L_overlay_start_2:
0x10d: {  	(tag) =	ssettag $0x2  }
0x10e: {  	s0 =	rddreg [dreg:$0x0];
	s2 =	stileid.u32  }
0x10f: {  	s1 =	rddreg [dreg:$0x1];
	p0 =	sne.s32 s2, $0x0  }
0x110: {  	s3 =	rddreg [dreg:$0x2];
	[bflag:$0x3] =	sbarrier.arrive $0xFFFF;
	s2 =	simm.s32 @!p0 $0x1C04  }
0x111: {  	[timem:s3], [sflag:s2] =	dma.local @!p0 [hbm:s0], s1  }
0x112: {  	s0 =	simm.s32 @!p0 $0x4  }
0x113: {  	_ =	swait.ge @!p0 [sflag:s0], s1  }
0x114: {  	s1 =	ssub.s32 @!p0 $0x0, s1;
	[sflag:s0] =	ssyncset.done @!p0 $0x0  }
0x115: {  	[sflag:s0] =	ssyncadd.s32 @!p0 s1  }
0x116: {  	[bflag:$0x3] =	sbarrier.arrive $0xFFFF  }
0x117: {  	_ =	shalt  }

// kernel: kernel.9.cloned.1.call-start
scs
__scs_entry_jumppad:
0x0: {  	(pc) =	sbr.rel $0x88, $3  }
0x1: {  	(tag) =	ssettag $0x0;
	lr =	simm.s32 $0x1  }
0x2: {  	[smem:$0x3F95] =	sst lr;
	_ =	strace $0xD0000000  }
0x3: {  	_ = 	snop  }
0x4: {  	_ = 	snop  }
0x5: {  	_ = 	snop  }
0x6: {  	_ = 	snop  }
0x7: {  	_ = 	snop  }
__scs_overlays_trampoline_lowered:
0x8: {  	[smem:$0x3FA4] =	sst s0  }
0x9: {  	[smem:$0x3FA5] =	sst s1  }
0xa: {  	[smem:$0x3FA6] =	sst s2  }
0xb: {  	[smem:$0x3FA7] =	sst s3  }
0xc: {  	[smem:$0x3FA8] =	sst s4  }
0xd: {  	[smem:$0x3FA9] =	sst s5  }
0xe: {  	[smem:$0x3FAA] =	sst s6  }
0xf: {  	[smem:$0x3FAB] =	sst s7  }
0x10: {  	[smem:$0x3FAC] =	sst s8  }
0x11: {  	[smem:$0x3FAD] =	sst s9;
	s0 =	simm.s32 @!p0 $0x0  }
0x12: {  	s1 =	sld [smem:$0x3F93];
	s0 =	simm.s32 @p0 $0x1  }
0x13: {  	[smem:$0x3FAE] =	sst s0;
	s0 =	simm.s32 @!p1 $0x0  }
0x14: {  	s2 =	sld [smem:$0x3F92];
	s0 =	simm.s32 @p1 $0x1  }
0x15: {  	[smem:$0x3FAF] =	sst s0;
	s0 =	simm.s32 @!p2 $0x0  }
0x16: {  	s3 =	sld [smem:$0x3FDB];
	s0 =	simm.s32 @p2 $0x1  }
0x17: {  	s4 =	simm.s32 $0x1BF5;
	[smem:$0x3FB1] =	sst s0  }
0x18: {  	s0 =	sld [smem:$0x3F94];
	_ =	swait.ge [sflag:s4], $0x0  }
0x19: {  	s7 =	sld [smem:$0x3F95]  }
0x1a: {  	s8 =	sadd.s32 $0xFFFFE003, lr  }
0x1b: {  	s9 =	sadd.s32 $0xFFFFFEF7, lr;
	s5 =	simm.s32 $0xFFFFFFFF;
	p2 =	slt.u32 s8, $0xFFFFF086  }
0x1c: {  	p1 =	slt.u32 s9, $0xF7A;
	s5 =	simm.s32 @!p2 $0x0  }
0x1d: {  	s5 =	simm.s32 @p1 $0x1;
	p0 =	seq.s32 s7, s2  }
0x1e: {  	s7 =	smul.u32 @!p0 $0xF7A, s2;
	p2 =	seq.s32 @!p0 s5, $0x0  }
0x1f: {  	s9 =	smul.u32 $0xF7A, s1;
	s8 =	simm.s32 @!p0 $0x1BF5;
	p2 =	por !p2, p0  }
0x20: {  	[sflag:s8] =	ssyncset.s32 @!p0 $0xFFFFF086;
	s6 =	sadd.s32 @!p0 s3, s7;
	s7 =	simm.s32 @!p0 $0x108  }
0x21: {  	s3 =	sadd.s32 s3, s9;
	s6 =	sadd.s32 @!p0 $0x88, s6;
	s7 =	simm.s32 @p2 $0x1082  }
0x22: {  	[simem:s7], [sflag:s8] =	dma.local @!p0 [hbm:s6], $0xF7A  }
0x23: {  	s9 =	sor.u32 $0xD0000000, s2;
	s6 =	simm.s32 $0x108;
	_ =	swait.ge @!p0 [sflag:s8], $0x0  }
0x24: {  	s3 =	sadd.s32 $0x88, s3;
	s6 =	simm.s32 @!p1 $0x1082;
	[sflag:s4] =	ssyncset.s32 $0xFFFFF086  }
0x25: {  	[simem:s6], [sflag:s4] =	dma.local [hbm:s3], $0xF7A  }
0x26: {  	[smem:$0x3F95] =	sst s1;
	(tag) =	ssettag s2;
	_ =	strace s9  }
0x27: {  	s1 =	sld [smem:$0x3FA5]  }
0x28: {  	s2 =	sld [smem:$0x3FA6]  }
0x29: {  	s4 =	sld [smem:$0x3FA8]  }
0x2a: {  	p0 =	seq.s32 s5, $0x0;
	s5 =	sld [smem:$0x3FA9]  }
0x2b: {  	s6 =	sld [smem:$0x3FAA]  }
0x2c: {  	s7 =	sld [smem:$0x3FAB]  }
0x2d: {  	s3 =	simm.s32 $0x108;
	s8 =	sld [smem:$0x3FAC]  }
0x2e: {  	s3 =	simm.s32 @!p0 $0x1082;
	s9 =	sld [smem:$0x3FAD]  }
0x2f: {  	lr =	sadd.s32 s0, s3;
	s0 =	sld [smem:$0x3FA4]  }
0x30: {  	s3 =	sld [smem:$0x3FA7]  }
0x31: {  	[smem:$0x3FB0] =	sst s10  }
0x32: {  	s10 =	sld [smem:$0x3FAE];
	_ =	sdelay $0x3  }
0x33: {  	p0 =	seq.s32 s10, $0x1;
	s10 =	sld [smem:$0x3FB0];
	_ =	sdelay $0x3  }
0x34: {  	[smem:$0x3FB0] =	sst s10  }
0x35: {  	s10 =	sld [smem:$0x3FAF];
	_ =	sdelay $0x3  }
0x36: {  	p1 =	seq.s32 s10, $0x1;
	s10 =	sld [smem:$0x3FB0];
	_ =	sdelay $0x3  }
0x37: {  	[smem:$0x3FB0] =	sst s10  }
0x38: {  	s10 =	sld [smem:$0x3FB1]  }
0x39: {  	_ = 	snop;
	(pc) =	sbr.ind lr, $3  }
0x3a: {  	_ = 	snop  }
0x3b: {  	_ = 	snop  }
0x3c: {  	p2 =	seq.s32 s10, $0x1;
	s10 =	sld [smem:$0x3FB0]  }
0x3d: {  	_ =	shalt  }
0x3e: {  	_ =	shalt  }
0x3f: {  	_ =	shalt  }
0x40: {  	_ =	shalt  }
0x41: {  	_ =	shalt  }
0x42: {  	_ =	shalt  }
0x43: {  	_ =	shalt  }
0x44: {  	_ =	shalt  }
0x45: {  	_ =	shalt  }
0x46: {  	_ =	shalt  }
0x47: {  	_ =	shalt  }
0x48: {  	_ =	shalt  }
0x49: {  	_ =	shalt  }
0x4a: {  	_ =	shalt  }
0x4b: {  	_ =	shalt  }
0x4c: {  	_ =	shalt  }
0x4d: {  	_ =	shalt  }
0x4e: {  	_ =	shalt  }
0x4f: {  	_ =	shalt  }
0x50: {  	_ =	shalt  }
0x51: {  	_ =	shalt  }
0x52: {  	_ =	shalt  }
0x53: {  	_ =	shalt  }
0x54: {  	_ =	shalt  }
0x55: {  	_ =	shalt  }
0x56: {  	_ =	shalt  }
0x57: {  	_ =	shalt  }
0x58: {  	_ =	shalt  }
0x59: {  	_ =	shalt  }
0x5a: {  	_ =	shalt  }
0x5b: {  	_ =	shalt  }
0x5c: {  	_ =	shalt  }
0x5d: {  	_ =	shalt  }
0x5e: {  	_ =	shalt  }
0x5f: {  	_ =	shalt  }
0x60: {  	_ =	shalt  }
0x61: {  	_ =	shalt  }
0x62: {  	_ =	shalt  }
0x63: {  	_ =	shalt  }
0x64: {  	_ =	shalt  }
0x65: {  	_ =	shalt  }
0x66: {  	_ =	shalt  }
0x67: {  	_ =	shalt  }
0x68: {  	_ =	shalt  }
0x69: {  	_ =	shalt  }
0x6a: {  	_ =	shalt  }
0x6b: {  	_ =	shalt  }
0x6c: {  	_ =	shalt  }
0x6d: {  	_ =	shalt  }
0x6e: {  	_ =	shalt  }
0x6f: {  	_ =	shalt  }
0x70: {  	_ =	shalt  }
0x71: {  	_ =	shalt  }
0x72: {  	_ =	shalt  }
0x73: {  	_ =	shalt  }
0x74: {  	_ =	shalt  }
0x75: {  	_ =	shalt  }
0x76: {  	_ =	shalt  }
0x77: {  	_ =	shalt  }
0x78: {  	_ =	shalt  }
0x79: {  	_ =	shalt  }
0x7a: {  	_ =	shalt  }
0x7b: {  	_ =	shalt  }
0x7c: {  	_ =	shalt  }
0x7d: {  	_ =	shalt  }
0x7e: {  	_ =	shalt  }
0x7f: {  	_ =	shalt  }
0x80: {  	_ =	shalt  }
0x81: {  	_ =	shalt  }
0x82: {  	_ =	shalt  }
0x83: {  	_ =	shalt  }
0x84: {  	_ =	shalt  }
0x85: {  	_ =	shalt  }
0x86: {  	_ =	shalt  }
0x87: {  	_ =	shalt  }
.Lfunc_end0:
.L_simem_size_0:
called_computation.1_lowered:
.L_overlay_start_0:
0x88: {  	s2 =	sld [smem:$0x3FD9]  }
0x89: {  	s3 =	sld [smem:$0x3FFE];
	_ =	sdelay $0x1  }
0x8a: {  	s1 =	srdreg.scid  }
0x8b: {  	s0 =	sand.u32 $0x1, s1  }
0x8c: {  	s17 =	sshll.u32 s0, $0xA;
	s2 =	sadd.s32 s3, s2  }
0x8d: {  	s2 =	sadd.s32 s2, s17  }
0x8e: {  	[smem:$0x3FBC] =	sst s2  }
0x8f: {  	_ = 	snop  }
0x90: {  	s2 =	sld [smem:$0x3FD0];
	(tm) =	ssettm $0x1  }
0x91: {  	s18 =	sld [smem:$0x3FFB];
	_ =	sdelay $0x3  }
0x92: {  	_ =	strace s18  }
0x93: {  	s3 =	sld [smem:$0x3FFC];
	_ =	sdelay $0x3  }
0x94: {  	_ =	strace s3  }
0x95: {  	s3 =	sld [smem:$0x3FFD];
	_ =	sdelay $0x3  }
0x96: {  	_ =	strace s3  }
0x97: {  	_ =	strace $0x8FFFFFFF  }
0x98: {  	s19 =	sld [smem:$0x3FDB];
	_ =	sdelay $0x1  }
0x99: {  	s4 =	simm.s32 $_scs_section_size  }
0x9a: {  	s5 =	simm.s32 $_size__tile_overlayer_lowered;
	s6 =	simm.s32 $_tile_overlayer_lowered  }
0x9b: {  	s22 =	simm.s32 $0x1BFF;
	s21 =	sshll.u32 s6, $0x1;
	s3 =	sadd.s32 s4, s19  }
0x9c: {  	s7 =	simm.s32 $0x0;
	s20 =	sshll.u32 s5, $0x1;
	s5 =	sadd.s32 s21, s3  }
0x9d: {  	[timem:s7], [sflag:s22] =	dma.local [hbm:s5], s20  }
0x9e: {  	_ =	swait.ge [sflag:s22], s20  }
0x9f: {  	s4 =	ssub.s32 $0x0, s20;
	[sflag:s22] =	ssyncset.done $0x0  }
0xa0: {  	[sflag:s22] =	ssyncadd.s32 s4;
	_ =	sdelay $0x1  }
0xa1: {  	s23 =	simm.s32 $0x1B8B  }
0xa2: {  	_ =	swait.ge [sflag:s23], $0x1  }
0xa3: {  	[sflag:s23] =	ssyncset.done $0x0  }
0xa4: {  	s25 =	simm.s32 $0x1B8E;
	s24 =	sld [smem:$0x3FFE];
	[sflag:s23] =	ssyncadd.s32 $0xFFFFFFFF  }
0xa5: {  	s26 =	simm.s32 $execute0_lowered;
	[smem:$0x3FD2] =	sst s25  }
0xa6: {  	s5 =	sshll.u32 s26, $0x1;
	_ =	strace $0x80000049;
	[dreg:$0x1] =	wrdreg $0xFFFFFFFF  }
0xa7: {  	s28 =	simm.s32 $_size_execute0_lowered;
	s3 =	sadd.s32 s3, s5;
	[dreg:$0x0] =	wrdreg $0x0  }
0xa8: {  	s5 =	sshll.u32 s28, $0x1;
	[dreg:$0x2] =	wrdreg s3  }
0xa9: {  	[dreg:$0x3] =	wrdreg s5  }
0xaa: {  	[dreg:$0x4] =	wrdreg $0xC0  }
0xab: {  	_ =	task [dreg:s7], $0x5FFFF  }
0xac: {  	[dreg:$0x1] =	wrdreg $0xFFFFFFFF  }
0xad: {  	[dreg:$0x0] =	wrdreg $0x60  }
0xae: {  	[dreg:$0x2] =	wrdreg s2  }
0xaf: {  	[dreg:$0x3] =	wrdreg s24  }
0xb0: {  	[dreg:$0x4] =	wrdreg $0xB8000  }
0xb1: {  	[dreg:$0x5] =	wrdreg $0x9  }
0xb2: {  	_ =	task.clear_ibuf [dreg:s7], $0x6FFFF;
	_ =	strace $0x90000049  }
0xb3: {  	s29 =	simm.s32 $0x9;
	_ =	strace $0x8000004B  }
0xb4: {  	_ =	swait.ge [sflag:s29], $0x1  }
0xb5: {  	[sflag:s29] =	ssyncadd.s32 $0xFFFFFFFF  }
0xb6: {  	_ =	strace $0x9000004B  }
0xb7: {  	_ =	sfence  }
0xb8: {  	s30 =	sld [smem:$0x0];
	_ =	sdelay $0x2  }
0xb9: {  	s31 =	sshll.u32 s1, $0xD;
	s1 =	sshrl.u32 s1, $0x2  }
0xba: {  	s3 =	sand.u32 $0x4000, s31;
	s1 =	sadd.s32 s1, s30  }
0xbb: {  	s0 =	sor.u32 s3, s0;
	s1 =	sshll.u32 s1, $0x11  }
0xbc: {  	s0 =	sor.u32 s1, s0  }
0xbd: {  	s0 =	sadd.s32 $0x8F2B, s0  }
0xbe: {  	[sflag:s0] =	ssyncadd.remote.s32 $0x1  }
0xbf: {  	_ =	sfence.sel $0xFFFF  }
0xc0: {  	[dreg:$0x0] =	wrdreg $0xFFFFFFFF;
	(pc) =	sbr.abs _section_cstart, $3  }
0xc1: {  	[dreg:$0x1] =	wrdreg $0xFFFFFFFF  }
0xc2: {  	_ =	task.clear_ibuf [dreg:s7], $0x2FFFF;
	_ =	strace $0x9FFFFFFF  }
0xc3: {  	(tm) =	ssettm $0x7FFFFFFF  }
tec
execute0_lowered:
.L_overlay_start_1:
0x0: {  	(tag) =	ssettag $0x1  }
0x1: {  	s1 =	rddreg [dreg:$0x0]  }
0x2: {  	s0 =	rddreg [dreg:$0x1]  }
0x3: {  	s2 =	rddreg [dreg:$0x2];
	s3 =	simm.s32 $0x0;
	s4 =	srdreg.scid  }
0x4: {  	s12 =	stileid.u32;
	[smem:$0x7FF] =	sst s3;
	s5 =	sadd.s32 $0x12000, s0  }
0x5: {  	s6 =	sadd.s32 $0xA800, s0;
	s8 =	smul.u32 $0x2700, s12;
	s7 =	sadd.s32 $0x3000, s0  }
0x6: {  	s11 =	smul.u32 $0x4E000, s12;
	p0 =	seq.s32 s12, $0xF;
	p4 =	sne.s32 s12, $0xF  }
0x7: {  	s14 =	sadd.s32 $0x127400, s2;
	s15 =	sadd.s32 $0x12A000, s2;
	s24 =	sadd.s32 $0x5DB00, s0  }
0x8: {  	s4 =	sand.u32 $0x1, s4;
	s26 =	sadd.s32 $0x12CC00, s2;
	s28 =	sadd.s32 $0x12F800, s2  }
0x9: {  	s29 =	sadd.s32 $0x132400, s2;
	_ =	strace $0x8000004A;
	[dreg:$0x4] =	wrdreg s14  }
0xa: {  	s30 =	sadd.s32 $0x135000, s2;
	s31 =	sadd.s32 $0x137C00, s2;
	[dreg:$0x5] =	wrdreg s15  }
0xb: {  	s9 =	ssub.s32 $0x2, s4;
	p3 =	seq.s32 s4, $0x0;
	[dreg:$0x10] =	wrdreg s24  }
0xc: {  	p1 =	seq.s32 s4, $0x1;
	[dreg:$0x13] =	wrdreg s26;
	s10 =	sshrl.u32 s9, $0x1  }
0xd: {  	s13 =	sadd.s32 s8, s0;
	s8 =	smul.u32 $0x3C00, s12;
	s11 =	sshrl.u32 s11, $0x2  }
0xe: {  	p2 =	por !p3, !p4;
	p3 =	por !p3, !p0;
	p5 =	por !p4, !p1  }
0xf: {  	p4 =	sne.s32 s4, $0x0;
	s0 =	sadd.s32 $0x84D00, s0;
	s10 =	ssub.s32 s9, s10  }
0x10: {  	s9 =	sadd.s32 $0x124800, s2;
	s12 =	sadd.s32 s11, s2;
	p2 =	por !p2, !p2  }
0x11: {  	s22 =	sadd.s32 $0x39200, s13;
	p6 =	por !p3, !p3;
	[dreg:$0x11] =	wrdreg s0  }
0x12: {  	p3 =	por !p5, !p5;
	s23 =	sadd.s32 $0x60400, s13;
	[dreg:$0xe] =	wrdreg s22  }
0x13: {  	p5 =	por !p1, !p0;
	s14 =	sshrl.u32 s8, $0x3;
	[dreg:$0xf] =	wrdreg s23  }
0x14: {  	p5 =	por !p5, !p5;
	s25 =	smax.u32 s10, $0x1;
	s0 =	simm.s32 @!p6 $0x0  }
0x15: {  	s10 =	sadd.s32 $0x5800, s12;
	s13 =	sadd.s32 $0xB000, s12;
	s16 =	sadd.s32 s6, s14  }
0x16: {  	s17 =	sadd.s32 s7, s14;
	s18 =	sor.u32 $0x10, s14;
	[dreg:$0x12] =	wrdreg s25  }
0x17: {  	s15 =	sor.u32 $0x20, s14;
	s21 =	sor.u32 $0x30, s14;
	[dreg:$0x6] =	wrdreg s16  }
0x18: {  	s4 =	simm.s32 @!p5 $0x0;
	s0 =	simm.s32 @p6 $0x1;
	[dreg:$0x7] =	wrdreg s17  }
0x19: {  	p6 =	por !p3, p6;
	s16 =	sadd.s32 s6, s18;
	[smem:$0x7FD] =	sst s0  }
0x1a: {  	s11 =	sadd.s32 s7, s18;
	s19 =	sadd.s32 s6, s15;
	[dreg:$0x8] =	wrdreg s16  }
0x1b: {  	s20 =	sadd.s32 s7, s15;
	s14 =	sadd.s32 s6, s21;
	[dreg:$0x9] =	wrdreg s11  }
0x1c: {  	s4 =	simm.s32 @p5 $0x1;
	s0 =	sadd.s32 $0x2C00, s12;
	[dreg:$0xa] =	wrdreg s19  }
.Ltmp0:
0x1d: {  	s15 =	sadd.s32 $0x13400, s12;
	[dreg:$0xb] =	wrdreg s20;
	(pc) =	sbr.rel .LBB2_1-.Ltmp0, $4  }
0x1e: {  	s17 =	simm.s32 $0x1;
	s18 =	simm.s32 $0x58;
	[dreg:$0xc] =	wrdreg s14  }
0x1f: {  	s11 =	sadd.s32 s7, s21;
	[smem:$0x7FC] =	sst s4;
	s14 =	sadd.s32 $0xDC00, s12  }
0x20: {  	s4 =	sadd.s32 $0x10800, s12;
	s16 =	simm.s32 $0x3;
	s19 =	simm.s32 $0x2  }
0x21: {  	v0 =	vimm.f32 $0.0e+00;
	s20 =	simm.s32 $0x0;
	[dreg:$0xd] =	wrdreg s11;
	s11 =	sadd.s32 $0x8400, s12  }
.LBB2_9:
0x22: {  	_ =	swait.ge [sflag:s19], $0x2C00  }
0x23: {  	[sflag:s19] =	ssyncset.done $0x0  }
0x24: {  	s24 =	stileid.u32;
	[sflag:s19] =	ssyncadd.s32 $0xFFFFD400  }
0x25: {  	s21 =	sshll.u32 @p2 s24, $0x6;
	[bflag:$0x0] =	sbarrier.arrive $0xFFFF  }
0x26: {  	s22 =	sshrl.u32 @p2 s12, $0x3;
	s21 =	sor.u32 @p2 $0x1C04, s21;
	s23 =	rddreg [dreg:$0xe]  }
0x27: {  	[hbm:s23], [sflag:s21] =	dma.local @p2 [spmem:s22], $0x2700  }
0x28: {  	s21 =	simm.s32 @p2 $0x4  }
0x29: {  	_ =	swait.ge @p2 [sflag:s21], $0x2700  }
0x2a: {  	s22 =	sshll.u32 @!p6 s24, $0x6;
	[sflag:s21] =	ssyncset.done @p2 $0x0;
	s24 =	rddreg [dreg:$0xf]  }
0x2b: {  	[sflag:s21] =	ssyncadd.s32 @p2 $0xFFFFD900;
	s21 =	sor.u32 @!p6 $0x1C04, s22;
	s22 =	sshrl.u32 @!p6 s12, $0x3  }
0x2c: {  	[hbm:s24], [sflag:s21] =	dma.local @!p6 [spmem:s22], $0x2700  }
0x2d: {  	s21 =	simm.s32 @!p6 $0x4  }
0x2e: {  	_ =	swait.ge @!p6 [sflag:s21], $0x2700  }
0x2f: {  	s24 =	sld [smem:$0x7FD];
	_ =	sdelay $0x1  }
0x30: {  	[sflag:s21] =	ssyncset.done @!p6 $0x0  }
0x31: {  	[sflag:s21] =	ssyncadd.s32 @!p6 $0xFFFFD900;
	p3 =	seq.s32 s24, $0x1  }
0x32: {  	s24 =	rddreg [dreg:$0x10];
	s21 =	sshrl.u32 @p3 s9, $0x3;
	s22 =	simm.s32 @p3 $0x1FC4  }
0x33: {  	[hbm:s24], [sflag:s22] =	dma.local @p3 [spmem:s21], $0x2800  }
0x34: {  	s21 =	simm.s32 @p3 $0x4  }
0x35: {  	_ =	swait.ge @p3 [sflag:s21], $0x2800  }
0x36: {  	s25 =	sld [smem:$0x7FC];
	_ =	sdelay $0x2  }
0x37: {  	[sflag:s21] =	ssyncset.done @p3 $0x0;
	s24 =	rddreg [dreg:$0x11];
	p5 =	seq.s32 s25, $0x1  }
0x38: {  	[sflag:s21] =	ssyncadd.s32 @p3 $0xFFFFD800;
	s21 =	sshrl.u32 @p5 s9, $0x3;
	s22 =	simm.s32 @p5 $0x1FC4  }
0x39: {  	[hbm:s24], [sflag:s22] =	dma.local @p5 [spmem:s21], $0x2800  }
0x3a: {  	s21 =	simm.s32 @p5 $0x4  }
0x3b: {  	_ =	swait.ge @p5 [sflag:s21], $0x2800  }
0x3c: {  	s20 =	sadd.s32 $0x1, s20;
	s26 =	rddreg [dreg:$0x12]  }
0x3d: {  	p3 =	sne.s32 s20, s26  }
.Ltmp1:
0x3e: {  	_ = 	snop;
	(pc) =	sbr.rel @!p3 .LBB2_10-.Ltmp1, $3  }
0x3f: {  	_ =	sdelay $0x1  }
0x40: {  	[sflag:s21] =	ssyncset.done @p5 $0x0  }
0x41: {  	s23 =	stileid.u32;
	[sflag:s21] =	ssyncadd.s32 @p5 $0xFFFFD800  }
.LBB2_1:
0x42: {  	s21 =	simm.s32 $0x0;
	s22 =	simm.s32 $0x200  }
.LBB2_2:
0x43: {  	p3 =	sne.s32 s22, $0xAE00;
	[tilespmem:s21+$0x870] =	vst v0  }
0x44: {  	[tilespmem:s21+$0x800] =	vst v0  }
0x45: {  	[tilespmem:s21+$0x810] =	vst v0  }
.Ltmp2:
0x46: {  	[tilespmem:s21+$0x820] =	vst v0;
	(pc) =	sbr.rel @p3 .LBB2_2-.Ltmp2, $4  }
0x47: {  	[tilespmem:s21+$0x830] =	vst v0  }
0x48: {  	[tilespmem:s21+$0x840] =	vst v0  }
0x49: {  	[tilespmem:s21+$0x850] =	vst v0  }
0x4a: {  	[tilespmem:s21+$0x860] =	vst v0;
	s21 =	sshra.s32 s22, $0x2;
	s22 =	sadd.s32 $0x200, s22  }
0x4b: {  	[tilespmem:s21+$0x870] =	vst v0  }
0x4c: {  	[tilespmem:s21+$0x800] =	vst v0  }
0x4d: {  	[tilespmem:s21+$0x810] =	vst v0  }
0x4e: {  	[tilespmem:s21+$0x820] =	vst v0  }
0x4f: {  	[tilespmem:s21+$0x830] =	vst v0  }
0x50: {  	[tilespmem:s21+$0x840] =	vst v0  }
0x51: {  	[tilespmem:s21+$0x850] =	vst v0  }
0x52: {  	[tilespmem:s21+$0x860] =	vst v0;
	s21 =	simm.s32 @p0 $0x800  }
0x53: {  	[spmem:s9] =	stream.linear.scatter @p0 [tilespmem:s21], [sflag:$0x2], $0x2C00, $0x38;
	[tilespmem:$0x1F100] =	vst v63  }
0x54: {  	s22 =	rddreg [dreg:$0x4]  }
0x55: {  	[spmem:s22] =	stream.linear.scatter @p0 [tilespmem:s21], [sflag:$0x2], $0x2C00, $0x38;
	[tilespmem:$0x1F100] =	vst v63  }
0x56: {  	s22 =	rddreg [dreg:$0x5]  }
0x57: {  	[spmem:s22] =	stream.linear.scatter @p0 [tilespmem:s21], [sflag:$0x2], $0x2C00, $0x38;
	[tilespmem:$0x1F100] =	vst v63  }
0x58: {  	s22 =	rddreg [dreg:$0x13]  }
0x59: {  	[spmem:s22] =	stream.linear.scatter @p0 [tilespmem:s21], [sflag:$0x2], $0x2C00, $0x38;
	[tilespmem:$0x1F100] =	vst v63  }
0x5a: {  	_ = 	snop  }
0x5b: {  	[spmem:s28] =	stream.linear.scatter @p0 [tilespmem:s21], [sflag:$0x2], $0x2C00, $0x38;
	[tilespmem:$0x1F100] =	vst v63  }
0x5c: {  	_ = 	snop  }
0x5d: {  	[spmem:s29] =	stream.linear.scatter @p0 [tilespmem:s21], [sflag:$0x2], $0x2C00, $0x38;
	[tilespmem:$0x1F100] =	vst v63  }
0x5e: {  	_ = 	snop  }
0x5f: {  	[spmem:s30] =	stream.linear.scatter @p0 [tilespmem:s21], [sflag:$0x2], $0x2C00, $0x38;
	[tilespmem:$0x1F100] =	vst v63  }
0x60: {  	_ = 	snop  }
0x61: {  	[spmem:s31] =	stream.linear.scatter @p0 [tilespmem:s21], [sflag:$0x2], $0xC00, $0x38;
	[tilespmem:$0x1F100] =	vst v63  }
0x62: {  	s21 =	simm.s32 @p0 $0x2  }
0x63: {  	_ =	swait.ge @p0 [sflag:s21], $0x2C00  }
0x64: {  	[sflag:s21] =	ssyncset.done @p0 $0x0  }
0x65: {  	[sflag:s21] =	ssyncadd.s32 @p0 $0xFFFFD400  }
0x66: {  	_ =	swait.ge @p0 [sflag:s21], $0x2C00  }
0x67: {  	[sflag:s21] =	ssyncset.done @p0 $0x0  }
0x68: {  	[sflag:s21] =	ssyncadd.s32 @p0 $0xFFFFD400  }
0x69: {  	_ =	swait.ge @p0 [sflag:s21], $0x2C00  }
0x6a: {  	[sflag:s21] =	ssyncset.done @p0 $0x0  }
0x6b: {  	[sflag:s21] =	ssyncadd.s32 @p0 $0xFFFFD400  }
0x6c: {  	_ =	swait.ge @p0 [sflag:s21], $0x2C00  }
0x6d: {  	[sflag:s21] =	ssyncset.done @p0 $0x0  }
0x6e: {  	[sflag:s21] =	ssyncadd.s32 @p0 $0xFFFFD400  }
0x6f: {  	_ =	swait.ge @p0 [sflag:s21], $0x2C00  }
0x70: {  	[sflag:s21] =	ssyncset.done @p0 $0x0  }
0x71: {  	[sflag:s21] =	ssyncadd.s32 @p0 $0xFFFFD400  }
0x72: {  	_ =	swait.ge @p0 [sflag:s21], $0x2C00  }
0x73: {  	[sflag:s21] =	ssyncset.done @p0 $0x0  }
0x74: {  	[sflag:s21] =	ssyncadd.s32 @p0 $0xFFFFD400  }
0x75: {  	_ =	swait.ge @p0 [sflag:s21], $0x2C00  }
0x76: {  	[sflag:s21] =	ssyncset.done @p0 $0x0  }
0x77: {  	[sflag:s21] =	ssyncadd.s32 @p0 $0xFFFFD400  }
0x78: {  	_ =	swait.ge @p0 [sflag:s21], $0xC00  }
0x79: {  	[sflag:s21] =	ssyncset.done @p0 $0x0  }
0x7a: {  	[sflag:s21] =	ssyncadd.s32 @p0 $0xFFFFF400;
	s21 =	simm.s32 @!p0 $0x800  }
0x7b: {  	[spmem:s12] =	stream.linear.scatter @!p0 [tilespmem:s21], [sflag:$0x2], $0x2C00, $0x38;
	[tilespmem:$0x1F100] =	vst v63  }
0x7c: {  	_ = 	snop  }
0x7d: {  	[spmem:s0] =	stream.linear.scatter @!p0 [tilespmem:s21], [sflag:$0x2], $0x2C00, $0x38;
	[tilespmem:$0x1F100] =	vst v63  }
0x7e: {  	_ = 	snop  }
0x7f: {  	[spmem:s10] =	stream.linear.scatter @!p0 [tilespmem:s21], [sflag:$0x2], $0x2C00, $0x38;
	[tilespmem:$0x1F100] =	vst v63  }
0x80: {  	_ = 	snop  }
0x81: {  	[spmem:s11] =	stream.linear.scatter @!p0 [tilespmem:s21], [sflag:$0x2], $0x2C00, $0x38;
	[tilespmem:$0x1F100] =	vst v63  }
0x82: {  	_ = 	snop  }
0x83: {  	[spmem:s13] =	stream.linear.scatter @!p0 [tilespmem:s21], [sflag:$0x2], $0x2C00, $0x38;
	[tilespmem:$0x1F100] =	vst v63  }
0x84: {  	_ = 	snop  }
0x85: {  	[spmem:s14] =	stream.linear.scatter @!p0 [tilespmem:s21], [sflag:$0x2], $0x2C00, $0x38;
	[tilespmem:$0x1F100] =	vst v63  }
0x86: {  	_ = 	snop  }
0x87: {  	[spmem:s4] =	stream.linear.scatter @!p0 [tilespmem:s21], [sflag:$0x2], $0x2C00, $0x38;
	[tilespmem:$0x1F100] =	vst v63  }
0x88: {  	_ = 	snop  }
0x89: {  	[spmem:s15] =	stream.linear.scatter @!p0 [tilespmem:s21], [sflag:$0x2], $0x400, $0x38;
	[tilespmem:$0x1F100] =	vst v63  }
0x8a: {  	s21 =	simm.s32 @!p0 $0x2  }
0x8b: {  	_ =	swait.ge @!p0 [sflag:s21], $0x2C00  }
0x8c: {  	[sflag:s21] =	ssyncset.done @!p0 $0x0  }
0x8d: {  	[sflag:s21] =	ssyncadd.s32 @!p0 $0xFFFFD400  }
0x8e: {  	_ =	swait.ge @!p0 [sflag:s21], $0x2C00  }
0x8f: {  	[sflag:s21] =	ssyncset.done @!p0 $0x0  }
0x90: {  	[sflag:s21] =	ssyncadd.s32 @!p0 $0xFFFFD400  }
0x91: {  	_ =	swait.ge @!p0 [sflag:s21], $0x2C00  }
0x92: {  	[sflag:s21] =	ssyncset.done @!p0 $0x0  }
0x93: {  	[sflag:s21] =	ssyncadd.s32 @!p0 $0xFFFFD400  }
0x94: {  	_ =	swait.ge @!p0 [sflag:s21], $0x2C00  }
0x95: {  	[sflag:s21] =	ssyncset.done @!p0 $0x0  }
0x96: {  	[sflag:s21] =	ssyncadd.s32 @!p0 $0xFFFFD400  }
0x97: {  	_ =	swait.ge @!p0 [sflag:s21], $0x2C00  }
0x98: {  	[sflag:s21] =	ssyncset.done @!p0 $0x0  }
0x99: {  	[sflag:s21] =	ssyncadd.s32 @!p0 $0xFFFFD400  }
0x9a: {  	_ =	swait.ge @!p0 [sflag:s21], $0x2C00  }
0x9b: {  	[sflag:s21] =	ssyncset.done @!p0 $0x0  }
0x9c: {  	[sflag:s21] =	ssyncadd.s32 @!p0 $0xFFFFD400  }
0x9d: {  	_ =	swait.ge @!p0 [sflag:s21], $0x2C00  }
0x9e: {  	[sflag:s21] =	ssyncset.done @!p0 $0x0  }
0x9f: {  	[sflag:s21] =	ssyncadd.s32 @!p0 $0xFFFFD400  }
0xa0: {  	_ =	swait.ge @!p0 [sflag:s21], $0x400  }
0xa1: {  	[sflag:s21] =	ssyncset.done @!p0 $0x0  }
0xa2: {  	s24 =	rddreg [dreg:$0x6];
	[sflag:s21] =	ssyncadd.s32 @!p0 $0xFFFFFC00  }
0xa3: {  	[tilespmem:s3], [sflag:$0x3] =	stream.linear.gather [hbm4b:s24+s3], $0x80, $0x38;
	[tilespmem:$0x1F100] =	vst v63  }
0xa4: {  	s26 =	simm.s32 $0x400;
	s25 =	rddreg [dreg:$0x7]  }
0xa5: {  	[tilespmem:s26], [sflag:$0x3] =	stream.linear.gather [hbm4b:s25+s3], $0x80, $0x38;
	[tilespmem:$0x1F100] =	vst v63  }
0xa6: {  	s23 =	rddreg [dreg:$0x8];
	s24 =	simm.s32 $0x80  }
0xa7: {  	[tilespmem:s24], [sflag:$0x3] =	stream.linear.gather [hbm4b:s23+s3], $0x80, $0x38;
	[tilespmem:$0x1F100] =	vst v63  }
0xa8: {  	s25 =	rddreg [dreg:$0x9];
	s26 =	simm.s32 $0x480  }
0xa9: {  	[tilespmem:s26], [sflag:$0x3] =	stream.linear.gather [hbm4b:s25+s3], $0x80, $0x38;
	[tilespmem:$0x1F100] =	vst v63  }
0xaa: {  	s23 =	rddreg [dreg:$0xa];
	s24 =	simm.s32 $0x100  }
0xab: {  	[tilespmem:s24], [sflag:$0x3] =	stream.linear.gather [hbm4b:s23+s3], $0x80, $0x38;
	[tilespmem:$0x1F100] =	vst v63  }
0xac: {  	s25 =	rddreg [dreg:$0xb];
	s26 =	simm.s32 $0x500  }
0xad: {  	[tilespmem:s26], [sflag:$0x3] =	stream.linear.gather [hbm4b:s25+s3], $0x80, $0x38;
	[tilespmem:$0x1F100] =	vst v63  }
0xae: {  	s23 =	rddreg [dreg:$0xc];
	s24 =	simm.s32 $0x180  }
0xaf: {  	[tilespmem:s24], [sflag:$0x3] =	stream.linear.gather [hbm4b:s23+s3], $0x80, $0x38;
	[tilespmem:$0x1F100] =	vst v63  }
0xb0: {  	s25 =	rddreg [dreg:$0xd];
	s26 =	simm.s32 $0x580  }
0xb1: {  	[tilespmem:s26], [sflag:$0x3] =	stream.linear.gather [hbm4b:s25+s3], $0x80, $0x38;
	[tilespmem:$0x1F100] =	vst v63  }
0xb2: {  	_ =	swait.ge [sflag:s16], $0x80  }
0xb3: {  	[sflag:s16] =	ssyncset.done $0x0  }
0xb4: {  	[sflag:s16] =	ssyncadd.s32 $0xFFFFFF80  }
0xb5: {  	_ =	swait.ge [sflag:s16], $0x80  }
0xb6: {  	[sflag:s16] =	ssyncset.done $0x0  }
0xb7: {  	[sflag:s16] =	ssyncadd.s32 $0xFFFFFF80  }
0xb8: {  	_ =	swait.ge [sflag:s16], $0x80  }
0xb9: {  	[sflag:s16] =	ssyncset.done $0x0  }
0xba: {  	[sflag:s16] =	ssyncadd.s32 $0xFFFFFF80  }
0xbb: {  	_ =	swait.ge [sflag:s16], $0x80  }
0xbc: {  	[sflag:s16] =	ssyncset.done $0x0  }
0xbd: {  	[sflag:s16] =	ssyncadd.s32 $0xFFFFFF80  }
0xbe: {  	_ =	swait.ge [sflag:s16], $0x80  }
0xbf: {  	[sflag:s16] =	ssyncset.done $0x0  }
0xc0: {  	[sflag:s16] =	ssyncadd.s32 $0xFFFFFF80  }
0xc1: {  	_ =	swait.ge [sflag:s16], $0x80  }
0xc2: {  	[sflag:s16] =	ssyncset.done $0x0  }
0xc3: {  	s22 =	simm.s32 @!p4 $0x0;
	[sflag:s16] =	ssyncadd.s32 $0xFFFFFF80  }
0xc4: {  	s21 =	simm.s32 @!p4 $0x58;
	s23 =	simm.s32 @!p4 $0x800;
	[bflag:$0x0] =	sbarrier.arrive $0xFFFF  }
0xc5: {  	[tilespmem:s23], [sflag:$0x1] =	stream.indirect.gather @!p4 [hbm4b:s1+s21], $0x80, s22, s21, $0xb8;
	[tilespmem:$0x1F100] =	vst v63  }
0xc6: {  	s24 =	simm.s32 @p1 $0x800;
	s22 =	simm.s32 @p1 $0x58;
	s23 =	simm.s32 @p1 $0x0  }
0xc7: {  	[tilespmem:s24], [sflag:$0x1] =	stream.indirect.gather @p1 [hbm4b:s5+s22], $0x80, s23, s22, $0xb8;
	[tilespmem:$0x1F100] =	vst v63  }
0xc8: {  	s23 =	simm.s32 @!p4 $0x80;
	s24 =	simm.s32 @!p4 $0x3400  }
0xc9: {  	[tilespmem:s24], [sflag:$0x1] =	stream.indirect.gather @!p4 [hbm4b:s1+s21], $0x80, s23, s21, $0xb8;
	[tilespmem:$0x1F100] =	vst v63  }
0xca: {  	s23 =	simm.s32 @p1 $0x80;
	s24 =	simm.s32 @p1 $0x3400  }
0xcb: {  	[tilespmem:s24], [sflag:$0x1] =	stream.indirect.gather @p1 [hbm4b:s5+s22], $0x80, s23, s22, $0xb8;
	[tilespmem:$0x1F100] =	vst v63  }
.Ltmp3:
0xcc: {  	s23 =	simm.s32 @!p4 $0x100;
	s24 =	simm.s32 @!p4 $0x6000;
	(pc) =	sbr.rel .LBB2_4-.Ltmp3, $4  }
0xcd: {  	[tilespmem:s24], [sflag:$0x1] =	stream.indirect.gather @!p4 [hbm4b:s1+s21], $0x80, s23, s21, $0xb8;
	[tilespmem:$0x1F100] =	vst v63  }
0xce: {  	s21 =	simm.s32 @p1 $0x100;
	s23 =	simm.s32 @p1 $0x6000  }
0xcf: {  	[tilespmem:s23], [sflag:$0x1] =	stream.indirect.gather @p1 [hbm4b:s5+s22], $0x80, s21, s22, $0xb8;
	[tilespmem:$0x1F100] =	vst v63  }
0xd0: {  	s21 =	simm.s32 $0x0;
	s22 =	simm.s32 $0x200  }
.LBB2_5:
0xd1: {  	s23 =	sadd.s32 $0x4, s21  }
0xd2: {  	s24 =	smul.u32 $0xCD, s23;
	_ =	sdelay $0x1  }
0xd3: {  	s24 =	sshrl.u32 s24, $0xA  }
0xd4: {  	s24 =	sand.u32 $0x3F, s24  }
0xd5: {  	s25 =	sand.u32 $0x7C00, s22;
	s24 =	smul.u32 $0x5, s24  }
0xd6: {  	s26 =	sand.u32 $0x380, s22;
	s25 =	sadd.s32 s8, s25  }
0xd7: {  	s25 =	sor.u32 s26, s25;
	s23 =	ssub.s32 s23, s24  }
0xd8: {  	s26 =	sshrl.u32 s25, $0x3;
	s23 =	sand.u32 $0xFF, s23  }
0xd9: {  	s25 =	sadd.s32 s6, s26;
	s23 =	sshll.u32 s23, $0x7  }
0xda: {  	[tilespmem:s23], [sflag:$0x3] =	stream.linear.gather [hbm4b:s25+s3], $0x80, $0x38;
	[tilespmem:$0x1F100] =	vst v63  }
0xdb: {  	s24 =	sadd.s32 s7, s26;
	s23 =	sor.u32 $0x400, s23  }
0xdc: {  	[tilespmem:s23], [sflag:$0x3] =	stream.linear.gather [hbm4b:s24+s3], $0x80, $0x38;
	[tilespmem:$0x1F100] =	vst v63  }
.LBB2_7:
0xdd: {  	s23 =	sadd.s32 $0x3, s21  }
0xde: {  	s24 =	smul.u32 $0xCD, s23;
	_ =	sdelay $0x1  }
0xdf: {  	s24 =	sshrl.u32 s24, $0xA  }
0xe0: {  	_ =	swait.ge [sflag:s16], $0x80;
	s24 =	sand.u32 $0x3F, s24  }
0xe1: {  	[sflag:s16] =	ssyncset.done $0x0;
	s24 =	smul.u32 $0x5, s24  }
0xe2: {  	s25 =	sand.u32 $0x3, s23;
	[sflag:s16] =	ssyncadd.s32 $0xFFFFFF80  }
0xe3: {  	_ =	swait.ge [sflag:s16], $0x80;
	s23 =	ssub.s32 s23, s24;
	s24 =	smul.u32 @!p4 $0xB000, s25  }
0xe4: {  	s26 =	simm.s32 @!p4 $0x58;
	[sflag:s16] =	ssyncset.done $0x0  }
0xe5: {  	[sflag:s16] =	ssyncadd.s32 $0xFFFFFF80;
	s23 =	sand.u32 $0xFF, s23;
	s24 =	sshrl.u32 @!p4 s24, $0x2  }
0xe6: {  	s25 =	smul.u32 @p1 $0xB000, s25;
	s23 =	sshll.u32 s23, $0x7;
	s24 =	sadd.s32 @!p4 $0x800, s24  }
0xe7: {  	[tilespmem:s24], [sflag:$0x1] =	stream.indirect.gather @!p4 [hbm4b:s1+s26], $0x80, s23, s26, $0xb8;
	[tilespmem:$0x1F100] =	vst v63  }
0xe8: {  	s24 =	sshrl.u32 @p1 s25, $0x2  }
0xe9: {  	s25 =	simm.s32 @p1 $0x58;
	s24 =	sadd.s32 @p1 $0x800, s24  }
0xea: {  	[tilespmem:s24], [sflag:$0x1] =	stream.indirect.gather @p1 [hbm4b:s5+s25], $0x80, s23, s25, $0xb8;
	[tilespmem:$0x1F100] =	vst v63  }
.LBB2_8:
0xeb: {  	s21 =	sadd.s32 $0x1, s21  }
0xec: {  	p3 =	sne.s32 s21, $0x72  }
.Ltmp4:
0xed: {  	_ = 	snop;
	(pc) =	sbr.rel @!p3 .LBB2_9-.Ltmp4, $2  }
0xee: {  	_ =	sdelay $0x2  }
0xef: {  	s22 =	sadd.s32 $0x80, s22  }
.LBB2_4:
0xf0: {  	s23 =	smul.u32 $0xCD, s21;
	_ =	sdelay $0x1  }
0xf1: {  	s23 =	sshrl.u32 s23, $0xA  }
0xf2: {  	s23 =	sand.u32 $0x3F, s23  }
0xf3: {  	s23 =	smul.u32 $0x5, s23  }
0xf4: {  	s24 =	sand.u32 $0x3, s21;
	_ =	swait.ge [sflag:s17], $0x2C00  }
0xf5: {  	p3 =	seq.s32 s21, $0x0;
	s24 =	smul.u32 $0xB000, s24;
	s23 =	ssub.s32 s21, s23  }
0xf6: {  	[sflag:s17] =	ssyncset.done $0x0;
	p5 =	sgt.u32 @!p3 s21, $0x6D;
	s23 =	sand.u32 $0xF7, s23  }
0xf7: {  	[sflag:s17] =	ssyncadd.s32 $0xFFFFD400;
	s24 =	sshrl.u32 s24, $0x2;
	s23 =	sshll.u32 s23, $0x7  }
0xf8: {  	p5 =	por p3, !p5;
	s24 =	sadd.s32 $0x800, s24;
	s23 =	sor.u32 $0x400, s23  }
0xf9: {  	[spmem:s2] =	stream.indirect.scatter.add.f32 [tilespmem:s24], [sflag:$0x2], $0x80, s23, s18, $0xb8;
	[tilespmem:$0x1F100] =	vst v63  }
.Ltmp5:
0xfa: {  	_ = 	snop;
	(pc) =	sbr.rel @p5 .LBB2_5-.Ltmp5, $4  }
0xfb: {  	s23 =	simm.s32 @!p3 $0x2  }
0xfc: {  	_ =	swait.ge @!p3 [sflag:s23], $0x2C00  }
0xfd: {  	[sflag:s23] =	ssyncset.done @!p3 $0x0  }
0xfe: {  	[sflag:s23] =	ssyncadd.s32 @!p3 $0xFFFFD400  }
0xff: {  	p3 =	sne.s32 s21, $0x6E  }
.Ltmp6:
0x100: {  	_ = 	snop;
	(pc) =	sbr.rel @p3 .LBB2_8-.Ltmp6, $4  }
.Ltmp7:
0x101: {  	_ = 	snop;
	(pc) =	sbr.rel @!p3 .LBB2_7-.Ltmp7, $4  }
0x102: {  	_ = 	snop  }
0x103: {  	_ = 	snop  }
0x104: {  	_ = 	snop  }
0x105: {  	_ = 	snop  }
.LBB2_10:
0x106: {  	_ =	sfence.sel $0x180000  }
0x107: {  	[bflag:$0x0] =	sbarrier.arrive $0xFFFF  }
0x108: {  	_ =	strace $0x9000004A  }
0x109: {  	[bflag:$0x2] =	sbarrier.arrive $0xFFFF  }
0x10a: {  	p0 =	sne.s32 s23, $0x0;
	s0 =	rddreg [dreg:$0x3]  }
0x10b: {  	s0 =	sadd.s32 @!p0 $0x100000, s0  }
0x10c: {  	[sflag:s0] =	ssyncadd.tile.s32 @!p0 $0x1;
	_ =	shalt  }
.Lfunc_end2:
_tile_overlayer_lowered:
.L_overlay_start_2:
0x10d: {  	(tag) =	ssettag $0x2  }
0x10e: {  	s0 =	rddreg [dreg:$0x0];
	s2 =	stileid.u32  }
0x10f: {  	s1 =	rddreg [dreg:$0x1];
	p0 =	sne.s32 s2, $0x0  }
0x110: {  	s3 =	rddreg [dreg:$0x2];
	[bflag:$0x3] =	sbarrier.arrive $0xFFFF;
	s2 =	simm.s32 @!p0 $0x1C04  }
0x111: {  	[timem:s3], [sflag:s2] =	dma.local @!p0 [hbm:s0], s1  }
0x112: {  	s0 =	simm.s32 @!p0 $0x4  }
0x113: {  	_ =	swait.ge @!p0 [sflag:s0], s1  }
0x114: {  	s1 =	ssub.s32 @!p0 $0x0, s1;
	[sflag:s0] =	ssyncset.done @!p0 $0x0  }
0x115: {  	[sflag:s0] =	ssyncadd.s32 @!p0 s1  }
0x116: {  	[bflag:$0x3] =	sbarrier.arrive $0xFFFF  }
0x117: {  	_ =	shalt  }

</sc_bundles>
